<compile_context>
chip_gen: v7x
topology: tpu7x:2x2x1
jax: 0.10.2.dev20260603
libtpu: 0.0.44.dev20260713+nightly
codegen_flags: <defaults>
</compile_context>

<pallas_src>
import functools

import jax
import jax.numpy as jnp
from jax import lax
from jax.experimental import pallas as pl
from jax.experimental.pallas import tpu as pltpu
from jax.experimental.pallas import tpu_sc as plsc

N = 10000
E = 160000
F = 16
K = 256
ED = 4

NC = 2
NS = 16
NW = NC * NS
C = 128
NCH = 40
GRP = 20
EPW = NCH * C
EPAD = NW * EPW
NACC = 10048
BE = 2560
NBLK = EPAD // BE



def _gather_cnt_body(table_hbm, idx_hbm, dst_hbm, zeros_hbm, ones_hbm,
                     out_hbm, cnt_out, idx_v, rows_v, dst_v, ones_v, gsem,
                     sem, acc0):
    cid = lax.axis_index("c")
    sid = lax.axis_index("s")
    wid = sid * NC + cid

    @pl.when(sid == 0)
    def _():
        pltpu.sync_copy(zeros_hbm, acc0)

    pltpu.sync_copy(idx_hbm.at[wid], idx_v)
    gcp = pltpu.async_copy(table_hbm.at[idx_v], rows_v, gsem)

    pltpu.sync_copy(dst_hbm.at[wid], dst_v)
    pltpu.sync_copy(ones_hbm, ones_v)
    plsc.subcore_barrier()

    def grp(g, carry):
        ds = []
        for k in range(GRP):
            j = g * GRP + k
            ds.append(pltpu.async_copy(
                ones_v, acc0.at[dst_v.at[j]], sem, add=True))
        for d in ds:
            d.wait()
        return carry

    lax.fori_loop(0, NCH // GRP, grp, 0)
    gcp.wait()
    pltpu.sync_copy(rows_v, out_hbm.at[pl.ds(wid * EPW, EPW)])
    plsc.subcore_barrier()

    @pl.when(sid == 0)
    def _():
        pltpu.sync_copy(acc0, cnt_out.at[cid])


def _gather_body(table_hbm, idx_hbm, out_hbm, idx_v, rows_v, sem):
    wid = lax.axis_index("s") * NC + lax.axis_index("c")
    pltpu.sync_copy(idx_hbm.at[wid], idx_v)
    pltpu.async_copy(table_hbm.at[idx_v], rows_v, sem).wait()
    pltpu.sync_copy(rows_v, out_hbm.at[pl.ds(wid * EPW, EPW)])


def _scatter_body(msg_hbm, idx_hbm, zeros_hbm, sum_out, idx_v, rows_v, sem,
                  acc0):
    cid = lax.axis_index("c")
    sid = lax.axis_index("s")
    wid = sid * NC + cid

    @pl.when(sid == 0)
    def _():
        pltpu.sync_copy(zeros_hbm, acc0)

    pltpu.sync_copy(idx_hbm.at[wid], idx_v)
    pltpu.sync_copy(msg_hbm.at[pl.ds(wid * EPW, EPW)], rows_v)
    plsc.subcore_barrier()

    def grp(g, carry):
        ds = []
        for k in range(GRP):
            j = g * GRP + k
            ds.append(pltpu.async_copy(
                rows_v.at[pl.ds(j * C, C)], acc0.at[idx_v.at[j]], sem,
                add=True))
        for d in ds:
            d.wait()
        return carry

    lax.fori_loop(0, NCH // GRP, grp, 0)
    plsc.subcore_barrier()

    @pl.when(sid == 0)
    def _():
        pltpu.sync_copy(acc0, sum_out.at[cid])


@functools.cache
def _sc_kernels():
    mesh = plsc.VectorSubcoreMesh(
        core_axis_name="c", subcore_axis_name="s",
        num_cores=NC, num_subcores=NS)
    params = pltpu.CompilerParams(use_tc_tiling_on_sc=False)

    gather_cnt = pl.kernel(
        _gather_cnt_body,
        out_type=(
            jax.ShapeDtypeStruct((EPAD, F), jnp.float32),
            jax.ShapeDtypeStruct((NC, NACC, F), jnp.float32),
        ),
        mesh=mesh,
        compiler_params=params,
        scratch_types=[
            pltpu.VMEM((EPW,), jnp.int32),
            pltpu.VMEM((EPW, F), jnp.float32),
            pltpu.VMEM((NCH, C), jnp.int32),
            pltpu.VMEM((C, F), jnp.float32),
            pltpu.SemaphoreType.DMA,
            pltpu.SemaphoreType.DMA,
            pltpu.VMEM_SHARED((NACC, F), jnp.float32),
        ],
    )

    gather = pl.kernel(
        _gather_body,
        out_type=jax.ShapeDtypeStruct((EPAD, F), jnp.float32),
        mesh=mesh,
        compiler_params=params,
        scratch_types=[
            pltpu.VMEM((EPW,), jnp.int32),
            pltpu.VMEM((EPW, F), jnp.float32),
            pltpu.SemaphoreType.DMA,
        ],
    )

    scatter = pl.kernel(
        _scatter_body,
        out_type=jax.ShapeDtypeStruct((NC, NACC, F), jnp.float32),
        mesh=mesh,
        compiler_params=params,
        scratch_types=[
            pltpu.VMEM((NCH, C), jnp.int32),
            pltpu.VMEM((EPW, F), jnp.float32),
            pltpu.SemaphoreType.DMA,
            pltpu.VMEM_SHARED((NACC, F), jnp.float32),
        ],
    )
    return gather_cnt, gather, scatter



def _silu(a):
    return a * (1.0 / (1.0 + jnp.exp(-a)))


def _msg_body(ea_ref, xg_ref, w1_ref, b1_ref, w2_ref, b2_ref, r_ref, s_ref,
              out_ref):
    a = jnp.dot(ea_ref[...].T, w1_ref[...],
                preferred_element_type=jnp.float32) + b1_ref[...]
    a = _silu(a).astype(jnp.bfloat16)
    h = jnp.dot(a, w2_ref[...], preferred_element_type=jnp.float32) + b2_ref[...]
    xe = jnp.dot(xg_ref[...].astype(jnp.bfloat16), r_ref[...],
                 preferred_element_type=jnp.float32)
    p = (xe * h).astype(jnp.bfloat16)
    out_ref[...] = jnp.dot(p, s_ref[...], preferred_element_type=jnp.float32)


def _tc_msg(ea, xg, w1, b1, w2, b2, r_mat, s_mat):
    return pl.pallas_call(
        _msg_body,
        grid=(NBLK,),
        in_specs=[
            pl.BlockSpec((ED, BE), lambda i: (0, i)),
            pl.BlockSpec((BE, F), lambda i: (i, 0)),
            pl.BlockSpec((ED, K), lambda i: (0, 0)),
            pl.BlockSpec((1, K), lambda i: (0, 0)),
            pl.BlockSpec((K, K), lambda i: (0, 0)),
            pl.BlockSpec((1, K), lambda i: (0, 0)),
            pl.BlockSpec((F, K), lambda i: (0, 0)),
            pl.BlockSpec((K, F), lambda i: (0, 0)),
        ],
        out_specs=pl.BlockSpec((BE, F), lambda i: (i, 0)),
        out_shape=jax.ShapeDtypeStruct((EPAD, F), jnp.float32),
    )(ea, xg, w1, b1, w2, b2, r_mat, s_mat)


def _combine_body(last, sp_ref, cp_ref, x_ref, root_ref, bias_ref, out_ref):
    ssum = sp_ref[0, :N, :] + sp_ref[1, :N, :]
    cnt = cp_ref[0, :N, :] + cp_ref[1, :N, :]
    o = ssum / jnp.maximum(cnt, 1.0)
    o = o + jnp.dot(x_ref[...], root_ref[...],
                    preferred_element_type=jnp.float32) + bias_ref[...]
    if not last:
        o = _silu(o) + x_ref[...]
    out_ref[...] = o


def _tc_combine(sp, cp, x, root, bias, last):
    return pl.pallas_call(
        functools.partial(_combine_body, last),
        out_shape=jax.ShapeDtypeStruct((N, F), jnp.float32),
    )(sp, cp, x, root, bias)



def kernel(x, edge_index, edge_attr, nnW1_0, nnb1_0, nnW2_0, nnb2_0, root_0,
           bias_0, nnW1_1, nnb1_1, nnW2_1, nnb2_1, root_1, bias_1):
    src = edge_index[0]
    dst = edge_index[1]
    pad = EPAD - E
    src2 = jnp.concatenate(
        [src, jnp.zeros((pad,), jnp.int32)]).reshape(NW, EPW)
    dst3 = jnp.concatenate(
        [dst, jnp.full((pad,), N, jnp.int32)]).reshape(NW, NCH, C)
    ea_t = jnp.pad(edge_attr, ((0, pad), (0, 0))).T
    zeros_acc = jnp.zeros((NACC, F), jnp.float32)
    ones_blk = jnp.ones((C, F), jnp.float32)

    cols = jnp.arange(K, dtype=jnp.int32)
    rows_f = jnp.arange(F, dtype=jnp.int32)
    r_mat = (cols[None, :] // F == rows_f[:, None]).astype(jnp.bfloat16)
    s_mat = (cols[:, None] % F == rows_f[None, :]).astype(jnp.bfloat16)
    w2_0 = nnW2_0.astype(jnp.bfloat16)
    w2_1 = nnW2_1.astype(jnp.bfloat16)

    b1_0 = nnb1_0.reshape(1, K)
    b2_0 = nnb2_0.reshape(1, K)
    b1_1 = nnb1_1.reshape(1, K)
    b2_1 = nnb2_1.reshape(1, K)
    bias0 = bias_0.reshape(1, F)
    bias1 = bias_1.reshape(1, F)

    sc_gather_cnt, sc_gather, sc_scatter = _sc_kernels()

    xg0, c0p = sc_gather_cnt(x, src2, dst3, zeros_acc, ones_blk)
    msg0 = _tc_msg(ea_t, xg0, nnW1_0, b1_0, w2_0, b2_0, r_mat, s_mat)
    s0p = sc_scatter(msg0, dst3, zeros_acc)
    h = _tc_combine(s0p, c0p, x, root_0, bias0, last=False)

    xg1 = sc_gather(h, src2)
    msg1 = _tc_msg(ea_t, xg1, nnW1_1, b1_1, w2_1, b2_1, r_mat, s_mat)
    s1p = sc_scatter(msg1, dst3, zeros_acc)
    out = _tc_combine(s1p, c0p, h, root_1, bias1, last=True)
    return out

# --- scband reference (transcript-rebuilt; emitter-appended) ---
"""Pipeline reference for scband-nnconv-net-3770981286443 (READ-ONLY COPY).

The authoritative reference and input builder live on the scoring server;
editing this copy changes nothing except your own understanding.
"""

import jax, jax.numpy as jnp
import numpy as np

N_NODES = 10000
N_EDGES = 160000
IN_C = 16
HID = 16
OUT_C = 16
EDGE_DIM = 4


def _lin_params(key, fan_in, fan_out):
    k1, k2 = jax.random.split(key)
    lim = 1.0 / np.sqrt(fan_in)
    W = jax.random.uniform(k1, (fan_in, fan_out), minval=-lim, maxval=lim, dtype=jnp.float32)
    b = jax.random.uniform(k2, (fan_out,), minval=-lim, maxval=lim, dtype=jnp.float32)
    return W, b


def setup_inputs(seed: int = 0) -> dict:
    key = jax.random.key(seed)
    ks = jax.random.split(key, 12)
    x = jax.random.normal(ks[0], (N_NODES, IN_C), dtype=jnp.float32)
    edge_index = jax.random.randint(ks[1], (2, N_EDGES), 0, N_NODES, dtype=jnp.int32)
    edge_attr = jax.random.normal(ks[2], (N_EDGES, EDGE_DIM), dtype=jnp.float32)
    # layer 0: NNConv(IN_C -> HID); edge nn: Linear(EDGE_DIM, HID*IN_C) -> SiLU -> Linear(HID*IN_C, HID*IN_C)
    nnW1_0, nnb1_0 = _lin_params(ks[3], EDGE_DIM, HID * IN_C)
    nnW2_0, nnb2_0 = _lin_params(ks[4], HID * IN_C, HID * IN_C)
    root_0 = jax.random.uniform(ks[5], (IN_C, HID), minval=-1.0 / np.sqrt(IN_C), maxval=1.0 / np.sqrt(IN_C), dtype=jnp.float32)
    bias_0 = jnp.zeros((HID,), dtype=jnp.float32)
    # layer 1 (output): NNConv(HID -> OUT_C); edge nn: Linear(EDGE_DIM, HID*OUT_C) -> SiLU -> Linear(HID*OUT_C, HID*OUT_C)
    nnW1_1, nnb1_1 = _lin_params(ks[6], EDGE_DIM, HID * OUT_C)
    nnW2_1, nnb2_1 = _lin_params(ks[7], HID * OUT_C, HID * OUT_C)
    root_1 = jax.random.uniform(ks[8], (HID, OUT_C), minval=-1.0 / np.sqrt(HID), maxval=1.0 / np.sqrt(HID), dtype=jnp.float32)
    bias_1 = jnp.zeros((OUT_C,), dtype=jnp.float32)
    return {
        "x": x, "edge_index": edge_index, "edge_attr": edge_attr,
        "nnW1_0": nnW1_0, "nnb1_0": nnb1_0, "nnW2_0": nnW2_0, "nnb2_0": nnb2_0,
        "root_0": root_0, "bias_0": bias_0,
        "nnW1_1": nnW1_1, "nnb1_1": nnb1_1, "nnW2_1": nnW2_1, "nnb2_1": nnb2_1,
        "root_1": root_1, "bias_1": bias_1,
    }


def _nnconv(x, src, dst, edge_attr, W1, b1, W2, b2, root, bias, out_c):
    # edge network: maps edge_attr -> per-edge [in, out] weight matrix
    h = jax.nn.silu(edge_attr @ W1 + b1)
    h = h @ W2 + b2
    w = h.reshape(-1, x.shape[1], out_c)
    # message: x_j^T @ W_e   (gather source node features per edge)
    msg = jnp.einsum('ei,eio->eo', x[src], w)
    # aggr='mean' over destination nodes (scatter-add + count)
    s = jax.ops.segment_sum(msg, dst, num_segments=N_NODES)
    cnt = jax.ops.segment_sum(jnp.ones((dst.shape[0],), jnp.float32), dst, num_segments=N_NODES)
    out = s / jnp.clip(cnt, 1.0, None)[:, None]
    # root weight + bias
    out = out + x @ root + bias
    return out


def reference(x, edge_index, edge_attr, nnW1_0, nnb1_0, nnW2_0, nnb2_0, root_0, bias_0, nnW1_1, nnb1_1, nnW2_1, nnb2_1, root_1, bias_1):
    src = edge_index[0]
    dst = edge_index[1]
    # layer 0 (not last): conv -> silu -> residual (shapes match: IN_C == HID)
    residual = x
    h = _nnconv(x, src, dst, edge_attr, nnW1_0, nnb1_0, nnW2_0, nnb2_0, root_0, bias_0, HID)
    h = jax.nn.silu(h)
    h = h + residual
    # layer 1 (last): conv only
    out = _nnconv(h, src, dst, edge_attr, nnW1_1, nnb1_1, nnW2_1, nnb2_1, root_1, bias_1, OUT_C)
    return out

if __name__ == "__main__":
    import jax
    _d = setup_inputs()
    print(jax.jit(kernel)(*tuple(_d.values())))

</pallas_src>

<mosaic_0001>
#map = affine_map<(d0, d1) -> (0, 0)>
#map1 = affine_map<(d0, d1) -> (0, 0, 0)>
module attributes {stable_mosaic.version = 14 : i64} {
  func.func @_scatter_body(%arg0: i32, %arg1: i32, %arg2: memref<163840x16xf32, #tpu.memory_space<hbm>>, %arg3: memref<32x40x128xi32, #tpu.memory_space<hbm>>, %arg4: memref<10048x16xf32, #tpu.memory_space<hbm>>, %arg5: memref<2x10048x16xf32, #tpu.memory_space<hbm>>, %arg6: memref<40x128xi32, #tpu.memory_space<vmem>>, %arg7: memref<5120x16xf32, #tpu.memory_space<vmem>>, %arg8: memref<!tpu.dma_semaphore, #tpu.memory_space<semaphore_mem>>, %arg9: memref<10048x16xf32, #tpu.memory_space<vmem_shared>>) attributes {dimension_semantics = [#tpu.dimension_semantics<core_parallel>, #tpu.dimension_semantics<subcore_parallel>], iteration_bounds = array<i64: 2, 16>, scalar_prefetch = 0 : i64, scratch_operands = 4 : i64, tpu.core_type = #tpu.core_type<sc_vector_subcore>, window_params = [{transform_indices = #map}, {transform_indices = #map1}, {transform_indices = #map}, {transform_indices = #map1}]} {
    %mul3A = arith.constant 2 : i32
    %mul3A_0 = arith.muli %arg1, %mul3A : i32
    %add3A = arith.addi %mul3A_0, %arg0 : i32
    %eq3A = arith.constant 0 : i32
    %eq3A_1 = arith.cmpi eq, %arg1, %eq3A : i32
    %convert_element_type3A = arith.extui %eq3A_1 : i1 to i32
    %cond3A = arith.constant 0 : i32
    %cond3A_2 = arith.cmpi ne, %convert_element_type3A, %cond3A : i32
    scf.if %cond3A_2 {
      "tpu.region"() ({
        %run_scoped3A = tpu.sem_alloc : memref<!tpu.dma_semaphore, #tpu.memory_space<semaphore_mem>>
        tpu.enqueue_dma source(%arg4 : memref<10048x16xf32, #tpu.memory_space<hbm>>) target(%arg9 : memref<10048x16xf32, #tpu.memory_space<vmem_shared>>) target_semaphore(%run_scoped3A : memref<!tpu.dma_semaphore, #tpu.memory_space<semaphore_mem>>)
        tpu.wait_dma2 semaphore(%run_scoped3A : memref<!tpu.dma_semaphore, #tpu.memory_space<semaphore_mem>>) src(%arg4 : memref<10048x16xf32, #tpu.memory_space<hbm>>) dst(%arg9 : memref<10048x16xf32, #tpu.memory_space<vmem_shared>>)
        tpu.yield
      }) : () -> ()
    } else {
    }
    "tpu.region"() ({
      %run_scoped3A = tpu.sem_alloc : memref<!tpu.dma_semaphore, #tpu.memory_space<semaphore_mem>>
      %dma_start3A = arith.constant 0 : i32
      %dma_start3A_16 = arith.constant 0 : i32
      %dma_start3A_17 = tpu.memref_slice %arg3[%add3A, %dma_start3A, %dma_start3A_16] : memref<32x40x128xi32, #tpu.memory_space<hbm>> -> memref<1x40x128xi32, #tpu.memory_space<hbm>>
      %dma_start3A_18 = tpu.memref_squeeze %dma_start3A_17 : memref<1x40x128xi32, #tpu.memory_space<hbm>> -> memref<40x128xi32, #tpu.memory_space<hbm>>
      %dma_start3A_19 = arith.constant 0 : i32
      %dma_start3A_20 = arith.constant 0 : i32
      %dma_start3A_21 = tpu.memref_slice %arg3[%add3A, %dma_start3A_19, %dma_start3A_20] : memref<32x40x128xi32, #tpu.memory_space<hbm>> -> memref<1x40x128xi32, #tpu.memory_space<hbm>>
      %dma_start3A_22 = tpu.memref_squeeze %dma_start3A_21 : memref<1x40x128xi32, #tpu.memory_space<hbm>> -> memref<40x128xi32, #tpu.memory_space<hbm>>
      tpu.enqueue_dma source(%dma_start3A_22 : memref<40x128xi32, #tpu.memory_space<hbm>>) target(%arg6 : memref<40x128xi32, #tpu.memory_space<vmem>>) target_semaphore(%run_scoped3A : memref<!tpu.dma_semaphore, #tpu.memory_space<semaphore_mem>>)
      %dma_wait3A = arith.constant 0 : i32
      %dma_wait3A_23 = arith.constant 0 : i32
      %dma_wait3A_24 = tpu.memref_slice %arg3[%add3A, %dma_wait3A, %dma_wait3A_23] : memref<32x40x128xi32, #tpu.memory_space<hbm>> -> memref<1x40x128xi32, #tpu.memory_space<hbm>>
      %dma_wait3A_25 = tpu.memref_squeeze %dma_wait3A_24 : memref<1x40x128xi32, #tpu.memory_space<hbm>> -> memref<40x128xi32, #tpu.memory_space<hbm>>
      %dma_wait3A_26 = arith.constant 0 : i32
      %dma_wait3A_27 = arith.constant 0 : i32
      %dma_wait3A_28 = tpu.memref_slice %arg3[%add3A, %dma_wait3A_26, %dma_wait3A_27] : memref<32x40x128xi32, #tpu.memory_space<hbm>> -> memref<1x40x128xi32, #tpu.memory_space<hbm>>
      %dma_wait3A_29 = tpu.memref_squeeze %dma_wait3A_28 : memref<1x40x128xi32, #tpu.memory_space<hbm>> -> memref<40x128xi32, #tpu.memory_space<hbm>>
      tpu.wait_dma2 semaphore(%run_scoped3A : memref<!tpu.dma_semaphore, #tpu.memory_space<semaphore_mem>>) src(%dma_wait3A_29 : memref<40x128xi32, #tpu.memory_space<hbm>>) dst(%arg6 : memref<40x128xi32, #tpu.memory_space<vmem>>)
      tpu.yield
    }) : () -> ()
    %mul3A_3 = arith.constant 5120 : i32
    %mul3A_4 = arith.muli %add3A, %mul3A_3 : i32
    "tpu.region"() ({
      %run_scoped3A = tpu.sem_alloc : memref<!tpu.dma_semaphore, #tpu.memory_space<semaphore_mem>>
      %dma_start3A = arith.constant 0 : i32
      %dma_start3A_16 = tpu.memref_slice %arg2[%mul3A_4, %dma_start3A] : memref<163840x16xf32, #tpu.memory_space<hbm>> -> memref<5120x16xf32, #tpu.memory_space<hbm>>
      %dma_start3A_17 = arith.constant 0 : i32
      %dma_start3A_18 = tpu.memref_slice %arg2[%mul3A_4, %dma_start3A_17] : memref<163840x16xf32, #tpu.memory_space<hbm>> -> memref<5120x16xf32, #tpu.memory_space<hbm>>
      tpu.enqueue_dma source(%dma_start3A_18 : memref<5120x16xf32, #tpu.memory_space<hbm>>) target(%arg7 : memref<5120x16xf32, #tpu.memory_space<vmem>>) target_semaphore(%run_scoped3A : memref<!tpu.dma_semaphore, #tpu.memory_space<semaphore_mem>>)
      %dma_wait3A = arith.constant 0 : i32
      %dma_wait3A_19 = tpu.memref_slice %arg2[%mul3A_4, %dma_wait3A] : memref<163840x16xf32, #tpu.memory_space<hbm>> -> memref<5120x16xf32, #tpu.memory_space<hbm>>
      %dma_wait3A_20 = arith.constant 0 : i32
      %dma_wait3A_21 = tpu.memref_slice %arg2[%mul3A_4, %dma_wait3A_20] : memref<163840x16xf32, #tpu.memory_space<hbm>> -> memref<5120x16xf32, #tpu.memory_space<hbm>>
      tpu.wait_dma2 semaphore(%run_scoped3A : memref<!tpu.dma_semaphore, #tpu.memory_space<semaphore_mem>>) src(%dma_wait3A_21 : memref<5120x16xf32, #tpu.memory_space<hbm>>) dst(%arg7 : memref<5120x16xf32, #tpu.memory_space<vmem>>)
      tpu.yield
    }) : () -> ()
    %barrier3A = arith.constant 0 : index
    tpu.barrier barrier_id(%barrier3A)
    %scan3A = arith.constant 0 : i32
    %scan3A_5 = arith.constant 0 : i32
    %scan3A_6 = arith.constant 2 : i32
    %scan3A_7 = arith.addi %scan3A_5, %scan3A_6 : i32
    %scan3A_8 = arith.constant 1 : i32
    scf.for %scan3A_16 = %scan3A_5 to %scan3A_7 step %scan3A_8  : i32 {
      %mul3A_17 = arith.constant 20 : i32
      %mul3A_18 = arith.muli %scan3A_16, %mul3A_17 : i32
      %add3A_19 = arith.constant 0 : i32
      %add3A_20 = arith.addi %mul3A_18, %add3A_19 : i32
      %mul3A_21 = arith.constant 128 : i32
      %mul3A_22 = arith.muli %add3A_20, %mul3A_21 : i32
      %dma_start3A = arith.constant 0 : i32
      %dma_start3A_23 = tpu.memref_slice %arg7[%mul3A_22, %dma_start3A] : memref<5120x16xf32, #tpu.memory_space<vmem>> -> memref<128x16xf32, #tpu.memory_space<vmem>>
      %dma_start3A_24 = arith.constant 0 : i32
      %dma_start3A_25 = tpu.memref_slice %arg6[%add3A_20, %dma_start3A_24] : memref<40x128xi32, #tpu.memory_space<vmem>> -> memref<1x128xi32, #tpu.memory_space<vmem>>
      %dma_start3A_26 = tpu.memref_squeeze %dma_start3A_25 : memref<1x128xi32, #tpu.memory_space<vmem>> -> memref<128xi32, #tpu.memory_space<vmem>>
      %dma_start3A_27 = arith.constant 0 : i32
      %dma_start3A_28 = arith.constant 0 : i32
      %dma_start3A_29 = tpu.memref_slice %arg9[%dma_start3A_27, %dma_start3A_28] : memref<10048x16xf32, #tpu.memory_space<vmem_shared>> -> memref<10048x16xf32, #tpu.memory_space<vmem_shared>>
      tpu.enqueue_indirect_dma source(%dma_start3A_23 : memref<128x16xf32, #tpu.memory_space<vmem>>) target(%dma_start3A_29 : memref<10048x16xf32, #tpu.memory_space<vmem_shared>>) offsets(%dma_start3A_26 : memref<128xi32, #tpu.memory_space<vmem>>) semaphore(%arg8 : memref<!tpu.dma_semaphore, #tpu.memory_space<semaphore_mem>>) {add = true}
      %mul3A_30 = arith.constant 20 : i32
      %mul3A_31 = arith.muli %scan3A_16, %mul3A_30 : i32
      %add3A_32 = arith.constant 1 : i32
      %add3A_33 = arith.addi %mul3A_31, %add3A_32 : i32
      %mul3A_34 = arith.constant 128 : i32
      %mul3A_35 = arith.muli %add3A_33, %mul3A_34 : i32
      %dma_start3A_36 = arith.constant 0 : i32
      %dma_start3A_37 = tpu.memref_slice %arg7[%mul3A_35, %dma_start3A_36] : memref<5120x16xf32, #tpu.memory_space<vmem>> -> memref<128x16xf32, #tpu.memory_space<vmem>>
      %dma_start3A_38 = arith.constant 0 : i32
      %dma_start3A_39 = tpu.memref_slice %arg6[%add3A_33, %dma_start3A_38] : memref<40x128xi32, #tpu.memory_space<vmem>> -> memref<1x128xi32, #tpu.memory_space<vmem>>
      %dma_start3A_40 = tpu.memref_squeeze %dma_start3A_39 : memref<1x128xi32, #tpu.memory_space<vmem>> -> memref<128xi32, #tpu.memory_space<vmem>>
      %dma_start3A_41 = arith.constant 0 : i32
      %dma_start3A_42 = arith.constant 0 : i32
      %dma_start3A_43 = tpu.memref_slice %arg9[%dma_start3A_41, %dma_start3A_42] : memref<10048x16xf32, #tpu.memory_space<vmem_shared>> -> memref<10048x16xf32, #tpu.memory_space<vmem_shared>>
      tpu.enqueue_indirect_dma source(%dma_start3A_37 : memref<128x16xf32, #tpu.memory_space<vmem>>) target(%dma_start3A_43 : memref<10048x16xf32, #tpu.memory_space<vmem_shared>>) offsets(%dma_start3A_40 : memref<128xi32, #tpu.memory_space<vmem>>) semaphore(%arg8 : memref<!tpu.dma_semaphore, #tpu.memory_space<semaphore_mem>>) {add = true}
      %mul3A_44 = arith.constant 20 : i32
      %mul3A_45 = arith.muli %scan3A_16, %mul3A_44 : i32
      %add3A_46 = arith.constant 2 : i32
      %add3A_47 = arith.addi %mul3A_45, %add3A_46 : i32
      %mul3A_48 = arith.constant 128 : i32
      %mul3A_49 = arith.muli %add3A_47, %mul3A_48 : i32
      %dma_start3A_50 = arith.constant 0 : i32
      %dma_start3A_51 = tpu.memref_slice %arg7[%mul3A_49, %dma_start3A_50] : memref<5120x16xf32, #tpu.memory_space<vmem>> -> memref<128x16xf32, #tpu.memory_space<vmem>>
      %dma_start3A_52 = arith.constant 0 : i32
      %dma_start3A_53 = tpu.memref_slice %arg6[%add3A_47, %dma_start3A_52] : memref<40x128xi32, #tpu.memory_space<vmem>> -> memref<1x128xi32, #tpu.memory_space<vmem>>
      %dma_start3A_54 = tpu.memref_squeeze %dma_start3A_53 : memref<1x128xi32, #tpu.memory_space<vmem>> -> memref<128xi32, #tpu.memory_space<vmem>>
      %dma_start3A_55 = arith.constant 0 : i32
      %dma_start3A_56 = arith.constant 0 : i32
      %dma_start3A_57 = tpu.memref_slice %arg9[%dma_start3A_55, %dma_start3A_56] : memref<10048x16xf32, #tpu.memory_space<vmem_shared>> -> memref<10048x16xf32, #tpu.memory_space<vmem_shared>>
      tpu.enqueue_indirect_dma source(%dma_start3A_51 : memref<128x16xf32, #tpu.memory_space<vmem>>) target(%dma_start3A_57 : memref<10048x16xf32, #tpu.memory_space<vmem_shared>>) offsets(%dma_start3A_54 : memref<128xi32, #tpu.memory_space<vmem>>) semaphore(%arg8 : memref<!tpu.dma_semaphore, #tpu.memory_space<semaphore_mem>>) {add = true}
      %mul3A_58 = arith.constant 20 : i32
      %mul3A_59 = arith.muli %scan3A_16, %mul3A_58 : i32
      %add3A_60 = arith.constant 3 : i32
      %add3A_61 = arith.addi %mul3A_59, %add3A_60 : i32
      %mul3A_62 = arith.constant 128 : i32
      %mul3A_63 = arith.muli %add3A_61, %mul3A_62 : i32
      %dma_start3A_64 = arith.constant 0 : i32
      %dma_start3A_65 = tpu.memref_slice %arg7[%mul3A_63, %dma_start3A_64] : memref<5120x16xf32, #tpu.memory_space<vmem>> -> memref<128x16xf32, #tpu.memory_space<vmem>>
      %dma_start3A_66 = arith.constant 0 : i32
      %dma_start3A_67 = tpu.memref_slice %arg6[%add3A_61, %dma_start3A_66] : memref<40x128xi32, #tpu.memory_space<vmem>> -> memref<1x128xi32, #tpu.memory_space<vmem>>
      %dma_start3A_68 = tpu.memref_squeeze %dma_start3A_67 : memref<1x128xi32, #tpu.memory_space<vmem>> -> memref<128xi32, #tpu.memory_space<vmem>>
      %dma_start3A_69 = arith.constant 0 : i32
      %dma_start3A_70 = arith.constant 0 : i32
      %dma_start3A_71 = tpu.memref_slice %arg9[%dma_start3A_69, %dma_start3A_70] : memref<10048x16xf32, #tpu.memory_space<vmem_shared>> -> memref<10048x16xf32, #tpu.memory_space<vmem_shared>>
      tpu.enqueue_indirect_dma source(%dma_start3A_65 : memref<128x16xf32, #tpu.memory_space<vmem>>) target(%dma_start3A_71 : memref<10048x16xf32, #tpu.memory_space<vmem_shared>>) offsets(%dma_start3A_68 : memref<128xi32, #tpu.memory_space<vmem>>) semaphore(%arg8 : memref<!tpu.dma_semaphore, #tpu.memory_space<semaphore_mem>>) {add = true}
      %mul3A_72 = arith.constant 20 : i32
      %mul3A_73 = arith.muli %scan3A_16, %mul3A_72 : i32
      %add3A_74 = arith.constant 4 : i32
      %add3A_75 = arith.addi %mul3A_73, %add3A_74 : i32
      %mul3A_76 = arith.constant 128 : i32
      %mul3A_77 = arith.muli %add3A_75, %mul3A_76 : i32
      %dma_start3A_78 = arith.constant 0 : i32
      %dma_start3A_79 = tpu.memref_slice %arg7[%mul3A_77, %dma_start3A_78] : memref<5120x16xf32, #tpu.memory_space<vmem>> -> memref<128x16xf32, #tpu.memory_space<vmem>>
      %dma_start3A_80 = arith.constant 0 : i32
      %dma_start3A_81 = tpu.memref_slice %arg6[%add3A_75, %dma_start3A_80] : memref<40x128xi32, #tpu.memory_space<vmem>> -> memref<1x128xi32, #tpu.memory_space<vmem>>
      %dma_start3A_82 = tpu.memref_squeeze %dma_start3A_81 : memref<1x128xi32, #tpu.memory_space<vmem>> -> memref<128xi32, #tpu.memory_space<vmem>>
      %dma_start3A_83 = arith.constant 0 : i32
      %dma_start3A_84 = arith.constant 0 : i32
      %dma_start3A_85 = tpu.memref_slice %arg9[%dma_start3A_83, %dma_start3A_84] : memref<10048x16xf32, #tpu.memory_space<vmem_shared>> -> memref<10048x16xf32, #tpu.memory_space<vmem_shared>>
      tpu.enqueue_indirect_dma source(%dma_start3A_79 : memref<128x16xf32, #tpu.memory_space<vmem>>) target(%dma_start3A_85 : memref<10048x16xf32, #tpu.memory_space<vmem_shared>>) offsets(%dma_start3A_82 : memref<128xi32, #tpu.memory_space<vmem>>) semaphore(%arg8 : memref<!tpu.dma_semaphore, #tpu.memory_space<semaphore_mem>>) {add = true}
      %mul3A_86 = arith.constant 20 : i32
      %mul3A_87 = arith.muli %scan3A_16, %mul3A_86 : i32
      %add3A_88 = arith.constant 5 : i32
      %add3A_89 = arith.addi %mul3A_87, %add3A_88 : i32
      %mul3A_90 = arith.constant 128 : i32
      %mul3A_91 = arith.muli %add3A_89, %mul3A_90 : i32
      %dma_start3A_92 = arith.constant 0 : i32
      %dma_start3A_93 = tpu.memref_slice %arg7[%mul3A_91, %dma_start3A_92] : memref<5120x16xf32, #tpu.memory_space<vmem>> -> memref<128x16xf32, #tpu.memory_space<vmem>>
      %dma_start3A_94 = arith.constant 0 : i32
      %dma_start3A_95 = tpu.memref_slice %arg6[%add3A_89, %dma_start3A_94] : memref<40x128xi32, #tpu.memory_space<vmem>> -> memref<1x128xi32, #tpu.memory_space<vmem>>
      %dma_start3A_96 = tpu.memref_squeeze %dma_start3A_95 : memref<1x128xi32, #tpu.memory_space<vmem>> -> memref<128xi32, #tpu.memory_space<vmem>>
      %dma_start3A_97 = arith.constant 0 : i32
      %dma_start3A_98 = arith.constant 0 : i32
      %dma_start3A_99 = tpu.memref_slice %arg9[%dma_start3A_97, %dma_start3A_98] : memref<10048x16xf32, #tpu.memory_space<vmem_shared>> -> memref<10048x16xf32, #tpu.memory_space<vmem_shared>>
      tpu.enqueue_indirect_dma source(%dma_start3A_93 : memref<128x16xf32, #tpu.memory_space<vmem>>) target(%dma_start3A_99 : memref<10048x16xf32, #tpu.memory_space<vmem_shared>>) offsets(%dma_start3A_96 : memref<128xi32, #tpu.memory_space<vmem>>) semaphore(%arg8 : memref<!tpu.dma_semaphore, #tpu.memory_space<semaphore_mem>>) {add = true}
      %mul3A_100 = arith.constant 20 : i32
      %mul3A_101 = arith.muli %scan3A_16, %mul3A_100 : i32
      %add3A_102 = arith.constant 6 : i32
      %add3A_103 = arith.addi %mul3A_101, %add3A_102 : i32
      %mul3A_104 = arith.constant 128 : i32
      %mul3A_105 = arith.muli %add3A_103, %mul3A_104 : i32
      %dma_start3A_106 = arith.constant 0 : i32
      %dma_start3A_107 = tpu.memref_slice %arg7[%mul3A_105, %dma_start3A_106] : memref<5120x16xf32, #tpu.memory_space<vmem>> -> memref<128x16xf32, #tpu.memory_space<vmem>>
      %dma_start3A_108 = arith.constant 0 : i32
      %dma_start3A_109 = tpu.memref_slice %arg6[%add3A_103, %dma_start3A_108] : memref<40x128xi32, #tpu.memory_space<vmem>> -> memref<1x128xi32, #tpu.memory_space<vmem>>
      %dma_start3A_110 = tpu.memref_squeeze %dma_start3A_109 : memref<1x128xi32, #tpu.memory_space<vmem>> -> memref<128xi32, #tpu.memory_space<vmem>>
      %dma_start3A_111 = arith.constant 0 : i32
      %dma_start3A_112 = arith.constant 0 : i32
      %dma_start3A_113 = tpu.memref_slice %arg9[%dma_start3A_111, %dma_start3A_112] : memref<10048x16xf32, #tpu.memory_space<vmem_shared>> -> memref<10048x16xf32, #tpu.memory_space<vmem_shared>>
      tpu.enqueue_indirect_dma source(%dma_start3A_107 : memref<128x16xf32, #tpu.memory_space<vmem>>) target(%dma_start3A_113 : memref<10048x16xf32, #tpu.memory_space<vmem_shared>>) offsets(%dma_start3A_110 : memref<128xi32, #tpu.memory_space<vmem>>) semaphore(%arg8 : memref<!tpu.dma_semaphore, #tpu.memory_space<semaphore_mem>>) {add = true}
      %mul3A_114 = arith.constant 20 : i32
      %mul3A_115 = arith.muli %scan3A_16, %mul3A_114 : i32
      %add3A_116 = arith.constant 7 : i32
      %add3A_117 = arith.addi %mul3A_115, %add3A_116 : i32
      %mul3A_118 = arith.constant 128 : i32
      %mul3A_119 = arith.muli %add3A_117, %mul3A_118 : i32
      %dma_start3A_120 = arith.constant 0 : i32
      %dma_start3A_121 = tpu.memref_slice %arg7[%mul3A_119, %dma_start3A_120] : memref<5120x16xf32, #tpu.memory_space<vmem>> -> memref<128x16xf32, #tpu.memory_space<vmem>>
      %dma_start3A_122 = arith.constant 0 : i32
      %dma_start3A_123 = tpu.memref_slice %arg6[%add3A_117, %dma_start3A_122] : memref<40x128xi32, #tpu.memory_space<vmem>> -> memref<1x128xi32, #tpu.memory_space<vmem>>
      %dma_start3A_124 = tpu.memref_squeeze %dma_start3A_123 : memref<1x128xi32, #tpu.memory_space<vmem>> -> memref<128xi32, #tpu.memory_space<vmem>>
      %dma_start3A_125 = arith.constant 0 : i32
      %dma_start3A_126 = arith.constant 0 : i32
      %dma_start3A_127 = tpu.memref_slice %arg9[%dma_start3A_125, %dma_start3A_126] : memref<10048x16xf32, #tpu.memory_space<vmem_shared>> -> memref<10048x16xf32, #tpu.memory_space<vmem_shared>>
      tpu.enqueue_indirect_dma source(%dma_start3A_121 : memref<128x16xf32, #tpu.memory_space<vmem>>) target(%dma_start3A_127 : memref<10048x16xf32, #tpu.memory_space<vmem_shared>>) offsets(%dma_start3A_124 : memref<128xi32, #tpu.memory_space<vmem>>) semaphore(%arg8 : memref<!tpu.dma_semaphore, #tpu.memory_space<semaphore_mem>>) {add = true}
      %mul3A_128 = arith.constant 20 : i32
      %mul3A_129 = arith.muli %scan3A_16, %mul3A_128 : i32
      %add3A_130 = arith.constant 8 : i32
      %add3A_131 = arith.addi %mul3A_129, %add3A_130 : i32
      %mul3A_132 = arith.constant 128 : i32
      %mul3A_133 = arith.muli %add3A_131, %mul3A_132 : i32
      %dma_start3A_134 = arith.constant 0 : i32
      %dma_start3A_135 = tpu.memref_slice %arg7[%mul3A_133, %dma_start3A_134] : memref<5120x16xf32, #tpu.memory_space<vmem>> -> memref<128x16xf32, #tpu.memory_space<vmem>>
      %dma_start3A_136 = arith.constant 0 : i32
      %dma_start3A_137 = tpu.memref_slice %arg6[%add3A_131, %dma_start3A_136] : memref<40x128xi32, #tpu.memory_space<vmem>> -> memref<1x128xi32, #tpu.memory_space<vmem>>
      %dma_start3A_138 = tpu.memref_squeeze %dma_start3A_137 : memref<1x128xi32, #tpu.memory_space<vmem>> -> memref<128xi32, #tpu.memory_space<vmem>>
      %dma_start3A_139 = arith.constant 0 : i32
      %dma_start3A_140 = arith.constant 0 : i32
      %dma_start3A_141 = tpu.memref_slice %arg9[%dma_start3A_139, %dma_start3A_140] : memref<10048x16xf32, #tpu.memory_space<vmem_shared>> -> memref<10048x16xf32, #tpu.memory_space<vmem_shared>>
      tpu.enqueue_indirect_dma source(%dma_start3A_135 : memref<128x16xf32, #tpu.memory_space<vmem>>) target(%dma_start3A_141 : memref<10048x16xf32, #tpu.memory_space<vmem_shared>>) offsets(%dma_start3A_138 : memref<128xi32, #tpu.memory_space<vmem>>) semaphore(%arg8 : memref<!tpu.dma_semaphore, #tpu.memory_space<semaphore_mem>>) {add = true}
      %mul3A_142 = arith.constant 20 : i32
      %mul3A_143 = arith.muli %scan3A_16, %mul3A_142 : i32
      %add3A_144 = arith.constant 9 : i32
      %add3A_145 = arith.addi %mul3A_143, %add3A_144 : i32
      %mul3A_146 = arith.constant 128 : i32
      %mul3A_147 = arith.muli %add3A_145, %mul3A_146 : i32
      %dma_start3A_148 = arith.constant 0 : i32
      %dma_start3A_149 = tpu.memref_slice %arg7[%mul3A_147, %dma_start3A_148] : memref<5120x16xf32, #tpu.memory_space<vmem>> -> memref<128x16xf32, #tpu.memory_space<vmem>>
      %dma_start3A_150 = arith.constant 0 : i32
      %dma_start3A_151 = tpu.memref_slice %arg6[%add3A_145, %dma_start3A_150] : memref<40x128xi32, #tpu.memory_space<vmem>> -> memref<1x128xi32, #tpu.memory_space<vmem>>
      %dma_start3A_152 = tpu.memref_squeeze %dma_start3A_151 : memref<1x128xi32, #tpu.memory_space<vmem>> -> memref<128xi32, #tpu.memory_space<vmem>>
      %dma_start3A_153 = arith.constant 0 : i32
      %dma_start3A_154 = arith.constant 0 : i32
      %dma_start3A_155 = tpu.memref_slice %arg9[%dma_start3A_153, %dma_start3A_154] : memref<10048x16xf32, #tpu.memory_space<vmem_shared>> -> memref<10048x16xf32, #tpu.memory_space<vmem_shared>>
      tpu.enqueue_indirect_dma source(%dma_start3A_149 : memref<128x16xf32, #tpu.memory_space<vmem>>) target(%dma_start3A_155 : memref<10048x16xf32, #tpu.memory_space<vmem_shared>>) offsets(%dma_start3A_152 : memref<128xi32, #tpu.memory_space<vmem>>) semaphore(%arg8 : memref<!tpu.dma_semaphore, #tpu.memory_space<semaphore_mem>>) {add = true}
      %mul3A_156 = arith.constant 20 : i32
      %mul3A_157 = arith.muli %scan3A_16, %mul3A_156 : i32
      %add3A_158 = arith.constant 10 : i32
      %add3A_159 = arith.addi %mul3A_157, %add3A_158 : i32
      %mul3A_160 = arith.constant 128 : i32
      %mul3A_161 = arith.muli %add3A_159, %mul3A_160 : i32
      %dma_start3A_162 = arith.constant 0 : i32
      %dma_start3A_163 = tpu.memref_slice %arg7[%mul3A_161, %dma_start3A_162] : memref<5120x16xf32, #tpu.memory_space<vmem>> -> memref<128x16xf32, #tpu.memory_space<vmem>>
      %dma_start3A_164 = arith.constant 0 : i32
      %dma_start3A_165 = tpu.memref_slice %arg6[%add3A_159, %dma_start3A_164] : memref<40x128xi32, #tpu.memory_space<vmem>> -> memref<1x128xi32, #tpu.memory_space<vmem>>
      %dma_start3A_166 = tpu.memref_squeeze %dma_start3A_165 : memref<1x128xi32, #tpu.memory_space<vmem>> -> memref<128xi32, #tpu.memory_space<vmem>>
      %dma_start3A_167 = arith.constant 0 : i32
      %dma_start3A_168 = arith.constant 0 : i32
      %dma_start3A_169 = tpu.memref_slice %arg9[%dma_start3A_167, %dma_start3A_168] : memref<10048x16xf32, #tpu.memory_space<vmem_shared>> -> memref<10048x16xf32, #tpu.memory_space<vmem_shared>>
      tpu.enqueue_indirect_dma source(%dma_start3A_163 : memref<128x16xf32, #tpu.memory_space<vmem>>) target(%dma_start3A_169 : memref<10048x16xf32, #tpu.memory_space<vmem_shared>>) offsets(%dma_start3A_166 : memref<128xi32, #tpu.memory_space<vmem>>) semaphore(%arg8 : memref<!tpu.dma_semaphore, #tpu.memory_space<semaphore_mem>>) {add = true}
      %mul3A_170 = arith.constant 20 : i32
      %mul3A_171 = arith.muli %scan3A_16, %mul3A_170 : i32
      %add3A_172 = arith.constant 11 : i32
      %add3A_173 = arith.addi %mul3A_171, %add3A_172 : i32
      %mul3A_174 = arith.constant 128 : i32
      %mul3A_175 = arith.muli %add3A_173, %mul3A_174 : i32
      %dma_start3A_176 = arith.constant 0 : i32
      %dma_start3A_177 = tpu.memref_slice %arg7[%mul3A_175, %dma_start3A_176] : memref<5120x16xf32, #tpu.memory_space<vmem>> -> memref<128x16xf32, #tpu.memory_space<vmem>>
      %dma_start3A_178 = arith.constant 0 : i32
      %dma_start3A_179 = tpu.memref_slice %arg6[%add3A_173, %dma_start3A_178] : memref<40x128xi32, #tpu.memory_space<vmem>> -> memref<1x128xi32, #tpu.memory_space<vmem>>
      %dma_start3A_180 = tpu.memref_squeeze %dma_start3A_179 : memref<1x128xi32, #tpu.memory_space<vmem>> -> memref<128xi32, #tpu.memory_space<vmem>>
      %dma_start3A_181 = arith.constant 0 : i32
      %dma_start3A_182 = arith.constant 0 : i32
      %dma_start3A_183 = tpu.memref_slice %arg9[%dma_start3A_181, %dma_start3A_182] : memref<10048x16xf32, #tpu.memory_space<vmem_shared>> -> memref<10048x16xf32, #tpu.memory_space<vmem_shared>>
      tpu.enqueue_indirect_dma source(%dma_start3A_177 : memref<128x16xf32, #tpu.memory_space<vmem>>) target(%dma_start3A_183 : memref<10048x16xf32, #tpu.memory_space<vmem_shared>>) offsets(%dma_start3A_180 : memref<128xi32, #tpu.memory_space<vmem>>) semaphore(%arg8 : memref<!tpu.dma_semaphore, #tpu.memory_space<semaphore_mem>>) {add = true}
      %mul3A_184 = arith.constant 20 : i32
      %mul3A_185 = arith.muli %scan3A_16, %mul3A_184 : i32
      %add3A_186 = arith.constant 12 : i32
      %add3A_187 = arith.addi %mul3A_185, %add3A_186 : i32
      %mul3A_188 = arith.constant 128 : i32
      %mul3A_189 = arith.muli %add3A_187, %mul3A_188 : i32
      %dma_start3A_190 = arith.constant 0 : i32
      %dma_start3A_191 = tpu.memref_slice %arg7[%mul3A_189, %dma_start3A_190] : memref<5120x16xf32, #tpu.memory_space<vmem>> -> memref<128x16xf32, #tpu.memory_space<vmem>>
      %dma_start3A_192 = arith.constant 0 : i32
      %dma_start3A_193 = tpu.memref_slice %arg6[%add3A_187, %dma_start3A_192] : memref<40x128xi32, #tpu.memory_space<vmem>> -> memref<1x128xi32, #tpu.memory_space<vmem>>
      %dma_start3A_194 = tpu.memref_squeeze %dma_start3A_193 : memref<1x128xi32, #tpu.memory_space<vmem>> -> memref<128xi32, #tpu.memory_space<vmem>>
      %dma_start3A_195 = arith.constant 0 : i32
      %dma_start3A_196 = arith.constant 0 : i32
      %dma_start3A_197 = tpu.memref_slice %arg9[%dma_start3A_195, %dma_start3A_196] : memref<10048x16xf32, #tpu.memory_space<vmem_shared>> -> memref<10048x16xf32, #tpu.memory_space<vmem_shared>>
      tpu.enqueue_indirect_dma source(%dma_start3A_191 : memref<128x16xf32, #tpu.memory_space<vmem>>) target(%dma_start3A_197 : memref<10048x16xf32, #tpu.memory_space<vmem_shared>>) offsets(%dma_start3A_194 : memref<128xi32, #tpu.memory_space<vmem>>) semaphore(%arg8 : memref<!tpu.dma_semaphore, #tpu.memory_space<semaphore_mem>>) {add = true}
      %mul3A_198 = arith.constant 20 : i32
      %mul3A_199 = arith.muli %scan3A_16, %mul3A_198 : i32
      %add3A_200 = arith.constant 13 : i32
      %add3A_201 = arith.addi %mul3A_199, %add3A_200 : i32
      %mul3A_202 = arith.constant 128 : i32
      %mul3A_203 = arith.muli %add3A_201, %mul3A_202 : i32
      %dma_start3A_204 = arith.constant 0 : i32
      %dma_start3A_205 = tpu.memref_slice %arg7[%mul3A_203, %dma_start3A_204] : memref<5120x16xf32, #tpu.memory_space<vmem>> -> memref<128x16xf32, #tpu.memory_space<vmem>>
      %dma_start3A_206 = arith.constant 0 : i32
      %dma_start3A_207 = tpu.memref_slice %arg6[%add3A_201, %dma_start3A_206] : memref<40x128xi32, #tpu.memory_space<vmem>> -> memref<1x128xi32, #tpu.memory_space<vmem>>
      %dma_start3A_208 = tpu.memref_squeeze %dma_start3A_207 : memref<1x128xi32, #tpu.memory_space<vmem>> -> memref<128xi32, #tpu.memory_space<vmem>>
      %dma_start3A_209 = arith.constant 0 : i32
      %dma_start3A_210 = arith.constant 0 : i32
      %dma_start3A_211 = tpu.memref_slice %arg9[%dma_start3A_209, %dma_start3A_210] : memref<10048x16xf32, #tpu.memory_space<vmem_shared>> -> memref<10048x16xf32, #tpu.memory_space<vmem_shared>>
      tpu.enqueue_indirect_dma source(%dma_start3A_205 : memref<128x16xf32, #tpu.memory_space<vmem>>) target(%dma_start3A_211 : memref<10048x16xf32, #tpu.memory_space<vmem_shared>>) offsets(%dma_start3A_208 : memref<128xi32, #tpu.memory_space<vmem>>) semaphore(%arg8 : memref<!tpu.dma_semaphore, #tpu.memory_space<semaphore_mem>>) {add = true}
      %mul3A_212 = arith.constant 20 : i32
      %mul3A_213 = arith.muli %scan3A_16, %mul3A_212 : i32
      %add3A_214 = arith.constant 14 : i32
      %add3A_215 = arith.addi %mul3A_213, %add3A_214 : i32
      %mul3A_216 = arith.constant 128 : i32
      %mul3A_217 = arith.muli %add3A_215, %mul3A_216 : i32
      %dma_start3A_218 = arith.constant 0 : i32
      %dma_start3A_219 = tpu.memref_slice %arg7[%mul3A_217, %dma_start3A_218] : memref<5120x16xf32, #tpu.memory_space<vmem>> -> memref<128x16xf32, #tpu.memory_space<vmem>>
      %dma_start3A_220 = arith.constant 0 : i32
      %dma_start3A_221 = tpu.memref_slice %arg6[%add3A_215, %dma_start3A_220] : memref<40x128xi32, #tpu.memory_space<vmem>> -> memref<1x128xi32, #tpu.memory_space<vmem>>
      %dma_start3A_222 = tpu.memref_squeeze %dma_start3A_221 : memref<1x128xi32, #tpu.memory_space<vmem>> -> memref<128xi32, #tpu.memory_space<vmem>>
      %dma_start3A_223 = arith.constant 0 : i32
      %dma_start3A_224 = arith.constant 0 : i32
      %dma_start3A_225 = tpu.memref_slice %arg9[%dma_start3A_223, %dma_start3A_224] : memref<10048x16xf32, #tpu.memory_space<vmem_shared>> -> memref<10048x16xf32, #tpu.memory_space<vmem_shared>>
      tpu.enqueue_indirect_dma source(%dma_start3A_219 : memref<128x16xf32, #tpu.memory_space<vmem>>) target(%dma_start3A_225 : memref<10048x16xf32, #tpu.memory_space<vmem_shared>>) offsets(%dma_start3A_222 : memref<128xi32, #tpu.memory_space<vmem>>) semaphore(%arg8 : memref<!tpu.dma_semaphore, #tpu.memory_space<semaphore_mem>>) {add = true}
      %mul3A_226 = arith.constant 20 : i32
      %mul3A_227 = arith.muli %scan3A_16, %mul3A_226 : i32
      %add3A_228 = arith.constant 15 : i32
      %add3A_229 = arith.addi %mul3A_227, %add3A_228 : i32
      %mul3A_230 = arith.constant 128 : i32
      %mul3A_231 = arith.muli %add3A_229, %mul3A_230 : i32
      %dma_start3A_232 = arith.constant 0 : i32
      %dma_start3A_233 = tpu.memref_slice %arg7[%mul3A_231, %dma_start3A_232] : memref<5120x16xf32, #tpu.memory_space<vmem>> -> memref<128x16xf32, #tpu.memory_space<vmem>>
      %dma_start3A_234 = arith.constant 0 : i32
      %dma_start3A_235 = tpu.memref_slice %arg6[%add3A_229, %dma_start3A_234] : memref<40x128xi32, #tpu.memory_space<vmem>> -> memref<1x128xi32, #tpu.memory_space<vmem>>
      %dma_start3A_236 = tpu.memref_squeeze %dma_start3A_235 : memref<1x128xi32, #tpu.memory_space<vmem>> -> memref<128xi32, #tpu.memory_space<vmem>>
      %dma_start3A_237 = arith.constant 0 : i32
      %dma_start3A_238 = arith.constant 0 : i32
      %dma_start3A_239 = tpu.memref_slice %arg9[%dma_start3A_237, %dma_start3A_238] : memref<10048x16xf32, #tpu.memory_space<vmem_shared>> -> memref<10048x16xf32, #tpu.memory_space<vmem_shared>>
      tpu.enqueue_indirect_dma source(%dma_start3A_233 : memref<128x16xf32, #tpu.memory_space<vmem>>) target(%dma_start3A_239 : memref<10048x16xf32, #tpu.memory_space<vmem_shared>>) offsets(%dma_start3A_236 : memref<128xi32, #tpu.memory_space<vmem>>) semaphore(%arg8 : memref<!tpu.dma_semaphore, #tpu.memory_space<semaphore_mem>>) {add = true}
      %mul3A_240 = arith.constant 20 : i32
      %mul3A_241 = arith.muli %scan3A_16, %mul3A_240 : i32
      %add3A_242 = arith.constant 16 : i32
      %add3A_243 = arith.addi %mul3A_241, %add3A_242 : i32
      %mul3A_244 = arith.constant 128 : i32
      %mul3A_245 = arith.muli %add3A_243, %mul3A_244 : i32
      %dma_start3A_246 = arith.constant 0 : i32
      %dma_start3A_247 = tpu.memref_slice %arg7[%mul3A_245, %dma_start3A_246] : memref<5120x16xf32, #tpu.memory_space<vmem>> -> memref<128x16xf32, #tpu.memory_space<vmem>>
      %dma_start3A_248 = arith.constant 0 : i32
      %dma_start3A_249 = tpu.memref_slice %arg6[%add3A_243, %dma_start3A_248] : memref<40x128xi32, #tpu.memory_space<vmem>> -> memref<1x128xi32, #tpu.memory_space<vmem>>
      %dma_start3A_250 = tpu.memref_squeeze %dma_start3A_249 : memref<1x128xi32, #tpu.memory_space<vmem>> -> memref<128xi32, #tpu.memory_space<vmem>>
      %dma_start3A_251 = arith.constant 0 : i32
      %dma_start3A_252 = arith.constant 0 : i32
      %dma_start3A_253 = tpu.memref_slice %arg9[%dma_start3A_251, %dma_start3A_252] : memref<10048x16xf32, #tpu.memory_space<vmem_shared>> -> memref<10048x16xf32, #tpu.memory_space<vmem_shared>>
      tpu.enqueue_indirect_dma source(%dma_start3A_247 : memref<128x16xf32, #tpu.memory_space<vmem>>) target(%dma_start3A_253 : memref<10048x16xf32, #tpu.memory_space<vmem_shared>>) offsets(%dma_start3A_250 : memref<128xi32, #tpu.memory_space<vmem>>) semaphore(%arg8 : memref<!tpu.dma_semaphore, #tpu.memory_space<semaphore_mem>>) {add = true}
      %mul3A_254 = arith.constant 20 : i32
      %mul3A_255 = arith.muli %scan3A_16, %mul3A_254 : i32
      %add3A_256 = arith.constant 17 : i32
      %add3A_257 = arith.addi %mul3A_255, %add3A_256 : i32
      %mul3A_258 = arith.constant 128 : i32
      %mul3A_259 = arith.muli %add3A_257, %mul3A_258 : i32
      %dma_start3A_260 = arith.constant 0 : i32
      %dma_start3A_261 = tpu.memref_slice %arg7[%mul3A_259, %dma_start3A_260] : memref<5120x16xf32, #tpu.memory_space<vmem>> -> memref<128x16xf32, #tpu.memory_space<vmem>>
      %dma_start3A_262 = arith.constant 0 : i32
      %dma_start3A_263 = tpu.memref_slice %arg6[%add3A_257, %dma_start3A_262] : memref<40x128xi32, #tpu.memory_space<vmem>> -> memref<1x128xi32, #tpu.memory_space<vmem>>
      %dma_start3A_264 = tpu.memref_squeeze %dma_start3A_263 : memref<1x128xi32, #tpu.memory_space<vmem>> -> memref<128xi32, #tpu.memory_space<vmem>>
      %dma_start3A_265 = arith.constant 0 : i32
      %dma_start3A_266 = arith.constant 0 : i32
      %dma_start3A_267 = tpu.memref_slice %arg9[%dma_start3A_265, %dma_start3A_266] : memref<10048x16xf32, #tpu.memory_space<vmem_shared>> -> memref<10048x16xf32, #tpu.memory_space<vmem_shared>>
      tpu.enqueue_indirect_dma source(%dma_start3A_261 : memref<128x16xf32, #tpu.memory_space<vmem>>) target(%dma_start3A_267 : memref<10048x16xf32, #tpu.memory_space<vmem_shared>>) offsets(%dma_start3A_264 : memref<128xi32, #tpu.memory_space<vmem>>) semaphore(%arg8 : memref<!tpu.dma_semaphore, #tpu.memory_space<semaphore_mem>>) {add = true}
      %mul3A_268 = arith.constant 20 : i32
      %mul3A_269 = arith.muli %scan3A_16, %mul3A_268 : i32
      %add3A_270 = arith.constant 18 : i32
      %add3A_271 = arith.addi %mul3A_269, %add3A_270 : i32
      %mul3A_272 = arith.constant 128 : i32
      %mul3A_273 = arith.muli %add3A_271, %mul3A_272 : i32
      %dma_start3A_274 = arith.constant 0 : i32
      %dma_start3A_275 = tpu.memref_slice %arg7[%mul3A_273, %dma_start3A_274] : memref<5120x16xf32, #tpu.memory_space<vmem>> -> memref<128x16xf32, #tpu.memory_space<vmem>>
      %dma_start3A_276 = arith.constant 0 : i32
      %dma_start3A_277 = tpu.memref_slice %arg6[%add3A_271, %dma_start3A_276] : memref<40x128xi32, #tpu.memory_space<vmem>> -> memref<1x128xi32, #tpu.memory_space<vmem>>
      %dma_start3A_278 = tpu.memref_squeeze %dma_start3A_277 : memref<1x128xi32, #tpu.memory_space<vmem>> -> memref<128xi32, #tpu.memory_space<vmem>>
      %dma_start3A_279 = arith.constant 0 : i32
      %dma_start3A_280 = arith.constant 0 : i32
      %dma_start3A_281 = tpu.memref_slice %arg9[%dma_start3A_279, %dma_start3A_280] : memref<10048x16xf32, #tpu.memory_space<vmem_shared>> -> memref<10048x16xf32, #tpu.memory_space<vmem_shared>>
      tpu.enqueue_indirect_dma source(%dma_start3A_275 : memref<128x16xf32, #tpu.memory_space<vmem>>) target(%dma_start3A_281 : memref<10048x16xf32, #tpu.memory_space<vmem_shared>>) offsets(%dma_start3A_278 : memref<128xi32, #tpu.memory_space<vmem>>) semaphore(%arg8 : memref<!tpu.dma_semaphore, #tpu.memory_space<semaphore_mem>>) {add = true}
      %mul3A_282 = arith.constant 20 : i32
      %mul3A_283 = arith.muli %scan3A_16, %mul3A_282 : i32
      %add3A_284 = arith.constant 19 : i32
      %add3A_285 = arith.addi %mul3A_283, %add3A_284 : i32
      %mul3A_286 = arith.constant 128 : i32
      %mul3A_287 = arith.muli %add3A_285, %mul3A_286 : i32
      %dma_start3A_288 = arith.constant 0 : i32
      %dma_start3A_289 = tpu.memref_slice %arg7[%mul3A_287, %dma_start3A_288] : memref<5120x16xf32, #tpu.memory_space<vmem>> -> memref<128x16xf32, #tpu.memory_space<vmem>>
      %dma_start3A_290 = arith.constant 0 : i32
      %dma_start3A_291 = tpu.memref_slice %arg6[%add3A_285, %dma_start3A_290] : memref<40x128xi32, #tpu.memory_space<vmem>> -> memref<1x128xi32, #tpu.memory_space<vmem>>
      %dma_start3A_292 = tpu.memref_squeeze %dma_start3A_291 : memref<1x128xi32, #tpu.memory_space<vmem>> -> memref<128xi32, #tpu.memory_space<vmem>>
      %dma_start3A_293 = arith.constant 0 : i32
      %dma_start3A_294 = arith.constant 0 : i32
      %dma_start3A_295 = tpu.memref_slice %arg9[%dma_start3A_293, %dma_start3A_294] : memref<10048x16xf32, #tpu.memory_space<vmem_shared>> -> memref<10048x16xf32, #tpu.memory_space<vmem_shared>>
      tpu.enqueue_indirect_dma source(%dma_start3A_289 : memref<128x16xf32, #tpu.memory_space<vmem>>) target(%dma_start3A_295 : memref<10048x16xf32, #tpu.memory_space<vmem_shared>>) offsets(%dma_start3A_292 : memref<128xi32, #tpu.memory_space<vmem>>) semaphore(%arg8 : memref<!tpu.dma_semaphore, #tpu.memory_space<semaphore_mem>>) {add = true}
      %dma_wait3A = arith.constant 0 : i32
      %dma_wait3A_296 = tpu.memref_slice %arg7[%mul3A_22, %dma_wait3A] : memref<5120x16xf32, #tpu.memory_space<vmem>> -> memref<128x16xf32, #tpu.memory_space<vmem>>
      %dma_wait3A_297 = arith.constant 0 : i32
      %dma_wait3A_298 = tpu.memref_slice %arg6[%add3A_20, %dma_wait3A_297] : memref<40x128xi32, #tpu.memory_space<vmem>> -> memref<1x128xi32, #tpu.memory_space<vmem>>
      %dma_wait3A_299 = tpu.memref_squeeze %dma_wait3A_298 : memref<1x128xi32, #tpu.memory_space<vmem>> -> memref<128xi32, #tpu.memory_space<vmem>>
      %dma_wait3A_300 = arith.constant 0 : i32
      %dma_wait3A_301 = arith.constant 0 : i32
      %dma_wait3A_302 = tpu.memref_slice %arg9[%dma_wait3A_300, %dma_wait3A_301] : memref<10048x16xf32, #tpu.memory_space<vmem_shared>> -> memref<10048x16xf32, #tpu.memory_space<vmem_shared>>
      tpu.wait_indirect_dma semaphore(%arg8 : memref<!tpu.dma_semaphore, #tpu.memory_space<semaphore_mem>>) src(%dma_wait3A_296 : memref<128x16xf32, #tpu.memory_space<vmem>>) dst(%dma_wait3A_302 : memref<10048x16xf32, #tpu.memory_space<vmem_shared>>)
      %dma_wait3A_303 = arith.constant 0 : i32
      %dma_wait3A_304 = tpu.memref_slice %arg7[%mul3A_35, %dma_wait3A_303] : memref<5120x16xf32, #tpu.memory_space<vmem>> -> memref<128x16xf32, #tpu.memory_space<vmem>>
      %dma_wait3A_305 = arith.constant 0 : i32
      %dma_wait3A_306 = tpu.memref_slice %arg6[%add3A_33, %dma_wait3A_305] : memref<40x128xi32, #tpu.memory_space<vmem>> -> memref<1x128xi32, #tpu.memory_space<vmem>>
      %dma_wait3A_307 = tpu.memref_squeeze %dma_wait3A_306 : memref<1x128xi32, #tpu.memory_space<vmem>> -> memref<128xi32, #tpu.memory_space<vmem>>
      %dma_wait3A_308 = arith.constant 0 : i32
      %dma_wait3A_309 = arith.constant 0 : i32
      %dma_wait3A_310 = tpu.memref_slice %arg9[%dma_wait3A_308, %dma_wait3A_309] : memref<10048x16xf32, #tpu.memory_space<vmem_shared>> -> memref<10048x16xf32, #tpu.memory_space<vmem_shared>>
      tpu.wait_indirect_dma semaphore(%arg8 : memref<!tpu.dma_semaphore, #tpu.memory_space<semaphore_mem>>) src(%dma_wait3A_304 : memref<128x16xf32, #tpu.memory_space<vmem>>) dst(%dma_wait3A_310 : memref<10048x16xf32, #tpu.memory_space<vmem_shared>>)
      %dma_wait3A_311 = arith.constant 0 : i32
      %dma_wait3A_312 = tpu.memref_slice %arg7[%mul3A_49, %dma_wait3A_311] : memref<5120x16xf32, #tpu.memory_space<vmem>> -> memref<128x16xf32, #tpu.memory_space<vmem>>
      %dma_wait3A_313 = arith.constant 0 : i32
      %dma_wait3A_314 = tpu.memref_slice %arg6[%add3A_47, %dma_wait3A_313] : memref<40x128xi32, #tpu.memory_space<vmem>> -> memref<1x128xi32, #tpu.memory_space<vmem>>
      %dma_wait3A_315 = tpu.memref_squeeze %dma_wait3A_314 : memref<1x128xi32, #tpu.memory_space<vmem>> -> memref<128xi32, #tpu.memory_space<vmem>>
      %dma_wait3A_316 = arith.constant 0 : i32
      %dma_wait3A_317 = arith.constant 0 : i32
      %dma_wait3A_318 = tpu.memref_slice %arg9[%dma_wait3A_316, %dma_wait3A_317] : memref<10048x16xf32, #tpu.memory_space<vmem_shared>> -> memref<10048x16xf32, #tpu.memory_space<vmem_shared>>
      tpu.wait_indirect_dma semaphore(%arg8 : memref<!tpu.dma_semaphore, #tpu.memory_space<semaphore_mem>>) src(%dma_wait3A_312 : memref<128x16xf32, #tpu.memory_space<vmem>>) dst(%dma_wait3A_318 : memref<10048x16xf32, #tpu.memory_space<vmem_shared>>)
      %dma_wait3A_319 = arith.constant 0 : i32
      %dma_wait3A_320 = tpu.memref_slice %arg7[%mul3A_63, %dma_wait3A_319] : memref<5120x16xf32, #tpu.memory_space<vmem>> -> memref<128x16xf32, #tpu.memory_space<vmem>>
      %dma_wait3A_321 = arith.constant 0 : i32
      %dma_wait3A_322 = tpu.memref_slice %arg6[%add3A_61, %dma_wait3A_321] : memref<40x128xi32, #tpu.memory_space<vmem>> -> memref<1x128xi32, #tpu.memory_space<vmem>>
      %dma_wait3A_323 = tpu.memref_squeeze %dma_wait3A_322 : memref<1x128xi32, #tpu.memory_space<vmem>> -> memref<128xi32, #tpu.memory_space<vmem>>
      %dma_wait3A_324 = arith.constant 0 : i32
      %dma_wait3A_325 = arith.constant 0 : i32
      %dma_wait3A_326 = tpu.memref_slice %arg9[%dma_wait3A_324, %dma_wait3A_325] : memref<10048x16xf32, #tpu.memory_space<vmem_shared>> -> memref<10048x16xf32, #tpu.memory_space<vmem_shared>>
      tpu.wait_indirect_dma semaphore(%arg8 : memref<!tpu.dma_semaphore, #tpu.memory_space<semaphore_mem>>) src(%dma_wait3A_320 : memref<128x16xf32, #tpu.memory_space<vmem>>) dst(%dma_wait3A_326 : memref<10048x16xf32, #tpu.memory_space<vmem_shared>>)
      %dma_wait3A_327 = arith.constant 0 : i32
      %dma_wait3A_328 = tpu.memref_slice %arg7[%mul3A_77, %dma_wait3A_327] : memref<5120x16xf32, #tpu.memory_space<vmem>> -> memref<128x16xf32, #tpu.memory_space<vmem>>
      %dma_wait3A_329 = arith.constant 0 : i32
      %dma_wait3A_330 = tpu.memref_slice %arg6[%add3A_75, %dma_wait3A_329] : memref<40x128xi32, #tpu.memory_space<vmem>> -> memref<1x128xi32, #tpu.memory_space<vmem>>
      %dma_wait3A_331 = tpu.memref_squeeze %dma_wait3A_330 : memref<1x128xi32, #tpu.memory_space<vmem>> -> memref<128xi32, #tpu.memory_space<vmem>>
      %dma_wait3A_332 = arith.constant 0 : i32
      %dma_wait3A_333 = arith.constant 0 : i32
      %dma_wait3A_334 = tpu.memref_slice %arg9[%dma_wait3A_332, %dma_wait3A_333] : memref<10048x16xf32, #tpu.memory_space<vmem_shared>> -> memref<10048x16xf32, #tpu.memory_space<vmem_shared>>
      tpu.wait_indirect_dma semaphore(%arg8 : memref<!tpu.dma_semaphore, #tpu.memory_space<semaphore_mem>>) src(%dma_wait3A_328 : memref<128x16xf32, #tpu.memory_space<vmem>>) dst(%dma_wait3A_334 : memref<10048x16xf32, #tpu.memory_space<vmem_shared>>)
      %dma_wait3A_335 = arith.constant 0 : i32
      %dma_wait3A_336 = tpu.memref_slice %arg7[%mul3A_91, %dma_wait3A_335] : memref<5120x16xf32, #tpu.memory_space<vmem>> -> memref<128x16xf32, #tpu.memory_space<vmem>>
      %dma_wait3A_337 = arith.constant 0 : i32
      %dma_wait3A_338 = tpu.memref_slice %arg6[%add3A_89, %dma_wait3A_337] : memref<40x128xi32, #tpu.memory_space<vmem>> -> memref<1x128xi32, #tpu.memory_space<vmem>>
      %dma_wait3A_339 = tpu.memref_squeeze %dma_wait3A_338 : memref<1x128xi32, #tpu.memory_space<vmem>> -> memref<128xi32, #tpu.memory_space<vmem>>
      %dma_wait3A_340 = arith.constant 0 : i32
      %dma_wait3A_341 = arith.constant 0 : i32
      %dma_wait3A_342 = tpu.memref_slice %arg9[%dma_wait3A_340, %dma_wait3A_341] : memref<10048x16xf32, #tpu.memory_space<vmem_shared>> -> memref<10048x16xf32, #tpu.memory_space<vmem_shared>>
      tpu.wait_indirect_dma semaphore(%arg8 : memref<!tpu.dma_semaphore, #tpu.memory_space<semaphore_mem>>) src(%dma_wait3A_336 : memref<128x16xf32, #tpu.memory_space<vmem>>) dst(%dma_wait3A_342 : memref<10048x16xf32, #tpu.memory_space<vmem_shared>>)
      %dma_wait3A_343 = arith.constant 0 : i32
      %dma_wait3A_344 = tpu.memref_slice %arg7[%mul3A_105, %dma_wait3A_343] : memref<5120x16xf32, #tpu.memory_space<vmem>> -> memref<128x16xf32, #tpu.memory_space<vmem>>
      %dma_wait3A_345 = arith.constant 0 : i32
      %dma_wait3A_346 = tpu.memref_slice %arg6[%add3A_103, %dma_wait3A_345] : memref<40x128xi32, #tpu.memory_space<vmem>> -> memref<1x128xi32, #tpu.memory_space<vmem>>
      %dma_wait3A_347 = tpu.memref_squeeze %dma_wait3A_346 : memref<1x128xi32, #tpu.memory_space<vmem>> -> memref<128xi32, #tpu.memory_space<vmem>>
      %dma_wait3A_348 = arith.constant 0 : i32
      %dma_wait3A_349 = arith.constant 0 : i32
      %dma_wait3A_350 = tpu.memref_slice %arg9[%dma_wait3A_348, %dma_wait3A_349] : memref<10048x16xf32, #tpu.memory_space<vmem_shared>> -> memref<10048x16xf32, #tpu.memory_space<vmem_shared>>
      tpu.wait_indirect_dma semaphore(%arg8 : memref<!tpu.dma_semaphore, #tpu.memory_space<semaphore_mem>>) src(%dma_wait3A_344 : memref<128x16xf32, #tpu.memory_space<vmem>>) dst(%dma_wait3A_350 : memref<10048x16xf32, #tpu.memory_space<vmem_shared>>)
      %dma_wait3A_351 = arith.constant 0 : i32
      %dma_wait3A_352 = tpu.memref_slice %arg7[%mul3A_119, %dma_wait3A_351] : memref<5120x16xf32, #tpu.memory_space<vmem>> -> memref<128x16xf32, #tpu.memory_space<vmem>>
      %dma_wait3A_353 = arith.constant 0 : i32
      %dma_wait3A_354 = tpu.memref_slice %arg6[%add3A_117, %dma_wait3A_353] : memref<40x128xi32, #tpu.memory_space<vmem>> -> memref<1x128xi32, #tpu.memory_space<vmem>>
      %dma_wait3A_355 = tpu.memref_squeeze %dma_wait3A_354 : memref<1x128xi32, #tpu.memory_space<vmem>> -> memref<128xi32, #tpu.memory_space<vmem>>
      %dma_wait3A_356 = arith.constant 0 : i32
      %dma_wait3A_357 = arith.constant 0 : i32
      %dma_wait3A_358 = tpu.memref_slice %arg9[%dma_wait3A_356, %dma_wait3A_357] : memref<10048x16xf32, #tpu.memory_space<vmem_shared>> -> memref<10048x16xf32, #tpu.memory_space<vmem_shared>>
      tpu.wait_indirect_dma semaphore(%arg8 : memref<!tpu.dma_semaphore, #tpu.memory_space<semaphore_mem>>) src(%dma_wait3A_352 : memref<128x16xf32, #tpu.memory_space<vmem>>) dst(%dma_wait3A_358 : memref<10048x16xf32, #tpu.memory_space<vmem_shared>>)
      %dma_wait3A_359 = arith.constant 0 : i32
      %dma_wait3A_360 = tpu.memref_slice %arg7[%mul3A_133, %dma_wait3A_359] : memref<5120x16xf32, #tpu.memory_space<vmem>> -> memref<128x16xf32, #tpu.memory_space<vmem>>
      %dma_wait3A_361 = arith.constant 0 : i32
      %dma_wait3A_362 = tpu.memref_slice %arg6[%add3A_131, %dma_wait3A_361] : memref<40x128xi32, #tpu.memory_space<vmem>> -> memref<1x128xi32, #tpu.memory_space<vmem>>
      %dma_wait3A_363 = tpu.memref_squeeze %dma_wait3A_362 : memref<1x128xi32, #tpu.memory_space<vmem>> -> memref<128xi32, #tpu.memory_space<vmem>>
      %dma_wait3A_364 = arith.constant 0 : i32
      %dma_wait3A_365 = arith.constant 0 : i32
      %dma_wait3A_366 = tpu.memref_slice %arg9[%dma_wait3A_364, %dma_wait3A_365] : memref<10048x16xf32, #tpu.memory_space<vmem_shared>> -> memref<10048x16xf32, #tpu.memory_space<vmem_shared>>
      tpu.wait_indirect_dma semaphore(%arg8 : memref<!tpu.dma_semaphore, #tpu.memory_space<semaphore_mem>>) src(%dma_wait3A_360 : memref<128x16xf32, #tpu.memory_space<vmem>>) dst(%dma_wait3A_366 : memref<10048x16xf32, #tpu.memory_space<vmem_shared>>)
      %dma_wait3A_367 = arith.constant 0 : i32
      %dma_wait3A_368 = tpu.memref_slice %arg7[%mul3A_147, %dma_wait3A_367] : memref<5120x16xf32, #tpu.memory_space<vmem>> -> memref<128x16xf32, #tpu.memory_space<vmem>>
      %dma_wait3A_369 = arith.constant 0 : i32
      %dma_wait3A_370 = tpu.memref_slice %arg6[%add3A_145, %dma_wait3A_369] : memref<40x128xi32, #tpu.memory_space<vmem>> -> memref<1x128xi32, #tpu.memory_space<vmem>>
      %dma_wait3A_371 = tpu.memref_squeeze %dma_wait3A_370 : memref<1x128xi32, #tpu.memory_space<vmem>> -> memref<128xi32, #tpu.memory_space<vmem>>
      %dma_wait3A_372 = arith.constant 0 : i32
      %dma_wait3A_373 = arith.constant 0 : i32
      %dma_wait3A_374 = tpu.memref_slice %arg9[%dma_wait3A_372, %dma_wait3A_373] : memref<10048x16xf32, #tpu.memory_space<vmem_shared>> -> memref<10048x16xf32, #tpu.memory_space<vmem_shared>>
      tpu.wait_indirect_dma semaphore(%arg8 : memref<!tpu.dma_semaphore, #tpu.memory_space<semaphore_mem>>) src(%dma_wait3A_368 : memref<128x16xf32, #tpu.memory_space<vmem>>) dst(%dma_wait3A_374 : memref<10048x16xf32, #tpu.memory_space<vmem_shared>>)
      %dma_wait3A_375 = arith.constant 0 : i32
      %dma_wait3A_376 = tpu.memref_slice %arg7[%mul3A_161, %dma_wait3A_375] : memref<5120x16xf32, #tpu.memory_space<vmem>> -> memref<128x16xf32, #tpu.memory_space<vmem>>
      %dma_wait3A_377 = arith.constant 0 : i32
      %dma_wait3A_378 = tpu.memref_slice %arg6[%add3A_159, %dma_wait3A_377] : memref<40x128xi32, #tpu.memory_space<vmem>> -> memref<1x128xi32, #tpu.memory_space<vmem>>
      %dma_wait3A_379 = tpu.memref_squeeze %dma_wait3A_378 : memref<1x128xi32, #tpu.memory_space<vmem>> -> memref<128xi32, #tpu.memory_space<vmem>>
      %dma_wait3A_380 = arith.constant 0 : i32
      %dma_wait3A_381 = arith.constant 0 : i32
      %dma_wait3A_382 = tpu.memref_slice %arg9[%dma_wait3A_380, %dma_wait3A_381] : memref<10048x16xf32, #tpu.memory_space<vmem_shared>> -> memref<10048x16xf32, #tpu.memory_space<vmem_shared>>
      tpu.wait_indirect_dma semaphore(%arg8 : memref<!tpu.dma_semaphore, #tpu.memory_space<semaphore_mem>>) src(%dma_wait3A_376 : memref<128x16xf32, #tpu.memory_space<vmem>>) dst(%dma_wait3A_382 : memref<10048x16xf32, #tpu.memory_space<vmem_shared>>)
      %dma_wait3A_383 = arith.constant 0 : i32
      %dma_wait3A_384 = tpu.memref_slice %arg7[%mul3A_175, %dma_wait3A_383] : memref<5120x16xf32, #tpu.memory_space<vmem>> -> memref<128x16xf32, #tpu.memory_space<vmem>>
      %dma_wait3A_385 = arith.constant 0 : i32
      %dma_wait3A_386 = tpu.memref_slice %arg6[%add3A_173, %dma_wait3A_385] : memref<40x128xi32, #tpu.memory_space<vmem>> -> memref<1x128xi32, #tpu.memory_space<vmem>>
      %dma_wait3A_387 = tpu.memref_squeeze %dma_wait3A_386 : memref<1x128xi32, #tpu.memory_space<vmem>> -> memref<128xi32, #tpu.memory_space<vmem>>
      %dma_wait3A_388 = arith.constant 0 : i32
      %dma_wait3A_389 = arith.constant 0 : i32
      %dma_wait3A_390 = tpu.memref_slice %arg9[%dma_wait3A_388, %dma_wait3A_389] : memref<10048x16xf32, #tpu.memory_space<vmem_shared>> -> memref<10048x16xf32, #tpu.memory_space<vmem_shared>>
      tpu.wait_indirect_dma semaphore(%arg8 : memref<!tpu.dma_semaphore, #tpu.memory_space<semaphore_mem>>) src(%dma_wait3A_384 : memref<128x16xf32, #tpu.memory_space<vmem>>) dst(%dma_wait3A_390 : memref<10048x16xf32, #tpu.memory_space<vmem_shared>>)
      %dma_wait3A_391 = arith.constant 0 : i32
      %dma_wait3A_392 = tpu.memref_slice %arg7[%mul3A_189, %dma_wait3A_391] : memref<5120x16xf32, #tpu.memory_space<vmem>> -> memref<128x16xf32, #tpu.memory_space<vmem>>
      %dma_wait3A_393 = arith.constant 0 : i32
      %dma_wait3A_394 = tpu.memref_slice %arg6[%add3A_187, %dma_wait3A_393] : memref<40x128xi32, #tpu.memory_space<vmem>> -> memref<1x128xi32, #tpu.memory_space<vmem>>
      %dma_wait3A_395 = tpu.memref_squeeze %dma_wait3A_394 : memref<1x128xi32, #tpu.memory_space<vmem>> -> memref<128xi32, #tpu.memory_space<vmem>>
      %dma_wait3A_396 = arith.constant 0 : i32
      %dma_wait3A_397 = arith.constant 0 : i32
      %dma_wait3A_398 = tpu.memref_slice %arg9[%dma_wait3A_396, %dma_wait3A_397] : memref<10048x16xf32, #tpu.memory_space<vmem_shared>> -> memref<10048x16xf32, #tpu.memory_space<vmem_shared>>
      tpu.wait_indirect_dma semaphore(%arg8 : memref<!tpu.dma_semaphore, #tpu.memory_space<semaphore_mem>>) src(%dma_wait3A_392 : memref<128x16xf32, #tpu.memory_space<vmem>>) dst(%dma_wait3A_398 : memref<10048x16xf32, #tpu.memory_space<vmem_shared>>)
      %dma_wait3A_399 = arith.constant 0 : i32
      %dma_wait3A_400 = tpu.memref_slice %arg7[%mul3A_203, %dma_wait3A_399] : memref<5120x16xf32, #tpu.memory_space<vmem>> -> memref<128x16xf32, #tpu.memory_space<vmem>>
      %dma_wait3A_401 = arith.constant 0 : i32
      %dma_wait3A_402 = tpu.memref_slice %arg6[%add3A_201, %dma_wait3A_401] : memref<40x128xi32, #tpu.memory_space<vmem>> -> memref<1x128xi32, #tpu.memory_space<vmem>>
      %dma_wait3A_403 = tpu.memref_squeeze %dma_wait3A_402 : memref<1x128xi32, #tpu.memory_space<vmem>> -> memref<128xi32, #tpu.memory_space<vmem>>
      %dma_wait3A_404 = arith.constant 0 : i32
      %dma_wait3A_405 = arith.constant 0 : i32
      %dma_wait3A_406 = tpu.memref_slice %arg9[%dma_wait3A_404, %dma_wait3A_405] : memref<10048x16xf32, #tpu.memory_space<vmem_shared>> -> memref<10048x16xf32, #tpu.memory_space<vmem_shared>>
      tpu.wait_indirect_dma semaphore(%arg8 : memref<!tpu.dma_semaphore, #tpu.memory_space<semaphore_mem>>) src(%dma_wait3A_400 : memref<128x16xf32, #tpu.memory_space<vmem>>) dst(%dma_wait3A_406 : memref<10048x16xf32, #tpu.memory_space<vmem_shared>>)
      %dma_wait3A_407 = arith.constant 0 : i32
      %dma_wait3A_408 = tpu.memref_slice %arg7[%mul3A_217, %dma_wait3A_407] : memref<5120x16xf32, #tpu.memory_space<vmem>> -> memref<128x16xf32, #tpu.memory_space<vmem>>
      %dma_wait3A_409 = arith.constant 0 : i32
      %dma_wait3A_410 = tpu.memref_slice %arg6[%add3A_215, %dma_wait3A_409] : memref<40x128xi32, #tpu.memory_space<vmem>> -> memref<1x128xi32, #tpu.memory_space<vmem>>
      %dma_wait3A_411 = tpu.memref_squeeze %dma_wait3A_410 : memref<1x128xi32, #tpu.memory_space<vmem>> -> memref<128xi32, #tpu.memory_space<vmem>>
      %dma_wait3A_412 = arith.constant 0 : i32
      %dma_wait3A_413 = arith.constant 0 : i32
      %dma_wait3A_414 = tpu.memref_slice %arg9[%dma_wait3A_412, %dma_wait3A_413] : memref<10048x16xf32, #tpu.memory_space<vmem_shared>> -> memref<10048x16xf32, #tpu.memory_space<vmem_shared>>
      tpu.wait_indirect_dma semaphore(%arg8 : memref<!tpu.dma_semaphore, #tpu.memory_space<semaphore_mem>>) src(%dma_wait3A_408 : memref<128x16xf32, #tpu.memory_space<vmem>>) dst(%dma_wait3A_414 : memref<10048x16xf32, #tpu.memory_space<vmem_shared>>)
      %dma_wait3A_415 = arith.constant 0 : i32
      %dma_wait3A_416 = tpu.memref_slice %arg7[%mul3A_231, %dma_wait3A_415] : memref<5120x16xf32, #tpu.memory_space<vmem>> -> memref<128x16xf32, #tpu.memory_space<vmem>>
      %dma_wait3A_417 = arith.constant 0 : i32
      %dma_wait3A_418 = tpu.memref_slice %arg6[%add3A_229, %dma_wait3A_417] : memref<40x128xi32, #tpu.memory_space<vmem>> -> memref<1x128xi32, #tpu.memory_space<vmem>>
      %dma_wait3A_419 = tpu.memref_squeeze %dma_wait3A_418 : memref<1x128xi32, #tpu.memory_space<vmem>> -> memref<128xi32, #tpu.memory_space<vmem>>
      %dma_wait3A_420 = arith.constant 0 : i32
      %dma_wait3A_421 = arith.constant 0 : i32
      %dma_wait3A_422 = tpu.memref_slice %arg9[%dma_wait3A_420, %dma_wait3A_421] : memref<10048x16xf32, #tpu.memory_space<vmem_shared>> -> memref<10048x16xf32, #tpu.memory_space<vmem_shared>>
      tpu.wait_indirect_dma semaphore(%arg8 : memref<!tpu.dma_semaphore, #tpu.memory_space<semaphore_mem>>) src(%dma_wait3A_416 : memref<128x16xf32, #tpu.memory_space<vmem>>) dst(%dma_wait3A_422 : memref<10048x16xf32, #tpu.memory_space<vmem_shared>>)
      %dma_wait3A_423 = arith.constant 0 : i32
      %dma_wait3A_424 = tpu.memref_slice %arg7[%mul3A_245, %dma_wait3A_423] : memref<5120x16xf32, #tpu.memory_space<vmem>> -> memref<128x16xf32, #tpu.memory_space<vmem>>
      %dma_wait3A_425 = arith.constant 0 : i32
      %dma_wait3A_426 = tpu.memref_slice %arg6[%add3A_243, %dma_wait3A_425] : memref<40x128xi32, #tpu.memory_space<vmem>> -> memref<1x128xi32, #tpu.memory_space<vmem>>
      %dma_wait3A_427 = tpu.memref_squeeze %dma_wait3A_426 : memref<1x128xi32, #tpu.memory_space<vmem>> -> memref<128xi32, #tpu.memory_space<vmem>>
      %dma_wait3A_428 = arith.constant 0 : i32
      %dma_wait3A_429 = arith.constant 0 : i32
      %dma_wait3A_430 = tpu.memref_slice %arg9[%dma_wait3A_428, %dma_wait3A_429] : memref<10048x16xf32, #tpu.memory_space<vmem_shared>> -> memref<10048x16xf32, #tpu.memory_space<vmem_shared>>
      tpu.wait_indirect_dma semaphore(%arg8 : memref<!tpu.dma_semaphore, #tpu.memory_space<semaphore_mem>>) src(%dma_wait3A_424 : memref<128x16xf32, #tpu.memory_space<vmem>>) dst(%dma_wait3A_430 : memref<10048x16xf32, #tpu.memory_space<vmem_shared>>)
      %dma_wait3A_431 = arith.constant 0 : i32
      %dma_wait3A_432 = tpu.memref_slice %arg7[%mul3A_259, %dma_wait3A_431] : memref<5120x16xf32, #tpu.memory_space<vmem>> -> memref<128x16xf32, #tpu.memory_space<vmem>>
      %dma_wait3A_433 = arith.constant 0 : i32
      %dma_wait3A_434 = tpu.memref_slice %arg6[%add3A_257, %dma_wait3A_433] : memref<40x128xi32, #tpu.memory_space<vmem>> -> memref<1x128xi32, #tpu.memory_space<vmem>>
      %dma_wait3A_435 = tpu.memref_squeeze %dma_wait3A_434 : memref<1x128xi32, #tpu.memory_space<vmem>> -> memref<128xi32, #tpu.memory_space<vmem>>
      %dma_wait3A_436 = arith.constant 0 : i32
      %dma_wait3A_437 = arith.constant 0 : i32
      %dma_wait3A_438 = tpu.memref_slice %arg9[%dma_wait3A_436, %dma_wait3A_437] : memref<10048x16xf32, #tpu.memory_space<vmem_shared>> -> memref<10048x16xf32, #tpu.memory_space<vmem_shared>>
      tpu.wait_indirect_dma semaphore(%arg8 : memref<!tpu.dma_semaphore, #tpu.memory_space<semaphore_mem>>) src(%dma_wait3A_432 : memref<128x16xf32, #tpu.memory_space<vmem>>) dst(%dma_wait3A_438 : memref<10048x16xf32, #tpu.memory_space<vmem_shared>>)
      %dma_wait3A_439 = arith.constant 0 : i32
      %dma_wait3A_440 = tpu.memref_slice %arg7[%mul3A_273, %dma_wait3A_439] : memref<5120x16xf32, #tpu.memory_space<vmem>> -> memref<128x16xf32, #tpu.memory_space<vmem>>
      %dma_wait3A_441 = arith.constant 0 : i32
      %dma_wait3A_442 = tpu.memref_slice %arg6[%add3A_271, %dma_wait3A_441] : memref<40x128xi32, #tpu.memory_space<vmem>> -> memref<1x128xi32, #tpu.memory_space<vmem>>
      %dma_wait3A_443 = tpu.memref_squeeze %dma_wait3A_442 : memref<1x128xi32, #tpu.memory_space<vmem>> -> memref<128xi32, #tpu.memory_space<vmem>>
      %dma_wait3A_444 = arith.constant 0 : i32
      %dma_wait3A_445 = arith.constant 0 : i32
      %dma_wait3A_446 = tpu.memref_slice %arg9[%dma_wait3A_444, %dma_wait3A_445] : memref<10048x16xf32, #tpu.memory_space<vmem_shared>> -> memref<10048x16xf32, #tpu.memory_space<vmem_shared>>
      tpu.wait_indirect_dma semaphore(%arg8 : memref<!tpu.dma_semaphore, #tpu.memory_space<semaphore_mem>>) src(%dma_wait3A_440 : memref<128x16xf32, #tpu.memory_space<vmem>>) dst(%dma_wait3A_446 : memref<10048x16xf32, #tpu.memory_space<vmem_shared>>)
      %dma_wait3A_447 = arith.constant 0 : i32
      %dma_wait3A_448 = tpu.memref_slice %arg7[%mul3A_287, %dma_wait3A_447] : memref<5120x16xf32, #tpu.memory_space<vmem>> -> memref<128x16xf32, #tpu.memory_space<vmem>>
      %dma_wait3A_449 = arith.constant 0 : i32
      %dma_wait3A_450 = tpu.memref_slice %arg6[%add3A_285, %dma_wait3A_449] : memref<40x128xi32, #tpu.memory_space<vmem>> -> memref<1x128xi32, #tpu.memory_space<vmem>>
      %dma_wait3A_451 = tpu.memref_squeeze %dma_wait3A_450 : memref<1x128xi32, #tpu.memory_space<vmem>> -> memref<128xi32, #tpu.memory_space<vmem>>
      %dma_wait3A_452 = arith.constant 0 : i32
      %dma_wait3A_453 = arith.constant 0 : i32
      %dma_wait3A_454 = tpu.memref_slice %arg9[%dma_wait3A_452, %dma_wait3A_453] : memref<10048x16xf32, #tpu.memory_space<vmem_shared>> -> memref<10048x16xf32, #tpu.memory_space<vmem_shared>>
      tpu.wait_indirect_dma semaphore(%arg8 : memref<!tpu.dma_semaphore, #tpu.memory_space<semaphore_mem>>) src(%dma_wait3A_448 : memref<128x16xf32, #tpu.memory_space<vmem>>) dst(%dma_wait3A_454 : memref<10048x16xf32, #tpu.memory_space<vmem_shared>>)
    }
    %scan3A_9 = arith.constant 2 : i32
    %barrier3A_10 = arith.constant 0 : index
    tpu.barrier barrier_id(%barrier3A_10)
    %eq3A_11 = arith.constant 0 : i32
    %eq3A_12 = arith.cmpi eq, %arg1, %eq3A_11 : i32
    %convert_element_type3A_13 = arith.extui %eq3A_12 : i1 to i32
    %cond3A_14 = arith.constant 0 : i32
    %cond3A_15 = arith.cmpi ne, %convert_element_type3A_13, %cond3A_14 : i32
    scf.if %cond3A_15 {
      "tpu.region"() ({
        %run_scoped3A = tpu.sem_alloc : memref<!tpu.dma_semaphore, #tpu.memory_space<semaphore_mem>>
        %dma_start3A = arith.constant 0 : i32
        %dma_start3A_16 = arith.constant 0 : i32
        %dma_start3A_17 = tpu.memref_slice %arg5[%arg0, %dma_start3A, %dma_start3A_16] : memref<2x10048x16xf32, #tpu.memory_space<hbm>> -> memref<1x10048x16xf32, #tpu.memory_space<hbm>>
        %dma_start3A_18 = tpu.memref_squeeze %dma_start3A_17 : memref<1x10048x16xf32, #tpu.memory_space<hbm>> -> memref<10048x16xf32, #tpu.memory_space<hbm>>
        tpu.enqueue_dma source(%arg9 : memref<10048x16xf32, #tpu.memory_space<vmem_shared>>) target(%dma_start3A_18 : memref<10048x16xf32, #tpu.memory_space<hbm>>) target_semaphore(%run_scoped3A : memref<!tpu.dma_semaphore, #tpu.memory_space<semaphore_mem>>)
        %dma_wait3A = arith.constant 0 : i32
        %dma_wait3A_19 = arith.constant 0 : i32
        %dma_wait3A_20 = tpu.memref_slice %arg5[%arg0, %dma_wait3A, %dma_wait3A_19] : memref<2x10048x16xf32, #tpu.memory_space<hbm>> -> memref<1x10048x16xf32, #tpu.memory_space<hbm>>
        %dma_wait3A_21 = tpu.memref_squeeze %dma_wait3A_20 : memref<1x10048x16xf32, #tpu.memory_space<hbm>> -> memref<10048x16xf32, #tpu.memory_space<hbm>>
        tpu.wait_dma2 semaphore(%run_scoped3A : memref<!tpu.dma_semaphore, #tpu.memory_space<semaphore_mem>>) src(%arg9 : memref<10048x16xf32, #tpu.memory_space<vmem_shared>>) dst(%dma_wait3A_21 : memref<10048x16xf32, #tpu.memory_space<hbm>>)
        tpu.yield
      }) : () -> ()
    } else {
    }
    return
  }
}

#map = affine_map<(d0, d1) -> (0, 0)>
#map1 = affine_map<(d0, d1) -> (0, 0, 0)>
module attributes {stable_mosaic.version = 14 : i64} {
  func.func @_gather_cnt_body(%arg0: i32, %arg1: i32, %arg2: memref<10000x16xf32, #tpu.memory_space<hbm>>, %arg3: memref<32x5120xi32, #tpu.memory_space<hbm>>, %arg4: memref<32x40x128xi32, #tpu.memory_space<hbm>>, %arg5: memref<10048x16xf32, #tpu.memory_space<hbm>>, %arg6: memref<128x16xf32, #tpu.memory_space<hbm>>, %arg7: memref<163840x16xf32, #tpu.memory_space<hbm>>, %arg8: memref<2x10048x16xf32, #tpu.memory_space<hbm>>, %arg9: memref<5120xi32, #tpu.memory_space<vmem>>, %arg10: memref<5120x16xf32, #tpu.memory_space<vmem>>, %arg11: memref<40x128xi32, #tpu.memory_space<vmem>>, %arg12: memref<128x16xf32, #tpu.memory_space<vmem>>, %arg13: memref<!tpu.dma_semaphore, #tpu.memory_space<semaphore_mem>>, %arg14: memref<!tpu.dma_semaphore, #tpu.memory_space<semaphore_mem>>, %arg15: memref<10048x16xf32, #tpu.memory_space<vmem_shared>>) attributes {dimension_semantics = [#tpu.dimension_semantics<core_parallel>, #tpu.dimension_semantics<subcore_parallel>], iteration_bounds = array<i64: 2, 16>, scalar_prefetch = 0 : i64, scratch_operands = 7 : i64, tpu.core_type = #tpu.core_type<sc_vector_subcore>, window_params = [{transform_indices = #map}, {transform_indices = #map}, {transform_indices = #map1}, {transform_indices = #map}, {transform_indices = #map}, {transform_indices = #map}, {transform_indices = #map1}]} {
    %mul3A = arith.constant 2 : i32
    %mul3A_0 = arith.muli %arg1, %mul3A : i32
    %add3A = arith.addi %mul3A_0, %arg0 : i32
    %eq3A = arith.constant 0 : i32
    %eq3A_1 = arith.cmpi eq, %arg1, %eq3A : i32
    %convert_element_type3A = arith.extui %eq3A_1 : i1 to i32
    %cond3A = arith.constant 0 : i32
    %cond3A_2 = arith.cmpi ne, %convert_element_type3A, %cond3A : i32
    scf.if %cond3A_2 {
      "tpu.region"() ({
        %run_scoped3A = tpu.sem_alloc : memref<!tpu.dma_semaphore, #tpu.memory_space<semaphore_mem>>
        tpu.enqueue_dma source(%arg5 : memref<10048x16xf32, #tpu.memory_space<hbm>>) target(%arg15 : memref<10048x16xf32, #tpu.memory_space<vmem_shared>>) target_semaphore(%run_scoped3A : memref<!tpu.dma_semaphore, #tpu.memory_space<semaphore_mem>>)
        tpu.wait_dma2 semaphore(%run_scoped3A : memref<!tpu.dma_semaphore, #tpu.memory_space<semaphore_mem>>) src(%arg5 : memref<10048x16xf32, #tpu.memory_space<hbm>>) dst(%arg15 : memref<10048x16xf32, #tpu.memory_space<vmem_shared>>)
        tpu.yield
      }) : () -> ()
    } else {
    }
    "tpu.region"() ({
      %run_scoped3A = tpu.sem_alloc : memref<!tpu.dma_semaphore, #tpu.memory_space<semaphore_mem>>
      %dma_start3A_20 = arith.constant 0 : i32
      %dma_start3A_21 = tpu.memref_slice %arg3[%add3A, %dma_start3A_20] : memref<32x5120xi32, #tpu.memory_space<hbm>> -> memref<1x5120xi32, #tpu.memory_space<hbm>>
      %dma_start3A_22 = tpu.memref_squeeze %dma_start3A_21 : memref<1x5120xi32, #tpu.memory_space<hbm>> -> memref<5120xi32, #tpu.memory_space<hbm>>
      %dma_start3A_23 = arith.constant 0 : i32
      %dma_start3A_24 = tpu.memref_slice %arg3[%add3A, %dma_start3A_23] : memref<32x5120xi32, #tpu.memory_space<hbm>> -> memref<1x5120xi32, #tpu.memory_space<hbm>>
      %dma_start3A_25 = tpu.memref_squeeze %dma_start3A_24 : memref<1x5120xi32, #tpu.memory_space<hbm>> -> memref<5120xi32, #tpu.memory_space<hbm>>
      tpu.enqueue_dma source(%dma_start3A_25 : memref<5120xi32, #tpu.memory_space<hbm>>) target(%arg9 : memref<5120xi32, #tpu.memory_space<vmem>>) target_semaphore(%run_scoped3A : memref<!tpu.dma_semaphore, #tpu.memory_space<semaphore_mem>>)
      %dma_wait3A_26 = arith.constant 0 : i32
      %dma_wait3A_27 = tpu.memref_slice %arg3[%add3A, %dma_wait3A_26] : memref<32x5120xi32, #tpu.memory_space<hbm>> -> memref<1x5120xi32, #tpu.memory_space<hbm>>
      %dma_wait3A_28 = tpu.memref_squeeze %dma_wait3A_27 : memref<1x5120xi32, #tpu.memory_space<hbm>> -> memref<5120xi32, #tpu.memory_space<hbm>>
      %dma_wait3A_29 = arith.constant 0 : i32
      %dma_wait3A_30 = tpu.memref_slice %arg3[%add3A, %dma_wait3A_29] : memref<32x5120xi32, #tpu.memory_space<hbm>> -> memref<1x5120xi32, #tpu.memory_space<hbm>>
      %dma_wait3A_31 = tpu.memref_squeeze %dma_wait3A_30 : memref<1x5120xi32, #tpu.memory_space<hbm>> -> memref<5120xi32, #tpu.memory_space<hbm>>
      tpu.wait_dma2 semaphore(%run_scoped3A : memref<!tpu.dma_semaphore, #tpu.memory_space<semaphore_mem>>) src(%dma_wait3A_31 : memref<5120xi32, #tpu.memory_space<hbm>>) dst(%arg9 : memref<5120xi32, #tpu.memory_space<vmem>>)
      tpu.yield
    }) : () -> ()
    %dma_start3A = arith.constant 0 : i32
    %dma_start3A_3 = arith.constant 0 : i32
    %dma_start3A_4 = tpu.memref_slice %arg2[%dma_start3A, %dma_start3A_3] : memref<10000x16xf32, #tpu.memory_space<hbm>> -> memref<10000x16xf32, #tpu.memory_space<hbm>>
    tpu.enqueue_indirect_dma source(%dma_start3A_4 : memref<10000x16xf32, #tpu.memory_space<hbm>>) target(%arg10 : memref<5120x16xf32, #tpu.memory_space<vmem>>) offsets(%arg9 : memref<5120xi32, #tpu.memory_space<vmem>>) semaphore(%arg13 : memref<!tpu.dma_semaphore, #tpu.memory_space<semaphore_mem>>)
    "tpu.region"() ({
      %run_scoped3A = tpu.sem_alloc : memref<!tpu.dma_semaphore, #tpu.memory_space<semaphore_mem>>
      %dma_start3A_20 = arith.constant 0 : i32
      %dma_start3A_21 = arith.constant 0 : i32
      %dma_start3A_22 = tpu.memref_slice %arg4[%add3A, %dma_start3A_20, %dma_start3A_21] : memref<32x40x128xi32, #tpu.memory_space<hbm>> -> memref<1x40x128xi32, #tpu.memory_space<hbm>>
      %dma_start3A_23 = tpu.memref_squeeze %dma_start3A_22 : memref<1x40x128xi32, #tpu.memory_space<hbm>> -> memref<40x128xi32, #tpu.memory_space<hbm>>
      %dma_start3A_24 = arith.constant 0 : i32
      %dma_start3A_25 = arith.constant 0 : i32
      %dma_start3A_26 = tpu.memref_slice %arg4[%add3A, %dma_start3A_24, %dma_start3A_25] : memref<32x40x128xi32, #tpu.memory_space<hbm>> -> memref<1x40x128xi32, #tpu.memory_space<hbm>>
      %dma_start3A_27 = tpu.memref_squeeze %dma_start3A_26 : memref<1x40x128xi32, #tpu.memory_space<hbm>> -> memref<40x128xi32, #tpu.memory_space<hbm>>
      tpu.enqueue_dma source(%dma_start3A_27 : memref<40x128xi32, #tpu.memory_space<hbm>>) target(%arg11 : memref<40x128xi32, #tpu.memory_space<vmem>>) target_semaphore(%run_scoped3A : memref<!tpu.dma_semaphore, #tpu.memory_space<semaphore_mem>>)
      %dma_wait3A_28 = arith.constant 0 : i32
      %dma_wait3A_29 = arith.constant 0 : i32
      %dma_wait3A_30 = tpu.memref_slice %arg4[%add3A, %dma_wait3A_28, %dma_wait3A_29] : memref<32x40x128xi32, #tpu.memory_space<hbm>> -> memref<1x40x128xi32, #tpu.memory_space<hbm>>
      %dma_wait3A_31 = tpu.memref_squeeze %dma_wait3A_30 : memref<1x40x128xi32, #tpu.memory_space<hbm>> -> memref<40x128xi32, #tpu.memory_space<hbm>>
      %dma_wait3A_32 = arith.constant 0 : i32
      %dma_wait3A_33 = arith.constant 0 : i32
      %dma_wait3A_34 = tpu.memref_slice %arg4[%add3A, %dma_wait3A_32, %dma_wait3A_33] : memref<32x40x128xi32, #tpu.memory_space<hbm>> -> memref<1x40x128xi32, #tpu.memory_space<hbm>>
      %dma_wait3A_35 = tpu.memref_squeeze %dma_wait3A_34 : memref<1x40x128xi32, #tpu.memory_space<hbm>> -> memref<40x128xi32, #tpu.memory_space<hbm>>
      tpu.wait_dma2 semaphore(%run_scoped3A : memref<!tpu.dma_semaphore, #tpu.memory_space<semaphore_mem>>) src(%dma_wait3A_35 : memref<40x128xi32, #tpu.memory_space<hbm>>) dst(%arg11 : memref<40x128xi32, #tpu.memory_space<vmem>>)
      tpu.yield
    }) : () -> ()
    "tpu.region"() ({
      %run_scoped3A = tpu.sem_alloc : memref<!tpu.dma_semaphore, #tpu.memory_space<semaphore_mem>>
      tpu.enqueue_dma source(%arg6 : memref<128x16xf32, #tpu.memory_space<hbm>>) target(%arg12 : memref<128x16xf32, #tpu.memory_space<vmem>>) target_semaphore(%run_scoped3A : memref<!tpu.dma_semaphore, #tpu.memory_space<semaphore_mem>>)
      tpu.wait_dma2 semaphore(%run_scoped3A : memref<!tpu.dma_semaphore, #tpu.memory_space<semaphore_mem>>) src(%arg6 : memref<128x16xf32, #tpu.memory_space<hbm>>) dst(%arg12 : memref<128x16xf32, #tpu.memory_space<vmem>>)
      tpu.yield
    }) : () -> ()
    %barrier3A = arith.constant 0 : index
    tpu.barrier barrier_id(%barrier3A)
    %scan3A = arith.constant 0 : i32
    %scan3A_5 = arith.constant 0 : i32
    %scan3A_6 = arith.constant 2 : i32
    %scan3A_7 = arith.addi %scan3A_5, %scan3A_6 : i32
    %scan3A_8 = arith.constant 1 : i32
    scf.for %scan3A_20 = %scan3A_5 to %scan3A_7 step %scan3A_8  : i32 {
      %mul3A_21 = arith.constant 20 : i32
      %mul3A_22 = arith.muli %scan3A_20, %mul3A_21 : i32
      %add3A_23 = arith.constant 0 : i32
      %add3A_24 = arith.addi %mul3A_22, %add3A_23 : i32
      %dma_start3A_25 = arith.constant 0 : i32
      %dma_start3A_26 = tpu.memref_slice %arg11[%add3A_24, %dma_start3A_25] : memref<40x128xi32, #tpu.memory_space<vmem>> -> memref<1x128xi32, #tpu.memory_space<vmem>>
      %dma_start3A_27 = tpu.memref_squeeze %dma_start3A_26 : memref<1x128xi32, #tpu.memory_space<vmem>> -> memref<128xi32, #tpu.memory_space<vmem>>
      %dma_start3A_28 = arith.constant 0 : i32
      %dma_start3A_29 = arith.constant 0 : i32
      %dma_start3A_30 = tpu.memref_slice %arg15[%dma_start3A_28, %dma_start3A_29] : memref<10048x16xf32, #tpu.memory_space<vmem_shared>> -> memref<10048x16xf32, #tpu.memory_space<vmem_shared>>
      tpu.enqueue_indirect_dma source(%arg12 : memref<128x16xf32, #tpu.memory_space<vmem>>) target(%dma_start3A_30 : memref<10048x16xf32, #tpu.memory_space<vmem_shared>>) offsets(%dma_start3A_27 : memref<128xi32, #tpu.memory_space<vmem>>) semaphore(%arg14 : memref<!tpu.dma_semaphore, #tpu.memory_space<semaphore_mem>>) {add = true}
      %mul3A_31 = arith.constant 20 : i32
      %mul3A_32 = arith.muli %scan3A_20, %mul3A_31 : i32
      %add3A_33 = arith.constant 1 : i32
      %add3A_34 = arith.addi %mul3A_32, %add3A_33 : i32
      %dma_start3A_35 = arith.constant 0 : i32
      %dma_start3A_36 = tpu.memref_slice %arg11[%add3A_34, %dma_start3A_35] : memref<40x128xi32, #tpu.memory_space<vmem>> -> memref<1x128xi32, #tpu.memory_space<vmem>>
      %dma_start3A_37 = tpu.memref_squeeze %dma_start3A_36 : memref<1x128xi32, #tpu.memory_space<vmem>> -> memref<128xi32, #tpu.memory_space<vmem>>
      %dma_start3A_38 = arith.constant 0 : i32
      %dma_start3A_39 = arith.constant 0 : i32
      %dma_start3A_40 = tpu.memref_slice %arg15[%dma_start3A_38, %dma_start3A_39] : memref<10048x16xf32, #tpu.memory_space<vmem_shared>> -> memref<10048x16xf32, #tpu.memory_space<vmem_shared>>
      tpu.enqueue_indirect_dma source(%arg12 : memref<128x16xf32, #tpu.memory_space<vmem>>) target(%dma_start3A_40 : memref<10048x16xf32, #tpu.memory_space<vmem_shared>>) offsets(%dma_start3A_37 : memref<128xi32, #tpu.memory_space<vmem>>) semaphore(%arg14 : memref<!tpu.dma_semaphore, #tpu.memory_space<semaphore_mem>>) {add = true}
      %mul3A_41 = arith.constant 20 : i32
      %mul3A_42 = arith.muli %scan3A_20, %mul3A_41 : i32
      %add3A_43 = arith.constant 2 : i32
      %add3A_44 = arith.addi %mul3A_42, %add3A_43 : i32
      %dma_start3A_45 = arith.constant 0 : i32
      %dma_start3A_46 = tpu.memref_slice %arg11[%add3A_44, %dma_start3A_45] : memref<40x128xi32, #tpu.memory_space<vmem>> -> memref<1x128xi32, #tpu.memory_space<vmem>>
      %dma_start3A_47 = tpu.memref_squeeze %dma_start3A_46 : memref<1x128xi32, #tpu.memory_space<vmem>> -> memref<128xi32, #tpu.memory_space<vmem>>
      %dma_start3A_48 = arith.constant 0 : i32
      %dma_start3A_49 = arith.constant 0 : i32
      %dma_start3A_50 = tpu.memref_slice %arg15[%dma_start3A_48, %dma_start3A_49] : memref<10048x16xf32, #tpu.memory_space<vmem_shared>> -> memref<10048x16xf32, #tpu.memory_space<vmem_shared>>
      tpu.enqueue_indirect_dma source(%arg12 : memref<128x16xf32, #tpu.memory_space<vmem>>) target(%dma_start3A_50 : memref<10048x16xf32, #tpu.memory_space<vmem_shared>>) offsets(%dma_start3A_47 : memref<128xi32, #tpu.memory_space<vmem>>) semaphore(%arg14 : memref<!tpu.dma_semaphore, #tpu.memory_space<semaphore_mem>>) {add = true}
      %mul3A_51 = arith.constant 20 : i32
      %mul3A_52 = arith.muli %scan3A_20, %mul3A_51 : i32
      %add3A_53 = arith.constant 3 : i32
      %add3A_54 = arith.addi %mul3A_52, %add3A_53 : i32
      %dma_start3A_55 = arith.constant 0 : i32
      %dma_start3A_56 = tpu.memref_slice %arg11[%add3A_54, %dma_start3A_55] : memref<40x128xi32, #tpu.memory_space<vmem>> -> memref<1x128xi32, #tpu.memory_space<vmem>>
      %dma_start3A_57 = tpu.memref_squeeze %dma_start3A_56 : memref<1x128xi32, #tpu.memory_space<vmem>> -> memref<128xi32, #tpu.memory_space<vmem>>
      %dma_start3A_58 = arith.constant 0 : i32
      %dma_start3A_59 = arith.constant 0 : i32
      %dma_start3A_60 = tpu.memref_slice %arg15[%dma_start3A_58, %dma_start3A_59] : memref<10048x16xf32, #tpu.memory_space<vmem_shared>> -> memref<10048x16xf32, #tpu.memory_space<vmem_shared>>
      tpu.enqueue_indirect_dma source(%arg12 : memref<128x16xf32, #tpu.memory_space<vmem>>) target(%dma_start3A_60 : memref<10048x16xf32, #tpu.memory_space<vmem_shared>>) offsets(%dma_start3A_57 : memref<128xi32, #tpu.memory_space<vmem>>) semaphore(%arg14 : memref<!tpu.dma_semaphore, #tpu.memory_space<semaphore_mem>>) {add = true}
      %mul3A_61 = arith.constant 20 : i32
      %mul3A_62 = arith.muli %scan3A_20, %mul3A_61 : i32
      %add3A_63 = arith.constant 4 : i32
      %add3A_64 = arith.addi %mul3A_62, %add3A_63 : i32
      %dma_start3A_65 = arith.constant 0 : i32
      %dma_start3A_66 = tpu.memref_slice %arg11[%add3A_64, %dma_start3A_65] : memref<40x128xi32, #tpu.memory_space<vmem>> -> memref<1x128xi32, #tpu.memory_space<vmem>>
      %dma_start3A_67 = tpu.memref_squeeze %dma_start3A_66 : memref<1x128xi32, #tpu.memory_space<vmem>> -> memref<128xi32, #tpu.memory_space<vmem>>
      %dma_start3A_68 = arith.constant 0 : i32
      %dma_start3A_69 = arith.constant 0 : i32
      %dma_start3A_70 = tpu.memref_slice %arg15[%dma_start3A_68, %dma_start3A_69] : memref<10048x16xf32, #tpu.memory_space<vmem_shared>> -> memref<10048x16xf32, #tpu.memory_space<vmem_shared>>
      tpu.enqueue_indirect_dma source(%arg12 : memref<128x16xf32, #tpu.memory_space<vmem>>) target(%dma_start3A_70 : memref<10048x16xf32, #tpu.memory_space<vmem_shared>>) offsets(%dma_start3A_67 : memref<128xi32, #tpu.memory_space<vmem>>) semaphore(%arg14 : memref<!tpu.dma_semaphore, #tpu.memory_space<semaphore_mem>>) {add = true}
      %mul3A_71 = arith.constant 20 : i32
      %mul3A_72 = arith.muli %scan3A_20, %mul3A_71 : i32
      %add3A_73 = arith.constant 5 : i32
      %add3A_74 = arith.addi %mul3A_72, %add3A_73 : i32
      %dma_start3A_75 = arith.constant 0 : i32
      %dma_start3A_76 = tpu.memref_slice %arg11[%add3A_74, %dma_start3A_75] : memref<40x128xi32, #tpu.memory_space<vmem>> -> memref<1x128xi32, #tpu.memory_space<vmem>>
      %dma_start3A_77 = tpu.memref_squeeze %dma_start3A_76 : memref<1x128xi32, #tpu.memory_space<vmem>> -> memref<128xi32, #tpu.memory_space<vmem>>
      %dma_start3A_78 = arith.constant 0 : i32
      %dma_start3A_79 = arith.constant 0 : i32
      %dma_start3A_80 = tpu.memref_slice %arg15[%dma_start3A_78, %dma_start3A_79] : memref<10048x16xf32, #tpu.memory_space<vmem_shared>> -> memref<10048x16xf32, #tpu.memory_space<vmem_shared>>
      tpu.enqueue_indirect_dma source(%arg12 : memref<128x16xf32, #tpu.memory_space<vmem>>) target(%dma_start3A_80 : memref<10048x16xf32, #tpu.memory_space<vmem_shared>>) offsets(%dma_start3A_77 : memref<128xi32, #tpu.memory_space<vmem>>) semaphore(%arg14 : memref<!tpu.dma_semaphore, #tpu.memory_space<semaphore_mem>>) {add = true}
      %mul3A_81 = arith.constant 20 : i32
      %mul3A_82 = arith.muli %scan3A_20, %mul3A_81 : i32
      %add3A_83 = arith.constant 6 : i32
      %add3A_84 = arith.addi %mul3A_82, %add3A_83 : i32
      %dma_start3A_85 = arith.constant 0 : i32
      %dma_start3A_86 = tpu.memref_slice %arg11[%add3A_84, %dma_start3A_85] : memref<40x128xi32, #tpu.memory_space<vmem>> -> memref<1x128xi32, #tpu.memory_space<vmem>>
      %dma_start3A_87 = tpu.memref_squeeze %dma_start3A_86 : memref<1x128xi32, #tpu.memory_space<vmem>> -> memref<128xi32, #tpu.memory_space<vmem>>
      %dma_start3A_88 = arith.constant 0 : i32
      %dma_start3A_89 = arith.constant 0 : i32
      %dma_start3A_90 = tpu.memref_slice %arg15[%dma_start3A_88, %dma_start3A_89] : memref<10048x16xf32, #tpu.memory_space<vmem_shared>> -> memref<10048x16xf32, #tpu.memory_space<vmem_shared>>
      tpu.enqueue_indirect_dma source(%arg12 : memref<128x16xf32, #tpu.memory_space<vmem>>) target(%dma_start3A_90 : memref<10048x16xf32, #tpu.memory_space<vmem_shared>>) offsets(%dma_start3A_87 : memref<128xi32, #tpu.memory_space<vmem>>) semaphore(%arg14 : memref<!tpu.dma_semaphore, #tpu.memory_space<semaphore_mem>>) {add = true}
      %mul3A_91 = arith.constant 20 : i32
      %mul3A_92 = arith.muli %scan3A_20, %mul3A_91 : i32
      %add3A_93 = arith.constant 7 : i32
      %add3A_94 = arith.addi %mul3A_92, %add3A_93 : i32
      %dma_start3A_95 = arith.constant 0 : i32
      %dma_start3A_96 = tpu.memref_slice %arg11[%add3A_94, %dma_start3A_95] : memref<40x128xi32, #tpu.memory_space<vmem>> -> memref<1x128xi32, #tpu.memory_space<vmem>>
      %dma_start3A_97 = tpu.memref_squeeze %dma_start3A_96 : memref<1x128xi32, #tpu.memory_space<vmem>> -> memref<128xi32, #tpu.memory_space<vmem>>
      %dma_start3A_98 = arith.constant 0 : i32
      %dma_start3A_99 = arith.constant 0 : i32
      %dma_start3A_100 = tpu.memref_slice %arg15[%dma_start3A_98, %dma_start3A_99] : memref<10048x16xf32, #tpu.memory_space<vmem_shared>> -> memref<10048x16xf32, #tpu.memory_space<vmem_shared>>
      tpu.enqueue_indirect_dma source(%arg12 : memref<128x16xf32, #tpu.memory_space<vmem>>) target(%dma_start3A_100 : memref<10048x16xf32, #tpu.memory_space<vmem_shared>>) offsets(%dma_start3A_97 : memref<128xi32, #tpu.memory_space<vmem>>) semaphore(%arg14 : memref<!tpu.dma_semaphore, #tpu.memory_space<semaphore_mem>>) {add = true}
      %mul3A_101 = arith.constant 20 : i32
      %mul3A_102 = arith.muli %scan3A_20, %mul3A_101 : i32
      %add3A_103 = arith.constant 8 : i32
      %add3A_104 = arith.addi %mul3A_102, %add3A_103 : i32
      %dma_start3A_105 = arith.constant 0 : i32
      %dma_start3A_106 = tpu.memref_slice %arg11[%add3A_104, %dma_start3A_105] : memref<40x128xi32, #tpu.memory_space<vmem>> -> memref<1x128xi32, #tpu.memory_space<vmem>>
      %dma_start3A_107 = tpu.memref_squeeze %dma_start3A_106 : memref<1x128xi32, #tpu.memory_space<vmem>> -> memref<128xi32, #tpu.memory_space<vmem>>
      %dma_start3A_108 = arith.constant 0 : i32
      %dma_start3A_109 = arith.constant 0 : i32
      %dma_start3A_110 = tpu.memref_slice %arg15[%dma_start3A_108, %dma_start3A_109] : memref<10048x16xf32, #tpu.memory_space<vmem_shared>> -> memref<10048x16xf32, #tpu.memory_space<vmem_shared>>
      tpu.enqueue_indirect_dma source(%arg12 : memref<128x16xf32, #tpu.memory_space<vmem>>) target(%dma_start3A_110 : memref<10048x16xf32, #tpu.memory_space<vmem_shared>>) offsets(%dma_start3A_107 : memref<128xi32, #tpu.memory_space<vmem>>) semaphore(%arg14 : memref<!tpu.dma_semaphore, #tpu.memory_space<semaphore_mem>>) {add = true}
      %mul3A_111 = arith.constant 20 : i32
      %mul3A_112 = arith.muli %scan3A_20, %mul3A_111 : i32
      %add3A_113 = arith.constant 9 : i32
      %add3A_114 = arith.addi %mul3A_112, %add3A_113 : i32
      %dma_start3A_115 = arith.constant 0 : i32
      %dma_start3A_116 = tpu.memref_slice %arg11[%add3A_114, %dma_start3A_115] : memref<40x128xi32, #tpu.memory_space<vmem>> -> memref<1x128xi32, #tpu.memory_space<vmem>>
      %dma_start3A_117 = tpu.memref_squeeze %dma_start3A_116 : memref<1x128xi32, #tpu.memory_space<vmem>> -> memref<128xi32, #tpu.memory_space<vmem>>
      %dma_start3A_118 = arith.constant 0 : i32
      %dma_start3A_119 = arith.constant 0 : i32
      %dma_start3A_120 = tpu.memref_slice %arg15[%dma_start3A_118, %dma_start3A_119] : memref<10048x16xf32, #tpu.memory_space<vmem_shared>> -> memref<10048x16xf32, #tpu.memory_space<vmem_shared>>
      tpu.enqueue_indirect_dma source(%arg12 : memref<128x16xf32, #tpu.memory_space<vmem>>) target(%dma_start3A_120 : memref<10048x16xf32, #tpu.memory_space<vmem_shared>>) offsets(%dma_start3A_117 : memref<128xi32, #tpu.memory_space<vmem>>) semaphore(%arg14 : memref<!tpu.dma_semaphore, #tpu.memory_space<semaphore_mem>>) {add = true}
      %mul3A_121 = arith.constant 20 : i32
      %mul3A_122 = arith.muli %scan3A_20, %mul3A_121 : i32
      %add3A_123 = arith.constant 10 : i32
      %add3A_124 = arith.addi %mul3A_122, %add3A_123 : i32
      %dma_start3A_125 = arith.constant 0 : i32
      %dma_start3A_126 = tpu.memref_slice %arg11[%add3A_124, %dma_start3A_125] : memref<40x128xi32, #tpu.memory_space<vmem>> -> memref<1x128xi32, #tpu.memory_space<vmem>>
      %dma_start3A_127 = tpu.memref_squeeze %dma_start3A_126 : memref<1x128xi32, #tpu.memory_space<vmem>> -> memref<128xi32, #tpu.memory_space<vmem>>
      %dma_start3A_128 = arith.constant 0 : i32
      %dma_start3A_129 = arith.constant 0 : i32
      %dma_start3A_130 = tpu.memref_slice %arg15[%dma_start3A_128, %dma_start3A_129] : memref<10048x16xf32, #tpu.memory_space<vmem_shared>> -> memref<10048x16xf32, #tpu.memory_space<vmem_shared>>
      tpu.enqueue_indirect_dma source(%arg12 : memref<128x16xf32, #tpu.memory_space<vmem>>) target(%dma_start3A_130 : memref<10048x16xf32, #tpu.memory_space<vmem_shared>>) offsets(%dma_start3A_127 : memref<128xi32, #tpu.memory_space<vmem>>) semaphore(%arg14 : memref<!tpu.dma_semaphore, #tpu.memory_space<semaphore_mem>>) {add = true}
      %mul3A_131 = arith.constant 20 : i32
      %mul3A_132 = arith.muli %scan3A_20, %mul3A_131 : i32
      %add3A_133 = arith.constant 11 : i32
      %add3A_134 = arith.addi %mul3A_132, %add3A_133 : i32
      %dma_start3A_135 = arith.constant 0 : i32
      %dma_start3A_136 = tpu.memref_slice %arg11[%add3A_134, %dma_start3A_135] : memref<40x128xi32, #tpu.memory_space<vmem>> -> memref<1x128xi32, #tpu.memory_space<vmem>>
      %dma_start3A_137 = tpu.memref_squeeze %dma_start3A_136 : memref<1x128xi32, #tpu.memory_space<vmem>> -> memref<128xi32, #tpu.memory_space<vmem>>
      %dma_start3A_138 = arith.constant 0 : i32
      %dma_start3A_139 = arith.constant 0 : i32
      %dma_start3A_140 = tpu.memref_slice %arg15[%dma_start3A_138, %dma_start3A_139] : memref<10048x16xf32, #tpu.memory_space<vmem_shared>> -> memref<10048x16xf32, #tpu.memory_space<vmem_shared>>
      tpu.enqueue_indirect_dma source(%arg12 : memref<128x16xf32, #tpu.memory_space<vmem>>) target(%dma_start3A_140 : memref<10048x16xf32, #tpu.memory_space<vmem_shared>>) offsets(%dma_start3A_137 : memref<128xi32, #tpu.memory_space<vmem>>) semaphore(%arg14 : memref<!tpu.dma_semaphore, #tpu.memory_space<semaphore_mem>>) {add = true}
      %mul3A_141 = arith.constant 20 : i32
      %mul3A_142 = arith.muli %scan3A_20, %mul3A_141 : i32
      %add3A_143 = arith.constant 12 : i32
      %add3A_144 = arith.addi %mul3A_142, %add3A_143 : i32
      %dma_start3A_145 = arith.constant 0 : i32
      %dma_start3A_146 = tpu.memref_slice %arg11[%add3A_144, %dma_start3A_145] : memref<40x128xi32, #tpu.memory_space<vmem>> -> memref<1x128xi32, #tpu.memory_space<vmem>>
      %dma_start3A_147 = tpu.memref_squeeze %dma_start3A_146 : memref<1x128xi32, #tpu.memory_space<vmem>> -> memref<128xi32, #tpu.memory_space<vmem>>
      %dma_start3A_148 = arith.constant 0 : i32
      %dma_start3A_149 = arith.constant 0 : i32
      %dma_start3A_150 = tpu.memref_slice %arg15[%dma_start3A_148, %dma_start3A_149] : memref<10048x16xf32, #tpu.memory_space<vmem_shared>> -> memref<10048x16xf32, #tpu.memory_space<vmem_shared>>
      tpu.enqueue_indirect_dma source(%arg12 : memref<128x16xf32, #tpu.memory_space<vmem>>) target(%dma_start3A_150 : memref<10048x16xf32, #tpu.memory_space<vmem_shared>>) offsets(%dma_start3A_147 : memref<128xi32, #tpu.memory_space<vmem>>) semaphore(%arg14 : memref<!tpu.dma_semaphore, #tpu.memory_space<semaphore_mem>>) {add = true}
      %mul3A_151 = arith.constant 20 : i32
      %mul3A_152 = arith.muli %scan3A_20, %mul3A_151 : i32
      %add3A_153 = arith.constant 13 : i32
      %add3A_154 = arith.addi %mul3A_152, %add3A_153 : i32
      %dma_start3A_155 = arith.constant 0 : i32
      %dma_start3A_156 = tpu.memref_slice %arg11[%add3A_154, %dma_start3A_155] : memref<40x128xi32, #tpu.memory_space<vmem>> -> memref<1x128xi32, #tpu.memory_space<vmem>>
      %dma_start3A_157 = tpu.memref_squeeze %dma_start3A_156 : memref<1x128xi32, #tpu.memory_space<vmem>> -> memref<128xi32, #tpu.memory_space<vmem>>
      %dma_start3A_158 = arith.constant 0 : i32
      %dma_start3A_159 = arith.constant 0 : i32
      %dma_start3A_160 = tpu.memref_slice %arg15[%dma_start3A_158, %dma_start3A_159] : memref<10048x16xf32, #tpu.memory_space<vmem_shared>> -> memref<10048x16xf32, #tpu.memory_space<vmem_shared>>
      tpu.enqueue_indirect_dma source(%arg12 : memref<128x16xf32, #tpu.memory_space<vmem>>) target(%dma_start3A_160 : memref<10048x16xf32, #tpu.memory_space<vmem_shared>>) offsets(%dma_start3A_157 : memref<128xi32, #tpu.memory_space<vmem>>) semaphore(%arg14 : memref<!tpu.dma_semaphore, #tpu.memory_space<semaphore_mem>>) {add = true}
      %mul3A_161 = arith.constant 20 : i32
      %mul3A_162 = arith.muli %scan3A_20, %mul3A_161 : i32
      %add3A_163 = arith.constant 14 : i32
      %add3A_164 = arith.addi %mul3A_162, %add3A_163 : i32
      %dma_start3A_165 = arith.constant 0 : i32
      %dma_start3A_166 = tpu.memref_slice %arg11[%add3A_164, %dma_start3A_165] : memref<40x128xi32, #tpu.memory_space<vmem>> -> memref<1x128xi32, #tpu.memory_space<vmem>>
      %dma_start3A_167 = tpu.memref_squeeze %dma_start3A_166 : memref<1x128xi32, #tpu.memory_space<vmem>> -> memref<128xi32, #tpu.memory_space<vmem>>
      %dma_start3A_168 = arith.constant 0 : i32
      %dma_start3A_169 = arith.constant 0 : i32
      %dma_start3A_170 = tpu.memref_slice %arg15[%dma_start3A_168, %dma_start3A_169] : memref<10048x16xf32, #tpu.memory_space<vmem_shared>> -> memref<10048x16xf32, #tpu.memory_space<vmem_shared>>
      tpu.enqueue_indirect_dma source(%arg12 : memref<128x16xf32, #tpu.memory_space<vmem>>) target(%dma_start3A_170 : memref<10048x16xf32, #tpu.memory_space<vmem_shared>>) offsets(%dma_start3A_167 : memref<128xi32, #tpu.memory_space<vmem>>) semaphore(%arg14 : memref<!tpu.dma_semaphore, #tpu.memory_space<semaphore_mem>>) {add = true}
      %mul3A_171 = arith.constant 20 : i32
      %mul3A_172 = arith.muli %scan3A_20, %mul3A_171 : i32
      %add3A_173 = arith.constant 15 : i32
      %add3A_174 = arith.addi %mul3A_172, %add3A_173 : i32
      %dma_start3A_175 = arith.constant 0 : i32
      %dma_start3A_176 = tpu.memref_slice %arg11[%add3A_174, %dma_start3A_175] : memref<40x128xi32, #tpu.memory_space<vmem>> -> memref<1x128xi32, #tpu.memory_space<vmem>>
      %dma_start3A_177 = tpu.memref_squeeze %dma_start3A_176 : memref<1x128xi32, #tpu.memory_space<vmem>> -> memref<128xi32, #tpu.memory_space<vmem>>
      %dma_start3A_178 = arith.constant 0 : i32
      %dma_start3A_179 = arith.constant 0 : i32
      %dma_start3A_180 = tpu.memref_slice %arg15[%dma_start3A_178, %dma_start3A_179] : memref<10048x16xf32, #tpu.memory_space<vmem_shared>> -> memref<10048x16xf32, #tpu.memory_space<vmem_shared>>
      tpu.enqueue_indirect_dma source(%arg12 : memref<128x16xf32, #tpu.memory_space<vmem>>) target(%dma_start3A_180 : memref<10048x16xf32, #tpu.memory_space<vmem_shared>>) offsets(%dma_start3A_177 : memref<128xi32, #tpu.memory_space<vmem>>) semaphore(%arg14 : memref<!tpu.dma_semaphore, #tpu.memory_space<semaphore_mem>>) {add = true}
      %mul3A_181 = arith.constant 20 : i32
      %mul3A_182 = arith.muli %scan3A_20, %mul3A_181 : i32
      %add3A_183 = arith.constant 16 : i32
      %add3A_184 = arith.addi %mul3A_182, %add3A_183 : i32
      %dma_start3A_185 = arith.constant 0 : i32
      %dma_start3A_186 = tpu.memref_slice %arg11[%add3A_184, %dma_start3A_185] : memref<40x128xi32, #tpu.memory_space<vmem>> -> memref<1x128xi32, #tpu.memory_space<vmem>>
      %dma_start3A_187 = tpu.memref_squeeze %dma_start3A_186 : memref<1x128xi32, #tpu.memory_space<vmem>> -> memref<128xi32, #tpu.memory_space<vmem>>
      %dma_start3A_188 = arith.constant 0 : i32
      %dma_start3A_189 = arith.constant 0 : i32
      %dma_start3A_190 = tpu.memref_slice %arg15[%dma_start3A_188, %dma_start3A_189] : memref<10048x16xf32, #tpu.memory_space<vmem_shared>> -> memref<10048x16xf32, #tpu.memory_space<vmem_shared>>
      tpu.enqueue_indirect_dma source(%arg12 : memref<128x16xf32, #tpu.memory_space<vmem>>) target(%dma_start3A_190 : memref<10048x16xf32, #tpu.memory_space<vmem_shared>>) offsets(%dma_start3A_187 : memref<128xi32, #tpu.memory_space<vmem>>) semaphore(%arg14 : memref<!tpu.dma_semaphore, #tpu.memory_space<semaphore_mem>>) {add = true}
      %mul3A_191 = arith.constant 20 : i32
      %mul3A_192 = arith.muli %scan3A_20, %mul3A_191 : i32
      %add3A_193 = arith.constant 17 : i32
      %add3A_194 = arith.addi %mul3A_192, %add3A_193 : i32
      %dma_start3A_195 = arith.constant 0 : i32
      %dma_start3A_196 = tpu.memref_slice %arg11[%add3A_194, %dma_start3A_195] : memref<40x128xi32, #tpu.memory_space<vmem>> -> memref<1x128xi32, #tpu.memory_space<vmem>>
      %dma_start3A_197 = tpu.memref_squeeze %dma_start3A_196 : memref<1x128xi32, #tpu.memory_space<vmem>> -> memref<128xi32, #tpu.memory_space<vmem>>
      %dma_start3A_198 = arith.constant 0 : i32
      %dma_start3A_199 = arith.constant 0 : i32
      %dma_start3A_200 = tpu.memref_slice %arg15[%dma_start3A_198, %dma_start3A_199] : memref<10048x16xf32, #tpu.memory_space<vmem_shared>> -> memref<10048x16xf32, #tpu.memory_space<vmem_shared>>
      tpu.enqueue_indirect_dma source(%arg12 : memref<128x16xf32, #tpu.memory_space<vmem>>) target(%dma_start3A_200 : memref<10048x16xf32, #tpu.memory_space<vmem_shared>>) offsets(%dma_start3A_197 : memref<128xi32, #tpu.memory_space<vmem>>) semaphore(%arg14 : memref<!tpu.dma_semaphore, #tpu.memory_space<semaphore_mem>>) {add = true}
      %mul3A_201 = arith.constant 20 : i32
      %mul3A_202 = arith.muli %scan3A_20, %mul3A_201 : i32
      %add3A_203 = arith.constant 18 : i32
      %add3A_204 = arith.addi %mul3A_202, %add3A_203 : i32
      %dma_start3A_205 = arith.constant 0 : i32
      %dma_start3A_206 = tpu.memref_slice %arg11[%add3A_204, %dma_start3A_205] : memref<40x128xi32, #tpu.memory_space<vmem>> -> memref<1x128xi32, #tpu.memory_space<vmem>>
      %dma_start3A_207 = tpu.memref_squeeze %dma_start3A_206 : memref<1x128xi32, #tpu.memory_space<vmem>> -> memref<128xi32, #tpu.memory_space<vmem>>
      %dma_start3A_208 = arith.constant 0 : i32
      %dma_start3A_209 = arith.constant 0 : i32
      %dma_start3A_210 = tpu.memref_slice %arg15[%dma_start3A_208, %dma_start3A_209] : memref<10048x16xf32, #tpu.memory_space<vmem_shared>> -> memref<10048x16xf32, #tpu.memory_space<vmem_shared>>
      tpu.enqueue_indirect_dma source(%arg12 : memref<128x16xf32, #tpu.memory_space<vmem>>) target(%dma_start3A_210 : memref<10048x16xf32, #tpu.memory_space<vmem_shared>>) offsets(%dma_start3A_207 : memref<128xi32, #tpu.memory_space<vmem>>) semaphore(%arg14 : memref<!tpu.dma_semaphore, #tpu.memory_space<semaphore_mem>>) {add = true}
      %mul3A_211 = arith.constant 20 : i32
      %mul3A_212 = arith.muli %scan3A_20, %mul3A_211 : i32
      %add3A_213 = arith.constant 19 : i32
      %add3A_214 = arith.addi %mul3A_212, %add3A_213 : i32
      %dma_start3A_215 = arith.constant 0 : i32
      %dma_start3A_216 = tpu.memref_slice %arg11[%add3A_214, %dma_start3A_215] : memref<40x128xi32, #tpu.memory_space<vmem>> -> memref<1x128xi32, #tpu.memory_space<vmem>>
      %dma_start3A_217 = tpu.memref_squeeze %dma_start3A_216 : memref<1x128xi32, #tpu.memory_space<vmem>> -> memref<128xi32, #tpu.memory_space<vmem>>
      %dma_start3A_218 = arith.constant 0 : i32
      %dma_start3A_219 = arith.constant 0 : i32
      %dma_start3A_220 = tpu.memref_slice %arg15[%dma_start3A_218, %dma_start3A_219] : memref<10048x16xf32, #tpu.memory_space<vmem_shared>> -> memref<10048x16xf32, #tpu.memory_space<vmem_shared>>
      tpu.enqueue_indirect_dma source(%arg12 : memref<128x16xf32, #tpu.memory_space<vmem>>) target(%dma_start3A_220 : memref<10048x16xf32, #tpu.memory_space<vmem_shared>>) offsets(%dma_start3A_217 : memref<128xi32, #tpu.memory_space<vmem>>) semaphore(%arg14 : memref<!tpu.dma_semaphore, #tpu.memory_space<semaphore_mem>>) {add = true}
      %dma_wait3A_221 = arith.constant 0 : i32
      %dma_wait3A_222 = tpu.memref_slice %arg11[%add3A_24, %dma_wait3A_221] : memref<40x128xi32, #tpu.memory_space<vmem>> -> memref<1x128xi32, #tpu.memory_space<vmem>>
      %dma_wait3A_223 = tpu.memref_squeeze %dma_wait3A_222 : memref<1x128xi32, #tpu.memory_space<vmem>> -> memref<128xi32, #tpu.memory_space<vmem>>
      %dma_wait3A_224 = arith.constant 0 : i32
      %dma_wait3A_225 = arith.constant 0 : i32
      %dma_wait3A_226 = tpu.memref_slice %arg15[%dma_wait3A_224, %dma_wait3A_225] : memref<10048x16xf32, #tpu.memory_space<vmem_shared>> -> memref<10048x16xf32, #tpu.memory_space<vmem_shared>>
      tpu.wait_indirect_dma semaphore(%arg14 : memref<!tpu.dma_semaphore, #tpu.memory_space<semaphore_mem>>) src(%arg12 : memref<128x16xf32, #tpu.memory_space<vmem>>) dst(%dma_wait3A_226 : memref<10048x16xf32, #tpu.memory_space<vmem_shared>>)
      %dma_wait3A_227 = arith.constant 0 : i32
      %dma_wait3A_228 = tpu.memref_slice %arg11[%add3A_34, %dma_wait3A_227] : memref<40x128xi32, #tpu.memory_space<vmem>> -> memref<1x128xi32, #tpu.memory_space<vmem>>
      %dma_wait3A_229 = tpu.memref_squeeze %dma_wait3A_228 : memref<1x128xi32, #tpu.memory_space<vmem>> -> memref<128xi32, #tpu.memory_space<vmem>>
      %dma_wait3A_230 = arith.constant 0 : i32
      %dma_wait3A_231 = arith.constant 0 : i32
      %dma_wait3A_232 = tpu.memref_slice %arg15[%dma_wait3A_230, %dma_wait3A_231] : memref<10048x16xf32, #tpu.memory_space<vmem_shared>> -> memref<10048x16xf32, #tpu.memory_space<vmem_shared>>
      tpu.wait_indirect_dma semaphore(%arg14 : memref<!tpu.dma_semaphore, #tpu.memory_space<semaphore_mem>>) src(%arg12 : memref<128x16xf32, #tpu.memory_space<vmem>>) dst(%dma_wait3A_232 : memref<10048x16xf32, #tpu.memory_space<vmem_shared>>)
      %dma_wait3A_233 = arith.constant 0 : i32
      %dma_wait3A_234 = tpu.memref_slice %arg11[%add3A_44, %dma_wait3A_233] : memref<40x128xi32, #tpu.memory_space<vmem>> -> memref<1x128xi32, #tpu.memory_space<vmem>>
      %dma_wait3A_235 = tpu.memref_squeeze %dma_wait3A_234 : memref<1x128xi32, #tpu.memory_space<vmem>> -> memref<128xi32, #tpu.memory_space<vmem>>
      %dma_wait3A_236 = arith.constant 0 : i32
      %dma_wait3A_237 = arith.constant 0 : i32
      %dma_wait3A_238 = tpu.memref_slice %arg15[%dma_wait3A_236, %dma_wait3A_237] : memref<10048x16xf32, #tpu.memory_space<vmem_shared>> -> memref<10048x16xf32, #tpu.memory_space<vmem_shared>>
      tpu.wait_indirect_dma semaphore(%arg14 : memref<!tpu.dma_semaphore, #tpu.memory_space<semaphore_mem>>) src(%arg12 : memref<128x16xf32, #tpu.memory_space<vmem>>) dst(%dma_wait3A_238 : memref<10048x16xf32, #tpu.memory_space<vmem_shared>>)
      %dma_wait3A_239 = arith.constant 0 : i32
      %dma_wait3A_240 = tpu.memref_slice %arg11[%add3A_54, %dma_wait3A_239] : memref<40x128xi32, #tpu.memory_space<vmem>> -> memref<1x128xi32, #tpu.memory_space<vmem>>
      %dma_wait3A_241 = tpu.memref_squeeze %dma_wait3A_240 : memref<1x128xi32, #tpu.memory_space<vmem>> -> memref<128xi32, #tpu.memory_space<vmem>>
      %dma_wait3A_242 = arith.constant 0 : i32
      %dma_wait3A_243 = arith.constant 0 : i32
      %dma_wait3A_244 = tpu.memref_slice %arg15[%dma_wait3A_242, %dma_wait3A_243] : memref<10048x16xf32, #tpu.memory_space<vmem_shared>> -> memref<10048x16xf32, #tpu.memory_space<vmem_shared>>
      tpu.wait_indirect_dma semaphore(%arg14 : memref<!tpu.dma_semaphore, #tpu.memory_space<semaphore_mem>>) src(%arg12 : memref<128x16xf32, #tpu.memory_space<vmem>>) dst(%dma_wait3A_244 : memref<10048x16xf32, #tpu.memory_space<vmem_shared>>)
      %dma_wait3A_245 = arith.constant 0 : i32
      %dma_wait3A_246 = tpu.memref_slice %arg11[%add3A_64, %dma_wait3A_245] : memref<40x128xi32, #tpu.memory_space<vmem>> -> memref<1x128xi32, #tpu.memory_space<vmem>>
      %dma_wait3A_247 = tpu.memref_squeeze %dma_wait3A_246 : memref<1x128xi32, #tpu.memory_space<vmem>> -> memref<128xi32, #tpu.memory_space<vmem>>
      %dma_wait3A_248 = arith.constant 0 : i32
      %dma_wait3A_249 = arith.constant 0 : i32
      %dma_wait3A_250 = tpu.memref_slice %arg15[%dma_wait3A_248, %dma_wait3A_249] : memref<10048x16xf32, #tpu.memory_space<vmem_shared>> -> memref<10048x16xf32, #tpu.memory_space<vmem_shared>>
      tpu.wait_indirect_dma semaphore(%arg14 : memref<!tpu.dma_semaphore, #tpu.memory_space<semaphore_mem>>) src(%arg12 : memref<128x16xf32, #tpu.memory_space<vmem>>) dst(%dma_wait3A_250 : memref<10048x16xf32, #tpu.memory_space<vmem_shared>>)
      %dma_wait3A_251 = arith.constant 0 : i32
      %dma_wait3A_252 = tpu.memref_slice %arg11[%add3A_74, %dma_wait3A_251] : memref<40x128xi32, #tpu.memory_space<vmem>> -> memref<1x128xi32, #tpu.memory_space<vmem>>
      %dma_wait3A_253 = tpu.memref_squeeze %dma_wait3A_252 : memref<1x128xi32, #tpu.memory_space<vmem>> -> memref<128xi32, #tpu.memory_space<vmem>>
      %dma_wait3A_254 = arith.constant 0 : i32
      %dma_wait3A_255 = arith.constant 0 : i32
      %dma_wait3A_256 = tpu.memref_slice %arg15[%dma_wait3A_254, %dma_wait3A_255] : memref<10048x16xf32, #tpu.memory_space<vmem_shared>> -> memref<10048x16xf32, #tpu.memory_space<vmem_shared>>
      tpu.wait_indirect_dma semaphore(%arg14 : memref<!tpu.dma_semaphore, #tpu.memory_space<semaphore_mem>>) src(%arg12 : memref<128x16xf32, #tpu.memory_space<vmem>>) dst(%dma_wait3A_256 : memref<10048x16xf32, #tpu.memory_space<vmem_shared>>)
      %dma_wait3A_257 = arith.constant 0 : i32
      %dma_wait3A_258 = tpu.memref_slice %arg11[%add3A_84, %dma_wait3A_257] : memref<40x128xi32, #tpu.memory_space<vmem>> -> memref<1x128xi32, #tpu.memory_space<vmem>>
      %dma_wait3A_259 = tpu.memref_squeeze %dma_wait3A_258 : memref<1x128xi32, #tpu.memory_space<vmem>> -> memref<128xi32, #tpu.memory_space<vmem>>
      %dma_wait3A_260 = arith.constant 0 : i32
      %dma_wait3A_261 = arith.constant 0 : i32
      %dma_wait3A_262 = tpu.memref_slice %arg15[%dma_wait3A_260, %dma_wait3A_261] : memref<10048x16xf32, #tpu.memory_space<vmem_shared>> -> memref<10048x16xf32, #tpu.memory_space<vmem_shared>>
      tpu.wait_indirect_dma semaphore(%arg14 : memref<!tpu.dma_semaphore, #tpu.memory_space<semaphore_mem>>) src(%arg12 : memref<128x16xf32, #tpu.memory_space<vmem>>) dst(%dma_wait3A_262 : memref<10048x16xf32, #tpu.memory_space<vmem_shared>>)
      %dma_wait3A_263 = arith.constant 0 : i32
      %dma_wait3A_264 = tpu.memref_slice %arg11[%add3A_94, %dma_wait3A_263] : memref<40x128xi32, #tpu.memory_space<vmem>> -> memref<1x128xi32, #tpu.memory_space<vmem>>
      %dma_wait3A_265 = tpu.memref_squeeze %dma_wait3A_264 : memref<1x128xi32, #tpu.memory_space<vmem>> -> memref<128xi32, #tpu.memory_space<vmem>>
      %dma_wait3A_266 = arith.constant 0 : i32
      %dma_wait3A_267 = arith.constant 0 : i32
      %dma_wait3A_268 = tpu.memref_slice %arg15[%dma_wait3A_266, %dma_wait3A_267] : memref<10048x16xf32, #tpu.memory_space<vmem_shared>> -> memref<10048x16xf32, #tpu.memory_space<vmem_shared>>
      tpu.wait_indirect_dma semaphore(%arg14 : memref<!tpu.dma_semaphore, #tpu.memory_space<semaphore_mem>>) src(%arg12 : memref<128x16xf32, #tpu.memory_space<vmem>>) dst(%dma_wait3A_268 : memref<10048x16xf32, #tpu.memory_space<vmem_shared>>)
      %dma_wait3A_269 = arith.constant 0 : i32
      %dma_wait3A_270 = tpu.memref_slice %arg11[%add3A_104, %dma_wait3A_269] : memref<40x128xi32, #tpu.memory_space<vmem>> -> memref<1x128xi32, #tpu.memory_space<vmem>>
      %dma_wait3A_271 = tpu.memref_squeeze %dma_wait3A_270 : memref<1x128xi32, #tpu.memory_space<vmem>> -> memref<128xi32, #tpu.memory_space<vmem>>
      %dma_wait3A_272 = arith.constant 0 : i32
      %dma_wait3A_273 = arith.constant 0 : i32
      %dma_wait3A_274 = tpu.memref_slice %arg15[%dma_wait3A_272, %dma_wait3A_273] : memref<10048x16xf32, #tpu.memory_space<vmem_shared>> -> memref<10048x16xf32, #tpu.memory_space<vmem_shared>>
      tpu.wait_indirect_dma semaphore(%arg14 : memref<!tpu.dma_semaphore, #tpu.memory_space<semaphore_mem>>) src(%arg12 : memref<128x16xf32, #tpu.memory_space<vmem>>) dst(%dma_wait3A_274 : memref<10048x16xf32, #tpu.memory_space<vmem_shared>>)
      %dma_wait3A_275 = arith.constant 0 : i32
      %dma_wait3A_276 = tpu.memref_slice %arg11[%add3A_114, %dma_wait3A_275] : memref<40x128xi32, #tpu.memory_space<vmem>> -> memref<1x128xi32, #tpu.memory_space<vmem>>
      %dma_wait3A_277 = tpu.memref_squeeze %dma_wait3A_276 : memref<1x128xi32, #tpu.memory_space<vmem>> -> memref<128xi32, #tpu.memory_space<vmem>>
      %dma_wait3A_278 = arith.constant 0 : i32
      %dma_wait3A_279 = arith.constant 0 : i32
      %dma_wait3A_280 = tpu.memref_slice %arg15[%dma_wait3A_278, %dma_wait3A_279] : memref<10048x16xf32, #tpu.memory_space<vmem_shared>> -> memref<10048x16xf32, #tpu.memory_space<vmem_shared>>
      tpu.wait_indirect_dma semaphore(%arg14 : memref<!tpu.dma_semaphore, #tpu.memory_space<semaphore_mem>>) src(%arg12 : memref<128x16xf32, #tpu.memory_space<vmem>>) dst(%dma_wait3A_280 : memref<10048x16xf32, #tpu.memory_space<vmem_shared>>)
      %dma_wait3A_281 = arith.constant 0 : i32
      %dma_wait3A_282 = tpu.memref_slice %arg11[%add3A_124, %dma_wait3A_281] : memref<40x128xi32, #tpu.memory_space<vmem>> -> memref<1x128xi32, #tpu.memory_space<vmem>>
      %dma_wait3A_283 = tpu.memref_squeeze %dma_wait3A_282 : memref<1x128xi32, #tpu.memory_space<vmem>> -> memref<128xi32, #tpu.memory_space<vmem>>
      %dma_wait3A_284 = arith.constant 0 : i32
      %dma_wait3A_285 = arith.constant 0 : i32
      %dma_wait3A_286 = tpu.memref_slice %arg15[%dma_wait3A_284, %dma_wait3A_285] : memref<10048x16xf32, #tpu.memory_space<vmem_shared>> -> memref<10048x16xf32, #tpu.memory_space<vmem_shared>>
      tpu.wait_indirect_dma semaphore(%arg14 : memref<!tpu.dma_semaphore, #tpu.memory_space<semaphore_mem>>) src(%arg12 : memref<128x16xf32, #tpu.memory_space<vmem>>) dst(%dma_wait3A_286 : memref<10048x16xf32, #tpu.memory_space<vmem_shared>>)
      %dma_wait3A_287 = arith.constant 0 : i32
      %dma_wait3A_288 = tpu.memref_slice %arg11[%add3A_134, %dma_wait3A_287] : memref<40x128xi32, #tpu.memory_space<vmem>> -> memref<1x128xi32, #tpu.memory_space<vmem>>
      %dma_wait3A_289 = tpu.memref_squeeze %dma_wait3A_288 : memref<1x128xi32, #tpu.memory_space<vmem>> -> memref<128xi32, #tpu.memory_space<vmem>>
      %dma_wait3A_290 = arith.constant 0 : i32
      %dma_wait3A_291 = arith.constant 0 : i32
      %dma_wait3A_292 = tpu.memref_slice %arg15[%dma_wait3A_290, %dma_wait3A_291] : memref<10048x16xf32, #tpu.memory_space<vmem_shared>> -> memref<10048x16xf32, #tpu.memory_space<vmem_shared>>
      tpu.wait_indirect_dma semaphore(%arg14 : memref<!tpu.dma_semaphore, #tpu.memory_space<semaphore_mem>>) src(%arg12 : memref<128x16xf32, #tpu.memory_space<vmem>>) dst(%dma_wait3A_292 : memref<10048x16xf32, #tpu.memory_space<vmem_shared>>)
      %dma_wait3A_293 = arith.constant 0 : i32
      %dma_wait3A_294 = tpu.memref_slice %arg11[%add3A_144, %dma_wait3A_293] : memref<40x128xi32, #tpu.memory_space<vmem>> -> memref<1x128xi32, #tpu.memory_space<vmem>>
      %dma_wait3A_295 = tpu.memref_squeeze %dma_wait3A_294 : memref<1x128xi32, #tpu.memory_space<vmem>> -> memref<128xi32, #tpu.memory_space<vmem>>
      %dma_wait3A_296 = arith.constant 0 : i32
      %dma_wait3A_297 = arith.constant 0 : i32
      %dma_wait3A_298 = tpu.memref_slice %arg15[%dma_wait3A_296, %dma_wait3A_297] : memref<10048x16xf32, #tpu.memory_space<vmem_shared>> -> memref<10048x16xf32, #tpu.memory_space<vmem_shared>>
      tpu.wait_indirect_dma semaphore(%arg14 : memref<!tpu.dma_semaphore, #tpu.memory_space<semaphore_mem>>) src(%arg12 : memref<128x16xf32, #tpu.memory_space<vmem>>) dst(%dma_wait3A_298 : memref<10048x16xf32, #tpu.memory_space<vmem_shared>>)
      %dma_wait3A_299 = arith.constant 0 : i32
      %dma_wait3A_300 = tpu.memref_slice %arg11[%add3A_154, %dma_wait3A_299] : memref<40x128xi32, #tpu.memory_space<vmem>> -> memref<1x128xi32, #tpu.memory_space<vmem>>
      %dma_wait3A_301 = tpu.memref_squeeze %dma_wait3A_300 : memref<1x128xi32, #tpu.memory_space<vmem>> -> memref<128xi32, #tpu.memory_space<vmem>>
      %dma_wait3A_302 = arith.constant 0 : i32
      %dma_wait3A_303 = arith.constant 0 : i32
      %dma_wait3A_304 = tpu.memref_slice %arg15[%dma_wait3A_302, %dma_wait3A_303] : memref<10048x16xf32, #tpu.memory_space<vmem_shared>> -> memref<10048x16xf32, #tpu.memory_space<vmem_shared>>
      tpu.wait_indirect_dma semaphore(%arg14 : memref<!tpu.dma_semaphore, #tpu.memory_space<semaphore_mem>>) src(%arg12 : memref<128x16xf32, #tpu.memory_space<vmem>>) dst(%dma_wait3A_304 : memref<10048x16xf32, #tpu.memory_space<vmem_shared>>)
      %dma_wait3A_305 = arith.constant 0 : i32
      %dma_wait3A_306 = tpu.memref_slice %arg11[%add3A_164, %dma_wait3A_305] : memref<40x128xi32, #tpu.memory_space<vmem>> -> memref<1x128xi32, #tpu.memory_space<vmem>>
      %dma_wait3A_307 = tpu.memref_squeeze %dma_wait3A_306 : memref<1x128xi32, #tpu.memory_space<vmem>> -> memref<128xi32, #tpu.memory_space<vmem>>
      %dma_wait3A_308 = arith.constant 0 : i32
      %dma_wait3A_309 = arith.constant 0 : i32
      %dma_wait3A_310 = tpu.memref_slice %arg15[%dma_wait3A_308, %dma_wait3A_309] : memref<10048x16xf32, #tpu.memory_space<vmem_shared>> -> memref<10048x16xf32, #tpu.memory_space<vmem_shared>>
      tpu.wait_indirect_dma semaphore(%arg14 : memref<!tpu.dma_semaphore, #tpu.memory_space<semaphore_mem>>) src(%arg12 : memref<128x16xf32, #tpu.memory_space<vmem>>) dst(%dma_wait3A_310 : memref<10048x16xf32, #tpu.memory_space<vmem_shared>>)
      %dma_wait3A_311 = arith.constant 0 : i32
      %dma_wait3A_312 = tpu.memref_slice %arg11[%add3A_174, %dma_wait3A_311] : memref<40x128xi32, #tpu.memory_space<vmem>> -> memref<1x128xi32, #tpu.memory_space<vmem>>
      %dma_wait3A_313 = tpu.memref_squeeze %dma_wait3A_312 : memref<1x128xi32, #tpu.memory_space<vmem>> -> memref<128xi32, #tpu.memory_space<vmem>>
      %dma_wait3A_314 = arith.constant 0 : i32
      %dma_wait3A_315 = arith.constant 0 : i32
      %dma_wait3A_316 = tpu.memref_slice %arg15[%dma_wait3A_314, %dma_wait3A_315] : memref<10048x16xf32, #tpu.memory_space<vmem_shared>> -> memref<10048x16xf32, #tpu.memory_space<vmem_shared>>
      tpu.wait_indirect_dma semaphore(%arg14 : memref<!tpu.dma_semaphore, #tpu.memory_space<semaphore_mem>>) src(%arg12 : memref<128x16xf32, #tpu.memory_space<vmem>>) dst(%dma_wait3A_316 : memref<10048x16xf32, #tpu.memory_space<vmem_shared>>)
      %dma_wait3A_317 = arith.constant 0 : i32
      %dma_wait3A_318 = tpu.memref_slice %arg11[%add3A_184, %dma_wait3A_317] : memref<40x128xi32, #tpu.memory_space<vmem>> -> memref<1x128xi32, #tpu.memory_space<vmem>>
      %dma_wait3A_319 = tpu.memref_squeeze %dma_wait3A_318 : memref<1x128xi32, #tpu.memory_space<vmem>> -> memref<128xi32, #tpu.memory_space<vmem>>
      %dma_wait3A_320 = arith.constant 0 : i32
      %dma_wait3A_321 = arith.constant 0 : i32
      %dma_wait3A_322 = tpu.memref_slice %arg15[%dma_wait3A_320, %dma_wait3A_321] : memref<10048x16xf32, #tpu.memory_space<vmem_shared>> -> memref<10048x16xf32, #tpu.memory_space<vmem_shared>>
      tpu.wait_indirect_dma semaphore(%arg14 : memref<!tpu.dma_semaphore, #tpu.memory_space<semaphore_mem>>) src(%arg12 : memref<128x16xf32, #tpu.memory_space<vmem>>) dst(%dma_wait3A_322 : memref<10048x16xf32, #tpu.memory_space<vmem_shared>>)
      %dma_wait3A_323 = arith.constant 0 : i32
      %dma_wait3A_324 = tpu.memref_slice %arg11[%add3A_194, %dma_wait3A_323] : memref<40x128xi32, #tpu.memory_space<vmem>> -> memref<1x128xi32, #tpu.memory_space<vmem>>
      %dma_wait3A_325 = tpu.memref_squeeze %dma_wait3A_324 : memref<1x128xi32, #tpu.memory_space<vmem>> -> memref<128xi32, #tpu.memory_space<vmem>>
      %dma_wait3A_326 = arith.constant 0 : i32
      %dma_wait3A_327 = arith.constant 0 : i32
      %dma_wait3A_328 = tpu.memref_slice %arg15[%dma_wait3A_326, %dma_wait3A_327] : memref<10048x16xf32, #tpu.memory_space<vmem_shared>> -> memref<10048x16xf32, #tpu.memory_space<vmem_shared>>
      tpu.wait_indirect_dma semaphore(%arg14 : memref<!tpu.dma_semaphore, #tpu.memory_space<semaphore_mem>>) src(%arg12 : memref<128x16xf32, #tpu.memory_space<vmem>>) dst(%dma_wait3A_328 : memref<10048x16xf32, #tpu.memory_space<vmem_shared>>)
      %dma_wait3A_329 = arith.constant 0 : i32
      %dma_wait3A_330 = tpu.memref_slice %arg11[%add3A_204, %dma_wait3A_329] : memref<40x128xi32, #tpu.memory_space<vmem>> -> memref<1x128xi32, #tpu.memory_space<vmem>>
      %dma_wait3A_331 = tpu.memref_squeeze %dma_wait3A_330 : memref<1x128xi32, #tpu.memory_space<vmem>> -> memref<128xi32, #tpu.memory_space<vmem>>
      %dma_wait3A_332 = arith.constant 0 : i32
      %dma_wait3A_333 = arith.constant 0 : i32
      %dma_wait3A_334 = tpu.memref_slice %arg15[%dma_wait3A_332, %dma_wait3A_333] : memref<10048x16xf32, #tpu.memory_space<vmem_shared>> -> memref<10048x16xf32, #tpu.memory_space<vmem_shared>>
      tpu.wait_indirect_dma semaphore(%arg14 : memref<!tpu.dma_semaphore, #tpu.memory_space<semaphore_mem>>) src(%arg12 : memref<128x16xf32, #tpu.memory_space<vmem>>) dst(%dma_wait3A_334 : memref<10048x16xf32, #tpu.memory_space<vmem_shared>>)
      %dma_wait3A_335 = arith.constant 0 : i32
      %dma_wait3A_336 = tpu.memref_slice %arg11[%add3A_214, %dma_wait3A_335] : memref<40x128xi32, #tpu.memory_space<vmem>> -> memref<1x128xi32, #tpu.memory_space<vmem>>
      %dma_wait3A_337 = tpu.memref_squeeze %dma_wait3A_336 : memref<1x128xi32, #tpu.memory_space<vmem>> -> memref<128xi32, #tpu.memory_space<vmem>>
      %dma_wait3A_338 = arith.constant 0 : i32
      %dma_wait3A_339 = arith.constant 0 : i32
      %dma_wait3A_340 = tpu.memref_slice %arg15[%dma_wait3A_338, %dma_wait3A_339] : memref<10048x16xf32, #tpu.memory_space<vmem_shared>> -> memref<10048x16xf32, #tpu.memory_space<vmem_shared>>
      tpu.wait_indirect_dma semaphore(%arg14 : memref<!tpu.dma_semaphore, #tpu.memory_space<semaphore_mem>>) src(%arg12 : memref<128x16xf32, #tpu.memory_space<vmem>>) dst(%dma_wait3A_340 : memref<10048x16xf32, #tpu.memory_space<vmem_shared>>)
    }
    %scan3A_9 = arith.constant 2 : i32
    %dma_wait3A = arith.constant 0 : i32
    %dma_wait3A_10 = arith.constant 0 : i32
    %dma_wait3A_11 = tpu.memref_slice %arg2[%dma_wait3A, %dma_wait3A_10] : memref<10000x16xf32, #tpu.memory_space<hbm>> -> memref<10000x16xf32, #tpu.memory_space<hbm>>
    tpu.wait_indirect_dma semaphore(%arg13 : memref<!tpu.dma_semaphore, #tpu.memory_space<semaphore_mem>>) src(%dma_wait3A_11 : memref<10000x16xf32, #tpu.memory_space<hbm>>) dst(%arg10 : memref<5120x16xf32, #tpu.memory_space<vmem>>)
    %mul3A_12 = arith.constant 5120 : i32
    %mul3A_13 = arith.muli %add3A, %mul3A_12 : i32
    "tpu.region"() ({
      %run_scoped3A = tpu.sem_alloc : memref<!tpu.dma_semaphore, #tpu.memory_space<semaphore_mem>>
      %dma_start3A_20 = arith.constant 0 : i32
      %dma_start3A_21 = tpu.memref_slice %arg7[%mul3A_13, %dma_start3A_20] : memref<163840x16xf32, #tpu.memory_space<hbm>> -> memref<5120x16xf32, #tpu.memory_space<hbm>>
      %dma_start3A_22 = arith.constant 0 : i32
      %dma_start3A_23 = tpu.memref_slice %arg7[%mul3A_13, %dma_start3A_22] : memref<163840x16xf32, #tpu.memory_space<hbm>> -> memref<5120x16xf32, #tpu.memory_space<hbm>>
      tpu.enqueue_dma source(%arg10 : memref<5120x16xf32, #tpu.memory_space<vmem>>) target(%dma_start3A_23 : memref<5120x16xf32, #tpu.memory_space<hbm>>) target_semaphore(%run_scoped3A : memref<!tpu.dma_semaphore, #tpu.memory_space<semaphore_mem>>)
      %dma_wait3A_24 = arith.constant 0 : i32
      %dma_wait3A_25 = tpu.memref_slice %arg7[%mul3A_13, %dma_wait3A_24] : memref<163840x16xf32, #tpu.memory_space<hbm>> -> memref<5120x16xf32, #tpu.memory_space<hbm>>
      %dma_wait3A_26 = arith.constant 0 : i32
      %dma_wait3A_27 = tpu.memref_slice %arg7[%mul3A_13, %dma_wait3A_26] : memref<163840x16xf32, #tpu.memory_space<hbm>> -> memref<5120x16xf32, #tpu.memory_space<hbm>>
      tpu.wait_dma2 semaphore(%run_scoped3A : memref<!tpu.dma_semaphore, #tpu.memory_space<semaphore_mem>>) src(%arg10 : memref<5120x16xf32, #tpu.memory_space<vmem>>) dst(%dma_wait3A_27 : memref<5120x16xf32, #tpu.memory_space<hbm>>)
      tpu.yield
    }) : () -> ()
    %barrier3A_14 = arith.constant 0 : index
    tpu.barrier barrier_id(%barrier3A_14)
    %eq3A_15 = arith.constant 0 : i32
    %eq3A_16 = arith.cmpi eq, %arg1, %eq3A_15 : i32
    %convert_element_type3A_17 = arith.extui %eq3A_16 : i1 to i32
    %cond3A_18 = arith.constant 0 : i32
    %cond3A_19 = arith.cmpi ne, %convert_element_type3A_17, %cond3A_18 : i32
    scf.if %cond3A_19 {
      "tpu.region"() ({
        %run_scoped3A = tpu.sem_alloc : memref<!tpu.dma_semaphore, #tpu.memory_space<semaphore_mem>>
        %dma_start3A_20 = arith.constant 0 : i32
        %dma_start3A_21 = arith.constant 0 : i32
        %dma_start3A_22 = tpu.memref_slice %arg8[%arg0, %dma_start3A_20, %dma_start3A_21] : memref<2x10048x16xf32, #tpu.memory_space<hbm>> -> memref<1x10048x16xf32, #tpu.memory_space<hbm>>
        %dma_start3A_23 = tpu.memref_squeeze %dma_start3A_22 : memref<1x10048x16xf32, #tpu.memory_space<hbm>> -> memref<10048x16xf32, #tpu.memory_space<hbm>>
        tpu.enqueue_dma source(%arg15 : memref<10048x16xf32, #tpu.memory_space<vmem_shared>>) target(%dma_start3A_23 : memref<10048x16xf32, #tpu.memory_space<hbm>>) target_semaphore(%run_scoped3A : memref<!tpu.dma_semaphore, #tpu.memory_space<semaphore_mem>>)
        %dma_wait3A_24 = arith.constant 0 : i32
        %dma_wait3A_25 = arith.constant 0 : i32
        %dma_wait3A_26 = tpu.memref_slice %arg8[%arg0, %dma_wait3A_24, %dma_wait3A_25] : memref<2x10048x16xf32, #tpu.memory_space<hbm>> -> memref<1x10048x16xf32, #tpu.memory_space<hbm>>
        %dma_wait3A_27 = tpu.memref_squeeze %dma_wait3A_26 : memref<1x10048x16xf32, #tpu.memory_space<hbm>> -> memref<10048x16xf32, #tpu.memory_space<hbm>>
        tpu.wait_dma2 semaphore(%run_scoped3A : memref<!tpu.dma_semaphore, #tpu.memory_space<semaphore_mem>>) src(%arg15 : memref<10048x16xf32, #tpu.memory_space<vmem_shared>>) dst(%dma_wait3A_27 : memref<10048x16xf32, #tpu.memory_space<hbm>>)
        tpu.yield
      }) : () -> ()
    } else {
    }
    return
  }
}

#map = affine_map<(d0, d1) -> (0, 0)>
module attributes {stable_mosaic.version = 14 : i64} {
  func.func @_gather_body(%arg0: i32, %arg1: i32, %arg2: memref<10000x16xf32, #tpu.memory_space<hbm>>, %arg3: memref<32x5120xi32, #tpu.memory_space<hbm>>, %arg4: memref<163840x16xf32, #tpu.memory_space<hbm>>, %arg5: memref<5120xi32, #tpu.memory_space<vmem>>, %arg6: memref<5120x16xf32, #tpu.memory_space<vmem>>, %arg7: memref<!tpu.dma_semaphore, #tpu.memory_space<semaphore_mem>>) attributes {dimension_semantics = [#tpu.dimension_semantics<core_parallel>, #tpu.dimension_semantics<subcore_parallel>], iteration_bounds = array<i64: 2, 16>, scalar_prefetch = 0 : i64, scratch_operands = 3 : i64, tpu.core_type = #tpu.core_type<sc_vector_subcore>, window_params = [{transform_indices = #map}, {transform_indices = #map}, {transform_indices = #map}]} {
    %mul3A = arith.constant 2 : i32
    %mul3A_0 = arith.muli %arg1, %mul3A : i32
    %add3A = arith.addi %mul3A_0, %arg0 : i32
    "tpu.region"() ({
      %run_scoped3A = tpu.sem_alloc : memref<!tpu.dma_semaphore, #tpu.memory_space<semaphore_mem>>
      %dma_start3A_7 = arith.constant 0 : i32
      %dma_start3A_8 = tpu.memref_slice %arg3[%add3A, %dma_start3A_7] : memref<32x5120xi32, #tpu.memory_space<hbm>> -> memref<1x5120xi32, #tpu.memory_space<hbm>>
      %dma_start3A_9 = tpu.memref_squeeze %dma_start3A_8 : memref<1x5120xi32, #tpu.memory_space<hbm>> -> memref<5120xi32, #tpu.memory_space<hbm>>
      %dma_start3A_10 = arith.constant 0 : i32
      %dma_start3A_11 = tpu.memref_slice %arg3[%add3A, %dma_start3A_10] : memref<32x5120xi32, #tpu.memory_space<hbm>> -> memref<1x5120xi32, #tpu.memory_space<hbm>>
      %dma_start3A_12 = tpu.memref_squeeze %dma_start3A_11 : memref<1x5120xi32, #tpu.memory_space<hbm>> -> memref<5120xi32, #tpu.memory_space<hbm>>
      tpu.enqueue_dma source(%dma_start3A_12 : memref<5120xi32, #tpu.memory_space<hbm>>) target(%arg5 : memref<5120xi32, #tpu.memory_space<vmem>>) target_semaphore(%run_scoped3A : memref<!tpu.dma_semaphore, #tpu.memory_space<semaphore_mem>>)
      %dma_wait3A_13 = arith.constant 0 : i32
      %dma_wait3A_14 = tpu.memref_slice %arg3[%add3A, %dma_wait3A_13] : memref<32x5120xi32, #tpu.memory_space<hbm>> -> memref<1x5120xi32, #tpu.memory_space<hbm>>
      %dma_wait3A_15 = tpu.memref_squeeze %dma_wait3A_14 : memref<1x5120xi32, #tpu.memory_space<hbm>> -> memref<5120xi32, #tpu.memory_space<hbm>>
      %dma_wait3A_16 = arith.constant 0 : i32
      %dma_wait3A_17 = tpu.memref_slice %arg3[%add3A, %dma_wait3A_16] : memref<32x5120xi32, #tpu.memory_space<hbm>> -> memref<1x5120xi32, #tpu.memory_space<hbm>>
      %dma_wait3A_18 = tpu.memref_squeeze %dma_wait3A_17 : memref<1x5120xi32, #tpu.memory_space<hbm>> -> memref<5120xi32, #tpu.memory_space<hbm>>
      tpu.wait_dma2 semaphore(%run_scoped3A : memref<!tpu.dma_semaphore, #tpu.memory_space<semaphore_mem>>) src(%dma_wait3A_18 : memref<5120xi32, #tpu.memory_space<hbm>>) dst(%arg5 : memref<5120xi32, #tpu.memory_space<vmem>>)
      tpu.yield
    }) : () -> ()
    %dma_start3A = arith.constant 0 : i32
    %dma_start3A_1 = arith.constant 0 : i32
    %dma_start3A_2 = tpu.memref_slice %arg2[%dma_start3A, %dma_start3A_1] : memref<10000x16xf32, #tpu.memory_space<hbm>> -> memref<10000x16xf32, #tpu.memory_space<hbm>>
    tpu.enqueue_indirect_dma source(%dma_start3A_2 : memref<10000x16xf32, #tpu.memory_space<hbm>>) target(%arg6 : memref<5120x16xf32, #tpu.memory_space<vmem>>) offsets(%arg5 : memref<5120xi32, #tpu.memory_space<vmem>>) semaphore(%arg7 : memref<!tpu.dma_semaphore, #tpu.memory_space<semaphore_mem>>)
    %dma_wait3A = arith.constant 0 : i32
    %dma_wait3A_3 = arith.constant 0 : i32
    %dma_wait3A_4 = tpu.memref_slice %arg2[%dma_wait3A, %dma_wait3A_3] : memref<10000x16xf32, #tpu.memory_space<hbm>> -> memref<10000x16xf32, #tpu.memory_space<hbm>>
    tpu.wait_indirect_dma semaphore(%arg7 : memref<!tpu.dma_semaphore, #tpu.memory_space<semaphore_mem>>) src(%dma_wait3A_4 : memref<10000x16xf32, #tpu.memory_space<hbm>>) dst(%arg6 : memref<5120x16xf32, #tpu.memory_space<vmem>>)
    %mul3A_5 = arith.constant 5120 : i32
    %mul3A_6 = arith.muli %add3A, %mul3A_5 : i32
    "tpu.region"() ({
      %run_scoped3A = tpu.sem_alloc : memref<!tpu.dma_semaphore, #tpu.memory_space<semaphore_mem>>
      %dma_start3A_7 = arith.constant 0 : i32
      %dma_start3A_8 = tpu.memref_slice %arg4[%mul3A_6, %dma_start3A_7] : memref<163840x16xf32, #tpu.memory_space<hbm>> -> memref<5120x16xf32, #tpu.memory_space<hbm>>
      %dma_start3A_9 = arith.constant 0 : i32
      %dma_start3A_10 = tpu.memref_slice %arg4[%mul3A_6, %dma_start3A_9] : memref<163840x16xf32, #tpu.memory_space<hbm>> -> memref<5120x16xf32, #tpu.memory_space<hbm>>
      tpu.enqueue_dma source(%arg6 : memref<5120x16xf32, #tpu.memory_space<vmem>>) target(%dma_start3A_10 : memref<5120x16xf32, #tpu.memory_space<hbm>>) target_semaphore(%run_scoped3A : memref<!tpu.dma_semaphore, #tpu.memory_space<semaphore_mem>>)
      %dma_wait3A_11 = arith.constant 0 : i32
      %dma_wait3A_12 = tpu.memref_slice %arg4[%mul3A_6, %dma_wait3A_11] : memref<163840x16xf32, #tpu.memory_space<hbm>> -> memref<5120x16xf32, #tpu.memory_space<hbm>>
      %dma_wait3A_13 = arith.constant 0 : i32
      %dma_wait3A_14 = tpu.memref_slice %arg4[%mul3A_6, %dma_wait3A_13] : memref<163840x16xf32, #tpu.memory_space<hbm>> -> memref<5120x16xf32, #tpu.memory_space<hbm>>
      tpu.wait_dma2 semaphore(%run_scoped3A : memref<!tpu.dma_semaphore, #tpu.memory_space<semaphore_mem>>) src(%arg6 : memref<5120x16xf32, #tpu.memory_space<vmem>>) dst(%dma_wait3A_14 : memref<5120x16xf32, #tpu.memory_space<hbm>>)
      tpu.yield
    }) : () -> ()
    return
  }
}

#map = affine_map<(d0, d1) -> (0, 0)>
#map1 = affine_map<(d0, d1) -> (0, 0, 0)>
module attributes {stable_mosaic.version = 14 : i64} {
  func.func @_scatter_body(%arg0: i32, %arg1: i32, %arg2: memref<163840x16xf32, #tpu.memory_space<hbm>>, %arg3: memref<32x40x128xi32, #tpu.memory_space<hbm>>, %arg4: memref<10048x16xf32, #tpu.memory_space<hbm>>, %arg5: memref<2x10048x16xf32, #tpu.memory_space<hbm>>, %arg6: memref<40x128xi32, #tpu.memory_space<vmem>>, %arg7: memref<5120x16xf32, #tpu.memory_space<vmem>>, %arg8: memref<!tpu.dma_semaphore, #tpu.memory_space<semaphore_mem>>, %arg9: memref<10048x16xf32, #tpu.memory_space<vmem_shared>>) attributes {dimension_semantics = [#tpu.dimension_semantics<core_parallel>, #tpu.dimension_semantics<subcore_parallel>], iteration_bounds = array<i64: 2, 16>, scalar_prefetch = 0 : i64, scratch_operands = 4 : i64, tpu.core_type = #tpu.core_type<sc_vector_subcore>, window_params = [{transform_indices = #map}, {transform_indices = #map1}, {transform_indices = #map}, {transform_indices = #map1}]} {
    %mul3A = arith.constant 2 : i32
    %mul3A_0 = arith.muli %arg1, %mul3A : i32
    %add3A = arith.addi %mul3A_0, %arg0 : i32
    %eq3A = arith.constant 0 : i32
    %eq3A_1 = arith.cmpi eq, %arg1, %eq3A : i32
    %convert_element_type3A = arith.extui %eq3A_1 : i1 to i32
    %cond3A = arith.constant 0 : i32
    %cond3A_2 = arith.cmpi ne, %convert_element_type3A, %cond3A : i32
    scf.if %cond3A_2 {
      "tpu.region"() ({
        %run_scoped3A = tpu.sem_alloc : memref<!tpu.dma_semaphore, #tpu.memory_space<semaphore_mem>>
        tpu.enqueue_dma source(%arg4 : memref<10048x16xf32, #tpu.memory_space<hbm>>) target(%arg9 : memref<10048x16xf32, #tpu.memory_space<vmem_shared>>) target_semaphore(%run_scoped3A : memref<!tpu.dma_semaphore, #tpu.memory_space<semaphore_mem>>)
        tpu.wait_dma2 semaphore(%run_scoped3A : memref<!tpu.dma_semaphore, #tpu.memory_space<semaphore_mem>>) src(%arg4 : memref<10048x16xf32, #tpu.memory_space<hbm>>) dst(%arg9 : memref<10048x16xf32, #tpu.memory_space<vmem_shared>>)
        tpu.yield
      }) : () -> ()
    } else {
    }
    "tpu.region"() ({
      %run_scoped3A = tpu.sem_alloc : memref<!tpu.dma_semaphore, #tpu.memory_space<semaphore_mem>>
      %dma_start3A = arith.constant 0 : i32
      %dma_start3A_16 = arith.constant 0 : i32
      %dma_start3A_17 = tpu.memref_slice %arg3[%add3A, %dma_start3A, %dma_start3A_16] : memref<32x40x128xi32, #tpu.memory_space<hbm>> -> memref<1x40x128xi32, #tpu.memory_space<hbm>>
      %dma_start3A_18 = tpu.memref_squeeze %dma_start3A_17 : memref<1x40x128xi32, #tpu.memory_space<hbm>> -> memref<40x128xi32, #tpu.memory_space<hbm>>
      %dma_start3A_19 = arith.constant 0 : i32
      %dma_start3A_20 = arith.constant 0 : i32
      %dma_start3A_21 = tpu.memref_slice %arg3[%add3A, %dma_start3A_19, %dma_start3A_20] : memref<32x40x128xi32, #tpu.memory_space<hbm>> -> memref<1x40x128xi32, #tpu.memory_space<hbm>>
      %dma_start3A_22 = tpu.memref_squeeze %dma_start3A_21 : memref<1x40x128xi32, #tpu.memory_space<hbm>> -> memref<40x128xi32, #tpu.memory_space<hbm>>
      tpu.enqueue_dma source(%dma_start3A_22 : memref<40x128xi32, #tpu.memory_space<hbm>>) target(%arg6 : memref<40x128xi32, #tpu.memory_space<vmem>>) target_semaphore(%run_scoped3A : memref<!tpu.dma_semaphore, #tpu.memory_space<semaphore_mem>>)
      %dma_wait3A = arith.constant 0 : i32
      %dma_wait3A_23 = arith.constant 0 : i32
      %dma_wait3A_24 = tpu.memref_slice %arg3[%add3A, %dma_wait3A, %dma_wait3A_23] : memref<32x40x128xi32, #tpu.memory_space<hbm>> -> memref<1x40x128xi32, #tpu.memory_space<hbm>>
      %dma_wait3A_25 = tpu.memref_squeeze %dma_wait3A_24 : memref<1x40x128xi32, #tpu.memory_space<hbm>> -> memref<40x128xi32, #tpu.memory_space<hbm>>
      %dma_wait3A_26 = arith.constant 0 : i32
      %dma_wait3A_27 = arith.constant 0 : i32
      %dma_wait3A_28 = tpu.memref_slice %arg3[%add3A, %dma_wait3A_26, %dma_wait3A_27] : memref<32x40x128xi32, #tpu.memory_space<hbm>> -> memref<1x40x128xi32, #tpu.memory_space<hbm>>
      %dma_wait3A_29 = tpu.memref_squeeze %dma_wait3A_28 : memref<1x40x128xi32, #tpu.memory_space<hbm>> -> memref<40x128xi32, #tpu.memory_space<hbm>>
      tpu.wait_dma2 semaphore(%run_scoped3A : memref<!tpu.dma_semaphore, #tpu.memory_space<semaphore_mem>>) src(%dma_wait3A_29 : memref<40x128xi32, #tpu.memory_space<hbm>>) dst(%arg6 : memref<40x128xi32, #tpu.memory_space<vmem>>)
      tpu.yield
    }) : () -> ()
    %mul3A_3 = arith.constant 5120 : i32
    %mul3A_4 = arith.muli %add3A, %mul3A_3 : i32
    "tpu.region"() ({
      %run_scoped3A = tpu.sem_alloc : memref<!tpu.dma_semaphore, #tpu.memory_space<semaphore_mem>>
      %dma_start3A = arith.constant 0 : i32
      %dma_start3A_16 = tpu.memref_slice %arg2[%mul3A_4, %dma_start3A] : memref<163840x16xf32, #tpu.memory_space<hbm>> -> memref<5120x16xf32, #tpu.memory_space<hbm>>
      %dma_start3A_17 = arith.constant 0 : i32
      %dma_start3A_18 = tpu.memref_slice %arg2[%mul3A_4, %dma_start3A_17] : memref<163840x16xf32, #tpu.memory_space<hbm>> -> memref<5120x16xf32, #tpu.memory_space<hbm>>
      tpu.enqueue_dma source(%dma_start3A_18 : memref<5120x16xf32, #tpu.memory_space<hbm>>) target(%arg7 : memref<5120x16xf32, #tpu.memory_space<vmem>>) target_semaphore(%run_scoped3A : memref<!tpu.dma_semaphore, #tpu.memory_space<semaphore_mem>>)
      %dma_wait3A = arith.constant 0 : i32
      %dma_wait3A_19 = tpu.memref_slice %arg2[%mul3A_4, %dma_wait3A] : memref<163840x16xf32, #tpu.memory_space<hbm>> -> memref<5120x16xf32, #tpu.memory_space<hbm>>
      %dma_wait3A_20 = arith.constant 0 : i32
      %dma_wait3A_21 = tpu.memref_slice %arg2[%mul3A_4, %dma_wait3A_20] : memref<163840x16xf32, #tpu.memory_space<hbm>> -> memref<5120x16xf32, #tpu.memory_space<hbm>>
      tpu.wait_dma2 semaphore(%run_scoped3A : memref<!tpu.dma_semaphore, #tpu.memory_space<semaphore_mem>>) src(%dma_wait3A_21 : memref<5120x16xf32, #tpu.memory_space<hbm>>) dst(%arg7 : memref<5120x16xf32, #tpu.memory_space<vmem>>)
      tpu.yield
    }) : () -> ()
    %barrier3A = arith.constant 0 : index
    tpu.barrier barrier_id(%barrier3A)
    %scan3A = arith.constant 0 : i32
    %scan3A_5 = arith.constant 0 : i32
    %scan3A_6 = arith.constant 2 : i32
    %scan3A_7 = arith.addi %scan3A_5, %scan3A_6 : i32
    %scan3A_8 = arith.constant 1 : i32
    scf.for %scan3A_16 = %scan3A_5 to %scan3A_7 step %scan3A_8  : i32 {
      %mul3A_17 = arith.constant 20 : i32
      %mul3A_18 = arith.muli %scan3A_16, %mul3A_17 : i32
      %add3A_19 = arith.constant 0 : i32
      %add3A_20 = arith.addi %mul3A_18, %add3A_19 : i32
      %mul3A_21 = arith.constant 128 : i32
      %mul3A_22 = arith.muli %add3A_20, %mul3A_21 : i32
      %dma_start3A = arith.constant 0 : i32
      %dma_start3A_23 = tpu.memref_slice %arg7[%mul3A_22, %dma_start3A] : memref<5120x16xf32, #tpu.memory_space<vmem>> -> memref<128x16xf32, #tpu.memory_space<vmem>>
      %dma_start3A_24 = arith.constant 0 : i32
      %dma_start3A_25 = tpu.memref_slice %arg6[%add3A_20, %dma_start3A_24] : memref<40x128xi32, #tpu.memory_space<vmem>> -> memref<1x128xi32, #tpu.memory_space<vmem>>
      %dma_start3A_26 = tpu.memref_squeeze %dma_start3A_25 : memref<1x128xi32, #tpu.memory_space<vmem>> -> memref<128xi32, #tpu.memory_space<vmem>>
      %dma_start3A_27 = arith.constant 0 : i32
      %dma_start3A_28 = arith.constant 0 : i32
      %dma_start3A_29 = tpu.memref_slice %arg9[%dma_start3A_27, %dma_start3A_28] : memref<10048x16xf32, #tpu.memory_space<vmem_shared>> -> memref<10048x16xf32, #tpu.memory_space<vmem_shared>>
      tpu.enqueue_indirect_dma source(%dma_start3A_23 : memref<128x16xf32, #tpu.memory_space<vmem>>) target(%dma_start3A_29 : memref<10048x16xf32, #tpu.memory_space<vmem_shared>>) offsets(%dma_start3A_26 : memref<128xi32, #tpu.memory_space<vmem>>) semaphore(%arg8 : memref<!tpu.dma_semaphore, #tpu.memory_space<semaphore_mem>>) {add = true}
      %mul3A_30 = arith.constant 20 : i32
      %mul3A_31 = arith.muli %scan3A_16, %mul3A_30 : i32
      %add3A_32 = arith.constant 1 : i32
      %add3A_33 = arith.addi %mul3A_31, %add3A_32 : i32
      %mul3A_34 = arith.constant 128 : i32
      %mul3A_35 = arith.muli %add3A_33, %mul3A_34 : i32
      %dma_start3A_36 = arith.constant 0 : i32
      %dma_start3A_37 = tpu.memref_slice %arg7[%mul3A_35, %dma_start3A_36] : memref<5120x16xf32, #tpu.memory_space<vmem>> -> memref<128x16xf32, #tpu.memory_space<vmem>>
      %dma_start3A_38 = arith.constant 0 : i32
      %dma_start3A_39 = tpu.memref_slice %arg6[%add3A_33, %dma_start3A_38] : memref<40x128xi32, #tpu.memory_space<vmem>> -> memref<1x128xi32, #tpu.memory_space<vmem>>
      %dma_start3A_40 = tpu.memref_squeeze %dma_start3A_39 : memref<1x128xi32, #tpu.memory_space<vmem>> -> memref<128xi32, #tpu.memory_space<vmem>>
      %dma_start3A_41 = arith.constant 0 : i32
      %dma_start3A_42 = arith.constant 0 : i32
      %dma_start3A_43 = tpu.memref_slice %arg9[%dma_start3A_41, %dma_start3A_42] : memref<10048x16xf32, #tpu.memory_space<vmem_shared>> -> memref<10048x16xf32, #tpu.memory_space<vmem_shared>>
      tpu.enqueue_indirect_dma source(%dma_start3A_37 : memref<128x16xf32, #tpu.memory_space<vmem>>) target(%dma_start3A_43 : memref<10048x16xf32, #tpu.memory_space<vmem_shared>>) offsets(%dma_start3A_40 : memref<128xi32, #tpu.memory_space<vmem>>) semaphore(%arg8 : memref<!tpu.dma_semaphore, #tpu.memory_space<semaphore_mem>>) {add = true}
      %mul3A_44 = arith.constant 20 : i32
      %mul3A_45 = arith.muli %scan3A_16, %mul3A_44 : i32
      %add3A_46 = arith.constant 2 : i32
      %add3A_47 = arith.addi %mul3A_45, %add3A_46 : i32
      %mul3A_48 = arith.constant 128 : i32
      %mul3A_49 = arith.muli %add3A_47, %mul3A_48 : i32
      %dma_start3A_50 = arith.constant 0 : i32
      %dma_start3A_51 = tpu.memref_slice %arg7[%mul3A_49, %dma_start3A_50] : memref<5120x16xf32, #tpu.memory_space<vmem>> -> memref<128x16xf32, #tpu.memory_space<vmem>>
      %dma_start3A_52 = arith.constant 0 : i32
      %dma_start3A_53 = tpu.memref_slice %arg6[%add3A_47, %dma_start3A_52] : memref<40x128xi32, #tpu.memory_space<vmem>> -> memref<1x128xi32, #tpu.memory_space<vmem>>
      %dma_start3A_54 = tpu.memref_squeeze %dma_start3A_53 : memref<1x128xi32, #tpu.memory_space<vmem>> -> memref<128xi32, #tpu.memory_space<vmem>>
      %dma_start3A_55 = arith.constant 0 : i32
      %dma_start3A_56 = arith.constant 0 : i32
      %dma_start3A_57 = tpu.memref_slice %arg9[%dma_start3A_55, %dma_start3A_56] : memref<10048x16xf32, #tpu.memory_space<vmem_shared>> -> memref<10048x16xf32, #tpu.memory_space<vmem_shared>>
      tpu.enqueue_indirect_dma source(%dma_start3A_51 : memref<128x16xf32, #tpu.memory_space<vmem>>) target(%dma_start3A_57 : memref<10048x16xf32, #tpu.memory_space<vmem_shared>>) offsets(%dma_start3A_54 : memref<128xi32, #tpu.memory_space<vmem>>) semaphore(%arg8 : memref<!tpu.dma_semaphore, #tpu.memory_space<semaphore_mem>>) {add = true}
      %mul3A_58 = arith.constant 20 : i32
      %mul3A_59 = arith.muli %scan3A_16, %mul3A_58 : i32
      %add3A_60 = arith.constant 3 : i32
      %add3A_61 = arith.addi %mul3A_59, %add3A_60 : i32
      %mul3A_62 = arith.constant 128 : i32
      %mul3A_63 = arith.muli %add3A_61, %mul3A_62 : i32
      %dma_start3A_64 = arith.constant 0 : i32
      %dma_start3A_65 = tpu.memref_slice %arg7[%mul3A_63, %dma_start3A_64] : memref<5120x16xf32, #tpu.memory_space<vmem>> -> memref<128x16xf32, #tpu.memory_space<vmem>>
      %dma_start3A_66 = arith.constant 0 : i32
      %dma_start3A_67 = tpu.memref_slice %arg6[%add3A_61, %dma_start3A_66] : memref<40x128xi32, #tpu.memory_space<vmem>> -> memref<1x128xi32, #tpu.memory_space<vmem>>
      %dma_start3A_68 = tpu.memref_squeeze %dma_start3A_67 : memref<1x128xi32, #tpu.memory_space<vmem>> -> memref<128xi32, #tpu.memory_space<vmem>>
      %dma_start3A_69 = arith.constant 0 : i32
      %dma_start3A_70 = arith.constant 0 : i32
      %dma_start3A_71 = tpu.memref_slice %arg9[%dma_start3A_69, %dma_start3A_70] : memref<10048x16xf32, #tpu.memory_space<vmem_shared>> -> memref<10048x16xf32, #tpu.memory_space<vmem_shared>>
      tpu.enqueue_indirect_dma source(%dma_start3A_65 : memref<128x16xf32, #tpu.memory_space<vmem>>) target(%dma_start3A_71 : memref<10048x16xf32, #tpu.memory_space<vmem_shared>>) offsets(%dma_start3A_68 : memref<128xi32, #tpu.memory_space<vmem>>) semaphore(%arg8 : memref<!tpu.dma_semaphore, #tpu.memory_space<semaphore_mem>>) {add = true}
      %mul3A_72 = arith.constant 20 : i32
      %mul3A_73 = arith.muli %scan3A_16, %mul3A_72 : i32
      %add3A_74 = arith.constant 4 : i32
      %add3A_75 = arith.addi %mul3A_73, %add3A_74 : i32
      %mul3A_76 = arith.constant 128 : i32
      %mul3A_77 = arith.muli %add3A_75, %mul3A_76 : i32
      %dma_start3A_78 = arith.constant 0 : i32
      %dma_start3A_79 = tpu.memref_slice %arg7[%mul3A_77, %dma_start3A_78] : memref<5120x16xf32, #tpu.memory_space<vmem>> -> memref<128x16xf32, #tpu.memory_space<vmem>>
      %dma_start3A_80 = arith.constant 0 : i32
      %dma_start3A_81 = tpu.memref_slice %arg6[%add3A_75, %dma_start3A_80] : memref<40x128xi32, #tpu.memory_space<vmem>> -> memref<1x128xi32, #tpu.memory_space<vmem>>
      %dma_start3A_82 = tpu.memref_squeeze %dma_start3A_81 : memref<1x128xi32, #tpu.memory_space<vmem>> -> memref<128xi32, #tpu.memory_space<vmem>>
      %dma_start3A_83 = arith.constant 0 : i32
      %dma_start3A_84 = arith.constant 0 : i32
      %dma_start3A_85 = tpu.memref_slice %arg9[%dma_start3A_83, %dma_start3A_84] : memref<10048x16xf32, #tpu.memory_space<vmem_shared>> -> memref<10048x16xf32, #tpu.memory_space<vmem_shared>>
      tpu.enqueue_indirect_dma source(%dma_start3A_79 : memref<128x16xf32, #tpu.memory_space<vmem>>) target(%dma_start3A_85 : memref<10048x16xf32, #tpu.memory_space<vmem_shared>>) offsets(%dma_start3A_82 : memref<128xi32, #tpu.memory_space<vmem>>) semaphore(%arg8 : memref<!tpu.dma_semaphore, #tpu.memory_space<semaphore_mem>>) {add = true}
      %mul3A_86 = arith.constant 20 : i32
      %mul3A_87 = arith.muli %scan3A_16, %mul3A_86 : i32
      %add3A_88 = arith.constant 5 : i32
      %add3A_89 = arith.addi %mul3A_87, %add3A_88 : i32
      %mul3A_90 = arith.constant 128 : i32
      %mul3A_91 = arith.muli %add3A_89, %mul3A_90 : i32
      %dma_start3A_92 = arith.constant 0 : i32
      %dma_start3A_93 = tpu.memref_slice %arg7[%mul3A_91, %dma_start3A_92] : memref<5120x16xf32, #tpu.memory_space<vmem>> -> memref<128x16xf32, #tpu.memory_space<vmem>>
      %dma_start3A_94 = arith.constant 0 : i32
      %dma_start3A_95 = tpu.memref_slice %arg6[%add3A_89, %dma_start3A_94] : memref<40x128xi32, #tpu.memory_space<vmem>> -> memref<1x128xi32, #tpu.memory_space<vmem>>
      %dma_start3A_96 = tpu.memref_squeeze %dma_start3A_95 : memref<1x128xi32, #tpu.memory_space<vmem>> -> memref<128xi32, #tpu.memory_space<vmem>>
      %dma_start3A_97 = arith.constant 0 : i32
      %dma_start3A_98 = arith.constant 0 : i32
      %dma_start3A_99 = tpu.memref_slice %arg9[%dma_start3A_97, %dma_start3A_98] : memref<10048x16xf32, #tpu.memory_space<vmem_shared>> -> memref<10048x16xf32, #tpu.memory_space<vmem_shared>>
      tpu.enqueue_indirect_dma source(%dma_start3A_93 : memref<128x16xf32, #tpu.memory_space<vmem>>) target(%dma_start3A_99 : memref<10048x16xf32, #tpu.memory_space<vmem_shared>>) offsets(%dma_start3A_96 : memref<128xi32, #tpu.memory_space<vmem>>) semaphore(%arg8 : memref<!tpu.dma_semaphore, #tpu.memory_space<semaphore_mem>>) {add = true}
      %mul3A_100 = arith.constant 20 : i32
      %mul3A_101 = arith.muli %scan3A_16, %mul3A_100 : i32
      %add3A_102 = arith.constant 6 : i32
      %add3A_103 = arith.addi %mul3A_101, %add3A_102 : i32
      %mul3A_104 = arith.constant 128 : i32
      %mul3A_105 = arith.muli %add3A_103, %mul3A_104 : i32
      %dma_start3A_106 = arith.constant 0 : i32
      %dma_start3A_107 = tpu.memref_slice %arg7[%mul3A_105, %dma_start3A_106] : memref<5120x16xf32, #tpu.memory_space<vmem>> -> memref<128x16xf32, #tpu.memory_space<vmem>>
      %dma_start3A_108 = arith.constant 0 : i32
      %dma_start3A_109 = tpu.memref_slice %arg6[%add3A_103, %dma_start3A_108] : memref<40x128xi32, #tpu.memory_space<vmem>> -> memref<1x128xi32, #tpu.memory_space<vmem>>
      %dma_start3A_110 = tpu.memref_squeeze %dma_start3A_109 : memref<1x128xi32, #tpu.memory_space<vmem>> -> memref<128xi32, #tpu.memory_space<vmem>>
      %dma_start3A_111 = arith.constant 0 : i32
      %dma_start3A_112 = arith.constant 0 : i32
      %dma_start3A_113 = tpu.memref_slice %arg9[%dma_start3A_111, %dma_start3A_112] : memref<10048x16xf32, #tpu.memory_space<vmem_shared>> -> memref<10048x16xf32, #tpu.memory_space<vmem_shared>>
      tpu.enqueue_indirect_dma source(%dma_start3A_107 : memref<128x16xf32, #tpu.memory_space<vmem>>) target(%dma_start3A_113 : memref<10048x16xf32, #tpu.memory_space<vmem_shared>>) offsets(%dma_start3A_110 : memref<128xi32, #tpu.memory_space<vmem>>) semaphore(%arg8 : memref<!tpu.dma_semaphore, #tpu.memory_space<semaphore_mem>>) {add = true}
      %mul3A_114 = arith.constant 20 : i32
      %mul3A_115 = arith.muli %scan3A_16, %mul3A_114 : i32
      %add3A_116 = arith.constant 7 : i32
      %add3A_117 = arith.addi %mul3A_115, %add3A_116 : i32
      %mul3A_118 = arith.constant 128 : i32
      %mul3A_119 = arith.muli %add3A_117, %mul3A_118 : i32
      %dma_start3A_120 = arith.constant 0 : i32
      %dma_start3A_121 = tpu.memref_slice %arg7[%mul3A_119, %dma_start3A_120] : memref<5120x16xf32, #tpu.memory_space<vmem>> -> memref<128x16xf32, #tpu.memory_space<vmem>>
      %dma_start3A_122 = arith.constant 0 : i32
      %dma_start3A_123 = tpu.memref_slice %arg6[%add3A_117, %dma_start3A_122] : memref<40x128xi32, #tpu.memory_space<vmem>> -> memref<1x128xi32, #tpu.memory_space<vmem>>
      %dma_start3A_124 = tpu.memref_squeeze %dma_start3A_123 : memref<1x128xi32, #tpu.memory_space<vmem>> -> memref<128xi32, #tpu.memory_space<vmem>>
      %dma_start3A_125 = arith.constant 0 : i32
      %dma_start3A_126 = arith.constant 0 : i32
      %dma_start3A_127 = tpu.memref_slice %arg9[%dma_start3A_125, %dma_start3A_126] : memref<10048x16xf32, #tpu.memory_space<vmem_shared>> -> memref<10048x16xf32, #tpu.memory_space<vmem_shared>>
      tpu.enqueue_indirect_dma source(%dma_start3A_121 : memref<128x16xf32, #tpu.memory_space<vmem>>) target(%dma_start3A_127 : memref<10048x16xf32, #tpu.memory_space<vmem_shared>>) offsets(%dma_start3A_124 : memref<128xi32, #tpu.memory_space<vmem>>) semaphore(%arg8 : memref<!tpu.dma_semaphore, #tpu.memory_space<semaphore_mem>>) {add = true}
      %mul3A_128 = arith.constant 20 : i32
      %mul3A_129 = arith.muli %scan3A_16, %mul3A_128 : i32
      %add3A_130 = arith.constant 8 : i32
      %add3A_131 = arith.addi %mul3A_129, %add3A_130 : i32
      %mul3A_132 = arith.constant 128 : i32
      %mul3A_133 = arith.muli %add3A_131, %mul3A_132 : i32
      %dma_start3A_134 = arith.constant 0 : i32
      %dma_start3A_135 = tpu.memref_slice %arg7[%mul3A_133, %dma_start3A_134] : memref<5120x16xf32, #tpu.memory_space<vmem>> -> memref<128x16xf32, #tpu.memory_space<vmem>>
      %dma_start3A_136 = arith.constant 0 : i32
      %dma_start3A_137 = tpu.memref_slice %arg6[%add3A_131, %dma_start3A_136] : memref<40x128xi32, #tpu.memory_space<vmem>> -> memref<1x128xi32, #tpu.memory_space<vmem>>
      %dma_start3A_138 = tpu.memref_squeeze %dma_start3A_137 : memref<1x128xi32, #tpu.memory_space<vmem>> -> memref<128xi32, #tpu.memory_space<vmem>>
      %dma_start3A_139 = arith.constant 0 : i32
      %dma_start3A_140 = arith.constant 0 : i32
      %dma_start3A_141 = tpu.memref_slice %arg9[%dma_start3A_139, %dma_start3A_140] : memref<10048x16xf32, #tpu.memory_space<vmem_shared>> -> memref<10048x16xf32, #tpu.memory_space<vmem_shared>>
      tpu.enqueue_indirect_dma source(%dma_start3A_135 : memref<128x16xf32, #tpu.memory_space<vmem>>) target(%dma_start3A_141 : memref<10048x16xf32, #tpu.memory_space<vmem_shared>>) offsets(%dma_start3A_138 : memref<128xi32, #tpu.memory_space<vmem>>) semaphore(%arg8 : memref<!tpu.dma_semaphore, #tpu.memory_space<semaphore_mem>>) {add = true}
      %mul3A_142 = arith.constant 20 : i32
      %mul3A_143 = arith.muli %scan3A_16, %mul3A_142 : i32
      %add3A_144 = arith.constant 9 : i32
      %add3A_145 = arith.addi %mul3A_143, %add3A_144 : i32
      %mul3A_146 = arith.constant 128 : i32
      %mul3A_147 = arith.muli %add3A_145, %mul3A_146 : i32
      %dma_start3A_148 = arith.constant 0 : i32
      %dma_start3A_149 = tpu.memref_slice %arg7[%mul3A_147, %dma_start3A_148] : memref<5120x16xf32, #tpu.memory_space<vmem>> -> memref<128x16xf32, #tpu.memory_space<vmem>>
      %dma_start3A_150 = arith.constant 0 : i32
      %dma_start3A_151 = tpu.memref_slice %arg6[%add3A_145, %dma_start3A_150] : memref<40x128xi32, #tpu.memory_space<vmem>> -> memref<1x128xi32, #tpu.memory_space<vmem>>
      %dma_start3A_152 = tpu.memref_squeeze %dma_start3A_151 : memref<1x128xi32, #tpu.memory_space<vmem>> -> memref<128xi32, #tpu.memory_space<vmem>>
      %dma_start3A_153 = arith.constant 0 : i32
      %dma_start3A_154 = arith.constant 0 : i32
      %dma_start3A_155 = tpu.memref_slice %arg9[%dma_start3A_153, %dma_start3A_154] : memref<10048x16xf32, #tpu.memory_space<vmem_shared>> -> memref<10048x16xf32, #tpu.memory_space<vmem_shared>>
      tpu.enqueue_indirect_dma source(%dma_start3A_149 : memref<128x16xf32, #tpu.memory_space<vmem>>) target(%dma_start3A_155 : memref<10048x16xf32, #tpu.memory_space<vmem_shared>>) offsets(%dma_start3A_152 : memref<128xi32, #tpu.memory_space<vmem>>) semaphore(%arg8 : memref<!tpu.dma_semaphore, #tpu.memory_space<semaphore_mem>>) {add = true}
      %mul3A_156 = arith.constant 20 : i32
      %mul3A_157 = arith.muli %scan3A_16, %mul3A_156 : i32
      %add3A_158 = arith.constant 10 : i32
      %add3A_159 = arith.addi %mul3A_157, %add3A_158 : i32
      %mul3A_160 = arith.constant 128 : i32
      %mul3A_161 = arith.muli %add3A_159, %mul3A_160 : i32
      %dma_start3A_162 = arith.constant 0 : i32
      %dma_start3A_163 = tpu.memref_slice %arg7[%mul3A_161, %dma_start3A_162] : memref<5120x16xf32, #tpu.memory_space<vmem>> -> memref<128x16xf32, #tpu.memory_space<vmem>>
      %dma_start3A_164 = arith.constant 0 : i32
      %dma_start3A_165 = tpu.memref_slice %arg6[%add3A_159, %dma_start3A_164] : memref<40x128xi32, #tpu.memory_space<vmem>> -> memref<1x128xi32, #tpu.memory_space<vmem>>
      %dma_start3A_166 = tpu.memref_squeeze %dma_start3A_165 : memref<1x128xi32, #tpu.memory_space<vmem>> -> memref<128xi32, #tpu.memory_space<vmem>>
      %dma_start3A_167 = arith.constant 0 : i32
      %dma_start3A_168 = arith.constant 0 : i32
      %dma_start3A_169 = tpu.memref_slice %arg9[%dma_start3A_167, %dma_start3A_168] : memref<10048x16xf32, #tpu.memory_space<vmem_shared>> -> memref<10048x16xf32, #tpu.memory_space<vmem_shared>>
      tpu.enqueue_indirect_dma source(%dma_start3A_163 : memref<128x16xf32, #tpu.memory_space<vmem>>) target(%dma_start3A_169 : memref<10048x16xf32, #tpu.memory_space<vmem_shared>>) offsets(%dma_start3A_166 : memref<128xi32, #tpu.memory_space<vmem>>) semaphore(%arg8 : memref<!tpu.dma_semaphore, #tpu.memory_space<semaphore_mem>>) {add = true}
      %mul3A_170 = arith.constant 20 : i32
      %mul3A_171 = arith.muli %scan3A_16, %mul3A_170 : i32
      %add3A_172 = arith.constant 11 : i32
      %add3A_173 = arith.addi %mul3A_171, %add3A_172 : i32
      %mul3A_174 = arith.constant 128 : i32
      %mul3A_175 = arith.muli %add3A_173, %mul3A_174 : i32
      %dma_start3A_176 = arith.constant 0 : i32
      %dma_start3A_177 = tpu.memref_slice %arg7[%mul3A_175, %dma_start3A_176] : memref<5120x16xf32, #tpu.memory_space<vmem>> -> memref<128x16xf32, #tpu.memory_space<vmem>>
      %dma_start3A_178 = arith.constant 0 : i32
      %dma_start3A_179 = tpu.memref_slice %arg6[%add3A_173, %dma_start3A_178] : memref<40x128xi32, #tpu.memory_space<vmem>> -> memref<1x128xi32, #tpu.memory_space<vmem>>
      %dma_start3A_180 = tpu.memref_squeeze %dma_start3A_179 : memref<1x128xi32, #tpu.memory_space<vmem>> -> memref<128xi32, #tpu.memory_space<vmem>>
      %dma_start3A_181 = arith.constant 0 : i32
      %dma_start3A_182 = arith.constant 0 : i32
      %dma_start3A_183 = tpu.memref_slice %arg9[%dma_start3A_181, %dma_start3A_182] : memref<10048x16xf32, #tpu.memory_space<vmem_shared>> -> memref<10048x16xf32, #tpu.memory_space<vmem_shared>>
      tpu.enqueue_indirect_dma source(%dma_start3A_177 : memref<128x16xf32, #tpu.memory_space<vmem>>) target(%dma_start3A_183 : memref<10048x16xf32, #tpu.memory_space<vmem_shared>>) offsets(%dma_start3A_180 : memref<128xi32, #tpu.memory_space<vmem>>) semaphore(%arg8 : memref<!tpu.dma_semaphore, #tpu.memory_space<semaphore_mem>>) {add = true}
      %mul3A_184 = arith.constant 20 : i32
      %mul3A_185 = arith.muli %scan3A_16, %mul3A_184 : i32
      %add3A_186 = arith.constant 12 : i32
      %add3A_187 = arith.addi %mul3A_185, %add3A_186 : i32
      %mul3A_188 = arith.constant 128 : i32
      %mul3A_189 = arith.muli %add3A_187, %mul3A_188 : i32
      %dma_start3A_190 = arith.constant 0 : i32
      %dma_start3A_191 = tpu.memref_slice %arg7[%mul3A_189, %dma_start3A_190] : memref<5120x16xf32, #tpu.memory_space<vmem>> -> memref<128x16xf32, #tpu.memory_space<vmem>>
      %dma_start3A_192 = arith.constant 0 : i32
      %dma_start3A_193 = tpu.memref_slice %arg6[%add3A_187, %dma_start3A_192] : memref<40x128xi32, #tpu.memory_space<vmem>> -> memref<1x128xi32, #tpu.memory_space<vmem>>
      %dma_start3A_194 = tpu.memref_squeeze %dma_start3A_193 : memref<1x128xi32, #tpu.memory_space<vmem>> -> memref<128xi32, #tpu.memory_space<vmem>>
      %dma_start3A_195 = arith.constant 0 : i32
      %dma_start3A_196 = arith.constant 0 : i32
      %dma_start3A_197 = tpu.memref_slice %arg9[%dma_start3A_195, %dma_start3A_196] : memref<10048x16xf32, #tpu.memory_space<vmem_shared>> -> memref<10048x16xf32, #tpu.memory_space<vmem_shared>>
      tpu.enqueue_indirect_dma source(%dma_start3A_191 : memref<128x16xf32, #tpu.memory_space<vmem>>) target(%dma_start3A_197 : memref<10048x16xf32, #tpu.memory_space<vmem_shared>>) offsets(%dma_start3A_194 : memref<128xi32, #tpu.memory_space<vmem>>) semaphore(%arg8 : memref<!tpu.dma_semaphore, #tpu.memory_space<semaphore_mem>>) {add = true}
      %mul3A_198 = arith.constant 20 : i32
      %mul3A_199 = arith.muli %scan3A_16, %mul3A_198 : i32
      %add3A_200 = arith.constant 13 : i32
      %add3A_201 = arith.addi %mul3A_199, %add3A_200 : i32
      %mul3A_202 = arith.constant 128 : i32
      %mul3A_203 = arith.muli %add3A_201, %mul3A_202 : i32
      %dma_start3A_204 = arith.constant 0 : i32
      %dma_start3A_205 = tpu.memref_slice %arg7[%mul3A_203, %dma_start3A_204] : memref<5120x16xf32, #tpu.memory_space<vmem>> -> memref<128x16xf32, #tpu.memory_space<vmem>>
      %dma_start3A_206 = arith.constant 0 : i32
      %dma_start3A_207 = tpu.memref_slice %arg6[%add3A_201, %dma_start3A_206] : memref<40x128xi32, #tpu.memory_space<vmem>> -> memref<1x128xi32, #tpu.memory_space<vmem>>
      %dma_start3A_208 = tpu.memref_squeeze %dma_start3A_207 : memref<1x128xi32, #tpu.memory_space<vmem>> -> memref<128xi32, #tpu.memory_space<vmem>>
      %dma_start3A_209 = arith.constant 0 : i32
      %dma_start3A_210 = arith.constant 0 : i32
      %dma_start3A_211 = tpu.memref_slice %arg9[%dma_start3A_209, %dma_start3A_210] : memref<10048x16xf32, #tpu.memory_space<vmem_shared>> -> memref<10048x16xf32, #tpu.memory_space<vmem_shared>>
      tpu.enqueue_indirect_dma source(%dma_start3A_205 : memref<128x16xf32, #tpu.memory_space<vmem>>) target(%dma_start3A_211 : memref<10048x16xf32, #tpu.memory_space<vmem_shared>>) offsets(%dma_start3A_208 : memref<128xi32, #tpu.memory_space<vmem>>) semaphore(%arg8 : memref<!tpu.dma_semaphore, #tpu.memory_space<semaphore_mem>>) {add = true}
      %mul3A_212 = arith.constant 20 : i32
      %mul3A_213 = arith.muli %scan3A_16, %mul3A_212 : i32
      %add3A_214 = arith.constant 14 : i32
      %add3A_215 = arith.addi %mul3A_213, %add3A_214 : i32
      %mul3A_216 = arith.constant 128 : i32
      %mul3A_217 = arith.muli %add3A_215, %mul3A_216 : i32
      %dma_start3A_218 = arith.constant 0 : i32
      %dma_start3A_219 = tpu.memref_slice %arg7[%mul3A_217, %dma_start3A_218] : memref<5120x16xf32, #tpu.memory_space<vmem>> -> memref<128x16xf32, #tpu.memory_space<vmem>>
      %dma_start3A_220 = arith.constant 0 : i32
      %dma_start3A_221 = tpu.memref_slice %arg6[%add3A_215, %dma_start3A_220] : memref<40x128xi32, #tpu.memory_space<vmem>> -> memref<1x128xi32, #tpu.memory_space<vmem>>
      %dma_start3A_222 = tpu.memref_squeeze %dma_start3A_221 : memref<1x128xi32, #tpu.memory_space<vmem>> -> memref<128xi32, #tpu.memory_space<vmem>>
      %dma_start3A_223 = arith.constant 0 : i32
      %dma_start3A_224 = arith.constant 0 : i32
      %dma_start3A_225 = tpu.memref_slice %arg9[%dma_start3A_223, %dma_start3A_224] : memref<10048x16xf32, #tpu.memory_space<vmem_shared>> -> memref<10048x16xf32, #tpu.memory_space<vmem_shared>>
      tpu.enqueue_indirect_dma source(%dma_start3A_219 : memref<128x16xf32, #tpu.memory_space<vmem>>) target(%dma_start3A_225 : memref<10048x16xf32, #tpu.memory_space<vmem_shared>>) offsets(%dma_start3A_222 : memref<128xi32, #tpu.memory_space<vmem>>) semaphore(%arg8 : memref<!tpu.dma_semaphore, #tpu.memory_space<semaphore_mem>>) {add = true}
      %mul3A_226 = arith.constant 20 : i32
      %mul3A_227 = arith.muli %scan3A_16, %mul3A_226 : i32
      %add3A_228 = arith.constant 15 : i32
      %add3A_229 = arith.addi %mul3A_227, %add3A_228 : i32
      %mul3A_230 = arith.constant 128 : i32
      %mul3A_231 = arith.muli %add3A_229, %mul3A_230 : i32
      %dma_start3A_232 = arith.constant 0 : i32
      %dma_start3A_233 = tpu.memref_slice %arg7[%mul3A_231, %dma_start3A_232] : memref<5120x16xf32, #tpu.memory_space<vmem>> -> memref<128x16xf32, #tpu.memory_space<vmem>>
      %dma_start3A_234 = arith.constant 0 : i32
      %dma_start3A_235 = tpu.memref_slice %arg6[%add3A_229, %dma_start3A_234] : memref<40x128xi32, #tpu.memory_space<vmem>> -> memref<1x128xi32, #tpu.memory_space<vmem>>
      %dma_start3A_236 = tpu.memref_squeeze %dma_start3A_235 : memref<1x128xi32, #tpu.memory_space<vmem>> -> memref<128xi32, #tpu.memory_space<vmem>>
      %dma_start3A_237 = arith.constant 0 : i32
      %dma_start3A_238 = arith.constant 0 : i32
      %dma_start3A_239 = tpu.memref_slice %arg9[%dma_start3A_237, %dma_start3A_238] : memref<10048x16xf32, #tpu.memory_space<vmem_shared>> -> memref<10048x16xf32, #tpu.memory_space<vmem_shared>>
      tpu.enqueue_indirect_dma source(%dma_start3A_233 : memref<128x16xf32, #tpu.memory_space<vmem>>) target(%dma_start3A_239 : memref<10048x16xf32, #tpu.memory_space<vmem_shared>>) offsets(%dma_start3A_236 : memref<128xi32, #tpu.memory_space<vmem>>) semaphore(%arg8 : memref<!tpu.dma_semaphore, #tpu.memory_space<semaphore_mem>>) {add = true}
      %mul3A_240 = arith.constant 20 : i32
      %mul3A_241 = arith.muli %scan3A_16, %mul3A_240 : i32
      %add3A_242 = arith.constant 16 : i32
      %add3A_243 = arith.addi %mul3A_241, %add3A_242 : i32
      %mul3A_244 = arith.constant 128 : i32
      %mul3A_245 = arith.muli %add3A_243, %mul3A_244 : i32
      %dma_start3A_246 = arith.constant 0 : i32
      %dma_start3A_247 = tpu.memref_slice %arg7[%mul3A_245, %dma_start3A_246] : memref<5120x16xf32, #tpu.memory_space<vmem>> -> memref<128x16xf32, #tpu.memory_space<vmem>>
      %dma_start3A_248 = arith.constant 0 : i32
      %dma_start3A_249 = tpu.memref_slice %arg6[%add3A_243, %dma_start3A_248] : memref<40x128xi32, #tpu.memory_space<vmem>> -> memref<1x128xi32, #tpu.memory_space<vmem>>
      %dma_start3A_250 = tpu.memref_squeeze %dma_start3A_249 : memref<1x128xi32, #tpu.memory_space<vmem>> -> memref<128xi32, #tpu.memory_space<vmem>>
      %dma_start3A_251 = arith.constant 0 : i32
      %dma_start3A_252 = arith.constant 0 : i32
      %dma_start3A_253 = tpu.memref_slice %arg9[%dma_start3A_251, %dma_start3A_252] : memref<10048x16xf32, #tpu.memory_space<vmem_shared>> -> memref<10048x16xf32, #tpu.memory_space<vmem_shared>>
      tpu.enqueue_indirect_dma source(%dma_start3A_247 : memref<128x16xf32, #tpu.memory_space<vmem>>) target(%dma_start3A_253 : memref<10048x16xf32, #tpu.memory_space<vmem_shared>>) offsets(%dma_start3A_250 : memref<128xi32, #tpu.memory_space<vmem>>) semaphore(%arg8 : memref<!tpu.dma_semaphore, #tpu.memory_space<semaphore_mem>>) {add = true}
      %mul3A_254 = arith.constant 20 : i32
      %mul3A_255 = arith.muli %scan3A_16, %mul3A_254 : i32
      %add3A_256 = arith.constant 17 : i32
      %add3A_257 = arith.addi %mul3A_255, %add3A_256 : i32
      %mul3A_258 = arith.constant 128 : i32
      %mul3A_259 = arith.muli %add3A_257, %mul3A_258 : i32
      %dma_start3A_260 = arith.constant 0 : i32
      %dma_start3A_261 = tpu.memref_slice %arg7[%mul3A_259, %dma_start3A_260] : memref<5120x16xf32, #tpu.memory_space<vmem>> -> memref<128x16xf32, #tpu.memory_space<vmem>>
      %dma_start3A_262 = arith.constant 0 : i32
      %dma_start3A_263 = tpu.memref_slice %arg6[%add3A_257, %dma_start3A_262] : memref<40x128xi32, #tpu.memory_space<vmem>> -> memref<1x128xi32, #tpu.memory_space<vmem>>
      %dma_start3A_264 = tpu.memref_squeeze %dma_start3A_263 : memref<1x128xi32, #tpu.memory_space<vmem>> -> memref<128xi32, #tpu.memory_space<vmem>>
      %dma_start3A_265 = arith.constant 0 : i32
      %dma_start3A_266 = arith.constant 0 : i32
      %dma_start3A_267 = tpu.memref_slice %arg9[%dma_start3A_265, %dma_start3A_266] : memref<10048x16xf32, #tpu.memory_space<vmem_shared>> -> memref<10048x16xf32, #tpu.memory_space<vmem_shared>>
      tpu.enqueue_indirect_dma source(%dma_start3A_261 : memref<128x16xf32, #tpu.memory_space<vmem>>) target(%dma_start3A_267 : memref<10048x16xf32, #tpu.memory_space<vmem_shared>>) offsets(%dma_start3A_264 : memref<128xi32, #tpu.memory_space<vmem>>) semaphore(%arg8 : memref<!tpu.dma_semaphore, #tpu.memory_space<semaphore_mem>>) {add = true}
      %mul3A_268 = arith.constant 20 : i32
      %mul3A_269 = arith.muli %scan3A_16, %mul3A_268 : i32
      %add3A_270 = arith.constant 18 : i32
      %add3A_271 = arith.addi %mul3A_269, %add3A_270 : i32
      %mul3A_272 = arith.constant 128 : i32
      %mul3A_273 = arith.muli %add3A_271, %mul3A_272 : i32
      %dma_start3A_274 = arith.constant 0 : i32
      %dma_start3A_275 = tpu.memref_slice %arg7[%mul3A_273, %dma_start3A_274] : memref<5120x16xf32, #tpu.memory_space<vmem>> -> memref<128x16xf32, #tpu.memory_space<vmem>>
      %dma_start3A_276 = arith.constant 0 : i32
      %dma_start3A_277 = tpu.memref_slice %arg6[%add3A_271, %dma_start3A_276] : memref<40x128xi32, #tpu.memory_space<vmem>> -> memref<1x128xi32, #tpu.memory_space<vmem>>
      %dma_start3A_278 = tpu.memref_squeeze %dma_start3A_277 : memref<1x128xi32, #tpu.memory_space<vmem>> -> memref<128xi32, #tpu.memory_space<vmem>>
      %dma_start3A_279 = arith.constant 0 : i32
      %dma_start3A_280 = arith.constant 0 : i32
      %dma_start3A_281 = tpu.memref_slice %arg9[%dma_start3A_279, %dma_start3A_280] : memref<10048x16xf32, #tpu.memory_space<vmem_shared>> -> memref<10048x16xf32, #tpu.memory_space<vmem_shared>>
      tpu.enqueue_indirect_dma source(%dma_start3A_275 : memref<128x16xf32, #tpu.memory_space<vmem>>) target(%dma_start3A_281 : memref<10048x16xf32, #tpu.memory_space<vmem_shared>>) offsets(%dma_start3A_278 : memref<128xi32, #tpu.memory_space<vmem>>) semaphore(%arg8 : memref<!tpu.dma_semaphore, #tpu.memory_space<semaphore_mem>>) {add = true}
      %mul3A_282 = arith.constant 20 : i32
      %mul3A_283 = arith.muli %scan3A_16, %mul3A_282 : i32
      %add3A_284 = arith.constant 19 : i32
      %add3A_285 = arith.addi %mul3A_283, %add3A_284 : i32
      %mul3A_286 = arith.constant 128 : i32
      %mul3A_287 = arith.muli %add3A_285, %mul3A_286 : i32
      %dma_start3A_288 = arith.constant 0 : i32
      %dma_start3A_289 = tpu.memref_slice %arg7[%mul3A_287, %dma_start3A_288] : memref<5120x16xf32, #tpu.memory_space<vmem>> -> memref<128x16xf32, #tpu.memory_space<vmem>>
      %dma_start3A_290 = arith.constant 0 : i32
      %dma_start3A_291 = tpu.memref_slice %arg6[%add3A_285, %dma_start3A_290] : memref<40x128xi32, #tpu.memory_space<vmem>> -> memref<1x128xi32, #tpu.memory_space<vmem>>
      %dma_start3A_292 = tpu.memref_squeeze %dma_start3A_291 : memref<1x128xi32, #tpu.memory_space<vmem>> -> memref<128xi32, #tpu.memory_space<vmem>>
      %dma_start3A_293 = arith.constant 0 : i32
      %dma_start3A_294 = arith.constant 0 : i32
      %dma_start3A_295 = tpu.memref_slice %arg9[%dma_start3A_293, %dma_start3A_294] : memref<10048x16xf32, #tpu.memory_space<vmem_shared>> -> memref<10048x16xf32, #tpu.memory_space<vmem_shared>>
      tpu.enqueue_indirect_dma source(%dma_start3A_289 : memref<128x16xf32, #tpu.memory_space<vmem>>) target(%dma_start3A_295 : memref<10048x16xf32, #tpu.memory_space<vmem_shared>>) offsets(%dma_start3A_292 : memref<128xi32, #tpu.memory_space<vmem>>) semaphore(%arg8 : memref<!tpu.dma_semaphore, #tpu.memory_space<semaphore_mem>>) {add = true}
      %dma_wait3A = arith.constant 0 : i32
      %dma_wait3A_296 = tpu.memref_slice %arg7[%mul3A_22, %dma_wait3A] : memref<5120x16xf32, #tpu.memory_space<vmem>> -> memref<128x16xf32, #tpu.memory_space<vmem>>
      %dma_wait3A_297 = arith.constant 0 : i32
      %dma_wait3A_298 = tpu.memref_slice %arg6[%add3A_20, %dma_wait3A_297] : memref<40x128xi32, #tpu.memory_space<vmem>> -> memref<1x128xi32, #tpu.memory_space<vmem>>
      %dma_wait3A_299 = tpu.memref_squeeze %dma_wait3A_298 : memref<1x128xi32, #tpu.memory_space<vmem>> -> memref<128xi32, #tpu.memory_space<vmem>>
      %dma_wait3A_300 = arith.constant 0 : i32
      %dma_wait3A_301 = arith.constant 0 : i32
      %dma_wait3A_302 = tpu.memref_slice %arg9[%dma_wait3A_300, %dma_wait3A_301] : memref<10048x16xf32, #tpu.memory_space<vmem_shared>> -> memref<10048x16xf32, #tpu.memory_space<vmem_shared>>
      tpu.wait_indirect_dma semaphore(%arg8 : memref<!tpu.dma_semaphore, #tpu.memory_space<semaphore_mem>>) src(%dma_wait3A_296 : memref<128x16xf32, #tpu.memory_space<vmem>>) dst(%dma_wait3A_302 : memref<10048x16xf32, #tpu.memory_space<vmem_shared>>)
      %dma_wait3A_303 = arith.constant 0 : i32
      %dma_wait3A_304 = tpu.memref_slice %arg7[%mul3A_35, %dma_wait3A_303] : memref<5120x16xf32, #tpu.memory_space<vmem>> -> memref<128x16xf32, #tpu.memory_space<vmem>>
      %dma_wait3A_305 = arith.constant 0 : i32
      %dma_wait3A_306 = tpu.memref_slice %arg6[%add3A_33, %dma_wait3A_305] : memref<40x128xi32, #tpu.memory_space<vmem>> -> memref<1x128xi32, #tpu.memory_space<vmem>>
      %dma_wait3A_307 = tpu.memref_squeeze %dma_wait3A_306 : memref<1x128xi32, #tpu.memory_space<vmem>> -> memref<128xi32, #tpu.memory_space<vmem>>
      %dma_wait3A_308 = arith.constant 0 : i32
      %dma_wait3A_309 = arith.constant 0 : i32
      %dma_wait3A_310 = tpu.memref_slice %arg9[%dma_wait3A_308, %dma_wait3A_309] : memref<10048x16xf32, #tpu.memory_space<vmem_shared>> -> memref<10048x16xf32, #tpu.memory_space<vmem_shared>>
      tpu.wait_indirect_dma semaphore(%arg8 : memref<!tpu.dma_semaphore, #tpu.memory_space<semaphore_mem>>) src(%dma_wait3A_304 : memref<128x16xf32, #tpu.memory_space<vmem>>) dst(%dma_wait3A_310 : memref<10048x16xf32, #tpu.memory_space<vmem_shared>>)
      %dma_wait3A_311 = arith.constant 0 : i32
      %dma_wait3A_312 = tpu.memref_slice %arg7[%mul3A_49, %dma_wait3A_311] : memref<5120x16xf32, #tpu.memory_space<vmem>> -> memref<128x16xf32, #tpu.memory_space<vmem>>
      %dma_wait3A_313 = arith.constant 0 : i32
      %dma_wait3A_314 = tpu.memref_slice %arg6[%add3A_47, %dma_wait3A_313] : memref<40x128xi32, #tpu.memory_space<vmem>> -> memref<1x128xi32, #tpu.memory_space<vmem>>
      %dma_wait3A_315 = tpu.memref_squeeze %dma_wait3A_314 : memref<1x128xi32, #tpu.memory_space<vmem>> -> memref<128xi32, #tpu.memory_space<vmem>>
      %dma_wait3A_316 = arith.constant 0 : i32
      %dma_wait3A_317 = arith.constant 0 : i32
      %dma_wait3A_318 = tpu.memref_slice %arg9[%dma_wait3A_316, %dma_wait3A_317] : memref<10048x16xf32, #tpu.memory_space<vmem_shared>> -> memref<10048x16xf32, #tpu.memory_space<vmem_shared>>
      tpu.wait_indirect_dma semaphore(%arg8 : memref<!tpu.dma_semaphore, #tpu.memory_space<semaphore_mem>>) src(%dma_wait3A_312 : memref<128x16xf32, #tpu.memory_space<vmem>>) dst(%dma_wait3A_318 : memref<10048x16xf32, #tpu.memory_space<vmem_shared>>)
      %dma_wait3A_319 = arith.constant 0 : i32
      %dma_wait3A_320 = tpu.memref_slice %arg7[%mul3A_63, %dma_wait3A_319] : memref<5120x16xf32, #tpu.memory_space<vmem>> -> memref<128x16xf32, #tpu.memory_space<vmem>>
      %dma_wait3A_321 = arith.constant 0 : i32
      %dma_wait3A_322 = tpu.memref_slice %arg6[%add3A_61, %dma_wait3A_321] : memref<40x128xi32, #tpu.memory_space<vmem>> -> memref<1x128xi32, #tpu.memory_space<vmem>>
      %dma_wait3A_323 = tpu.memref_squeeze %dma_wait3A_322 : memref<1x128xi32, #tpu.memory_space<vmem>> -> memref<128xi32, #tpu.memory_space<vmem>>
      %dma_wait3A_324 = arith.constant 0 : i32
      %dma_wait3A_325 = arith.constant 0 : i32
      %dma_wait3A_326 = tpu.memref_slice %arg9[%dma_wait3A_324, %dma_wait3A_325] : memref<10048x16xf32, #tpu.memory_space<vmem_shared>> -> memref<10048x16xf32, #tpu.memory_space<vmem_shared>>
      tpu.wait_indirect_dma semaphore(%arg8 : memref<!tpu.dma_semaphore, #tpu.memory_space<semaphore_mem>>) src(%dma_wait3A_320 : memref<128x16xf32, #tpu.memory_space<vmem>>) dst(%dma_wait3A_326 : memref<10048x16xf32, #tpu.memory_space<vmem_shared>>)
      %dma_wait3A_327 = arith.constant 0 : i32
      %dma_wait3A_328 = tpu.memref_slice %arg7[%mul3A_77, %dma_wait3A_327] : memref<5120x16xf32, #tpu.memory_space<vmem>> -> memref<128x16xf32, #tpu.memory_space<vmem>>
      %dma_wait3A_329 = arith.constant 0 : i32
      %dma_wait3A_330 = tpu.memref_slice %arg6[%add3A_75, %dma_wait3A_329] : memref<40x128xi32, #tpu.memory_space<vmem>> -> memref<1x128xi32, #tpu.memory_space<vmem>>
      %dma_wait3A_331 = tpu.memref_squeeze %dma_wait3A_330 : memref<1x128xi32, #tpu.memory_space<vmem>> -> memref<128xi32, #tpu.memory_space<vmem>>
      %dma_wait3A_332 = arith.constant 0 : i32
      %dma_wait3A_333 = arith.constant 0 : i32
      %dma_wait3A_334 = tpu.memref_slice %arg9[%dma_wait3A_332, %dma_wait3A_333] : memref<10048x16xf32, #tpu.memory_space<vmem_shared>> -> memref<10048x16xf32, #tpu.memory_space<vmem_shared>>
      tpu.wait_indirect_dma semaphore(%arg8 : memref<!tpu.dma_semaphore, #tpu.memory_space<semaphore_mem>>) src(%dma_wait3A_328 : memref<128x16xf32, #tpu.memory_space<vmem>>) dst(%dma_wait3A_334 : memref<10048x16xf32, #tpu.memory_space<vmem_shared>>)
      %dma_wait3A_335 = arith.constant 0 : i32
      %dma_wait3A_336 = tpu.memref_slice %arg7[%mul3A_91, %dma_wait3A_335] : memref<5120x16xf32, #tpu.memory_space<vmem>> -> memref<128x16xf32, #tpu.memory_space<vmem>>
      %dma_wait3A_337 = arith.constant 0 : i32
      %dma_wait3A_338 = tpu.memref_slice %arg6[%add3A_89, %dma_wait3A_337] : memref<40x128xi32, #tpu.memory_space<vmem>> -> memref<1x128xi32, #tpu.memory_space<vmem>>
      %dma_wait3A_339 = tpu.memref_squeeze %dma_wait3A_338 : memref<1x128xi32, #tpu.memory_space<vmem>> -> memref<128xi32, #tpu.memory_space<vmem>>
      %dma_wait3A_340 = arith.constant 0 : i32
      %dma_wait3A_341 = arith.constant 0 : i32
      %dma_wait3A_342 = tpu.memref_slice %arg9[%dma_wait3A_340, %dma_wait3A_341] : memref<10048x16xf32, #tpu.memory_space<vmem_shared>> -> memref<10048x16xf32, #tpu.memory_space<vmem_shared>>
      tpu.wait_indirect_dma semaphore(%arg8 : memref<!tpu.dma_semaphore, #tpu.memory_space<semaphore_mem>>) src(%dma_wait3A_336 : memref<128x16xf32, #tpu.memory_space<vmem>>) dst(%dma_wait3A_342 : memref<10048x16xf32, #tpu.memory_space<vmem_shared>>)
      %dma_wait3A_343 = arith.constant 0 : i32
      %dma_wait3A_344 = tpu.memref_slice %arg7[%mul3A_105, %dma_wait3A_343] : memref<5120x16xf32, #tpu.memory_space<vmem>> -> memref<128x16xf32, #tpu.memory_space<vmem>>
      %dma_wait3A_345 = arith.constant 0 : i32
      %dma_wait3A_346 = tpu.memref_slice %arg6[%add3A_103, %dma_wait3A_345] : memref<40x128xi32, #tpu.memory_space<vmem>> -> memref<1x128xi32, #tpu.memory_space<vmem>>
      %dma_wait3A_347 = tpu.memref_squeeze %dma_wait3A_346 : memref<1x128xi32, #tpu.memory_space<vmem>> -> memref<128xi32, #tpu.memory_space<vmem>>
      %dma_wait3A_348 = arith.constant 0 : i32
      %dma_wait3A_349 = arith.constant 0 : i32
      %dma_wait3A_350 = tpu.memref_slice %arg9[%dma_wait3A_348, %dma_wait3A_349] : memref<10048x16xf32, #tpu.memory_space<vmem_shared>> -> memref<10048x16xf32, #tpu.memory_space<vmem_shared>>
      tpu.wait_indirect_dma semaphore(%arg8 : memref<!tpu.dma_semaphore, #tpu.memory_space<semaphore_mem>>) src(%dma_wait3A_344 : memref<128x16xf32, #tpu.memory_space<vmem>>) dst(%dma_wait3A_350 : memref<10048x16xf32, #tpu.memory_space<vmem_shared>>)
      %dma_wait3A_351 = arith.constant 0 : i32
      %dma_wait3A_352 = tpu.memref_slice %arg7[%mul3A_119, %dma_wait3A_351] : memref<5120x16xf32, #tpu.memory_space<vmem>> -> memref<128x16xf32, #tpu.memory_space<vmem>>
      %dma_wait3A_353 = arith.constant 0 : i32
      %dma_wait3A_354 = tpu.memref_slice %arg6[%add3A_117, %dma_wait3A_353] : memref<40x128xi32, #tpu.memory_space<vmem>> -> memref<1x128xi32, #tpu.memory_space<vmem>>
      %dma_wait3A_355 = tpu.memref_squeeze %dma_wait3A_354 : memref<1x128xi32, #tpu.memory_space<vmem>> -> memref<128xi32, #tpu.memory_space<vmem>>
      %dma_wait3A_356 = arith.constant 0 : i32
      %dma_wait3A_357 = arith.constant 0 : i32
      %dma_wait3A_358 = tpu.memref_slice %arg9[%dma_wait3A_356, %dma_wait3A_357] : memref<10048x16xf32, #tpu.memory_space<vmem_shared>> -> memref<10048x16xf32, #tpu.memory_space<vmem_shared>>
      tpu.wait_indirect_dma semaphore(%arg8 : memref<!tpu.dma_semaphore, #tpu.memory_space<semaphore_mem>>) src(%dma_wait3A_352 : memref<128x16xf32, #tpu.memory_space<vmem>>) dst(%dma_wait3A_358 : memref<10048x16xf32, #tpu.memory_space<vmem_shared>>)
      %dma_wait3A_359 = arith.constant 0 : i32
      %dma_wait3A_360 = tpu.memref_slice %arg7[%mul3A_133, %dma_wait3A_359] : memref<5120x16xf32, #tpu.memory_space<vmem>> -> memref<128x16xf32, #tpu.memory_space<vmem>>
      %dma_wait3A_361 = arith.constant 0 : i32
      %dma_wait3A_362 = tpu.memref_slice %arg6[%add3A_131, %dma_wait3A_361] : memref<40x128xi32, #tpu.memory_space<vmem>> -> memref<1x128xi32, #tpu.memory_space<vmem>>
      %dma_wait3A_363 = tpu.memref_squeeze %dma_wait3A_362 : memref<1x128xi32, #tpu.memory_space<vmem>> -> memref<128xi32, #tpu.memory_space<vmem>>
      %dma_wait3A_364 = arith.constant 0 : i32
      %dma_wait3A_365 = arith.constant 0 : i32
      %dma_wait3A_366 = tpu.memref_slice %arg9[%dma_wait3A_364, %dma_wait3A_365] : memref<10048x16xf32, #tpu.memory_space<vmem_shared>> -> memref<10048x16xf32, #tpu.memory_space<vmem_shared>>
      tpu.wait_indirect_dma semaphore(%arg8 : memref<!tpu.dma_semaphore, #tpu.memory_space<semaphore_mem>>) src(%dma_wait3A_360 : memref<128x16xf32, #tpu.memory_space<vmem>>) dst(%dma_wait3A_366 : memref<10048x16xf32, #tpu.memory_space<vmem_shared>>)
      %dma_wait3A_367 = arith.constant 0 : i32
      %dma_wait3A_368 = tpu.memref_slice %arg7[%mul3A_147, %dma_wait3A_367] : memref<5120x16xf32, #tpu.memory_space<vmem>> -> memref<128x16xf32, #tpu.memory_space<vmem>>
      %dma_wait3A_369 = arith.constant 0 : i32
      %dma_wait3A_370 = tpu.memref_slice %arg6[%add3A_145, %dma_wait3A_369] : memref<40x128xi32, #tpu.memory_space<vmem>> -> memref<1x128xi32, #tpu.memory_space<vmem>>
      %dma_wait3A_371 = tpu.memref_squeeze %dma_wait3A_370 : memref<1x128xi32, #tpu.memory_space<vmem>> -> memref<128xi32, #tpu.memory_space<vmem>>
      %dma_wait3A_372 = arith.constant 0 : i32
      %dma_wait3A_373 = arith.constant 0 : i32
      %dma_wait3A_374 = tpu.memref_slice %arg9[%dma_wait3A_372, %dma_wait3A_373] : memref<10048x16xf32, #tpu.memory_space<vmem_shared>> -> memref<10048x16xf32, #tpu.memory_space<vmem_shared>>
      tpu.wait_indirect_dma semaphore(%arg8 : memref<!tpu.dma_semaphore, #tpu.memory_space<semaphore_mem>>) src(%dma_wait3A_368 : memref<128x16xf32, #tpu.memory_space<vmem>>) dst(%dma_wait3A_374 : memref<10048x16xf32, #tpu.memory_space<vmem_shared>>)
      %dma_wait3A_375 = arith.constant 0 : i32
      %dma_wait3A_376 = tpu.memref_slice %arg7[%mul3A_161, %dma_wait3A_375] : memref<5120x16xf32, #tpu.memory_space<vmem>> -> memref<128x16xf32, #tpu.memory_space<vmem>>
      %dma_wait3A_377 = arith.constant 0 : i32
      %dma_wait3A_378 = tpu.memref_slice %arg6[%add3A_159, %dma_wait3A_377] : memref<40x128xi32, #tpu.memory_space<vmem>> -> memref<1x128xi32, #tpu.memory_space<vmem>>
      %dma_wait3A_379 = tpu.memref_squeeze %dma_wait3A_378 : memref<1x128xi32, #tpu.memory_space<vmem>> -> memref<128xi32, #tpu.memory_space<vmem>>
      %dma_wait3A_380 = arith.constant 0 : i32
      %dma_wait3A_381 = arith.constant 0 : i32
      %dma_wait3A_382 = tpu.memref_slice %arg9[%dma_wait3A_380, %dma_wait3A_381] : memref<10048x16xf32, #tpu.memory_space<vmem_shared>> -> memref<10048x16xf32, #tpu.memory_space<vmem_shared>>
      tpu.wait_indirect_dma semaphore(%arg8 : memref<!tpu.dma_semaphore, #tpu.memory_space<semaphore_mem>>) src(%dma_wait3A_376 : memref<128x16xf32, #tpu.memory_space<vmem>>) dst(%dma_wait3A_382 : memref<10048x16xf32, #tpu.memory_space<vmem_shared>>)
      %dma_wait3A_383 = arith.constant 0 : i32
      %dma_wait3A_384 = tpu.memref_slice %arg7[%mul3A_175, %dma_wait3A_383] : memref<5120x16xf32, #tpu.memory_space<vmem>> -> memref<128x16xf32, #tpu.memory_space<vmem>>
      %dma_wait3A_385 = arith.constant 0 : i32
      %dma_wait3A_386 = tpu.memref_slice %arg6[%add3A_173, %dma_wait3A_385] : memref<40x128xi32, #tpu.memory_space<vmem>> -> memref<1x128xi32, #tpu.memory_space<vmem>>
      %dma_wait3A_387 = tpu.memref_squeeze %dma_wait3A_386 : memref<1x128xi32, #tpu.memory_space<vmem>> -> memref<128xi32, #tpu.memory_space<vmem>>
      %dma_wait3A_388 = arith.constant 0 : i32
      %dma_wait3A_389 = arith.constant 0 : i32
      %dma_wait3A_390 = tpu.memref_slice %arg9[%dma_wait3A_388, %dma_wait3A_389] : memref<10048x16xf32, #tpu.memory_space<vmem_shared>> -> memref<10048x16xf32, #tpu.memory_space<vmem_shared>>
      tpu.wait_indirect_dma semaphore(%arg8 : memref<!tpu.dma_semaphore, #tpu.memory_space<semaphore_mem>>) src(%dma_wait3A_384 : memref<128x16xf32, #tpu.memory_space<vmem>>) dst(%dma_wait3A_390 : memref<10048x16xf32, #tpu.memory_space<vmem_shared>>)
      %dma_wait3A_391 = arith.constant 0 : i32
      %dma_wait3A_392 = tpu.memref_slice %arg7[%mul3A_189, %dma_wait3A_391] : memref<5120x16xf32, #tpu.memory_space<vmem>> -> memref<128x16xf32, #tpu.memory_space<vmem>>
      %dma_wait3A_393 = arith.constant 0 : i32
      %dma_wait3A_394 = tpu.memref_slice %arg6[%add3A_187, %dma_wait3A_393] : memref<40x128xi32, #tpu.memory_space<vmem>> -> memref<1x128xi32, #tpu.memory_space<vmem>>
      %dma_wait3A_395 = tpu.memref_squeeze %dma_wait3A_394 : memref<1x128xi32, #tpu.memory_space<vmem>> -> memref<128xi32, #tpu.memory_space<vmem>>
      %dma_wait3A_396 = arith.constant 0 : i32
      %dma_wait3A_397 = arith.constant 0 : i32
      %dma_wait3A_398 = tpu.memref_slice %arg9[%dma_wait3A_396, %dma_wait3A_397] : memref<10048x16xf32, #tpu.memory_space<vmem_shared>> -> memref<10048x16xf32, #tpu.memory_space<vmem_shared>>
      tpu.wait_indirect_dma semaphore(%arg8 : memref<!tpu.dma_semaphore, #tpu.memory_space<semaphore_mem>>) src(%dma_wait3A_392 : memref<128x16xf32, #tpu.memory_space<vmem>>) dst(%dma_wait3A_398 : memref<10048x16xf32, #tpu.memory_space<vmem_shared>>)
      %dma_wait3A_399 = arith.constant 0 : i32
      %dma_wait3A_400 = tpu.memref_slice %arg7[%mul3A_203, %dma_wait3A_399] : memref<5120x16xf32, #tpu.memory_space<vmem>> -> memref<128x16xf32, #tpu.memory_space<vmem>>
      %dma_wait3A_401 = arith.constant 0 : i32
      %dma_wait3A_402 = tpu.memref_slice %arg6[%add3A_201, %dma_wait3A_401] : memref<40x128xi32, #tpu.memory_space<vmem>> -> memref<1x128xi32, #tpu.memory_space<vmem>>
      %dma_wait3A_403 = tpu.memref_squeeze %dma_wait3A_402 : memref<1x128xi32, #tpu.memory_space<vmem>> -> memref<128xi32, #tpu.memory_space<vmem>>
      %dma_wait3A_404 = arith.constant 0 : i32
      %dma_wait3A_405 = arith.constant 0 : i32
      %dma_wait3A_406 = tpu.memref_slice %arg9[%dma_wait3A_404, %dma_wait3A_405] : memref<10048x16xf32, #tpu.memory_space<vmem_shared>> -> memref<10048x16xf32, #tpu.memory_space<vmem_shared>>
      tpu.wait_indirect_dma semaphore(%arg8 : memref<!tpu.dma_semaphore, #tpu.memory_space<semaphore_mem>>) src(%dma_wait3A_400 : memref<128x16xf32, #tpu.memory_space<vmem>>) dst(%dma_wait3A_406 : memref<10048x16xf32, #tpu.memory_space<vmem_shared>>)
      %dma_wait3A_407 = arith.constant 0 : i32
      %dma_wait3A_408 = tpu.memref_slice %arg7[%mul3A_217, %dma_wait3A_407] : memref<5120x16xf32, #tpu.memory_space<vmem>> -> memref<128x16xf32, #tpu.memory_space<vmem>>
      %dma_wait3A_409 = arith.constant 0 : i32
      %dma_wait3A_410 = tpu.memref_slice %arg6[%add3A_215, %dma_wait3A_409] : memref<40x128xi32, #tpu.memory_space<vmem>> -> memref<1x128xi32, #tpu.memory_space<vmem>>
      %dma_wait3A_411 = tpu.memref_squeeze %dma_wait3A_410 : memref<1x128xi32, #tpu.memory_space<vmem>> -> memref<128xi32, #tpu.memory_space<vmem>>
      %dma_wait3A_412 = arith.constant 0 : i32
      %dma_wait3A_413 = arith.constant 0 : i32
      %dma_wait3A_414 = tpu.memref_slice %arg9[%dma_wait3A_412, %dma_wait3A_413] : memref<10048x16xf32, #tpu.memory_space<vmem_shared>> -> memref<10048x16xf32, #tpu.memory_space<vmem_shared>>
      tpu.wait_indirect_dma semaphore(%arg8 : memref<!tpu.dma_semaphore, #tpu.memory_space<semaphore_mem>>) src(%dma_wait3A_408 : memref<128x16xf32, #tpu.memory_space<vmem>>) dst(%dma_wait3A_414 : memref<10048x16xf32, #tpu.memory_space<vmem_shared>>)
      %dma_wait3A_415 = arith.constant 0 : i32
      %dma_wait3A_416 = tpu.memref_slice %arg7[%mul3A_231, %dma_wait3A_415] : memref<5120x16xf32, #tpu.memory_space<vmem>> -> memref<128x16xf32, #tpu.memory_space<vmem>>
      %dma_wait3A_417 = arith.constant 0 : i32
      %dma_wait3A_418 = tpu.memref_slice %arg6[%add3A_229, %dma_wait3A_417] : memref<40x128xi32, #tpu.memory_space<vmem>> -> memref<1x128xi32, #tpu.memory_space<vmem>>
      %dma_wait3A_419 = tpu.memref_squeeze %dma_wait3A_418 : memref<1x128xi32, #tpu.memory_space<vmem>> -> memref<128xi32, #tpu.memory_space<vmem>>
      %dma_wait3A_420 = arith.constant 0 : i32
      %dma_wait3A_421 = arith.constant 0 : i32
      %dma_wait3A_422 = tpu.memref_slice %arg9[%dma_wait3A_420, %dma_wait3A_421] : memref<10048x16xf32, #tpu.memory_space<vmem_shared>> -> memref<10048x16xf32, #tpu.memory_space<vmem_shared>>
      tpu.wait_indirect_dma semaphore(%arg8 : memref<!tpu.dma_semaphore, #tpu.memory_space<semaphore_mem>>) src(%dma_wait3A_416 : memref<128x16xf32, #tpu.memory_space<vmem>>) dst(%dma_wait3A_422 : memref<10048x16xf32, #tpu.memory_space<vmem_shared>>)
      %dma_wait3A_423 = arith.constant 0 : i32
      %dma_wait3A_424 = tpu.memref_slice %arg7[%mul3A_245, %dma_wait3A_423] : memref<5120x16xf32, #tpu.memory_space<vmem>> -> memref<128x16xf32, #tpu.memory_space<vmem>>
      %dma_wait3A_425 = arith.constant 0 : i32
      %dma_wait3A_426 = tpu.memref_slice %arg6[%add3A_243, %dma_wait3A_425] : memref<40x128xi32, #tpu.memory_space<vmem>> -> memref<1x128xi32, #tpu.memory_space<vmem>>
      %dma_wait3A_427 = tpu.memref_squeeze %dma_wait3A_426 : memref<1x128xi32, #tpu.memory_space<vmem>> -> memref<128xi32, #tpu.memory_space<vmem>>
      %dma_wait3A_428 = arith.constant 0 : i32
      %dma_wait3A_429 = arith.constant 0 : i32
      %dma_wait3A_430 = tpu.memref_slice %arg9[%dma_wait3A_428, %dma_wait3A_429] : memref<10048x16xf32, #tpu.memory_space<vmem_shared>> -> memref<10048x16xf32, #tpu.memory_space<vmem_shared>>
      tpu.wait_indirect_dma semaphore(%arg8 : memref<!tpu.dma_semaphore, #tpu.memory_space<semaphore_mem>>) src(%dma_wait3A_424 : memref<128x16xf32, #tpu.memory_space<vmem>>) dst(%dma_wait3A_430 : memref<10048x16xf32, #tpu.memory_space<vmem_shared>>)
      %dma_wait3A_431 = arith.constant 0 : i32
      %dma_wait3A_432 = tpu.memref_slice %arg7[%mul3A_259, %dma_wait3A_431] : memref<5120x16xf32, #tpu.memory_space<vmem>> -> memref<128x16xf32, #tpu.memory_space<vmem>>
      %dma_wait3A_433 = arith.constant 0 : i32
      %dma_wait3A_434 = tpu.memref_slice %arg6[%add3A_257, %dma_wait3A_433] : memref<40x128xi32, #tpu.memory_space<vmem>> -> memref<1x128xi32, #tpu.memory_space<vmem>>
      %dma_wait3A_435 = tpu.memref_squeeze %dma_wait3A_434 : memref<1x128xi32, #tpu.memory_space<vmem>> -> memref<128xi32, #tpu.memory_space<vmem>>
      %dma_wait3A_436 = arith.constant 0 : i32
      %dma_wait3A_437 = arith.constant 0 : i32
      %dma_wait3A_438 = tpu.memref_slice %arg9[%dma_wait3A_436, %dma_wait3A_437] : memref<10048x16xf32, #tpu.memory_space<vmem_shared>> -> memref<10048x16xf32, #tpu.memory_space<vmem_shared>>
      tpu.wait_indirect_dma semaphore(%arg8 : memref<!tpu.dma_semaphore, #tpu.memory_space<semaphore_mem>>) src(%dma_wait3A_432 : memref<128x16xf32, #tpu.memory_space<vmem>>) dst(%dma_wait3A_438 : memref<10048x16xf32, #tpu.memory_space<vmem_shared>>)
      %dma_wait3A_439 = arith.constant 0 : i32
      %dma_wait3A_440 = tpu.memref_slice %arg7[%mul3A_273, %dma_wait3A_439] : memref<5120x16xf32, #tpu.memory_space<vmem>> -> memref<128x16xf32, #tpu.memory_space<vmem>>
      %dma_wait3A_441 = arith.constant 0 : i32
      %dma_wait3A_442 = tpu.memref_slice %arg6[%add3A_271, %dma_wait3A_441] : memref<40x128xi32, #tpu.memory_space<vmem>> -> memref<1x128xi32, #tpu.memory_space<vmem>>
      %dma_wait3A_443 = tpu.memref_squeeze %dma_wait3A_442 : memref<1x128xi32, #tpu.memory_space<vmem>> -> memref<128xi32, #tpu.memory_space<vmem>>
      %dma_wait3A_444 = arith.constant 0 : i32
      %dma_wait3A_445 = arith.constant 0 : i32
      %dma_wait3A_446 = tpu.memref_slice %arg9[%dma_wait3A_444, %dma_wait3A_445] : memref<10048x16xf32, #tpu.memory_space<vmem_shared>> -> memref<10048x16xf32, #tpu.memory_space<vmem_shared>>
      tpu.wait_indirect_dma semaphore(%arg8 : memref<!tpu.dma_semaphore, #tpu.memory_space<semaphore_mem>>) src(%dma_wait3A_440 : memref<128x16xf32, #tpu.memory_space<vmem>>) dst(%dma_wait3A_446 : memref<10048x16xf32, #tpu.memory_space<vmem_shared>>)
      %dma_wait3A_447 = arith.constant 0 : i32
      %dma_wait3A_448 = tpu.memref_slice %arg7[%mul3A_287, %dma_wait3A_447] : memref<5120x16xf32, #tpu.memory_space<vmem>> -> memref<128x16xf32, #tpu.memory_space<vmem>>
      %dma_wait3A_449 = arith.constant 0 : i32
      %dma_wait3A_450 = tpu.memref_slice %arg6[%add3A_285, %dma_wait3A_449] : memref<40x128xi32, #tpu.memory_space<vmem>> -> memref<1x128xi32, #tpu.memory_space<vmem>>
      %dma_wait3A_451 = tpu.memref_squeeze %dma_wait3A_450 : memref<1x128xi32, #tpu.memory_space<vmem>> -> memref<128xi32, #tpu.memory_space<vmem>>
      %dma_wait3A_452 = arith.constant 0 : i32
      %dma_wait3A_453 = arith.constant 0 : i32
      %dma_wait3A_454 = tpu.memref_slice %arg9[%dma_wait3A_452, %dma_wait3A_453] : memref<10048x16xf32, #tpu.memory_space<vmem_shared>> -> memref<10048x16xf32, #tpu.memory_space<vmem_shared>>
      tpu.wait_indirect_dma semaphore(%arg8 : memref<!tpu.dma_semaphore, #tpu.memory_space<semaphore_mem>>) src(%dma_wait3A_448 : memref<128x16xf32, #tpu.memory_space<vmem>>) dst(%dma_wait3A_454 : memref<10048x16xf32, #tpu.memory_space<vmem_shared>>)
    }
    %scan3A_9 = arith.constant 2 : i32
    %barrier3A_10 = arith.constant 0 : index
    tpu.barrier barrier_id(%barrier3A_10)
    %eq3A_11 = arith.constant 0 : i32
    %eq3A_12 = arith.cmpi eq, %arg1, %eq3A_11 : i32
    %convert_element_type3A_13 = arith.extui %eq3A_12 : i1 to i32
    %cond3A_14 = arith.constant 0 : i32
    %cond3A_15 = arith.cmpi ne, %convert_element_type3A_13, %cond3A_14 : i32
    scf.if %cond3A_15 {
      "tpu.region"() ({
        %run_scoped3A = tpu.sem_alloc : memref<!tpu.dma_semaphore, #tpu.memory_space<semaphore_mem>>
        %dma_start3A = arith.constant 0 : i32
        %dma_start3A_16 = arith.constant 0 : i32
        %dma_start3A_17 = tpu.memref_slice %arg5[%arg0, %dma_start3A, %dma_start3A_16] : memref<2x10048x16xf32, #tpu.memory_space<hbm>> -> memref<1x10048x16xf32, #tpu.memory_space<hbm>>
        %dma_start3A_18 = tpu.memref_squeeze %dma_start3A_17 : memref<1x10048x16xf32, #tpu.memory_space<hbm>> -> memref<10048x16xf32, #tpu.memory_space<hbm>>
        tpu.enqueue_dma source(%arg9 : memref<10048x16xf32, #tpu.memory_space<vmem_shared>>) target(%dma_start3A_18 : memref<10048x16xf32, #tpu.memory_space<hbm>>) target_semaphore(%run_scoped3A : memref<!tpu.dma_semaphore, #tpu.memory_space<semaphore_mem>>)
        %dma_wait3A = arith.constant 0 : i32
        %dma_wait3A_19 = arith.constant 0 : i32
        %dma_wait3A_20 = tpu.memref_slice %arg5[%arg0, %dma_wait3A, %dma_wait3A_19] : memref<2x10048x16xf32, #tpu.memory_space<hbm>> -> memref<1x10048x16xf32, #tpu.memory_space<hbm>>
        %dma_wait3A_21 = tpu.memref_squeeze %dma_wait3A_20 : memref<1x10048x16xf32, #tpu.memory_space<hbm>> -> memref<10048x16xf32, #tpu.memory_space<hbm>>
        tpu.wait_dma2 semaphore(%run_scoped3A : memref<!tpu.dma_semaphore, #tpu.memory_space<semaphore_mem>>) src(%arg9 : memref<10048x16xf32, #tpu.memory_space<vmem_shared>>) dst(%dma_wait3A_21 : memref<10048x16xf32, #tpu.memory_space<hbm>>)
        tpu.yield
      }) : () -> ()
    } else {
    }
    return
  }
}

module attributes {stable_mosaic.version = 14 : i64} {
  func.func @_msg_body(%arg0: i32, %arg1: memref<4x2560xf32, #tpu.memory_space<vmem>>, %arg2: memref<2560x16xf32, #tpu.memory_space<vmem>>, %arg3: memref<4x256xf32, #tpu.memory_space<vmem>>, %arg4: memref<1x256xf32, #tpu.memory_space<vmem>>, %arg5: memref<256x256xbf16, #tpu.memory_space<vmem>>, %arg6: memref<1x256xf32, #tpu.memory_space<vmem>>, %arg7: memref<16x256xbf16, #tpu.memory_space<vmem>>, %arg8: memref<256x16xbf16, #tpu.memory_space<vmem>>, %arg9: memref<2560x16xf32, #tpu.memory_space<vmem>>) attributes {dimension_semantics = [#tpu.dimension_semantics<arbitrary>], iteration_bounds = array<i64: 64>, scalar_prefetch = 0 : i64, scratch_operands = 0 : i64, tpu.core_type = #tpu.core_type<tc>, window_params = [{transform_indices = @transform_0, window_bounds = array<i64: 4, 2560>}, {transform_indices = @transform_1, window_bounds = array<i64: 2560, 16>}, {pipeline_mode = #tpu.pipeline_mode<synchronous>, transform_indices = @transform_2, window_bounds = array<i64: 4, 256>}, {pipeline_mode = #tpu.pipeline_mode<synchronous>, transform_indices = @transform_3, window_bounds = array<i64: 1, 256>}, {pipeline_mode = #tpu.pipeline_mode<synchronous>, transform_indices = @transform_4, window_bounds = array<i64: 256, 256>}, {pipeline_mode = #tpu.pipeline_mode<synchronous>, transform_indices = @transform_5, window_bounds = array<i64: 1, 256>}, {pipeline_mode = #tpu.pipeline_mode<synchronous>, transform_indices = @transform_6, window_bounds = array<i64: 16, 256>}, {pipeline_mode = #tpu.pipeline_mode<synchronous>, transform_indices = @transform_7, window_bounds = array<i64: 256, 16>}, {transform_indices = @transform_8, window_bounds = array<i64: 2560, 16>}]} {
    %get3A = arith.constant 0 : index
    %get3A_0 = arith.constant 0 : index
    %get3A_1 = vector.load %arg1[%get3A, %get3A_0] : memref<4x2560xf32, #tpu.memory_space<vmem>>, vector<4x2560xf32>
    %transpose3A = tpu.transpose %get3A_1, [1, 0] : vector<4x2560xf32> -> vector<2560x4xf32>
    %get3A_2 = arith.constant 0 : index
    %get3A_3 = arith.constant 0 : index
    %get3A_4 = vector.load %arg3[%get3A_2, %get3A_3] : memref<4x256xf32, #tpu.memory_space<vmem>>, vector<4x256xf32>
    %dot_general3A = arith.constant dense<0.000000e+00> : vector<2560x256xf32>
    %dot_general3A_5 = tpu.matmul %transpose3A, %get3A_4, %dot_general3A {dimension_numbers = #tpu.dot_dimension_numbers<[1], [0], [0], [1], [0, 0, 1, 1], [], []>, transpose_lhs_hint = false} : vector<2560x4xf32>, vector<4x256xf32>, vector<2560x256xf32> -> vector<2560x256xf32>
    %get3A_6 = arith.constant 0 : index
    %get3A_7 = arith.constant 0 : index
    %get3A_8 = vector.load %arg4[%get3A_6, %get3A_7] : memref<1x256xf32, #tpu.memory_space<vmem>>, vector<1x256xf32>
    %add3A = vector.broadcast %get3A_8 : vector<1x256xf32> to vector<2560x256xf32>
    %add3A_9 = arith.addf %dot_general3A_5, %add3A : vector<2560x256xf32>
    %neg3A = arith.constant 0.000000e+00 : f32
    %neg3A_10 = vector.broadcast %neg3A : f32 to vector<2560x256xf32>
    %neg3A_11 = arith.subf %neg3A_10, %add3A_9 : vector<2560x256xf32>
    %exp3A = math.exp %neg3A_11 : vector<2560x256xf32>
    %add3A_12 = arith.constant 1.000000e+00 : f32
    %add3A_13 = vector.broadcast %add3A_12 : f32 to vector<2560x256xf32>
    %add3A_14 = arith.addf %add3A_13, %exp3A : vector<2560x256xf32>
    %div3A = arith.constant 1.000000e+00 : f32
    %div3A_15 = vector.broadcast %div3A : f32 to vector<2560x256xf32>
    %div3A_16 = arith.divf %div3A_15, %add3A_14 : vector<2560x256xf32>
    %mul3A = arith.mulf %add3A_9, %div3A_16 : vector<2560x256xf32>
    %convert_element_type3A = arith.truncf %mul3A : vector<2560x256xf32> to vector<2560x256xbf16>
    %get3A_17 = arith.constant 0 : index
    %get3A_18 = arith.constant 0 : index
    %get3A_19 = vector.load %arg5[%get3A_17, %get3A_18] : memref<256x256xbf16, #tpu.memory_space<vmem>>, vector<256x256xbf16>
    %dot_general3A_20 = arith.constant dense<0.000000e+00> : vector<2560x256xf32>
    %dot_general3A_21 = tpu.matmul %convert_element_type3A, %get3A_19, %dot_general3A_20 {dimension_numbers = #tpu.dot_dimension_numbers<[1], [0], [0], [1], [0, 0, 1, 1], [], []>, transpose_lhs_hint = false} : vector<2560x256xbf16>, vector<256x256xbf16>, vector<2560x256xf32> -> vector<2560x256xf32>
    %get3A_22 = arith.constant 0 : index
    %get3A_23 = arith.constant 0 : index
    %get3A_24 = vector.load %arg6[%get3A_22, %get3A_23] : memref<1x256xf32, #tpu.memory_space<vmem>>, vector<1x256xf32>
    %add3A_25 = vector.broadcast %get3A_24 : vector<1x256xf32> to vector<2560x256xf32>
    %add3A_26 = arith.addf %dot_general3A_21, %add3A_25 : vector<2560x256xf32>
    %get3A_27 = arith.constant 0 : index
    %get3A_28 = arith.constant 0 : index
    %get3A_29 = vector.load %arg2[%get3A_27, %get3A_28] : memref<2560x16xf32, #tpu.memory_space<vmem>>, vector<2560x16xf32>
    %convert_element_type3A_30 = arith.truncf %get3A_29 : vector<2560x16xf32> to vector<2560x16xbf16>
    %get3A_31 = arith.constant 0 : index
    %get3A_32 = arith.constant 0 : index
    %get3A_33 = vector.load %arg7[%get3A_31, %get3A_32] : memref<16x256xbf16, #tpu.memory_space<vmem>>, vector<16x256xbf16>
    %dot_general3A_34 = arith.constant dense<0.000000e+00> : vector<2560x256xf32>
    %dot_general3A_35 = tpu.matmul %convert_element_type3A_30, %get3A_33, %dot_general3A_34 {dimension_numbers = #tpu.dot_dimension_numbers<[1], [0], [0], [1], [0, 0, 1, 1], [], []>, transpose_lhs_hint = false} : vector<2560x16xbf16>, vector<16x256xbf16>, vector<2560x256xf32> -> vector<2560x256xf32>
    %mul3A_36 = arith.mulf %dot_general3A_35, %add3A_26 : vector<2560x256xf32>
    %convert_element_type3A_37 = arith.truncf %mul3A_36 : vector<2560x256xf32> to vector<2560x256xbf16>
    %get3A_38 = arith.constant 0 : index
    %get3A_39 = arith.constant 0 : index
    %get3A_40 = vector.load %arg8[%get3A_38, %get3A_39] : memref<256x16xbf16, #tpu.memory_space<vmem>>, vector<256x16xbf16>
    %dot_general3A_41 = arith.constant dense<0.000000e+00> : vector<2560x16xf32>
    %dot_general3A_42 = tpu.matmul %convert_element_type3A_37, %get3A_40, %dot_general3A_41 {dimension_numbers = #tpu.dot_dimension_numbers<[1], [0], [0], [1], [0, 0, 1, 1], [], []>, transpose_lhs_hint = false} : vector<2560x256xbf16>, vector<256x16xbf16>, vector<2560x16xf32> -> vector<2560x16xf32>
    %swap3A = arith.constant 0 : index
    %swap3A_43 = arith.constant 0 : index
    %swap3A_44 = vector.load %arg9[%swap3A, %swap3A_43] : memref<2560x16xf32, #tpu.memory_space<vmem>>, vector<2560x16xf32>
    tpu.vector_store %arg9[%swap3A, %swap3A_43], %dot_general3A_42 {strides = array<i32>} : memref<2560x16xf32, #tpu.memory_space<vmem>>, vector<2560x16xf32>,
    return
  }
  func.func @transform_0(%arg0: i32) -> (i32, i32) {
    %c0_i32 = arith.constant 0 : i32
    %c0_i32_0 = arith.constant 0 : i32
    return %c0_i32, %arg0 : i32, i32
  }
  func.func @transform_1(%arg0: i32) -> (i32, i32) {
    %c0_i32 = arith.constant 0 : i32
    %c0_i32_0 = arith.constant 0 : i32
    return %arg0, %c0_i32 : i32, i32
  }
  func.func @transform_2(%arg0: i32) -> (i32, i32) {
    %c0_i32 = arith.constant 0 : i32
    %c0_i32_0 = arith.constant 0 : i32
    %c0_i32_1 = arith.constant 0 : i32
    return %c0_i32, %c0_i32_0 : i32, i32
  }
  func.func @transform_3(%arg0: i32) -> (i32, i32) {
    %c0_i32 = arith.constant 0 : i32
    %c0_i32_0 = arith.constant 0 : i32
    %c0_i32_1 = arith.constant 0 : i32
    return %c0_i32, %c0_i32_0 : i32, i32
  }
  func.func @transform_4(%arg0: i32) -> (i32, i32) {
    %c0_i32 = arith.constant 0 : i32
    %c0_i32_0 = arith.constant 0 : i32
    %c0_i32_1 = arith.constant 0 : i32
    return %c0_i32, %c0_i32_0 : i32, i32
  }
  func.func @transform_5(%arg0: i32) -> (i32, i32) {
    %c0_i32 = arith.constant 0 : i32
    %c0_i32_0 = arith.constant 0 : i32
    %c0_i32_1 = arith.constant 0 : i32
    return %c0_i32, %c0_i32_0 : i32, i32
  }
  func.func @transform_6(%arg0: i32) -> (i32, i32) {
    %c0_i32 = arith.constant 0 : i32
    %c0_i32_0 = arith.constant 0 : i32
    %c0_i32_1 = arith.constant 0 : i32
    return %c0_i32, %c0_i32_0 : i32, i32
  }
  func.func @transform_7(%arg0: i32) -> (i32, i32) {
    %c0_i32 = arith.constant 0 : i32
    %c0_i32_0 = arith.constant 0 : i32
    %c0_i32_1 = arith.constant 0 : i32
    return %c0_i32, %c0_i32_0 : i32, i32
  }
  func.func @transform_8(%arg0: i32) -> (i32, i32) {
    %c0_i32 = arith.constant 0 : i32
    %c0_i32_0 = arith.constant 0 : i32
    return %arg0, %c0_i32 : i32, i32
  }
}

module attributes {stable_mosaic.version = 14 : i64} {
  func.func @_combine_body(%arg0: memref<2x10048x16xf32, #tpu.memory_space<vmem>>, %arg1: memref<2x10048x16xf32, #tpu.memory_space<vmem>>, %arg2: memref<10000x16xf32, #tpu.memory_space<vmem>>, %arg3: memref<16x16xf32, #tpu.memory_space<vmem>>, %arg4: memref<1x16xf32, #tpu.memory_space<vmem>>, %arg5: memref<10000x16xf32, #tpu.memory_space<vmem>>) attributes {dimension_semantics = [], scalar_prefetch = 0 : i64, scratch_operands = 0 : i64, tpu.core_type = #tpu.core_type<tc>} {
    %get3A = arith.constant 0 : index
    %get3A_0 = arith.constant 0 : index
    %get3A_1 = arith.constant 0 : index
    %get3A_2 = vector.load %arg0[%get3A, %get3A_0, %get3A_1] : memref<2x10048x16xf32, #tpu.memory_space<vmem>>, vector<1x10000x16xf32>
    %get3A_3 = vector.shape_cast %get3A_2 : vector<1x10000x16xf32> to vector<10000x16xf32>
    %get3A_4 = arith.constant 1 : index
    %get3A_5 = arith.constant 0 : index
    %get3A_6 = arith.constant 0 : index
    %get3A_7 = vector.load %arg0[%get3A_4, %get3A_5, %get3A_6] : memref<2x10048x16xf32, #tpu.memory_space<vmem>>, vector<1x10000x16xf32>
    %get3A_8 = vector.shape_cast %get3A_7 : vector<1x10000x16xf32> to vector<10000x16xf32>
    %add3A = arith.addf %get3A_3, %get3A_8 : vector<10000x16xf32>
    %get3A_9 = arith.constant 0 : index
    %get3A_10 = arith.constant 0 : index
    %get3A_11 = arith.constant 0 : index
    %get3A_12 = vector.load %arg1[%get3A_9, %get3A_10, %get3A_11] : memref<2x10048x16xf32, #tpu.memory_space<vmem>>, vector<1x10000x16xf32>
    %get3A_13 = vector.shape_cast %get3A_12 : vector<1x10000x16xf32> to vector<10000x16xf32>
    %get3A_14 = arith.constant 1 : index
    %get3A_15 = arith.constant 0 : index
    %get3A_16 = arith.constant 0 : index
    %get3A_17 = vector.load %arg1[%get3A_14, %get3A_15, %get3A_16] : memref<2x10048x16xf32, #tpu.memory_space<vmem>>, vector<1x10000x16xf32>
    %get3A_18 = vector.shape_cast %get3A_17 : vector<1x10000x16xf32> to vector<10000x16xf32>
    %add3A_19 = arith.addf %get3A_13, %get3A_18 : vector<10000x16xf32>
    %max3A = arith.constant 1.000000e+00 : f32
    %max3A_20 = vector.broadcast %max3A : f32 to vector<10000x16xf32>
    %max3A_21 = arith.maximumf %add3A_19, %max3A_20 : vector<10000x16xf32>
    %div3A = arith.divf %add3A, %max3A_21 : vector<10000x16xf32>
    %get3A_22 = arith.constant 0 : index
    %get3A_23 = arith.constant 0 : index
    %get3A_24 = vector.load %arg2[%get3A_22, %get3A_23] : memref<10000x16xf32, #tpu.memory_space<vmem>>, vector<10000x16xf32>
    %get3A_25 = arith.constant 0 : index
    %get3A_26 = arith.constant 0 : index
    %get3A_27 = vector.load %arg3[%get3A_25, %get3A_26] : memref<16x16xf32, #tpu.memory_space<vmem>>, vector<16x16xf32>
    %dot_general3A = arith.constant dense<0.000000e+00> : vector<10000x16xf32>
    %dot_general3A_28 = tpu.matmul %get3A_24, %get3A_27, %dot_general3A {dimension_numbers = #tpu.dot_dimension_numbers<[1], [0], [0], [1], [0, 0, 1, 1], [], []>, transpose_lhs_hint = false} : vector<10000x16xf32>, vector<16x16xf32>, vector<10000x16xf32> -> vector<10000x16xf32>
    %add3A_29 = arith.addf %div3A, %dot_general3A_28 : vector<10000x16xf32>
    %get3A_30 = arith.constant 0 : index
    %get3A_31 = arith.constant 0 : index
    %get3A_32 = vector.load %arg4[%get3A_30, %get3A_31] : memref<1x16xf32, #tpu.memory_space<vmem>>, vector<1x16xf32>
    %add3A_33 = vector.broadcast %get3A_32 : vector<1x16xf32> to vector<10000x16xf32>
    %add3A_34 = arith.addf %add3A_29, %add3A_33 : vector<10000x16xf32>
    %neg3A = arith.constant 0.000000e+00 : f32
    %neg3A_35 = vector.broadcast %neg3A : f32 to vector<10000x16xf32>
    %neg3A_36 = arith.subf %neg3A_35, %add3A_34 : vector<10000x16xf32>
    %exp3A = math.exp %neg3A_36 : vector<10000x16xf32>
    %add3A_37 = arith.constant 1.000000e+00 : f32
    %add3A_38 = vector.broadcast %add3A_37 : f32 to vector<10000x16xf32>
    %add3A_39 = arith.addf %add3A_38, %exp3A : vector<10000x16xf32>
    %div3A_40 = arith.constant 1.000000e+00 : f32
    %div3A_41 = vector.broadcast %div3A_40 : f32 to vector<10000x16xf32>
    %div3A_42 = arith.divf %div3A_41, %add3A_39 : vector<10000x16xf32>
    %mul3A = arith.mulf %add3A_34, %div3A_42 : vector<10000x16xf32>
    %get3A_43 = arith.constant 0 : index
    %get3A_44 = arith.constant 0 : index
    %get3A_45 = vector.load %arg2[%get3A_43, %get3A_44] : memref<10000x16xf32, #tpu.memory_space<vmem>>, vector<10000x16xf32>
    %add3A_46 = arith.addf %mul3A, %get3A_45 : vector<10000x16xf32>
    %swap3A = arith.constant 0 : index
    %swap3A_47 = arith.constant 0 : index
    %swap3A_48 = vector.load %arg5[%swap3A, %swap3A_47] : memref<10000x16xf32, #tpu.memory_space<vmem>>, vector<10000x16xf32>
    tpu.vector_store %arg5[%swap3A, %swap3A_47], %add3A_46 {strides = array<i32>} : memref<10000x16xf32, #tpu.memory_space<vmem>>, vector<10000x16xf32>,
    return
  }
}

module attributes {stable_mosaic.version = 14 : i64} {
  func.func @_combine_body(%arg0: memref<2x10048x16xf32, #tpu.memory_space<vmem>>, %arg1: memref<2x10048x16xf32, #tpu.memory_space<vmem>>, %arg2: memref<10000x16xf32, #tpu.memory_space<vmem>>, %arg3: memref<16x16xf32, #tpu.memory_space<vmem>>, %arg4: memref<1x16xf32, #tpu.memory_space<vmem>>, %arg5: memref<10000x16xf32, #tpu.memory_space<vmem>>) attributes {dimension_semantics = [], scalar_prefetch = 0 : i64, scratch_operands = 0 : i64, tpu.core_type = #tpu.core_type<tc>} {
    %get3A = arith.constant 0 : index
    %get3A_0 = arith.constant 0 : index
    %get3A_1 = arith.constant 0 : index
    %get3A_2 = vector.load %arg0[%get3A, %get3A_0, %get3A_1] : memref<2x10048x16xf32, #tpu.memory_space<vmem>>, vector<1x10000x16xf32>
    %get3A_3 = vector.shape_cast %get3A_2 : vector<1x10000x16xf32> to vector<10000x16xf32>
    %get3A_4 = arith.constant 1 : index
    %get3A_5 = arith.constant 0 : index
    %get3A_6 = arith.constant 0 : index
    %get3A_7 = vector.load %arg0[%get3A_4, %get3A_5, %get3A_6] : memref<2x10048x16xf32, #tpu.memory_space<vmem>>, vector<1x10000x16xf32>
    %get3A_8 = vector.shape_cast %get3A_7 : vector<1x10000x16xf32> to vector<10000x16xf32>
    %add3A = arith.addf %get3A_3, %get3A_8 : vector<10000x16xf32>
    %get3A_9 = arith.constant 0 : index
    %get3A_10 = arith.constant 0 : index
    %get3A_11 = arith.constant 0 : index
    %get3A_12 = vector.load %arg1[%get3A_9, %get3A_10, %get3A_11] : memref<2x10048x16xf32, #tpu.memory_space<vmem>>, vector<1x10000x16xf32>
    %get3A_13 = vector.shape_cast %get3A_12 : vector<1x10000x16xf32> to vector<10000x16xf32>
    %get3A_14 = arith.constant 1 : index
    %get3A_15 = arith.constant 0 : index
    %get3A_16 = arith.constant 0 : index
    %get3A_17 = vector.load %arg1[%get3A_14, %get3A_15, %get3A_16] : memref<2x10048x16xf32, #tpu.memory_space<vmem>>, vector<1x10000x16xf32>
    %get3A_18 = vector.shape_cast %get3A_17 : vector<1x10000x16xf32> to vector<10000x16xf32>
    %add3A_19 = arith.addf %get3A_13, %get3A_18 : vector<10000x16xf32>
    %max3A = arith.constant 1.000000e+00 : f32
    %max3A_20 = vector.broadcast %max3A : f32 to vector<10000x16xf32>
    %max3A_21 = arith.maximumf %add3A_19, %max3A_20 : vector<10000x16xf32>
    %div3A = arith.divf %add3A, %max3A_21 : vector<10000x16xf32>
    %get3A_22 = arith.constant 0 : index
    %get3A_23 = arith.constant 0 : index
    %get3A_24 = vector.load %arg2[%get3A_22, %get3A_23] : memref<10000x16xf32, #tpu.memory_space<vmem>>, vector<10000x16xf32>
    %get3A_25 = arith.constant 0 : index
    %get3A_26 = arith.constant 0 : index
    %get3A_27 = vector.load %arg3[%get3A_25, %get3A_26] : memref<16x16xf32, #tpu.memory_space<vmem>>, vector<16x16xf32>
    %dot_general3A = arith.constant dense<0.000000e+00> : vector<10000x16xf32>
    %dot_general3A_28 = tpu.matmul %get3A_24, %get3A_27, %dot_general3A {dimension_numbers = #tpu.dot_dimension_numbers<[1], [0], [0], [1], [0, 0, 1, 1], [], []>, transpose_lhs_hint = false} : vector<10000x16xf32>, vector<16x16xf32>, vector<10000x16xf32> -> vector<10000x16xf32>
    %add3A_29 = arith.addf %div3A, %dot_general3A_28 : vector<10000x16xf32>
    %get3A_30 = arith.constant 0 : index
    %get3A_31 = arith.constant 0 : index
    %get3A_32 = vector.load %arg4[%get3A_30, %get3A_31] : memref<1x16xf32, #tpu.memory_space<vmem>>, vector<1x16xf32>
    %add3A_33 = vector.broadcast %get3A_32 : vector<1x16xf32> to vector<10000x16xf32>
    %add3A_34 = arith.addf %add3A_29, %add3A_33 : vector<10000x16xf32>
    %swap3A = arith.constant 0 : index
    %swap3A_35 = arith.constant 0 : index
    %swap3A_36 = vector.load %arg5[%swap3A, %swap3A_35] : memref<10000x16xf32, #tpu.memory_space<vmem>>, vector<10000x16xf32>
    tpu.vector_store %arg5[%swap3A, %swap3A_35], %add3A_34 {strides = array<i32>} : memref<10000x16xf32, #tpu.memory_space<vmem>>, vector<10000x16xf32>,
    return
  }
}

</mosaic_0001>

<sc_bundles>
// kernel: kernel.10.cloned.1.call-start
scs
__scs_entry_jumppad:
0x0: {  	(pc) =	sbr.rel $0x88, $3  }
0x1: {  	(tag) =	ssettag $0x0;
	lr =	simm.s32 $0x1  }
0x2: {  	[smem:$0x3F92] =	sst lr;
	_ =	strace $0xD0000000  }
0x3: {  	_ = 	snop  }
0x4: {  	_ = 	snop  }
0x5: {  	_ = 	snop  }
0x6: {  	_ = 	snop  }
0x7: {  	_ = 	snop  }
__scs_overlays_trampoline_lowered:
0x8: {  	[smem:$0x3FA1] =	sst s0  }
0x9: {  	[smem:$0x3FA2] =	sst s1  }
0xa: {  	[smem:$0x3FA3] =	sst s2  }
0xb: {  	[smem:$0x3FA4] =	sst s3  }
0xc: {  	[smem:$0x3FA5] =	sst s4  }
0xd: {  	[smem:$0x3FA6] =	sst s5  }
0xe: {  	[smem:$0x3FA7] =	sst s6  }
0xf: {  	[smem:$0x3FA8] =	sst s7  }
0x10: {  	[smem:$0x3FA9] =	sst s8  }
0x11: {  	[smem:$0x3FAA] =	sst s9;
	s0 =	simm.s32 @!p0 $0x0  }
0x12: {  	s1 =	sld [smem:$0x3F90];
	s0 =	simm.s32 @p0 $0x1  }
0x13: {  	[smem:$0x3FAB] =	sst s0;
	s0 =	simm.s32 @!p1 $0x0  }
0x14: {  	s2 =	sld [smem:$0x3F8F];
	s0 =	simm.s32 @p1 $0x1  }
0x15: {  	[smem:$0x3FAC] =	sst s0;
	s0 =	simm.s32 @!p2 $0x0  }
0x16: {  	s3 =	sld [smem:$0x3FDB];
	s0 =	simm.s32 @p2 $0x1  }
0x17: {  	s4 =	simm.s32 $0x1BF5;
	[smem:$0x3FAE] =	sst s0  }
0x18: {  	s0 =	sld [smem:$0x3F91];
	_ =	swait.ge [sflag:s4], $0x0  }
0x19: {  	s7 =	sld [smem:$0x3F92]  }
0x1a: {  	s8 =	sadd.s32 $0xFFFFE003, lr  }
0x1b: {  	s9 =	sadd.s32 $0xFFFFFEF7, lr;
	s5 =	simm.s32 $0xFFFFFFFF;
	p2 =	slt.u32 s8, $0xFFFFF086  }
0x1c: {  	p1 =	slt.u32 s9, $0xF7A;
	s5 =	simm.s32 @!p2 $0x0  }
0x1d: {  	s5 =	simm.s32 @p1 $0x1;
	p0 =	seq.s32 s7, s2  }
0x1e: {  	s7 =	smul.u32 @!p0 $0xF7A, s2;
	p2 =	seq.s32 @!p0 s5, $0x0  }
0x1f: {  	s9 =	smul.u32 $0xF7A, s1;
	s8 =	simm.s32 @!p0 $0x1BF5;
	p2 =	por !p2, p0  }
0x20: {  	[sflag:s8] =	ssyncset.s32 @!p0 $0xFFFFF086;
	s6 =	sadd.s32 @!p0 s3, s7;
	s7 =	simm.s32 @!p0 $0x108  }
0x21: {  	s3 =	sadd.s32 s3, s9;
	s6 =	sadd.s32 @!p0 $0x88, s6;
	s7 =	simm.s32 @p2 $0x1082  }
0x22: {  	[simem:s7], [sflag:s8] =	dma.local @!p0 [hbm:s6], $0xF7A  }
0x23: {  	s9 =	sor.u32 $0xD0000000, s2;
	s6 =	simm.s32 $0x108;
	_ =	swait.ge @!p0 [sflag:s8], $0x0  }
0x24: {  	s3 =	sadd.s32 $0x88, s3;
	s6 =	simm.s32 @!p1 $0x1082;
	[sflag:s4] =	ssyncset.s32 $0xFFFFF086  }
0x25: {  	[simem:s6], [sflag:s4] =	dma.local [hbm:s3], $0xF7A  }
0x26: {  	[smem:$0x3F92] =	sst s1;
	(tag) =	ssettag s2;
	_ =	strace s9  }
0x27: {  	s1 =	sld [smem:$0x3FA2]  }
0x28: {  	s2 =	sld [smem:$0x3FA3]  }
0x29: {  	s4 =	sld [smem:$0x3FA5]  }
0x2a: {  	p0 =	seq.s32 s5, $0x0;
	s5 =	sld [smem:$0x3FA6]  }
0x2b: {  	s6 =	sld [smem:$0x3FA7]  }
0x2c: {  	s7 =	sld [smem:$0x3FA8]  }
0x2d: {  	s3 =	simm.s32 $0x108;
	s8 =	sld [smem:$0x3FA9]  }
0x2e: {  	s3 =	simm.s32 @!p0 $0x1082;
	s9 =	sld [smem:$0x3FAA]  }
0x2f: {  	lr =	sadd.s32 s0, s3;
	s0 =	sld [smem:$0x3FA1]  }
0x30: {  	s3 =	sld [smem:$0x3FA4]  }
0x31: {  	[smem:$0x3FAD] =	sst s10  }
0x32: {  	s10 =	sld [smem:$0x3FAB];
	_ =	sdelay $0x3  }
0x33: {  	p0 =	seq.s32 s10, $0x1;
	s10 =	sld [smem:$0x3FAD];
	_ =	sdelay $0x3  }
0x34: {  	[smem:$0x3FAD] =	sst s10  }
0x35: {  	s10 =	sld [smem:$0x3FAC];
	_ =	sdelay $0x3  }
0x36: {  	p1 =	seq.s32 s10, $0x1;
	s10 =	sld [smem:$0x3FAD];
	_ =	sdelay $0x3  }
0x37: {  	[smem:$0x3FAD] =	sst s10  }
0x38: {  	s10 =	sld [smem:$0x3FAE]  }
0x39: {  	_ = 	snop;
	(pc) =	sbr.ind lr, $3  }
0x3a: {  	_ = 	snop  }
0x3b: {  	_ = 	snop  }
0x3c: {  	p2 =	seq.s32 s10, $0x1;
	s10 =	sld [smem:$0x3FAD]  }
0x3d: {  	_ =	shalt  }
0x3e: {  	_ =	shalt  }
0x3f: {  	_ =	shalt  }
0x40: {  	_ =	shalt  }
0x41: {  	_ =	shalt  }
0x42: {  	_ =	shalt  }
0x43: {  	_ =	shalt  }
0x44: {  	_ =	shalt  }
0x45: {  	_ =	shalt  }
0x46: {  	_ =	shalt  }
0x47: {  	_ =	shalt  }
0x48: {  	_ =	shalt  }
0x49: {  	_ =	shalt  }
0x4a: {  	_ =	shalt  }
0x4b: {  	_ =	shalt  }
0x4c: {  	_ =	shalt  }
0x4d: {  	_ =	shalt  }
0x4e: {  	_ =	shalt  }
0x4f: {  	_ =	shalt  }
0x50: {  	_ =	shalt  }
0x51: {  	_ =	shalt  }
0x52: {  	_ =	shalt  }
0x53: {  	_ =	shalt  }
0x54: {  	_ =	shalt  }
0x55: {  	_ =	shalt  }
0x56: {  	_ =	shalt  }
0x57: {  	_ =	shalt  }
0x58: {  	_ =	shalt  }
0x59: {  	_ =	shalt  }
0x5a: {  	_ =	shalt  }
0x5b: {  	_ =	shalt  }
0x5c: {  	_ =	shalt  }
0x5d: {  	_ =	shalt  }
0x5e: {  	_ =	shalt  }
0x5f: {  	_ =	shalt  }
0x60: {  	_ =	shalt  }
0x61: {  	_ =	shalt  }
0x62: {  	_ =	shalt  }
0x63: {  	_ =	shalt  }
0x64: {  	_ =	shalt  }
0x65: {  	_ =	shalt  }
0x66: {  	_ =	shalt  }
0x67: {  	_ =	shalt  }
0x68: {  	_ =	shalt  }
0x69: {  	_ =	shalt  }
0x6a: {  	_ =	shalt  }
0x6b: {  	_ =	shalt  }
0x6c: {  	_ =	shalt  }
0x6d: {  	_ =	shalt  }
0x6e: {  	_ =	shalt  }
0x6f: {  	_ =	shalt  }
0x70: {  	_ =	shalt  }
0x71: {  	_ =	shalt  }
0x72: {  	_ =	shalt  }
0x73: {  	_ =	shalt  }
0x74: {  	_ =	shalt  }
0x75: {  	_ =	shalt  }
0x76: {  	_ =	shalt  }
0x77: {  	_ =	shalt  }
0x78: {  	_ =	shalt  }
0x79: {  	_ =	shalt  }
0x7a: {  	_ =	shalt  }
0x7b: {  	_ =	shalt  }
0x7c: {  	_ =	shalt  }
0x7d: {  	_ =	shalt  }
0x7e: {  	_ =	shalt  }
0x7f: {  	_ =	shalt  }
0x80: {  	_ =	shalt  }
0x81: {  	_ =	shalt  }
0x82: {  	_ =	shalt  }
0x83: {  	_ =	shalt  }
0x84: {  	_ =	shalt  }
0x85: {  	_ =	shalt  }
0x86: {  	_ =	shalt  }
0x87: {  	_ =	shalt  }
.Lfunc_end0:
.L_simem_size_0:
called_computation_lowered:
.L_overlay_start_0:
0x88: {  	s2 =	sld [smem:$0x3FD9]  }
0x89: {  	s3 =	sld [smem:$0x3FFE];
	_ =	sdelay $0x1  }
0x8a: {  	s1 =	srdreg.scid  }
0x8b: {  	s0 =	sand.u32 $0x1, s1  }
0x8c: {  	s17 =	sshll.u32 s0, $0xA;
	s2 =	sadd.s32 s3, s2  }
0x8d: {  	s2 =	sadd.s32 s2, s17  }
0x8e: {  	[smem:$0x3FB9] =	sst s2  }
0x8f: {  	_ = 	snop  }
0x90: {  	s2 =	sld [smem:$0x3FD0];
	(tm) =	ssettm $0x1  }
0x91: {  	s18 =	sld [smem:$0x3FFB];
	_ =	sdelay $0x3  }
0x92: {  	_ =	strace s18  }
0x93: {  	s3 =	sld [smem:$0x3FFC];
	_ =	sdelay $0x3  }
0x94: {  	_ =	strace s3  }
0x95: {  	s3 =	sld [smem:$0x3FFD];
	_ =	sdelay $0x3  }
0x96: {  	_ =	strace s3  }
0x97: {  	_ =	strace $0x8FFFFFFF  }
0x98: {  	s19 =	sld [smem:$0x3FDB];
	_ =	sdelay $0x1  }
0x99: {  	s4 =	simm.s32 $_scs_section_size  }
0x9a: {  	s5 =	simm.s32 $_size__tile_overlayer_lowered;
	s6 =	simm.s32 $_tile_overlayer_lowered  }
0x9b: {  	s22 =	simm.s32 $0x1BFF;
	s21 =	sshll.u32 s6, $0x1;
	s3 =	sadd.s32 s4, s19  }
0x9c: {  	s7 =	simm.s32 $0x0;
	s20 =	sshll.u32 s5, $0x1;
	s5 =	sadd.s32 s21, s3  }
0x9d: {  	[timem:s7], [sflag:s22] =	dma.local [hbm:s5], s20  }
0x9e: {  	_ =	swait.ge [sflag:s22], s20  }
0x9f: {  	s4 =	ssub.s32 $0x0, s20;
	[sflag:s22] =	ssyncset.done $0x0  }
0xa0: {  	[sflag:s22] =	ssyncadd.s32 s4;
	_ =	sdelay $0x1  }
0xa1: {  	s23 =	simm.s32 $0x1B8B  }
0xa2: {  	_ =	swait.ge [sflag:s23], $0x1  }
0xa3: {  	[sflag:s23] =	ssyncset.done $0x0  }
0xa4: {  	s25 =	simm.s32 $0x1B8E;
	s24 =	sld [smem:$0x3FFE];
	[sflag:s23] =	ssyncadd.s32 $0xFFFFFFFF  }
0xa5: {  	s26 =	simm.s32 $execute0_lowered;
	[smem:$0x3FD2] =	sst s25  }
0xa6: {  	s5 =	sshll.u32 s26, $0x1;
	_ =	strace $0x80000046;
	[dreg:$0x1] =	wrdreg $0xFFFFFFFF  }
0xa7: {  	s28 =	simm.s32 $_size_execute0_lowered;
	s3 =	sadd.s32 s3, s5;
	[dreg:$0x0] =	wrdreg $0x0  }
0xa8: {  	s5 =	sshll.u32 s28, $0x1;
	[dreg:$0x2] =	wrdreg s3  }
0xa9: {  	[dreg:$0x3] =	wrdreg s5  }
0xaa: {  	[dreg:$0x4] =	wrdreg $0xC0  }
0xab: {  	_ =	task [dreg:s7], $0x5FFFF  }
0xac: {  	[dreg:$0x1] =	wrdreg $0xFFFFFFFF  }
0xad: {  	[dreg:$0x0] =	wrdreg $0x60  }
0xae: {  	[dreg:$0x2] =	wrdreg s2  }
0xaf: {  	[dreg:$0x3] =	wrdreg s24  }
0xb0: {  	[dreg:$0x4] =	wrdreg $0x170000  }
0xb1: {  	[dreg:$0x5] =	wrdreg $0x9  }
0xb2: {  	_ =	task.clear_ibuf [dreg:s7], $0x6FFFF;
	_ =	strace $0x90000046  }
0xb3: {  	s29 =	simm.s32 $0x9;
	_ =	strace $0x80000048  }
0xb4: {  	_ =	swait.ge [sflag:s29], $0x1  }
0xb5: {  	[sflag:s29] =	ssyncadd.s32 $0xFFFFFFFF  }
0xb6: {  	_ =	strace $0x90000048  }
0xb7: {  	_ =	sfence  }
0xb8: {  	s30 =	sld [smem:$0x0];
	_ =	sdelay $0x2  }
0xb9: {  	s31 =	sshll.u32 s1, $0xD;
	s1 =	sshrl.u32 s1, $0x2  }
0xba: {  	s3 =	sand.u32 $0x4000, s31;
	s1 =	sadd.s32 s1, s30  }
0xbb: {  	s0 =	sor.u32 s3, s0;
	s1 =	sshll.u32 s1, $0x11  }
0xbc: {  	s0 =	sor.u32 s1, s0  }
0xbd: {  	s0 =	sadd.s32 $0x8F2B, s0  }
0xbe: {  	[sflag:s0] =	ssyncadd.remote.s32 $0x1  }
0xbf: {  	_ =	sfence.sel $0xFFFF  }
0xc0: {  	[dreg:$0x0] =	wrdreg $0xFFFFFFFF;
	(pc) =	sbr.abs _section_cstart, $3  }
0xc1: {  	[dreg:$0x1] =	wrdreg $0xFFFFFFFF  }
0xc2: {  	_ =	task.clear_ibuf [dreg:s7], $0x2FFFF;
	_ =	strace $0x9FFFFFFF  }
0xc3: {  	(tm) =	ssettm $0x7FFFFFFF  }
tec
execute0_lowered:
.L_overlay_start_1:
0x0: {  	(tag) =	ssettag $0x1  }
0x1: {  	s0 =	rddreg [dreg:$0x0]  }
0x2: {  	s6 =	rddreg [dreg:$0x1];
	s1 =	srdreg.scid  }
0x3: {  	s11 =	stileid.u32;
	s2 =	rddreg [dreg:$0x2]  }
0x4: {  	s3 =	simm.s32 $0x0;
	s13 =	simm.s32 $0x1400;
	s14 =	simm.s32 $0x15400  }
0x5: {  	s15 =	simm.s32 $0x16800;
	s16 =	simm.s32 $0x80;
	s17 =	simm.s32 $0x2  }
0x6: {  	s18 =	simm.s32 $0x1;
	s4 =	sand.u32 $0x1, s1;
	s1 =	rddreg [dreg:$0x3]  }
0x7: {  	s19 =	simm.s32 $0x0;
	s5 =	sshll.u32 s11, $0x1;
	[smem:$0x7FF] =	sst s3  }
0x8: {  	p0 =	sne.s32 s11, $0x0;
	s5 =	sor.u32 s4, s5;
	s9 =	smul.u32 $0x4E80, s4  }
0x9: {  	_ =	strace $0x80000047;
	s10 =	ssub.s32 $0x2, s4;
	s7 =	smul.u32 $0x280, s5  }
0xa: {  	s4 =	sadd.s32 $0xC800, s6;
	s11 =	sshrl.u32 @!p0 s2, $0x3;
	s8 =	smul.u32 $0x2800, s5  }
0xb: {  	s5 =	sadd.s32 $0x11800, s6;
	s12 =	sshrl.u32 s10, $0x1;
	s9 =	sadd.s32 s9, s6  }
0xc: {  	s10 =	ssub.s32 s10, s12;
	s12 =	simm.s32 $0x3;
	s7 =	sadd.s32 s7, s6  }
0xd: {  	s8 =	sadd.s32 s8, s6;
	s9 =	sadd.s32 $0x61A00, s9;
	s10 =	smax.u32 s10, $0x1  }
0xe: {  	s6 =	sadd.s32 $0x7800, s7;
	s7 =	sadd.s32 $0x2800, s7;
	s8 =	sadd.s32 $0x11A00, s8  }
.LBB2_1:
0xf: {  	s20 =	simm.s32 @!p0 $0x1C03  }
0x10: {  	[spmem:s11], [sflag:s20] =	dma.local @!p0 [hbm:s4], $0x4E80  }
0x11: {  	s20 =	simm.s32 @!p0 $0x3  }
0x12: {  	_ =	swait.ge @!p0 [sflag:s20], $0x4E80  }
0x13: {  	[sflag:s20] =	ssyncset.done @!p0 $0x0  }
0x14: {  	[sflag:s20] =	ssyncadd.s32 @!p0 $0xFFFFB180  }
0x15: {  	[tilespmem:s3], [sflag:$0x3] =	stream.linear.gather [hbm4b:s6+s3], $0x1400, $0x38;
	[tilespmem:$0x19740] =	vst v63  }
0x16: {  	_ =	swait.ge [sflag:s12], $0x1400  }
0x17: {  	[sflag:s12] =	ssyncset.done $0x0  }
0x18: {  	[sflag:s12] =	ssyncadd.s32 $0xFFFFEC00  }
0x19: {  	[tilespmem:s13], [sflag:$0x1] =	stream.indirect.gather [hbm4b:s0+s13], $0x10, s3, s13, $0xb8;
	[tilespmem:$0x19740] =	vst v63  }
0x1a: {  	_ = 	snop  }
0x1b: {  	[tilespmem:s14], [sflag:$0x3] =	stream.linear.gather [hbm4b:s7+s3], $0x1400, $0x38;
	[tilespmem:$0x19740] =	vst v63  }
0x1c: {  	_ =	swait.ge [sflag:s12], $0x1400  }
0x1d: {  	[sflag:s12] =	ssyncset.done $0x0  }
0x1e: {  	[sflag:s12] =	ssyncadd.s32 $0xFFFFEC00  }
0x1f: {  	[tilespmem:s15], [sflag:$0x3] =	stream.linear.gather [hbm4b:s5+s3], $0x800, $0x38;
	[tilespmem:$0x19740] =	vst v63  }
0x20: {  	_ =	swait.ge [sflag:s12], $0x800  }
0x21: {  	[sflag:s12] =	ssyncset.done $0x0  }
0x22: {  	[sflag:s12] =	ssyncadd.s32 $0xFFFFF800  }
0x23: {  	p1 =	por $0x1, $0x1;
	s20 =	simm.s32 $0x0;
	[bflag:$0x0] =	sbarrier.arrive $0xFFFF  }
.LBB2_2:
0x24: {  	s20 =	sshra.s32 s20, $0x2  }
0x25: {  	s21 =	sadd.s32 $0x15400, s20  }
0x26: {  	[spmem:s2] =	stream.indirect.scatter.add.f32 [tilespmem:s15], [sflag:$0x2], $0x10, s21, s16, $0xb8;
	[tilespmem:$0x19740] =	vst v63  }
0x27: {  	s22 =	sadd.s32 $0x15480, s20  }
0x28: {  	[spmem:s2] =	stream.indirect.scatter.add.f32 [tilespmem:s15], [sflag:$0x2], $0x10, s22, s16, $0xb8;
	[tilespmem:$0x19740] =	vst v63  }
0x29: {  	s23 =	sadd.s32 $0x15500, s20  }
0x2a: {  	[spmem:s2] =	stream.indirect.scatter.add.f32 [tilespmem:s15], [sflag:$0x2], $0x10, s23, s16, $0xb8;
	[tilespmem:$0x19740] =	vst v63  }
0x2b: {  	s24 =	sadd.s32 $0x15580, s20  }
0x2c: {  	[spmem:s2] =	stream.indirect.scatter.add.f32 [tilespmem:s15], [sflag:$0x2], $0x10, s24, s16, $0xb8;
	[tilespmem:$0x19740] =	vst v63  }
0x2d: {  	s25 =	sadd.s32 $0x15600, s20  }
0x2e: {  	[spmem:s2] =	stream.indirect.scatter.add.f32 [tilespmem:s15], [sflag:$0x2], $0x10, s25, s16, $0xb8;
	[tilespmem:$0x19740] =	vst v63  }
0x2f: {  	s26 =	sadd.s32 $0x15680, s20  }
0x30: {  	[spmem:s2] =	stream.indirect.scatter.add.f32 [tilespmem:s15], [sflag:$0x2], $0x10, s26, s16, $0xb8;
	[tilespmem:$0x19740] =	vst v63  }
0x31: {  	s28 =	sadd.s32 $0x15700, s20  }
0x32: {  	[spmem:s2] =	stream.indirect.scatter.add.f32 [tilespmem:s15], [sflag:$0x2], $0x10, s28, s16, $0xb8;
	[tilespmem:$0x19740] =	vst v63  }
0x33: {  	s29 =	sadd.s32 $0x15780, s20  }
0x34: {  	[spmem:s2] =	stream.indirect.scatter.add.f32 [tilespmem:s15], [sflag:$0x2], $0x10, s29, s16, $0xb8;
	[tilespmem:$0x19740] =	vst v63  }
0x35: {  	s30 =	sadd.s32 $0x15800, s20  }
0x36: {  	[spmem:s2] =	stream.indirect.scatter.add.f32 [tilespmem:s15], [sflag:$0x2], $0x10, s30, s16, $0xb8;
	[tilespmem:$0x19740] =	vst v63  }
0x37: {  	s31 =	sadd.s32 $0x15880, s20  }
0x38: {  	[spmem:s2] =	stream.indirect.scatter.add.f32 [tilespmem:s15], [sflag:$0x2], $0x10, s31, s16, $0xb8;
	[tilespmem:$0x19740] =	vst v63  }
0x39: {  	s22 =	sadd.s32 $0x15900, s20  }
0x3a: {  	[spmem:s2] =	stream.indirect.scatter.add.f32 [tilespmem:s15], [sflag:$0x2], $0x10, s22, s16, $0xb8;
	[tilespmem:$0x19740] =	vst v63  }
0x3b: {  	s23 =	sadd.s32 $0x15980, s20  }
0x3c: {  	[spmem:s2] =	stream.indirect.scatter.add.f32 [tilespmem:s15], [sflag:$0x2], $0x10, s23, s16, $0xb8;
	[tilespmem:$0x19740] =	vst v63  }
0x3d: {  	s24 =	sadd.s32 $0x15A00, s20  }
0x3e: {  	[spmem:s2] =	stream.indirect.scatter.add.f32 [tilespmem:s15], [sflag:$0x2], $0x10, s24, s16, $0xb8;
	[tilespmem:$0x19740] =	vst v63  }
0x3f: {  	s25 =	sadd.s32 $0x15A80, s20  }
0x40: {  	[spmem:s2] =	stream.indirect.scatter.add.f32 [tilespmem:s15], [sflag:$0x2], $0x10, s25, s16, $0xb8;
	[tilespmem:$0x19740] =	vst v63  }
0x41: {  	s26 =	sadd.s32 $0x15B00, s20  }
0x42: {  	[spmem:s2] =	stream.indirect.scatter.add.f32 [tilespmem:s15], [sflag:$0x2], $0x10, s26, s16, $0xb8;
	[tilespmem:$0x19740] =	vst v63  }
0x43: {  	s28 =	sadd.s32 $0x15B80, s20  }
0x44: {  	[spmem:s2] =	stream.indirect.scatter.add.f32 [tilespmem:s15], [sflag:$0x2], $0x10, s28, s16, $0xb8;
	[tilespmem:$0x19740] =	vst v63  }
0x45: {  	s29 =	sadd.s32 $0x15C00, s20  }
0x46: {  	[spmem:s2] =	stream.indirect.scatter.add.f32 [tilespmem:s15], [sflag:$0x2], $0x10, s29, s16, $0xb8;
	[tilespmem:$0x19740] =	vst v63  }
0x47: {  	s30 =	sadd.s32 $0x15C80, s20  }
0x48: {  	[spmem:s2] =	stream.indirect.scatter.add.f32 [tilespmem:s15], [sflag:$0x2], $0x10, s30, s16, $0xb8;
	[tilespmem:$0x19740] =	vst v63  }
0x49: {  	s31 =	sadd.s32 $0x15D00, s20  }
0x4a: {  	[spmem:s2] =	stream.indirect.scatter.add.f32 [tilespmem:s15], [sflag:$0x2], $0x10, s31, s16, $0xb8;
	[tilespmem:$0x19740] =	vst v63  }
0x4b: {  	s20 =	sadd.s32 $0x15D80, s20  }
0x4c: {  	[spmem:s2] =	stream.indirect.scatter.add.f32 [tilespmem:s15], [sflag:$0x2], $0x10, s20, s16, $0xb8;
	[tilespmem:$0x19740] =	vst v63  }
0x4d: {  	_ =	swait.ge [sflag:s17], $0x800  }
0x4e: {  	[sflag:s17] =	ssyncset.done $0x0  }
0x4f: {  	[sflag:s17] =	ssyncadd.s32 $0xFFFFF800  }
0x50: {  	_ =	swait.ge [sflag:s17], $0x800  }
0x51: {  	[sflag:s17] =	ssyncset.done $0x0  }
0x52: {  	[sflag:s17] =	ssyncadd.s32 $0xFFFFF800  }
0x53: {  	_ =	swait.ge [sflag:s17], $0x800  }
0x54: {  	[sflag:s17] =	ssyncset.done $0x0  }
0x55: {  	[sflag:s17] =	ssyncadd.s32 $0xFFFFF800  }
0x56: {  	_ =	swait.ge [sflag:s17], $0x800  }
0x57: {  	[sflag:s17] =	ssyncset.done $0x0  }
0x58: {  	[sflag:s17] =	ssyncadd.s32 $0xFFFFF800  }
0x59: {  	_ =	swait.ge [sflag:s17], $0x800  }
0x5a: {  	[sflag:s17] =	ssyncset.done $0x0  }
0x5b: {  	[sflag:s17] =	ssyncadd.s32 $0xFFFFF800  }
0x5c: {  	_ =	swait.ge [sflag:s17], $0x800  }
0x5d: {  	[sflag:s17] =	ssyncset.done $0x0  }
0x5e: {  	[sflag:s17] =	ssyncadd.s32 $0xFFFFF800  }
0x5f: {  	_ =	swait.ge [sflag:s17], $0x800  }
0x60: {  	[sflag:s17] =	ssyncset.done $0x0  }
0x61: {  	[sflag:s17] =	ssyncadd.s32 $0xFFFFF800  }
0x62: {  	_ =	swait.ge [sflag:s17], $0x800  }
0x63: {  	[sflag:s17] =	ssyncset.done $0x0  }
0x64: {  	[sflag:s17] =	ssyncadd.s32 $0xFFFFF800  }
0x65: {  	_ =	swait.ge [sflag:s17], $0x800  }
0x66: {  	[sflag:s17] =	ssyncset.done $0x0  }
0x67: {  	[sflag:s17] =	ssyncadd.s32 $0xFFFFF800  }
0x68: {  	_ =	swait.ge [sflag:s17], $0x800  }
0x69: {  	[sflag:s17] =	ssyncset.done $0x0  }
0x6a: {  	[sflag:s17] =	ssyncadd.s32 $0xFFFFF800  }
0x6b: {  	_ =	swait.ge [sflag:s17], $0x800  }
0x6c: {  	[sflag:s17] =	ssyncset.done $0x0  }
0x6d: {  	[sflag:s17] =	ssyncadd.s32 $0xFFFFF800  }
0x6e: {  	_ =	swait.ge [sflag:s17], $0x800  }
0x6f: {  	[sflag:s17] =	ssyncset.done $0x0  }
0x70: {  	[sflag:s17] =	ssyncadd.s32 $0xFFFFF800  }
0x71: {  	_ =	swait.ge [sflag:s17], $0x800  }
0x72: {  	[sflag:s17] =	ssyncset.done $0x0  }
0x73: {  	[sflag:s17] =	ssyncadd.s32 $0xFFFFF800  }
0x74: {  	_ =	swait.ge [sflag:s17], $0x800  }
0x75: {  	[sflag:s17] =	ssyncset.done $0x0  }
0x76: {  	[sflag:s17] =	ssyncadd.s32 $0xFFFFF800  }
0x77: {  	_ =	swait.ge [sflag:s17], $0x800  }
0x78: {  	[sflag:s17] =	ssyncset.done $0x0  }
0x79: {  	[sflag:s17] =	ssyncadd.s32 $0xFFFFF800  }
0x7a: {  	_ =	swait.ge [sflag:s17], $0x800  }
0x7b: {  	[sflag:s17] =	ssyncset.done $0x0  }
0x7c: {  	[sflag:s17] =	ssyncadd.s32 $0xFFFFF800  }
0x7d: {  	_ =	swait.ge [sflag:s17], $0x800  }
0x7e: {  	[sflag:s17] =	ssyncset.done $0x0  }
0x7f: {  	[sflag:s17] =	ssyncadd.s32 $0xFFFFF800  }
0x80: {  	_ =	swait.ge [sflag:s17], $0x800  }
0x81: {  	[sflag:s17] =	ssyncset.done $0x0  }
0x82: {  	[sflag:s17] =	ssyncadd.s32 $0xFFFFF800  }
0x83: {  	p2 =	por p1, p1;
	_ =	swait.ge [sflag:s17], $0x800  }
.Ltmp0:
0x84: {  	[sflag:s17] =	ssyncset.done $0x0;
	(pc) =	sbr.rel @p2 .LBB2_2-.Ltmp0, $4  }
0x85: {  	[sflag:s17] =	ssyncadd.s32 $0xFFFFF800  }
0x86: {  	_ =	swait.ge [sflag:s17], $0x800  }
0x87: {  	[sflag:s17] =	ssyncset.done $0x0  }
0x88: {  	p1 =	por $0x0, $0x0;
	s20 =	simm.s32 $0x2800;
	[sflag:s17] =	ssyncadd.s32 $0xFFFFF800  }
0x89: {  	_ =	swait.ge [sflag:s18], $0x14000  }
0x8a: {  	[sflag:s18] =	ssyncset.done $0x0  }
0x8b: {  	[sflag:s18] =	ssyncadd.s32 $0xFFFEC000  }
0x8c: {  	[hbm4b:s8+s3] =	stream.linear.scatter [tilespmem:s13], [sflag:$0x3], $0x14000, $0x38;
	[tilespmem:$0x19740] =	vst v63  }
0x8d: {  	_ =	swait.ge [sflag:s12], $0x14000  }
0x8e: {  	[sflag:s12] =	ssyncset.done $0x0  }
0x8f: {  	s19 =	sadd.s32 $0x1, s19;
	[sflag:s12] =	ssyncadd.s32 $0xFFFEC000  }
0x90: {  	s20 =	simm.s32 @!p0 $0x1C03;
	p1 =	sne.s32 s19, s10;
	[bflag:$0x0] =	sbarrier.arrive $0xFFFF  }
0x91: {  	[hbm:s9], [sflag:s20] =	dma.local @!p0 [spmem:s11], $0x4E80  }
.Ltmp1:
0x92: {  	_ = 	snop;
	(pc) =	sbr.rel @p1 .LBB2_1-.Ltmp1, $4  }
0x93: {  	s20 =	simm.s32 @!p0 $0x3  }
0x94: {  	_ =	swait.ge @!p0 [sflag:s20], $0x4E80  }
0x95: {  	[sflag:s20] =	ssyncset.done @!p0 $0x0  }
0x96: {  	[sflag:s20] =	ssyncadd.s32 @!p0 $0xFFFFB180  }
0x97: {  	_ =	sfence.sel $0x180000  }
0x98: {  	[bflag:$0x0] =	sbarrier.arrive $0xFFFF  }
0x99: {  	_ =	strace $0x90000047  }
0x9a: {  	s0 =	sadd.s32 @!p0 $0x100000, s1;
	[bflag:$0x2] =	sbarrier.arrive $0xFFFF  }
0x9b: {  	[sflag:s0] =	ssyncadd.tile.s32 @!p0 $0x1;
	_ =	shalt  }
.Lfunc_end2:
_tile_overlayer_lowered:
.L_overlay_start_2:
0x9c: {  	(tag) =	ssettag $0x2  }
0x9d: {  	s0 =	rddreg [dreg:$0x0];
	s2 =	stileid.u32  }
0x9e: {  	s1 =	rddreg [dreg:$0x1];
	p0 =	sne.s32 s2, $0x0  }
0x9f: {  	s3 =	rddreg [dreg:$0x2];
	[bflag:$0x3] =	sbarrier.arrive $0xFFFF;
	s2 =	simm.s32 @!p0 $0x1C03  }
0xa0: {  	[timem:s3], [sflag:s2] =	dma.local @!p0 [hbm:s0], s1  }
0xa1: {  	s0 =	simm.s32 @!p0 $0x3  }
0xa2: {  	_ =	swait.ge @!p0 [sflag:s0], s1  }
0xa3: {  	s1 =	ssub.s32 @!p0 $0x0, s1;
	[sflag:s0] =	ssyncset.done @!p0 $0x0  }
0xa4: {  	[sflag:s0] =	ssyncadd.s32 @!p0 s1  }
0xa5: {  	[bflag:$0x3] =	sbarrier.arrive $0xFFFF  }
0xa6: {  	_ =	shalt  }

// kernel: kernel.13.cloned.1.call-start
scs
__scs_entry_jumppad:
0x0: {  	(pc) =	sbr.rel $0x88, $3  }
0x1: {  	(tag) =	ssettag $0x0;
	lr =	simm.s32 $0x1  }
0x2: {  	[smem:$0x3F92] =	sst lr;
	_ =	strace $0xD0000000  }
0x3: {  	_ = 	snop  }
0x4: {  	_ = 	snop  }
0x5: {  	_ = 	snop  }
0x6: {  	_ = 	snop  }
0x7: {  	_ = 	snop  }
__scs_overlays_trampoline_lowered:
0x8: {  	[smem:$0x3FA1] =	sst s0  }
0x9: {  	[smem:$0x3FA2] =	sst s1  }
0xa: {  	[smem:$0x3FA3] =	sst s2  }
0xb: {  	[smem:$0x3FA4] =	sst s3  }
0xc: {  	[smem:$0x3FA5] =	sst s4  }
0xd: {  	[smem:$0x3FA6] =	sst s5  }
0xe: {  	[smem:$0x3FA7] =	sst s6  }
0xf: {  	[smem:$0x3FA8] =	sst s7  }
0x10: {  	[smem:$0x3FA9] =	sst s8  }
0x11: {  	[smem:$0x3FAA] =	sst s9;
	s0 =	simm.s32 @!p0 $0x0  }
0x12: {  	s1 =	sld [smem:$0x3F90];
	s0 =	simm.s32 @p0 $0x1  }
0x13: {  	[smem:$0x3FAB] =	sst s0;
	s0 =	simm.s32 @!p1 $0x0  }
0x14: {  	s2 =	sld [smem:$0x3F8F];
	s0 =	simm.s32 @p1 $0x1  }
0x15: {  	[smem:$0x3FAC] =	sst s0;
	s0 =	simm.s32 @!p2 $0x0  }
0x16: {  	s3 =	sld [smem:$0x3FDB];
	s0 =	simm.s32 @p2 $0x1  }
0x17: {  	s4 =	simm.s32 $0x1BF5;
	[smem:$0x3FAE] =	sst s0  }
0x18: {  	s0 =	sld [smem:$0x3F91];
	_ =	swait.ge [sflag:s4], $0x0  }
0x19: {  	s7 =	sld [smem:$0x3F92]  }
0x1a: {  	s8 =	sadd.s32 $0xFFFFE003, lr  }
0x1b: {  	s9 =	sadd.s32 $0xFFFFFEF7, lr;
	s5 =	simm.s32 $0xFFFFFFFF;
	p2 =	slt.u32 s8, $0xFFFFF086  }
0x1c: {  	p1 =	slt.u32 s9, $0xF7A;
	s5 =	simm.s32 @!p2 $0x0  }
0x1d: {  	s5 =	simm.s32 @p1 $0x1;
	p0 =	seq.s32 s7, s2  }
0x1e: {  	s7 =	smul.u32 @!p0 $0xF7A, s2;
	p2 =	seq.s32 @!p0 s5, $0x0  }
0x1f: {  	s9 =	smul.u32 $0xF7A, s1;
	s8 =	simm.s32 @!p0 $0x1BF5;
	p2 =	por !p2, p0  }
0x20: {  	[sflag:s8] =	ssyncset.s32 @!p0 $0xFFFFF086;
	s6 =	sadd.s32 @!p0 s3, s7;
	s7 =	simm.s32 @!p0 $0x108  }
0x21: {  	s3 =	sadd.s32 s3, s9;
	s6 =	sadd.s32 @!p0 $0x88, s6;
	s7 =	simm.s32 @p2 $0x1082  }
0x22: {  	[simem:s7], [sflag:s8] =	dma.local @!p0 [hbm:s6], $0xF7A  }
0x23: {  	s9 =	sor.u32 $0xD0000000, s2;
	s6 =	simm.s32 $0x108;
	_ =	swait.ge @!p0 [sflag:s8], $0x0  }
0x24: {  	s3 =	sadd.s32 $0x88, s3;
	s6 =	simm.s32 @!p1 $0x1082;
	[sflag:s4] =	ssyncset.s32 $0xFFFFF086  }
0x25: {  	[simem:s6], [sflag:s4] =	dma.local [hbm:s3], $0xF7A  }
0x26: {  	[smem:$0x3F92] =	sst s1;
	(tag) =	ssettag s2;
	_ =	strace s9  }
0x27: {  	s1 =	sld [smem:$0x3FA2]  }
0x28: {  	s2 =	sld [smem:$0x3FA3]  }
0x29: {  	s4 =	sld [smem:$0x3FA5]  }
0x2a: {  	p0 =	seq.s32 s5, $0x0;
	s5 =	sld [smem:$0x3FA6]  }
0x2b: {  	s6 =	sld [smem:$0x3FA7]  }
0x2c: {  	s7 =	sld [smem:$0x3FA8]  }
0x2d: {  	s3 =	simm.s32 $0x108;
	s8 =	sld [smem:$0x3FA9]  }
0x2e: {  	s3 =	simm.s32 @!p0 $0x1082;
	s9 =	sld [smem:$0x3FAA]  }
0x2f: {  	lr =	sadd.s32 s0, s3;
	s0 =	sld [smem:$0x3FA1]  }
0x30: {  	s3 =	sld [smem:$0x3FA4]  }
0x31: {  	[smem:$0x3FAD] =	sst s10  }
0x32: {  	s10 =	sld [smem:$0x3FAB];
	_ =	sdelay $0x3  }
0x33: {  	p0 =	seq.s32 s10, $0x1;
	s10 =	sld [smem:$0x3FAD];
	_ =	sdelay $0x3  }
0x34: {  	[smem:$0x3FAD] =	sst s10  }
0x35: {  	s10 =	sld [smem:$0x3FAC];
	_ =	sdelay $0x3  }
0x36: {  	p1 =	seq.s32 s10, $0x1;
	s10 =	sld [smem:$0x3FAD];
	_ =	sdelay $0x3  }
0x37: {  	[smem:$0x3FAD] =	sst s10  }
0x38: {  	s10 =	sld [smem:$0x3FAE]  }
0x39: {  	_ = 	snop;
	(pc) =	sbr.ind lr, $3  }
0x3a: {  	_ = 	snop  }
0x3b: {  	_ = 	snop  }
0x3c: {  	p2 =	seq.s32 s10, $0x1;
	s10 =	sld [smem:$0x3FAD]  }
0x3d: {  	_ =	shalt  }
0x3e: {  	_ =	shalt  }
0x3f: {  	_ =	shalt  }
0x40: {  	_ =	shalt  }
0x41: {  	_ =	shalt  }
0x42: {  	_ =	shalt  }
0x43: {  	_ =	shalt  }
0x44: {  	_ =	shalt  }
0x45: {  	_ =	shalt  }
0x46: {  	_ =	shalt  }
0x47: {  	_ =	shalt  }
0x48: {  	_ =	shalt  }
0x49: {  	_ =	shalt  }
0x4a: {  	_ =	shalt  }
0x4b: {  	_ =	shalt  }
0x4c: {  	_ =	shalt  }
0x4d: {  	_ =	shalt  }
0x4e: {  	_ =	shalt  }
0x4f: {  	_ =	shalt  }
0x50: {  	_ =	shalt  }
0x51: {  	_ =	shalt  }
0x52: {  	_ =	shalt  }
0x53: {  	_ =	shalt  }
0x54: {  	_ =	shalt  }
0x55: {  	_ =	shalt  }
0x56: {  	_ =	shalt  }
0x57: {  	_ =	shalt  }
0x58: {  	_ =	shalt  }
0x59: {  	_ =	shalt  }
0x5a: {  	_ =	shalt  }
0x5b: {  	_ =	shalt  }
0x5c: {  	_ =	shalt  }
0x5d: {  	_ =	shalt  }
0x5e: {  	_ =	shalt  }
0x5f: {  	_ =	shalt  }
0x60: {  	_ =	shalt  }
0x61: {  	_ =	shalt  }
0x62: {  	_ =	shalt  }
0x63: {  	_ =	shalt  }
0x64: {  	_ =	shalt  }
0x65: {  	_ =	shalt  }
0x66: {  	_ =	shalt  }
0x67: {  	_ =	shalt  }
0x68: {  	_ =	shalt  }
0x69: {  	_ =	shalt  }
0x6a: {  	_ =	shalt  }
0x6b: {  	_ =	shalt  }
0x6c: {  	_ =	shalt  }
0x6d: {  	_ =	shalt  }
0x6e: {  	_ =	shalt  }
0x6f: {  	_ =	shalt  }
0x70: {  	_ =	shalt  }
0x71: {  	_ =	shalt  }
0x72: {  	_ =	shalt  }
0x73: {  	_ =	shalt  }
0x74: {  	_ =	shalt  }
0x75: {  	_ =	shalt  }
0x76: {  	_ =	shalt  }
0x77: {  	_ =	shalt  }
0x78: {  	_ =	shalt  }
0x79: {  	_ =	shalt  }
0x7a: {  	_ =	shalt  }
0x7b: {  	_ =	shalt  }
0x7c: {  	_ =	shalt  }
0x7d: {  	_ =	shalt  }
0x7e: {  	_ =	shalt  }
0x7f: {  	_ =	shalt  }
0x80: {  	_ =	shalt  }
0x81: {  	_ =	shalt  }
0x82: {  	_ =	shalt  }
0x83: {  	_ =	shalt  }
0x84: {  	_ =	shalt  }
0x85: {  	_ =	shalt  }
0x86: {  	_ =	shalt  }
0x87: {  	_ =	shalt  }
.Lfunc_end0:
.L_simem_size_0:
called_computation.1_lowered:
.L_overlay_start_0:
0x88: {  	s2 =	sld [smem:$0x3FD9]  }
0x89: {  	s3 =	sld [smem:$0x3FFE];
	_ =	sdelay $0x1  }
0x8a: {  	s1 =	srdreg.scid  }
0x8b: {  	s0 =	sand.u32 $0x1, s1  }
0x8c: {  	s16 =	sshll.u32 s0, $0xA;
	s2 =	sadd.s32 s3, s2  }
0x8d: {  	s2 =	sadd.s32 s2, s16  }
0x8e: {  	[smem:$0x3FB9] =	sst s2  }
0x8f: {  	_ = 	snop  }
0x90: {  	(tm) =	ssettm $0x1  }
0x91: {  	s17 =	sld [smem:$0x3FFB];
	_ =	sdelay $0x3  }
0x92: {  	_ =	strace s17  }
0x93: {  	s2 =	sld [smem:$0x3FFC];
	_ =	sdelay $0x3  }
0x94: {  	_ =	strace s2  }
0x95: {  	s2 =	sld [smem:$0x3FFD];
	_ =	sdelay $0x3  }
0x96: {  	_ =	strace s2  }
0x97: {  	_ =	strace $0x8FFFFFFF  }
0x98: {  	s18 =	sld [smem:$0x3FDB];
	_ =	sdelay $0x1  }
0x99: {  	s19 =	simm.s32 $_scs_section_size  }
0x9a: {  	s4 =	simm.s32 $_size__tile_overlayer_lowered;
	s5 =	simm.s32 $_tile_overlayer_lowered  }
0x9b: {  	s22 =	simm.s32 $0x1BFF;
	s21 =	sshll.u32 s5, $0x1;
	s2 =	sadd.s32 s19, s18  }
0x9c: {  	s6 =	simm.s32 $0x0;
	s20 =	sshll.u32 s4, $0x1;
	s4 =	sadd.s32 s21, s2  }
0x9d: {  	[timem:s6], [sflag:s22] =	dma.local [hbm:s4], s20  }
0x9e: {  	_ =	swait.ge [sflag:s22], s20  }
0x9f: {  	s3 =	ssub.s32 $0x0, s20;
	[sflag:s22] =	ssyncset.done $0x0  }
0xa0: {  	[sflag:s22] =	ssyncadd.s32 s3;
	_ =	sdelay $0x1  }
0xa1: {  	s23 =	simm.s32 $0x1B8B  }
0xa2: {  	_ =	swait.ge [sflag:s23], $0x1  }
0xa3: {  	[sflag:s23] =	ssyncset.done $0x0  }
0xa4: {  	s25 =	simm.s32 $0x1B8E;
	s24 =	sld [smem:$0x3FFE];
	[sflag:s23] =	ssyncadd.s32 $0xFFFFFFFF  }
0xa5: {  	s26 =	simm.s32 $execute0_lowered;
	[smem:$0x3FD2] =	sst s25  }
0xa6: {  	s4 =	sshll.u32 s26, $0x1;
	_ =	strace $0x80000049;
	[dreg:$0x1] =	wrdreg $0xFFFFFFFF  }
0xa7: {  	s28 =	simm.s32 $_size_execute0_lowered;
	s2 =	sadd.s32 s2, s4;
	[dreg:$0x0] =	wrdreg $0x0  }
0xa8: {  	s4 =	sshll.u32 s28, $0x1;
	[dreg:$0x2] =	wrdreg s2  }
0xa9: {  	[dreg:$0x3] =	wrdreg s4  }
0xaa: {  	[dreg:$0x4] =	wrdreg $0xC0  }
0xab: {  	_ =	task [dreg:s6], $0x5FFFF  }
0xac: {  	[dreg:$0x1] =	wrdreg $0xFFFFFFFF  }
0xad: {  	[dreg:$0x0] =	wrdreg $0x60  }
0xae: {  	[dreg:$0x2] =	wrdreg s24  }
0xaf: {  	[dreg:$0x3] =	wrdreg $0x154000  }
0xb0: {  	[dreg:$0x4] =	wrdreg $0x9  }
0xb1: {  	_ =	task.clear_ibuf [dreg:s6], $0x5FFFF;
	_ =	strace $0x90000049  }
0xb2: {  	s29 =	simm.s32 $0x9;
	_ =	strace $0x8000004B  }
0xb3: {  	_ =	swait.ge [sflag:s29], $0x1  }
0xb4: {  	[sflag:s29] =	ssyncadd.s32 $0xFFFFFFFF  }
0xb5: {  	_ =	strace $0x9000004B  }
0xb6: {  	_ =	sfence  }
0xb7: {  	s30 =	sld [smem:$0x0];
	_ =	sdelay $0x2  }
0xb8: {  	s31 =	sshll.u32 s1, $0xD;
	s1 =	sshrl.u32 s1, $0x2  }
0xb9: {  	s3 =	sand.u32 $0x4000, s31;
	s1 =	sadd.s32 s1, s30  }
0xba: {  	s0 =	sor.u32 s3, s0;
	s1 =	sshll.u32 s1, $0x11  }
0xbb: {  	s0 =	sor.u32 s1, s0  }
0xbc: {  	s0 =	sadd.s32 $0x8F2B, s0  }
0xbd: {  	[sflag:s0] =	ssyncadd.remote.s32 $0x1  }
0xbe: {  	_ =	sfence.sel $0xFFFF  }
0xbf: {  	[dreg:$0x0] =	wrdreg $0xFFFFFFFF;
	(pc) =	sbr.abs _section_cstart, $3  }
0xc0: {  	[dreg:$0x1] =	wrdreg $0xFFFFFFFF  }
0xc1: {  	_ =	task.clear_ibuf [dreg:s6], $0x2FFFF;
	_ =	strace $0x9FFFFFFF  }
0xc2: {  	(tm) =	ssettm $0x7FFFFFFF  }
0xc3: {  	_ =	shalt  }
tec
execute0_lowered:
.L_overlay_start_1:
0x0: {  	(tag) =	ssettag $0x1  }
0x1: {  	s0 =	rddreg [dreg:$0x0];
	s2 =	srdreg.scid  }
0x2: {  	s1 =	rddreg [dreg:$0x1];
	s31 =	sand.u32 $0x1, s2;
	s2 =	simm.s32 $0x0  }
0x3: {  	s6 =	sadd.s32 $0xC800, s0;
	[smem:$0x7FF] =	sst s2  }
0x4: {  	s17 =	simm.s32 $0x1C00;
	_ =	strace $0x8000004A;
	[dreg:$0x3] =	wrdreg s6  }
0x5: {  	s18 =	simm.s32 $0x100;
	[dreg:$0x7] =	wrdreg s17  }
0x6: {  	s19 =	simm.s32 $0x2400;
	[dreg:$0x8] =	wrdreg s18  }
0x7: {  	s20 =	simm.s32 $0x180;
	[dreg:$0x9] =	wrdreg s19  }
0x8: {  	s21 =	simm.s32 $0x2C00;
	[dreg:$0xa] =	wrdreg s20  }
0x9: {  	s22 =	simm.s32 $0x200;
	[dreg:$0xb] =	wrdreg s21  }
0xa: {  	s23 =	simm.s32 $0x3400;
	[dreg:$0xc] =	wrdreg s22  }
0xb: {  	s24 =	simm.s32 $0x280;
	[dreg:$0xd] =	wrdreg s23  }
0xc: {  	s25 =	simm.s32 $0x3C00;
	[dreg:$0xe] =	wrdreg s24  }
0xd: {  	s26 =	simm.s32 $0x300;
	[dreg:$0xf] =	wrdreg s25  }
0xe: {  	s28 =	simm.s32 $0x4400;
	[dreg:$0x10] =	wrdreg s26  }
0xf: {  	s29 =	simm.s32 $0x380;
	[dreg:$0x11] =	wrdreg s28  }
0x10: {  	s8 =	simm.s32 $0x5C00;
	[dreg:$0x12] =	wrdreg s29  }
0x11: {  	s9 =	simm.s32 $0x500;
	[dreg:$0x17] =	wrdreg s8  }
0x12: {  	s10 =	simm.s32 $0x6400;
	[dreg:$0x18] =	wrdreg s9  }
0x13: {  	s11 =	simm.s32 $0x580;
	[dreg:$0x19] =	wrdreg s10  }
0x14: {  	s12 =	simm.s32 $0x6C00;
	[dreg:$0x1a] =	wrdreg s11  }
0x15: {  	s13 =	simm.s32 $0x600;
	[dreg:$0x1b] =	wrdreg s12  }
0x16: {  	s14 =	simm.s32 $0x7400;
	[dreg:$0x1c] =	wrdreg s13  }
0x17: {  	s15 =	simm.s32 $0x680;
	[dreg:$0x1d] =	wrdreg s14  }
0x18: {  	s16 =	simm.s32 $0x7C00;
	[dreg:$0x1e] =	wrdreg s15  }
0x19: {  	s6 =	simm.s32 $0x5400;
	[dreg:$0x1f] =	wrdreg s16  }
0x1a: {  	s17 =	simm.s32 $0x700;
	[dreg:$0x15] =	wrdreg s6  }
0x1b: {  	s18 =	simm.s32 $0x8400;
	[smem:$0x7E1] =	sst s17  }
0x1c: {  	s19 =	simm.s32 $0x780;
	[smem:$0x7E0] =	sst s18  }
0x1d: {  	s20 =	simm.s32 $0x8C00;
	[smem:$0x7E2] =	sst s19  }
0x1e: {  	s21 =	simm.s32 $0x800;
	[smem:$0x7DF] =	sst s20  }
0x1f: {  	s22 =	simm.s32 $0x9400;
	[smem:$0x7E4] =	sst s21  }
0x20: {  	s23 =	simm.s32 $0x880;
	[smem:$0x7E3] =	sst s22  }
0x21: {  	s24 =	simm.s32 $0x9C00;
	[smem:$0x7E5] =	sst s23  }
0x22: {  	s25 =	simm.s32 $0x900;
	[smem:$0x7DE] =	sst s24  }
0x23: {  	s26 =	simm.s32 $0xA400;
	[smem:$0x7E7] =	sst s25  }
0x24: {  	s28 =	simm.s32 $0x980;
	[smem:$0x7E6] =	sst s26  }
0x25: {  	s29 =	simm.s32 $0xAC00;
	[smem:$0x7E8] =	sst s28  }
0x26: {  	s8 =	simm.s32 $0xB00;
	[smem:$0x7E9] =	sst s29  }
0x27: {  	s9 =	simm.s32 $0xC400;
	[smem:$0x7EF] =	sst s8  }
0x28: {  	s10 =	simm.s32 $0xB80;
	[smem:$0x7F1] =	sst s9  }
0x29: {  	s11 =	simm.s32 $0xCC00;
	[smem:$0x7EA] =	sst s10  }
0x2a: {  	s12 =	simm.s32 $0xC00;
	[smem:$0x7F6] =	sst s11  }
0x2b: {  	s13 =	simm.s32 $0xD400;
	[smem:$0x7F5] =	sst s12  }
0x2c: {  	s14 =	simm.s32 $0xC80;
	[smem:$0x7EB] =	sst s13  }
0x2d: {  	s15 =	simm.s32 $0xDC00;
	[smem:$0x7F8] =	sst s14  }
0x2e: {  	s16 =	simm.s32 $0xD00;
	[smem:$0x7F7] =	sst s15  }
0x2f: {  	s6 =	simm.s32 $0xA80;
	[smem:$0x7F9] =	sst s16  }
0x30: {  	s3 =	stileid.u32;
	s17 =	simm.s32 $0xE400;
	[smem:$0x7EC] =	sst s6  }
0x31: {  	s4 =	sshll.u32 s3, $0x1;
	s18 =	simm.s32 $0xD80;
	[smem:$0x7F4] =	sst s17  }
0x32: {  	s4 =	sor.u32 s31, s4;
	s19 =	simm.s32 $0xEC00;
	[smem:$0x7FA] =	sst s18  }
0x33: {  	s7 =	smul.u32 $0x4E80, s31;
	s20 =	simm.s32 $0xE00;
	[smem:$0x7F0] =	sst s19  }
0x34: {  	s5 =	smul.u32 $0x280, s4;
	s21 =	simm.s32 $0xF400;
	[smem:$0x7FB] =	sst s20  }
0x35: {  	s4 =	smul.u32 $0x2800, s4;
	[smem:$0x7EE] =	sst s21  }
0x36: {  	s22 =	simm.s32 $0xE80;
	s23 =	simm.s32 $0xFC00;
	s6 =	rddreg [dreg:$0x3]  }
0x37: {  	s5 =	sadd.s32 s5, s0;
	s4 =	sadd.s32 s4, s0;
	[smem:$0x7FC] =	sst s22  }
0x38: {  	s0 =	sadd.s32 s7, s0;
	s7 =	simm.s32 $0x480;
	[smem:$0x7FD] =	sst s23  }
0x39: {  	s5 =	sadd.s32 $0x2800, s5;
	[dreg:$0x16] =	wrdreg s7  }
0x3a: {  	s4 =	sadd.s32 $0x11800, s4;
	[dreg:$0x4] =	wrdreg s5  }
0x3b: {  	s0 =	sadd.s32 $0x6B800, s0;
	[dreg:$0x5] =	wrdreg s4  }
0x3c: {  	s7 =	simm.s32 $0xBC00;
	[dreg:$0x6] =	wrdreg s0  }
0x3d: {  	s4 =	simm.s32 $0x4C00;
	[smem:$0x7ED] =	sst s7  }
0x3e: {  	s5 =	simm.s32 $0x400;
	[dreg:$0x13] =	wrdreg s4  }
0x3f: {  	p0 =	sne.s32 s3, $0x0;
	[dreg:$0x14] =	wrdreg s5;
	s4 =	simm.s32 $0xA00  }
0x40: {  	s3 =	sshrl.u32 @!p0 s1, $0x3;
	s5 =	simm.s32 $0xB400;
	[smem:$0x7F2] =	sst s4  }
0x41: {  	[smem:$0x7F3] =	sst s5;
	s5 =	simm.s32 @!p0 $0x1C02;
	s4 =	simm.s32 @!p0 $0x2  }
0x42: {  	[spmem:s3], [sflag:s5] =	dma.local @!p0 [hbm:s6], $0x4E80  }
0x43: {  	_ =	swait.ge @!p0 [sflag:s4], $0x4E80  }
0x44: {  	[sflag:s4] =	ssyncset.done @!p0 $0x0  }
0x45: {  	s6 =	simm.s32 $0x2;
	s24 =	rddreg [dreg:$0x4];
	[sflag:s4] =	ssyncadd.s32 @!p0 $0xFFFFB180  }
0x46: {  	[tilespmem:s2], [sflag:$0x2] =	stream.linear.gather [hbm4b:s24+s2], $0x1400, $0x38;
	[tilespmem:$0x17B40] =	vst v63  }
0x47: {  	_ =	swait.ge [sflag:s6], $0x1400  }
0x48: {  	[sflag:s6] =	ssyncset.done $0x0  }
0x49: {  	s7 =	simm.s32 $0x1400;
	s25 =	rddreg [dreg:$0x5];
	[sflag:s6] =	ssyncadd.s32 $0xFFFFEC00  }
0x4a: {  	[tilespmem:s7], [sflag:$0x2] =	stream.linear.gather [hbm4b:s25+s2], $0x14000, $0x38;
	[tilespmem:$0x17B40] =	vst v63  }
0x4b: {  	_ =	swait.ge [sflag:s6], $0x14000  }
0x4c: {  	[sflag:s6] =	ssyncset.done $0x0  }
0x4d: {  	[sflag:s6] =	ssyncadd.s32 $0xFFFEC000  }
0x4e: {  	[bflag:$0x0] =	sbarrier.arrive $0xFFFF  }
0x4f: {  	s0 =	rddreg [dreg:$0x12]  }
0x50: {  	s9 =	rddreg [dreg:$0x10]  }
0x51: {  	s10 =	sld [smem:$0x7DE]  }
0x52: {  	s11 =	rddreg [dreg:$0x11]  }
0x53: {  	s12 =	sld [smem:$0x7DF]  }
0x54: {  	s13 =	rddreg [dreg:$0xe]  }
0x55: {  	s14 =	rddreg [dreg:$0x1f]  }
0x56: {  	s15 =	rddreg [dreg:$0xc]  }
0x57: {  	s16 =	rddreg [dreg:$0x1b]  }
0x58: {  	s17 =	rddreg [dreg:$0xd]  }
0x59: {  	s18 =	rddreg [dreg:$0x17]  }
0x5a: {  	s19 =	rddreg [dreg:$0xa]  }
0x5b: {  	s20 =	rddreg [dreg:$0x13]  }
0x5c: {  	s21 =	rddreg [dreg:$0x9]  }
0x5d: {  	s8 =	simm.s32 $0x80;
	s22 =	rddreg [dreg:$0x7]  }
0x5e: {  	[spmem:s1] =	stream.indirect.scatter.add.f32 [tilespmem:s7], [sflag:$0x1], $0x10, s2, s8, $0xb8;
	[tilespmem:$0x17B40] =	vst v63  }
0x5f: {  	s23 =	rddreg [dreg:$0x8]  }
0x60: {  	s26 =	rddreg [dreg:$0xb]  }
0x61: {  	s28 =	rddreg [dreg:$0xf]  }
0x62: {  	s29 =	rddreg [dreg:$0x14]  }
0x63: {  	s24 =	rddreg [dreg:$0x1a]  }
0x64: {  	[spmem:s1] =	stream.indirect.scatter.add.f32 [tilespmem:s22], [sflag:$0x1], $0x10, s8, s8, $0xb8;
	[tilespmem:$0x17B40] =	vst v63  }
0x65: {  	s25 =	rddreg [dreg:$0x1d]  }
0x66: {  	[spmem:s1] =	stream.indirect.scatter.add.f32 [tilespmem:s21], [sflag:$0x1], $0x10, s23, s8, $0xb8;
	[tilespmem:$0x17B40] =	vst v63  }
0x67: {  	s22 =	rddreg [dreg:$0x16]  }
0x68: {  	[spmem:s1] =	stream.indirect.scatter.add.f32 [tilespmem:s26], [sflag:$0x1], $0x10, s19, s8, $0xb8;
	[tilespmem:$0x17B40] =	vst v63  }
0x69: {  	s23 =	rddreg [dreg:$0x15]  }
0x6a: {  	[spmem:s1] =	stream.indirect.scatter.add.f32 [tilespmem:s17], [sflag:$0x1], $0x10, s15, s8, $0xb8;
	[tilespmem:$0x17B40] =	vst v63  }
0x6b: {  	s26 =	rddreg [dreg:$0x1c]  }
0x6c: {  	[spmem:s1] =	stream.indirect.scatter.add.f32 [tilespmem:s28], [sflag:$0x1], $0x10, s13, s8, $0xb8;
	[tilespmem:$0x17B40] =	vst v63  }
0x6d: {  	s19 =	sld [smem:$0x7E1]  }
0x6e: {  	[spmem:s1] =	stream.indirect.scatter.add.f32 [tilespmem:s11], [sflag:$0x1], $0x10, s9, s8, $0xb8;
	[tilespmem:$0x17B40] =	vst v63  }
0x6f: {  	s15 =	rddreg [dreg:$0x19]  }
0x70: {  	[spmem:s1] =	stream.indirect.scatter.add.f32 [tilespmem:s20], [sflag:$0x1], $0x10, s0, s8, $0xb8;
	[tilespmem:$0x17B40] =	vst v63  }
0x71: {  	s17 =	rddreg [dreg:$0x18]  }
0x72: {  	[spmem:s1] =	stream.indirect.scatter.add.f32 [tilespmem:s23], [sflag:$0x1], $0x10, s29, s8, $0xb8;
	[tilespmem:$0x17B40] =	vst v63  }
0x73: {  	s28 =	rddreg [dreg:$0x1e]  }
0x74: {  	[spmem:s1] =	stream.indirect.scatter.add.f32 [tilespmem:s18], [sflag:$0x1], $0x10, s22, s8, $0xb8;
	[tilespmem:$0x17B40] =	vst v63  }
0x75: {  	s20 =	sld [smem:$0x7E2]  }
0x76: {  	[spmem:s1] =	stream.indirect.scatter.add.f32 [tilespmem:s15], [sflag:$0x1], $0x10, s17, s8, $0xb8;
	[tilespmem:$0x17B40] =	vst v63  }
0x77: {  	s29 =	sld [smem:$0x7E0]  }
0x78: {  	[spmem:s1] =	stream.indirect.scatter.add.f32 [tilespmem:s16], [sflag:$0x1], $0x10, s24, s8, $0xb8;
	[tilespmem:$0x17B40] =	vst v63  }
0x79: {  	s23 =	sld [smem:$0x7E4]  }
0x7a: {  	[spmem:s1] =	stream.indirect.scatter.add.f32 [tilespmem:s25], [sflag:$0x1], $0x10, s26, s8, $0xb8;
	[tilespmem:$0x17B40] =	vst v63  }
0x7b: {  	s22 =	sld [smem:$0x7E3]  }
0x7c: {  	[spmem:s1] =	stream.indirect.scatter.add.f32 [tilespmem:s14], [sflag:$0x1], $0x10, s28, s8, $0xb8;
	[tilespmem:$0x17B40] =	vst v63  }
0x7d: {  	s24 =	sld [smem:$0x7E5]  }
0x7e: {  	[spmem:s1] =	stream.indirect.scatter.add.f32 [tilespmem:s29], [sflag:$0x1], $0x10, s19, s8, $0xb8;
	[tilespmem:$0x17B40] =	vst v63  }
0x7f: {  	s25 =	sld [smem:$0x7E6]  }
0x80: {  	[spmem:s1] =	stream.indirect.scatter.add.f32 [tilespmem:s12], [sflag:$0x1], $0x10, s20, s8, $0xb8;
	[tilespmem:$0x17B40] =	vst v63  }
0x81: {  	s26 =	sld [smem:$0x7E7]  }
0x82: {  	[spmem:s1] =	stream.indirect.scatter.add.f32 [tilespmem:s22], [sflag:$0x1], $0x10, s23, s8, $0xb8;
	[tilespmem:$0x17B40] =	vst v63  }
0x83: {  	s28 =	sld [smem:$0x7E8]  }
0x84: {  	[spmem:s1] =	stream.indirect.scatter.add.f32 [tilespmem:s10], [sflag:$0x1], $0x10, s24, s8, $0xb8;
	[tilespmem:$0x17B40] =	vst v63  }
0x85: {  	s29 =	sld [smem:$0x7E9]  }
0x86: {  	[spmem:s1] =	stream.indirect.scatter.add.f32 [tilespmem:s25], [sflag:$0x1], $0x10, s26, s8, $0xb8;
	[tilespmem:$0x17B40] =	vst v63  }
0x87: {  	s9 =	simm.s32 $0x1  }
0x88: {  	[spmem:s1] =	stream.indirect.scatter.add.f32 [tilespmem:s29], [sflag:$0x1], $0x10, s28, s8, $0xb8;
	[tilespmem:$0x17B40] =	vst v63  }
0x89: {  	_ =	swait.ge [sflag:s9], $0x800  }
0x8a: {  	[sflag:s9] =	ssyncset.done $0x0  }
0x8b: {  	[sflag:s9] =	ssyncadd.s32 $0xFFFFF800  }
0x8c: {  	_ =	swait.ge [sflag:s9], $0x800  }
0x8d: {  	[sflag:s9] =	ssyncset.done $0x0  }
0x8e: {  	[sflag:s9] =	ssyncadd.s32 $0xFFFFF800  }
0x8f: {  	_ =	swait.ge [sflag:s9], $0x800  }
0x90: {  	[sflag:s9] =	ssyncset.done $0x0  }
0x91: {  	[sflag:s9] =	ssyncadd.s32 $0xFFFFF800  }
0x92: {  	_ =	swait.ge [sflag:s9], $0x800  }
0x93: {  	[sflag:s9] =	ssyncset.done $0x0  }
0x94: {  	[sflag:s9] =	ssyncadd.s32 $0xFFFFF800  }
0x95: {  	_ =	swait.ge [sflag:s9], $0x800  }
0x96: {  	[sflag:s9] =	ssyncset.done $0x0  }
0x97: {  	[sflag:s9] =	ssyncadd.s32 $0xFFFFF800  }
0x98: {  	_ =	swait.ge [sflag:s9], $0x800  }
0x99: {  	[sflag:s9] =	ssyncset.done $0x0  }
0x9a: {  	[sflag:s9] =	ssyncadd.s32 $0xFFFFF800  }
0x9b: {  	_ =	swait.ge [sflag:s9], $0x800  }
0x9c: {  	[sflag:s9] =	ssyncset.done $0x0  }
0x9d: {  	[sflag:s9] =	ssyncadd.s32 $0xFFFFF800  }
0x9e: {  	_ =	swait.ge [sflag:s9], $0x800  }
0x9f: {  	[sflag:s9] =	ssyncset.done $0x0  }
0xa0: {  	[sflag:s9] =	ssyncadd.s32 $0xFFFFF800  }
0xa1: {  	_ =	swait.ge [sflag:s9], $0x800  }
0xa2: {  	[sflag:s9] =	ssyncset.done $0x0  }
0xa3: {  	[sflag:s9] =	ssyncadd.s32 $0xFFFFF800  }
0xa4: {  	_ =	swait.ge [sflag:s9], $0x800  }
0xa5: {  	[sflag:s9] =	ssyncset.done $0x0  }
0xa6: {  	[sflag:s9] =	ssyncadd.s32 $0xFFFFF800  }
0xa7: {  	_ =	swait.ge [sflag:s9], $0x800  }
0xa8: {  	[sflag:s9] =	ssyncset.done $0x0  }
0xa9: {  	[sflag:s9] =	ssyncadd.s32 $0xFFFFF800  }
0xaa: {  	_ =	swait.ge [sflag:s9], $0x800  }
0xab: {  	[sflag:s9] =	ssyncset.done $0x0  }
0xac: {  	[sflag:s9] =	ssyncadd.s32 $0xFFFFF800  }
0xad: {  	_ =	swait.ge [sflag:s9], $0x800  }
0xae: {  	[sflag:s9] =	ssyncset.done $0x0  }
0xaf: {  	[sflag:s9] =	ssyncadd.s32 $0xFFFFF800  }
0xb0: {  	_ =	swait.ge [sflag:s9], $0x800  }
0xb1: {  	[sflag:s9] =	ssyncset.done $0x0  }
0xb2: {  	[sflag:s9] =	ssyncadd.s32 $0xFFFFF800  }
0xb3: {  	_ =	swait.ge [sflag:s9], $0x800  }
0xb4: {  	[sflag:s9] =	ssyncset.done $0x0  }
0xb5: {  	[sflag:s9] =	ssyncadd.s32 $0xFFFFF800  }
0xb6: {  	_ =	swait.ge [sflag:s9], $0x800  }
0xb7: {  	[sflag:s9] =	ssyncset.done $0x0  }
0xb8: {  	[sflag:s9] =	ssyncadd.s32 $0xFFFFF800  }
0xb9: {  	_ =	swait.ge [sflag:s9], $0x800  }
0xba: {  	[sflag:s9] =	ssyncset.done $0x0  }
0xbb: {  	[sflag:s9] =	ssyncadd.s32 $0xFFFFF800  }
0xbc: {  	_ =	swait.ge [sflag:s9], $0x800  }
0xbd: {  	[sflag:s9] =	ssyncset.done $0x0  }
0xbe: {  	[sflag:s9] =	ssyncadd.s32 $0xFFFFF800  }
0xbf: {  	_ =	swait.ge [sflag:s9], $0x800  }
0xc0: {  	[sflag:s9] =	ssyncset.done $0x0  }
0xc1: {  	[sflag:s9] =	ssyncadd.s32 $0xFFFFF800  }
0xc2: {  	_ =	swait.ge [sflag:s9], $0x800  }
0xc3: {  	s10 =	sld [smem:$0x7EA]  }
0xc4: {  	s19 =	sld [smem:$0x7EB]  }
0xc5: {  	s20 =	sld [smem:$0x7EC]  }
0xc6: {  	s21 =	sld [smem:$0x7ED]  }
0xc7: {  	s13 =	sld [smem:$0x7EE]  }
0xc8: {  	s22 =	sld [smem:$0x7EF]  }
0xc9: {  	s15 =	sld [smem:$0x7F0]  }
0xca: {  	s23 =	sld [smem:$0x7F1]  }
0xcb: {  	s24 =	sld [smem:$0x7F2]  }
0xcc: {  	s25 =	sld [smem:$0x7F3]  }
0xcd: {  	[sflag:s9] =	ssyncset.done $0x0;
	s26 =	sld [smem:$0x7F4]  }
0xce: {  	s28 =	sld [smem:$0x7F5];
	[sflag:s9] =	ssyncadd.s32 $0xFFFFF800  }
0xcf: {  	[spmem:s1] =	stream.indirect.scatter.add.f32 [tilespmem:s25], [sflag:$0x1], $0x10, s24, s8, $0xb8;
	[tilespmem:$0x17B40] =	vst v63  }
0xd0: {  	s29 =	sld [smem:$0x7F6]  }
0xd1: {  	[spmem:s1] =	stream.indirect.scatter.add.f32 [tilespmem:s21], [sflag:$0x1], $0x10, s20, s8, $0xb8;
	[tilespmem:$0x17B40] =	vst v63  }
0xd2: {  	s18 =	sld [smem:$0x7F7]  }
0xd3: {  	[spmem:s1] =	stream.indirect.scatter.add.f32 [tilespmem:s23], [sflag:$0x1], $0x10, s22, s8, $0xb8;
	[tilespmem:$0x17B40] =	vst v63  }
0xd4: {  	s24 =	sld [smem:$0x7FB]  }
0xd5: {  	[spmem:s1] =	stream.indirect.scatter.add.f32 [tilespmem:s29], [sflag:$0x1], $0x10, s10, s8, $0xb8;
	[tilespmem:$0x17B40] =	vst v63  }
0xd6: {  	s21 =	sld [smem:$0x7F8]  }
0xd7: {  	[spmem:s1] =	stream.indirect.scatter.add.f32 [tilespmem:s19], [sflag:$0x1], $0x10, s28, s8, $0xb8;
	[tilespmem:$0x17B40] =	vst v63  }
0xd8: {  	s22 =	sld [smem:$0x7F9]  }
0xd9: {  	[spmem:s1] =	stream.indirect.scatter.add.f32 [tilespmem:s18], [sflag:$0x1], $0x10, s21, s8, $0xb8;
	[tilespmem:$0x17B40] =	vst v63  }
0xda: {  	s23 =	sld [smem:$0x7FA]  }
0xdb: {  	[spmem:s1] =	stream.indirect.scatter.add.f32 [tilespmem:s26], [sflag:$0x1], $0x10, s22, s8, $0xb8;
	[tilespmem:$0x17B40] =	vst v63  }
0xdc: {  	s25 =	sld [smem:$0x7FC]  }
0xdd: {  	[spmem:s1] =	stream.indirect.scatter.add.f32 [tilespmem:s15], [sflag:$0x1], $0x10, s23, s8, $0xb8;
	[tilespmem:$0x17B40] =	vst v63  }
0xde: {  	s26 =	sld [smem:$0x7FD]  }
0xdf: {  	[spmem:s1] =	stream.indirect.scatter.add.f32 [tilespmem:s13], [sflag:$0x1], $0x10, s24, s8, $0xb8;
	[tilespmem:$0x17B40] =	vst v63  }
0xe0: {  	_ = 	snop  }
0xe1: {  	[spmem:s1] =	stream.indirect.scatter.add.f32 [tilespmem:s26], [sflag:$0x1], $0x10, s25, s8, $0xb8;
	[tilespmem:$0x17B40] =	vst v63  }
0xe2: {  	s29 =	simm.s32 $0x10400;
	s28 =	simm.s32 $0xF00  }
0xe3: {  	[spmem:s1] =	stream.indirect.scatter.add.f32 [tilespmem:s29], [sflag:$0x1], $0x10, s28, s8, $0xb8;
	[tilespmem:$0x17B40] =	vst v63  }
0xe4: {  	s11 =	simm.s32 $0x10C00;
	s10 =	simm.s32 $0xF80  }
0xe5: {  	[spmem:s1] =	stream.indirect.scatter.add.f32 [tilespmem:s11], [sflag:$0x1], $0x10, s10, s8, $0xb8;
	[tilespmem:$0x17B40] =	vst v63  }
0xe6: {  	s12 =	simm.s32 $0x1000;
	s13 =	simm.s32 $0x11400  }
0xe7: {  	[spmem:s1] =	stream.indirect.scatter.add.f32 [tilespmem:s13], [sflag:$0x1], $0x10, s12, s8, $0xb8;
	[tilespmem:$0x17B40] =	vst v63  }
0xe8: {  	s14 =	simm.s32 $0x1080;
	s15 =	simm.s32 $0x11C00  }
0xe9: {  	[spmem:s1] =	stream.indirect.scatter.add.f32 [tilespmem:s15], [sflag:$0x1], $0x10, s14, s8, $0xb8;
	[tilespmem:$0x17B40] =	vst v63  }
0xea: {  	s17 =	simm.s32 $0x12400;
	s16 =	simm.s32 $0x1100  }
0xeb: {  	[spmem:s1] =	stream.indirect.scatter.add.f32 [tilespmem:s17], [sflag:$0x1], $0x10, s16, s8, $0xb8;
	[tilespmem:$0x17B40] =	vst v63  }
0xec: {  	s19 =	simm.s32 $0x12C00;
	s18 =	simm.s32 $0x1180  }
0xed: {  	[spmem:s1] =	stream.indirect.scatter.add.f32 [tilespmem:s19], [sflag:$0x1], $0x10, s18, s8, $0xb8;
	[tilespmem:$0x17B40] =	vst v63  }
0xee: {  	s20 =	simm.s32 $0x1200;
	s21 =	simm.s32 $0x13400  }
0xef: {  	[spmem:s1] =	stream.indirect.scatter.add.f32 [tilespmem:s21], [sflag:$0x1], $0x10, s20, s8, $0xb8;
	[tilespmem:$0x17B40] =	vst v63  }
0xf0: {  	s22 =	simm.s32 $0x1280;
	s23 =	simm.s32 $0x13C00  }
0xf1: {  	[spmem:s1] =	stream.indirect.scatter.add.f32 [tilespmem:s23], [sflag:$0x1], $0x10, s22, s8, $0xb8;
	[tilespmem:$0x17B40] =	vst v63  }
0xf2: {  	s24 =	simm.s32 $0x1300;
	s25 =	simm.s32 $0x14400  }
0xf3: {  	[spmem:s1] =	stream.indirect.scatter.add.f32 [tilespmem:s25], [sflag:$0x1], $0x10, s24, s8, $0xb8;
	[tilespmem:$0x17B40] =	vst v63  }
0xf4: {  	s30 =	simm.s32 $0x14C00;
	s26 =	simm.s32 $0x1380  }
0xf5: {  	[spmem:s1] =	stream.indirect.scatter.add.f32 [tilespmem:s30], [sflag:$0x1], $0x10, s26, s8, $0xb8;
	[tilespmem:$0x17B40] =	vst v63  }
0xf6: {  	_ =	swait.ge [sflag:s9], $0x800  }
0xf7: {  	[sflag:s9] =	ssyncset.done $0x0  }
0xf8: {  	[sflag:s9] =	ssyncadd.s32 $0xFFFFF800  }
0xf9: {  	_ =	swait.ge [sflag:s9], $0x800  }
0xfa: {  	[sflag:s9] =	ssyncset.done $0x0  }
0xfb: {  	[sflag:s9] =	ssyncadd.s32 $0xFFFFF800  }
0xfc: {  	_ =	swait.ge [sflag:s9], $0x800  }
0xfd: {  	[sflag:s9] =	ssyncset.done $0x0  }
0xfe: {  	[sflag:s9] =	ssyncadd.s32 $0xFFFFF800  }
0xff: {  	_ =	swait.ge [sflag:s9], $0x800  }
0x100: {  	[sflag:s9] =	ssyncset.done $0x0  }
0x101: {  	[sflag:s9] =	ssyncadd.s32 $0xFFFFF800  }
0x102: {  	_ =	swait.ge [sflag:s9], $0x800  }
0x103: {  	[sflag:s9] =	ssyncset.done $0x0  }
0x104: {  	[sflag:s9] =	ssyncadd.s32 $0xFFFFF800  }
0x105: {  	_ =	swait.ge [sflag:s9], $0x800  }
0x106: {  	[sflag:s9] =	ssyncset.done $0x0  }
0x107: {  	[sflag:s9] =	ssyncadd.s32 $0xFFFFF800  }
0x108: {  	_ =	swait.ge [sflag:s9], $0x800  }
0x109: {  	[sflag:s9] =	ssyncset.done $0x0  }
0x10a: {  	[sflag:s9] =	ssyncadd.s32 $0xFFFFF800  }
0x10b: {  	_ =	swait.ge [sflag:s9], $0x800  }
0x10c: {  	[sflag:s9] =	ssyncset.done $0x0  }
0x10d: {  	[sflag:s9] =	ssyncadd.s32 $0xFFFFF800  }
0x10e: {  	_ =	swait.ge [sflag:s9], $0x800  }
0x10f: {  	[sflag:s9] =	ssyncset.done $0x0  }
0x110: {  	[sflag:s9] =	ssyncadd.s32 $0xFFFFF800  }
0x111: {  	_ =	swait.ge [sflag:s9], $0x800  }
0x112: {  	s28 =	ssub.s32 $0x2, s31;
	[sflag:s9] =	ssyncset.done $0x0  }
0x113: {  	s29 =	sshrl.u32 s28, $0x1;
	[sflag:s9] =	ssyncadd.s32 $0xFFFFF800  }
0x114: {  	s0 =	ssub.s32 s28, s29;
	_ =	swait.ge [sflag:s9], $0x800  }
0x115: {  	s0 =	smax.u32 s0, $0x1;
	[sflag:s9] =	ssyncset.done $0x0  }
0x116: {  	s31 =	sadd.s32 $0xFFFFFFFF, s0;
	[sflag:s9] =	ssyncadd.s32 $0xFFFFF800  }
0x117: {  	p1 =	sne.s32 s31, $0x0;
	_ =	swait.ge [sflag:s9], $0x800  }
.Ltmp0:
0x118: {  	[sflag:s9] =	ssyncset.done $0x0;
	(pc) =	sbr.rel @!p1 .LBB2_2-.Ltmp0, $4  }
0x119: {  	[sflag:s9] =	ssyncadd.s32 $0xFFFFF800  }
0x11a: {  	_ =	swait.ge [sflag:s9], $0x800  }
0x11b: {  	[sflag:s9] =	ssyncset.done $0x0  }
0x11c: {  	[sflag:s9] =	ssyncadd.s32 $0xFFFFF800  }
.LBB2_1:
0x11d: {  	_ =	swait.ge [sflag:s9], $0x800  }
0x11e: {  	[sflag:s9] =	ssyncset.done $0x0  }
0x11f: {  	[sflag:s9] =	ssyncadd.s32 $0xFFFFF800  }
0x120: {  	_ =	swait.ge [sflag:s9], $0x800  }
0x121: {  	[sflag:s9] =	ssyncset.done $0x0  }
0x122: {  	[sflag:s9] =	ssyncadd.s32 $0xFFFFF800  }
0x123: {  	_ =	swait.ge [sflag:s9], $0x800  }
0x124: {  	[sflag:s9] =	ssyncset.done $0x0  }
0x125: {  	[sflag:s9] =	ssyncadd.s32 $0xFFFFF800  }
0x126: {  	_ =	swait.ge [sflag:s9], $0x800  }
0x127: {  	[sflag:s9] =	ssyncset.done $0x0  }
0x128: {  	[sflag:s9] =	ssyncadd.s32 $0xFFFFF800  }
0x129: {  	_ =	swait.ge [sflag:s9], $0x800  }
0x12a: {  	[sflag:s9] =	ssyncset.done $0x0  }
0x12b: {  	[sflag:s9] =	ssyncadd.s32 $0xFFFFF800  }
0x12c: {  	_ =	swait.ge [sflag:s9], $0x800  }
0x12d: {  	[sflag:s9] =	ssyncset.done $0x0  }
0x12e: {  	[sflag:s9] =	ssyncadd.s32 $0xFFFFF800  }
0x12f: {  	_ =	swait.ge [sflag:s9], $0x800  }
0x130: {  	[sflag:s9] =	ssyncset.done $0x0  }
0x131: {  	[sflag:s9] =	ssyncadd.s32 $0xFFFFF800  }
0x132: {  	[bflag:$0x0] =	sbarrier.arrive $0xFFFF  }
0x133: {  	s0 =	rddreg [dreg:$0x6]  }
0x134: {  	[hbm:s0], [sflag:s5] =	dma.local @!p0 [spmem:s3], $0x4E80  }
0x135: {  	_ =	swait.ge @!p0 [sflag:s4], $0x4E80  }
0x136: {  	[sflag:s4] =	ssyncset.done @!p0 $0x0  }
0x137: {  	s0 =	rddreg [dreg:$0x3];
	[sflag:s4] =	ssyncadd.s32 @!p0 $0xFFFFB180  }
0x138: {  	[spmem:s3], [sflag:s5] =	dma.local @!p0 [hbm:s0], $0x4E80  }
0x139: {  	_ =	swait.ge @!p0 [sflag:s4], $0x4E80  }
0x13a: {  	[sflag:s4] =	ssyncset.done @!p0 $0x0  }
0x13b: {  	s21 =	rddreg [dreg:$0x4];
	[sflag:s4] =	ssyncadd.s32 @!p0 $0xFFFFB180  }
0x13c: {  	[tilespmem:s2], [sflag:$0x2] =	stream.linear.gather [hbm4b:s21+s2], $0x1400, $0x38;
	[tilespmem:$0x17B40] =	vst v63  }
0x13d: {  	_ =	swait.ge [sflag:s6], $0x1400  }
0x13e: {  	[sflag:s6] =	ssyncset.done $0x0  }
0x13f: {  	s22 =	rddreg [dreg:$0x5];
	[sflag:s6] =	ssyncadd.s32 $0xFFFFEC00  }
0x140: {  	[tilespmem:s7], [sflag:$0x2] =	stream.linear.gather [hbm4b:s22+s2], $0x14000, $0x38;
	[tilespmem:$0x17B40] =	vst v63  }
0x141: {  	_ =	swait.ge [sflag:s6], $0x14000  }
0x142: {  	[sflag:s6] =	ssyncset.done $0x0  }
0x143: {  	[sflag:s6] =	ssyncadd.s32 $0xFFFEC000  }
0x144: {  	[bflag:$0x0] =	sbarrier.arrive $0xFFFF  }
0x145: {  	s12 =	rddreg [dreg:$0x12]  }
0x146: {  	s14 =	rddreg [dreg:$0x10]  }
0x147: {  	s0 =	sld [smem:$0x7DE]  }
0x148: {  	s15 =	rddreg [dreg:$0x11]  }
0x149: {  	s10 =	sld [smem:$0x7DF]  }
0x14a: {  	s16 =	rddreg [dreg:$0xe]  }
0x14b: {  	s11 =	rddreg [dreg:$0x1f]  }
0x14c: {  	s17 =	rddreg [dreg:$0xc]  }
0x14d: {  	s13 =	rddreg [dreg:$0x1b]  }
0x14e: {  	s18 =	rddreg [dreg:$0xd]  }
0x14f: {  	s19 =	rddreg [dreg:$0x17]  }
0x150: {  	s20 =	rddreg [dreg:$0xa]  }
0x151: {  	s21 =	rddreg [dreg:$0x13]  }
0x152: {  	s22 =	rddreg [dreg:$0xf]  }
0x153: {  	s23 =	rddreg [dreg:$0xb]  }
0x154: {  	s24 =	rddreg [dreg:$0x9]  }
0x155: {  	[spmem:s1] =	stream.indirect.scatter.add.f32 [tilespmem:s7], [sflag:$0x1], $0x10, s2, s8, $0xb8;
	[tilespmem:$0x17B40] =	vst v63  }
0x156: {  	s25 =	rddreg [dreg:$0x7]  }
0x157: {  	s26 =	rddreg [dreg:$0x15]  }
0x158: {  	s28 =	rddreg [dreg:$0x8]  }
0x159: {  	s29 =	rddreg [dreg:$0x14]  }
0x15a: {  	[spmem:s1] =	stream.indirect.scatter.add.f32 [tilespmem:s25], [sflag:$0x1], $0x10, s8, s8, $0xb8;
	[tilespmem:$0x17B40] =	vst v63  }
0x15b: {  	s25 =	rddreg [dreg:$0x16]  }
0x15c: {  	[spmem:s1] =	stream.indirect.scatter.add.f32 [tilespmem:s24], [sflag:$0x1], $0x10, s28, s8, $0xb8;
	[tilespmem:$0x17B40] =	vst v63  }
0x15d: {  	s24 =	rddreg [dreg:$0x19]  }
0x15e: {  	[spmem:s1] =	stream.indirect.scatter.add.f32 [tilespmem:s23], [sflag:$0x1], $0x10, s20, s8, $0xb8;
	[tilespmem:$0x17B40] =	vst v63  }
0x15f: {  	s28 =	rddreg [dreg:$0x1c]  }
0x160: {  	[spmem:s1] =	stream.indirect.scatter.add.f32 [tilespmem:s18], [sflag:$0x1], $0x10, s17, s8, $0xb8;
	[tilespmem:$0x17B40] =	vst v63  }
0x161: {  	s20 =	rddreg [dreg:$0x18]  }
0x162: {  	[spmem:s1] =	stream.indirect.scatter.add.f32 [tilespmem:s22], [sflag:$0x1], $0x10, s16, s8, $0xb8;
	[tilespmem:$0x17B40] =	vst v63  }
0x163: {  	s23 =	rddreg [dreg:$0x1d]  }
0x164: {  	[spmem:s1] =	stream.indirect.scatter.add.f32 [tilespmem:s15], [sflag:$0x1], $0x10, s14, s8, $0xb8;
	[tilespmem:$0x17B40] =	vst v63  }
0x165: {  	s17 =	rddreg [dreg:$0x1a]  }
0x166: {  	[spmem:s1] =	stream.indirect.scatter.add.f32 [tilespmem:s21], [sflag:$0x1], $0x10, s12, s8, $0xb8;
	[tilespmem:$0x17B40] =	vst v63  }
0x167: {  	s18 =	sld [smem:$0x7E0]  }
0x168: {  	[spmem:s1] =	stream.indirect.scatter.add.f32 [tilespmem:s26], [sflag:$0x1], $0x10, s29, s8, $0xb8;
	[tilespmem:$0x17B40] =	vst v63  }
0x169: {  	s22 =	sld [smem:$0x7E3]  }
0x16a: {  	[spmem:s1] =	stream.indirect.scatter.add.f32 [tilespmem:s19], [sflag:$0x1], $0x10, s25, s8, $0xb8;
	[tilespmem:$0x17B40] =	vst v63  }
0x16b: {  	s15 =	rddreg [dreg:$0x1e]  }
0x16c: {  	[spmem:s1] =	stream.indirect.scatter.add.f32 [tilespmem:s24], [sflag:$0x1], $0x10, s20, s8, $0xb8;
	[tilespmem:$0x17B40] =	vst v63  }
0x16d: {  	s21 =	sld [smem:$0x7E2]  }
0x16e: {  	[spmem:s1] =	stream.indirect.scatter.add.f32 [tilespmem:s13], [sflag:$0x1], $0x10, s17, s8, $0xb8;
	[tilespmem:$0x17B40] =	vst v63  }
0x16f: {  	s26 =	sld [smem:$0x7E7]  }
0x170: {  	[spmem:s1] =	stream.indirect.scatter.add.f32 [tilespmem:s23], [sflag:$0x1], $0x10, s28, s8, $0xb8;
	[tilespmem:$0x17B40] =	vst v63  }
0x171: {  	s19 =	sld [smem:$0x7E1]  }
0x172: {  	[spmem:s1] =	stream.indirect.scatter.add.f32 [tilespmem:s11], [sflag:$0x1], $0x10, s15, s8, $0xb8;
	[tilespmem:$0x17B40] =	vst v63  }
0x173: {  	s29 =	sld [smem:$0x7E9]  }
0x174: {  	[spmem:s1] =	stream.indirect.scatter.add.f32 [tilespmem:s18], [sflag:$0x1], $0x10, s19, s8, $0xb8;
	[tilespmem:$0x17B40] =	vst v63  }
0x175: {  	s23 =	sld [smem:$0x7E4]  }
0x176: {  	[spmem:s1] =	stream.indirect.scatter.add.f32 [tilespmem:s10], [sflag:$0x1], $0x10, s21, s8, $0xb8;
	[tilespmem:$0x17B40] =	vst v63  }
0x177: {  	s24 =	sld [smem:$0x7E5]  }
0x178: {  	[spmem:s1] =	stream.indirect.scatter.add.f32 [tilespmem:s22], [sflag:$0x1], $0x10, s23, s8, $0xb8;
	[tilespmem:$0x17B40] =	vst v63  }
0x179: {  	s25 =	sld [smem:$0x7E6]  }
0x17a: {  	[spmem:s1] =	stream.indirect.scatter.add.f32 [tilespmem:s0], [sflag:$0x1], $0x10, s24, s8, $0xb8;
	[tilespmem:$0x17B40] =	vst v63  }
0x17b: {  	s28 =	sld [smem:$0x7E8]  }
0x17c: {  	[spmem:s1] =	stream.indirect.scatter.add.f32 [tilespmem:s25], [sflag:$0x1], $0x10, s26, s8, $0xb8;
	[tilespmem:$0x17B40] =	vst v63  }
0x17d: {  	_ = 	snop  }
0x17e: {  	[spmem:s1] =	stream.indirect.scatter.add.f32 [tilespmem:s29], [sflag:$0x1], $0x10, s28, s8, $0xb8;
	[tilespmem:$0x17B40] =	vst v63  }
0x17f: {  	_ =	swait.ge [sflag:s9], $0x800  }
0x180: {  	[sflag:s9] =	ssyncset.done $0x0  }
0x181: {  	[sflag:s9] =	ssyncadd.s32 $0xFFFFF800  }
0x182: {  	_ =	swait.ge [sflag:s9], $0x800  }
0x183: {  	[sflag:s9] =	ssyncset.done $0x0  }
0x184: {  	[sflag:s9] =	ssyncadd.s32 $0xFFFFF800  }
0x185: {  	_ =	swait.ge [sflag:s9], $0x800  }
0x186: {  	[sflag:s9] =	ssyncset.done $0x0  }
0x187: {  	[sflag:s9] =	ssyncadd.s32 $0xFFFFF800  }
0x188: {  	_ =	swait.ge [sflag:s9], $0x800  }
0x189: {  	[sflag:s9] =	ssyncset.done $0x0  }
0x18a: {  	[sflag:s9] =	ssyncadd.s32 $0xFFFFF800  }
0x18b: {  	_ =	swait.ge [sflag:s9], $0x800  }
0x18c: {  	[sflag:s9] =	ssyncset.done $0x0  }
0x18d: {  	[sflag:s9] =	ssyncadd.s32 $0xFFFFF800  }
0x18e: {  	_ =	swait.ge [sflag:s9], $0x800  }
0x18f: {  	[sflag:s9] =	ssyncset.done $0x0  }
0x190: {  	[sflag:s9] =	ssyncadd.s32 $0xFFFFF800  }
0x191: {  	_ =	swait.ge [sflag:s9], $0x800  }
0x192: {  	[sflag:s9] =	ssyncset.done $0x0  }
0x193: {  	[sflag:s9] =	ssyncadd.s32 $0xFFFFF800  }
0x194: {  	_ =	swait.ge [sflag:s9], $0x800  }
0x195: {  	[sflag:s9] =	ssyncset.done $0x0  }
0x196: {  	[sflag:s9] =	ssyncadd.s32 $0xFFFFF800  }
0x197: {  	_ =	swait.ge [sflag:s9], $0x800  }
0x198: {  	[sflag:s9] =	ssyncset.done $0x0  }
0x199: {  	[sflag:s9] =	ssyncadd.s32 $0xFFFFF800  }
0x19a: {  	_ =	swait.ge [sflag:s9], $0x800  }
0x19b: {  	[sflag:s9] =	ssyncset.done $0x0  }
0x19c: {  	[sflag:s9] =	ssyncadd.s32 $0xFFFFF800  }
0x19d: {  	_ =	swait.ge [sflag:s9], $0x800  }
0x19e: {  	[sflag:s9] =	ssyncset.done $0x0  }
0x19f: {  	[sflag:s9] =	ssyncadd.s32 $0xFFFFF800  }
0x1a0: {  	_ =	swait.ge [sflag:s9], $0x800  }
0x1a1: {  	[sflag:s9] =	ssyncset.done $0x0  }
0x1a2: {  	[sflag:s9] =	ssyncadd.s32 $0xFFFFF800  }
0x1a3: {  	_ =	swait.ge [sflag:s9], $0x800  }
0x1a4: {  	[sflag:s9] =	ssyncset.done $0x0  }
0x1a5: {  	[sflag:s9] =	ssyncadd.s32 $0xFFFFF800  }
0x1a6: {  	_ =	swait.ge [sflag:s9], $0x800  }
0x1a7: {  	[sflag:s9] =	ssyncset.done $0x0  }
0x1a8: {  	[sflag:s9] =	ssyncadd.s32 $0xFFFFF800  }
0x1a9: {  	_ =	swait.ge [sflag:s9], $0x800  }
0x1aa: {  	[sflag:s9] =	ssyncset.done $0x0  }
0x1ab: {  	[sflag:s9] =	ssyncadd.s32 $0xFFFFF800  }
0x1ac: {  	_ =	swait.ge [sflag:s9], $0x800  }
0x1ad: {  	[sflag:s9] =	ssyncset.done $0x0  }
0x1ae: {  	[sflag:s9] =	ssyncadd.s32 $0xFFFFF800  }
0x1af: {  	_ =	swait.ge [sflag:s9], $0x800  }
0x1b0: {  	[sflag:s9] =	ssyncset.done $0x0  }
0x1b1: {  	[sflag:s9] =	ssyncadd.s32 $0xFFFFF800  }
0x1b2: {  	_ =	swait.ge [sflag:s9], $0x800  }
0x1b3: {  	[sflag:s9] =	ssyncset.done $0x0  }
0x1b4: {  	[sflag:s9] =	ssyncadd.s32 $0xFFFFF800  }
0x1b5: {  	_ =	swait.ge [sflag:s9], $0x800  }
0x1b6: {  	[sflag:s9] =	ssyncset.done $0x0  }
0x1b7: {  	[sflag:s9] =	ssyncadd.s32 $0xFFFFF800  }
0x1b8: {  	_ =	swait.ge [sflag:s9], $0x800  }
0x1b9: {  	s10 =	sld [smem:$0x7EA]  }
0x1ba: {  	s19 =	sld [smem:$0x7EB]  }
0x1bb: {  	s20 =	sld [smem:$0x7EC]  }
0x1bc: {  	s22 =	sld [smem:$0x7ED]  }
0x1bd: {  	s13 =	sld [smem:$0x7EE]  }
0x1be: {  	s23 =	sld [smem:$0x7EF]  }
0x1bf: {  	s15 =	sld [smem:$0x7F0]  }
0x1c0: {  	s24 =	sld [smem:$0x7F1]  }
0x1c1: {  	s25 =	sld [smem:$0x7F2]  }
0x1c2: {  	s26 =	sld [smem:$0x7F3]  }
0x1c3: {  	[sflag:s9] =	ssyncset.done $0x0;
	s28 =	sld [smem:$0x7F4]  }
0x1c4: {  	s29 =	sld [smem:$0x7F5];
	[sflag:s9] =	ssyncadd.s32 $0xFFFFF800  }
0x1c5: {  	[spmem:s1] =	stream.indirect.scatter.add.f32 [tilespmem:s26], [sflag:$0x1], $0x10, s25, s8, $0xb8;
	[tilespmem:$0x17B40] =	vst v63  }
0x1c6: {  	s21 =	sld [smem:$0x7F6]  }
0x1c7: {  	[spmem:s1] =	stream.indirect.scatter.add.f32 [tilespmem:s22], [sflag:$0x1], $0x10, s20, s8, $0xb8;
	[tilespmem:$0x17B40] =	vst v63  }
0x1c8: {  	s25 =	sld [smem:$0x7FA]  }
0x1c9: {  	[spmem:s1] =	stream.indirect.scatter.add.f32 [tilespmem:s24], [sflag:$0x1], $0x10, s23, s8, $0xb8;
	[tilespmem:$0x17B40] =	vst v63  }
0x1ca: {  	s22 =	sld [smem:$0x7F7]  }
0x1cb: {  	[spmem:s1] =	stream.indirect.scatter.add.f32 [tilespmem:s21], [sflag:$0x1], $0x10, s10, s8, $0xb8;
	[tilespmem:$0x17B40] =	vst v63  }
0x1cc: {  	s23 =	sld [smem:$0x7F8]  }
0x1cd: {  	[spmem:s1] =	stream.indirect.scatter.add.f32 [tilespmem:s19], [sflag:$0x1], $0x10, s29, s8, $0xb8;
	[tilespmem:$0x17B40] =	vst v63  }
0x1ce: {  	s24 =	sld [smem:$0x7F9]  }
0x1cf: {  	[spmem:s1] =	stream.indirect.scatter.add.f32 [tilespmem:s22], [sflag:$0x1], $0x10, s23, s8, $0xb8;
	[tilespmem:$0x17B40] =	vst v63  }
0x1d0: {  	s26 =	sld [smem:$0x7FB]  }
0x1d1: {  	[spmem:s1] =	stream.indirect.scatter.add.f32 [tilespmem:s28], [sflag:$0x1], $0x10, s24, s8, $0xb8;
	[tilespmem:$0x17B40] =	vst v63  }
0x1d2: {  	s29 =	sld [smem:$0x7FD]  }
0x1d3: {  	[spmem:s1] =	stream.indirect.scatter.add.f32 [tilespmem:s15], [sflag:$0x1], $0x10, s25, s8, $0xb8;
	[tilespmem:$0x17B40] =	vst v63  }
0x1d4: {  	s28 =	sld [smem:$0x7FC]  }
0x1d5: {  	[spmem:s1] =	stream.indirect.scatter.add.f32 [tilespmem:s13], [sflag:$0x1], $0x10, s26, s8, $0xb8;
	[tilespmem:$0x17B40] =	vst v63  }
0x1d6: {  	_ = 	snop  }
0x1d7: {  	[spmem:s1] =	stream.indirect.scatter.add.f32 [tilespmem:s29], [sflag:$0x1], $0x10, s28, s8, $0xb8;
	[tilespmem:$0x17B40] =	vst v63  }
0x1d8: {  	s11 =	simm.s32 $0x10400;
	s10 =	simm.s32 $0xF00  }
0x1d9: {  	[spmem:s1] =	stream.indirect.scatter.add.f32 [tilespmem:s11], [sflag:$0x1], $0x10, s10, s8, $0xb8;
	[tilespmem:$0x17B40] =	vst v63  }
0x1da: {  	s12 =	simm.s32 $0xF80;
	s13 =	simm.s32 $0x10C00  }
0x1db: {  	[spmem:s1] =	stream.indirect.scatter.add.f32 [tilespmem:s13], [sflag:$0x1], $0x10, s12, s8, $0xb8;
	[tilespmem:$0x17B40] =	vst v63  }
0x1dc: {  	s14 =	simm.s32 $0x1000;
	s15 =	simm.s32 $0x11400  }
0x1dd: {  	[spmem:s1] =	stream.indirect.scatter.add.f32 [tilespmem:s15], [sflag:$0x1], $0x10, s14, s8, $0xb8;
	[tilespmem:$0x17B40] =	vst v63  }
0x1de: {  	s16 =	simm.s32 $0x1080;
	s17 =	simm.s32 $0x11C00  }
0x1df: {  	[spmem:s1] =	stream.indirect.scatter.add.f32 [tilespmem:s17], [sflag:$0x1], $0x10, s16, s8, $0xb8;
	[tilespmem:$0x17B40] =	vst v63  }
0x1e0: {  	s18 =	simm.s32 $0x1100;
	s19 =	simm.s32 $0x12400  }
0x1e1: {  	[spmem:s1] =	stream.indirect.scatter.add.f32 [tilespmem:s19], [sflag:$0x1], $0x10, s18, s8, $0xb8;
	[tilespmem:$0x17B40] =	vst v63  }
0x1e2: {  	s20 =	simm.s32 $0x1180;
	s21 =	simm.s32 $0x12C00  }
0x1e3: {  	[spmem:s1] =	stream.indirect.scatter.add.f32 [tilespmem:s21], [sflag:$0x1], $0x10, s20, s8, $0xb8;
	[tilespmem:$0x17B40] =	vst v63  }
0x1e4: {  	s22 =	simm.s32 $0x1200;
	s23 =	simm.s32 $0x13400  }
0x1e5: {  	[spmem:s1] =	stream.indirect.scatter.add.f32 [tilespmem:s23], [sflag:$0x1], $0x10, s22, s8, $0xb8;
	[tilespmem:$0x17B40] =	vst v63  }
0x1e6: {  	s24 =	simm.s32 $0x1280;
	s25 =	simm.s32 $0x13C00  }
0x1e7: {  	[spmem:s1] =	stream.indirect.scatter.add.f32 [tilespmem:s25], [sflag:$0x1], $0x10, s24, s8, $0xb8;
	[tilespmem:$0x17B40] =	vst v63  }
0x1e8: {  	s26 =	simm.s32 $0x1300;
	s28 =	simm.s32 $0x14400  }
0x1e9: {  	[spmem:s1] =	stream.indirect.scatter.add.f32 [tilespmem:s28], [sflag:$0x1], $0x10, s26, s8, $0xb8;
	[tilespmem:$0x17B40] =	vst v63  }
0x1ea: {  	s29 =	simm.s32 $0x1380  }
0x1eb: {  	[spmem:s1] =	stream.indirect.scatter.add.f32 [tilespmem:s30], [sflag:$0x1], $0x10, s29, s8, $0xb8;
	[tilespmem:$0x17B40] =	vst v63  }
0x1ec: {  	_ =	swait.ge [sflag:s9], $0x800  }
0x1ed: {  	[sflag:s9] =	ssyncset.done $0x0  }
0x1ee: {  	[sflag:s9] =	ssyncadd.s32 $0xFFFFF800  }
0x1ef: {  	_ =	swait.ge [sflag:s9], $0x800  }
0x1f0: {  	[sflag:s9] =	ssyncset.done $0x0  }
0x1f1: {  	[sflag:s9] =	ssyncadd.s32 $0xFFFFF800  }
0x1f2: {  	_ =	swait.ge [sflag:s9], $0x800  }
0x1f3: {  	[sflag:s9] =	ssyncset.done $0x0  }
0x1f4: {  	[sflag:s9] =	ssyncadd.s32 $0xFFFFF800  }
0x1f5: {  	_ =	swait.ge [sflag:s9], $0x800  }
0x1f6: {  	[sflag:s9] =	ssyncset.done $0x0  }
0x1f7: {  	[sflag:s9] =	ssyncadd.s32 $0xFFFFF800  }
0x1f8: {  	_ =	swait.ge [sflag:s9], $0x800  }
0x1f9: {  	[sflag:s9] =	ssyncset.done $0x0  }
0x1fa: {  	[sflag:s9] =	ssyncadd.s32 $0xFFFFF800  }
0x1fb: {  	_ =	swait.ge [sflag:s9], $0x800  }
0x1fc: {  	[sflag:s9] =	ssyncset.done $0x0  }
0x1fd: {  	[sflag:s9] =	ssyncadd.s32 $0xFFFFF800  }
0x1fe: {  	_ =	swait.ge [sflag:s9], $0x800  }
0x1ff: {  	[sflag:s9] =	ssyncset.done $0x0  }
0x200: {  	[sflag:s9] =	ssyncadd.s32 $0xFFFFF800  }
0x201: {  	_ =	swait.ge [sflag:s9], $0x800  }
0x202: {  	[sflag:s9] =	ssyncset.done $0x0  }
0x203: {  	[sflag:s9] =	ssyncadd.s32 $0xFFFFF800  }
0x204: {  	_ =	swait.ge [sflag:s9], $0x800  }
0x205: {  	[sflag:s9] =	ssyncset.done $0x0  }
0x206: {  	[sflag:s9] =	ssyncadd.s32 $0xFFFFF800  }
0x207: {  	_ =	swait.ge [sflag:s9], $0x800  }
0x208: {  	[sflag:s9] =	ssyncset.done $0x0  }
0x209: {  	[sflag:s9] =	ssyncadd.s32 $0xFFFFF800  }
0x20a: {  	_ =	swait.ge [sflag:s9], $0x800  }
0x20b: {  	[sflag:s9] =	ssyncset.done $0x0  }
0x20c: {  	s31 =	sadd.s32 $0xFFFFFFFF, s31;
	[sflag:s9] =	ssyncadd.s32 $0xFFFFF800  }
0x20d: {  	p1 =	sne.s32 s31, $0x0;
	_ =	swait.ge [sflag:s9], $0x800  }
.Ltmp1:
0x20e: {  	[sflag:s9] =	ssyncset.done $0x0;
	(pc) =	sbr.rel @p1 .LBB2_1-.Ltmp1, $4  }
0x20f: {  	[sflag:s9] =	ssyncadd.s32 $0xFFFFF800  }
0x210: {  	_ =	swait.ge [sflag:s9], $0x800  }
0x211: {  	[sflag:s9] =	ssyncset.done $0x0  }
0x212: {  	[sflag:s9] =	ssyncadd.s32 $0xFFFFF800  }
.LBB2_2:
0x213: {  	_ =	swait.ge [sflag:s9], $0x800  }
0x214: {  	[sflag:s9] =	ssyncset.done $0x0  }
0x215: {  	[sflag:s9] =	ssyncadd.s32 $0xFFFFF800  }
0x216: {  	_ =	swait.ge [sflag:s9], $0x800  }
0x217: {  	[sflag:s9] =	ssyncset.done $0x0  }
0x218: {  	[sflag:s9] =	ssyncadd.s32 $0xFFFFF800  }
0x219: {  	_ =	swait.ge [sflag:s9], $0x800  }
0x21a: {  	[sflag:s9] =	ssyncset.done $0x0  }
0x21b: {  	[sflag:s9] =	ssyncadd.s32 $0xFFFFF800  }
0x21c: {  	_ =	swait.ge [sflag:s9], $0x800  }
0x21d: {  	[sflag:s9] =	ssyncset.done $0x0  }
0x21e: {  	[sflag:s9] =	ssyncadd.s32 $0xFFFFF800  }
0x21f: {  	_ =	swait.ge [sflag:s9], $0x800  }
0x220: {  	[sflag:s9] =	ssyncset.done $0x0  }
0x221: {  	[sflag:s9] =	ssyncadd.s32 $0xFFFFF800  }
0x222: {  	_ =	swait.ge [sflag:s9], $0x800  }
0x223: {  	[sflag:s9] =	ssyncset.done $0x0  }
0x224: {  	[sflag:s9] =	ssyncadd.s32 $0xFFFFF800  }
0x225: {  	_ =	swait.ge [sflag:s9], $0x800  }
0x226: {  	[sflag:s9] =	ssyncset.done $0x0  }
0x227: {  	[sflag:s9] =	ssyncadd.s32 $0xFFFFF800  }
0x228: {  	[bflag:$0x0] =	sbarrier.arrive $0xFFFF  }
0x229: {  	s0 =	rddreg [dreg:$0x6]  }
0x22a: {  	[hbm:s0], [sflag:s5] =	dma.local @!p0 [spmem:s3], $0x4E80  }
0x22b: {  	_ =	swait.ge @!p0 [sflag:s4], $0x4E80  }
0x22c: {  	[sflag:s4] =	ssyncset.done @!p0 $0x0  }
0x22d: {  	[sflag:s4] =	ssyncadd.s32 @!p0 $0xFFFFB180  }
0x22e: {  	_ =	sfence.sel $0x180000  }
0x22f: {  	[bflag:$0x0] =	sbarrier.arrive $0xFFFF  }
0x230: {  	_ =	strace $0x9000004A  }
0x231: {  	[bflag:$0x2] =	sbarrier.arrive $0xFFFF  }
0x232: {  	s0 =	rddreg [dreg:$0x2]  }
0x233: {  	s0 =	sadd.s32 @!p0 $0x100000, s0  }
0x234: {  	[sflag:s0] =	ssyncadd.tile.s32 @!p0 $0x1;
	_ =	shalt  }
.Lfunc_end2:
_tile_overlayer_lowered:
.L_overlay_start_2:
0x235: {  	(tag) =	ssettag $0x2  }
0x236: {  	s0 =	rddreg [dreg:$0x0];
	s2 =	stileid.u32  }
0x237: {  	s1 =	rddreg [dreg:$0x1];
	p0 =	sne.s32 s2, $0x0  }
0x238: {  	s3 =	rddreg [dreg:$0x2];
	[bflag:$0x3] =	sbarrier.arrive $0xFFFF;
	s2 =	simm.s32 @!p0 $0x1C02  }
0x239: {  	[timem:s3], [sflag:s2] =	dma.local @!p0 [hbm:s0], s1  }
0x23a: {  	s0 =	simm.s32 @!p0 $0x2  }
0x23b: {  	_ =	swait.ge @!p0 [sflag:s0], s1  }
0x23c: {  	s1 =	ssub.s32 @!p0 $0x0, s1;
	[sflag:s0] =	ssyncset.done @!p0 $0x0  }
0x23d: {  	[sflag:s0] =	ssyncadd.s32 @!p0 s1  }
0x23e: {  	[bflag:$0x3] =	sbarrier.arrive $0xFFFF  }
0x23f: {  	_ =	shalt  }

// kernel: kernel.16.cloned.1.call-start
scs
__scs_entry_jumppad:
0x0: {  	(pc) =	sbr.rel $0x88, $3  }
0x1: {  	(tag) =	ssettag $0x0;
	lr =	simm.s32 $0x1  }
0x2: {  	[smem:$0x3F92] =	sst lr;
	_ =	strace $0xD0000000  }
0x3: {  	_ = 	snop  }
0x4: {  	_ = 	snop  }
0x5: {  	_ = 	snop  }
0x6: {  	_ = 	snop  }
0x7: {  	_ = 	snop  }
__scs_overlays_trampoline_lowered:
0x8: {  	[smem:$0x3FA1] =	sst s0  }
0x9: {  	[smem:$0x3FA2] =	sst s1  }
0xa: {  	[smem:$0x3FA3] =	sst s2  }
0xb: {  	[smem:$0x3FA4] =	sst s3  }
0xc: {  	[smem:$0x3FA5] =	sst s4  }
0xd: {  	[smem:$0x3FA6] =	sst s5  }
0xe: {  	[smem:$0x3FA7] =	sst s6  }
0xf: {  	[smem:$0x3FA8] =	sst s7  }
0x10: {  	[smem:$0x3FA9] =	sst s8  }
0x11: {  	[smem:$0x3FAA] =	sst s9;
	s0 =	simm.s32 @!p0 $0x0  }
0x12: {  	s1 =	sld [smem:$0x3F90];
	s0 =	simm.s32 @p0 $0x1  }
0x13: {  	[smem:$0x3FAB] =	sst s0;
	s0 =	simm.s32 @!p1 $0x0  }
0x14: {  	s2 =	sld [smem:$0x3F8F];
	s0 =	simm.s32 @p1 $0x1  }
0x15: {  	[smem:$0x3FAC] =	sst s0;
	s0 =	simm.s32 @!p2 $0x0  }
0x16: {  	s3 =	sld [smem:$0x3FDB];
	s0 =	simm.s32 @p2 $0x1  }
0x17: {  	s4 =	simm.s32 $0x1BF5;
	[smem:$0x3FAE] =	sst s0  }
0x18: {  	s0 =	sld [smem:$0x3F91];
	_ =	swait.ge [sflag:s4], $0x0  }
0x19: {  	s7 =	sld [smem:$0x3F92]  }
0x1a: {  	s8 =	sadd.s32 $0xFFFFE003, lr  }
0x1b: {  	s9 =	sadd.s32 $0xFFFFFEF7, lr;
	s5 =	simm.s32 $0xFFFFFFFF;
	p2 =	slt.u32 s8, $0xFFFFF086  }
0x1c: {  	p1 =	slt.u32 s9, $0xF7A;
	s5 =	simm.s32 @!p2 $0x0  }
0x1d: {  	s5 =	simm.s32 @p1 $0x1;
	p0 =	seq.s32 s7, s2  }
0x1e: {  	s7 =	smul.u32 @!p0 $0xF7A, s2;
	p2 =	seq.s32 @!p0 s5, $0x0  }
0x1f: {  	s9 =	smul.u32 $0xF7A, s1;
	s8 =	simm.s32 @!p0 $0x1BF5;
	p2 =	por !p2, p0  }
0x20: {  	[sflag:s8] =	ssyncset.s32 @!p0 $0xFFFFF086;
	s6 =	sadd.s32 @!p0 s3, s7;
	s7 =	simm.s32 @!p0 $0x108  }
0x21: {  	s3 =	sadd.s32 s3, s9;
	s6 =	sadd.s32 @!p0 $0x88, s6;
	s7 =	simm.s32 @p2 $0x1082  }
0x22: {  	[simem:s7], [sflag:s8] =	dma.local @!p0 [hbm:s6], $0xF7A  }
0x23: {  	s9 =	sor.u32 $0xD0000000, s2;
	s6 =	simm.s32 $0x108;
	_ =	swait.ge @!p0 [sflag:s8], $0x0  }
0x24: {  	s3 =	sadd.s32 $0x88, s3;
	s6 =	simm.s32 @!p1 $0x1082;
	[sflag:s4] =	ssyncset.s32 $0xFFFFF086  }
0x25: {  	[simem:s6], [sflag:s4] =	dma.local [hbm:s3], $0xF7A  }
0x26: {  	[smem:$0x3F92] =	sst s1;
	(tag) =	ssettag s2;
	_ =	strace s9  }
0x27: {  	s1 =	sld [smem:$0x3FA2]  }
0x28: {  	s2 =	sld [smem:$0x3FA3]  }
0x29: {  	s4 =	sld [smem:$0x3FA5]  }
0x2a: {  	p0 =	seq.s32 s5, $0x0;
	s5 =	sld [smem:$0x3FA6]  }
0x2b: {  	s6 =	sld [smem:$0x3FA7]  }
0x2c: {  	s7 =	sld [smem:$0x3FA8]  }
0x2d: {  	s3 =	simm.s32 $0x108;
	s8 =	sld [smem:$0x3FA9]  }
0x2e: {  	s3 =	simm.s32 @!p0 $0x1082;
	s9 =	sld [smem:$0x3FAA]  }
0x2f: {  	lr =	sadd.s32 s0, s3;
	s0 =	sld [smem:$0x3FA1]  }
0x30: {  	s3 =	sld [smem:$0x3FA4]  }
0x31: {  	[smem:$0x3FAD] =	sst s10  }
0x32: {  	s10 =	sld [smem:$0x3FAB];
	_ =	sdelay $0x3  }
0x33: {  	p0 =	seq.s32 s10, $0x1;
	s10 =	sld [smem:$0x3FAD];
	_ =	sdelay $0x3  }
0x34: {  	[smem:$0x3FAD] =	sst s10  }
0x35: {  	s10 =	sld [smem:$0x3FAC];
	_ =	sdelay $0x3  }
0x36: {  	p1 =	seq.s32 s10, $0x1;
	s10 =	sld [smem:$0x3FAD];
	_ =	sdelay $0x3  }
0x37: {  	[smem:$0x3FAD] =	sst s10  }
0x38: {  	s10 =	sld [smem:$0x3FAE]  }
0x39: {  	_ = 	snop;
	(pc) =	sbr.ind lr, $3  }
0x3a: {  	_ = 	snop  }
0x3b: {  	_ = 	snop  }
0x3c: {  	p2 =	seq.s32 s10, $0x1;
	s10 =	sld [smem:$0x3FAD]  }
0x3d: {  	_ =	shalt  }
0x3e: {  	_ =	shalt  }
0x3f: {  	_ =	shalt  }
0x40: {  	_ =	shalt  }
0x41: {  	_ =	shalt  }
0x42: {  	_ =	shalt  }
0x43: {  	_ =	shalt  }
0x44: {  	_ =	shalt  }
0x45: {  	_ =	shalt  }
0x46: {  	_ =	shalt  }
0x47: {  	_ =	shalt  }
0x48: {  	_ =	shalt  }
0x49: {  	_ =	shalt  }
0x4a: {  	_ =	shalt  }
0x4b: {  	_ =	shalt  }
0x4c: {  	_ =	shalt  }
0x4d: {  	_ =	shalt  }
0x4e: {  	_ =	shalt  }
0x4f: {  	_ =	shalt  }
0x50: {  	_ =	shalt  }
0x51: {  	_ =	shalt  }
0x52: {  	_ =	shalt  }
0x53: {  	_ =	shalt  }
0x54: {  	_ =	shalt  }
0x55: {  	_ =	shalt  }
0x56: {  	_ =	shalt  }
0x57: {  	_ =	shalt  }
0x58: {  	_ =	shalt  }
0x59: {  	_ =	shalt  }
0x5a: {  	_ =	shalt  }
0x5b: {  	_ =	shalt  }
0x5c: {  	_ =	shalt  }
0x5d: {  	_ =	shalt  }
0x5e: {  	_ =	shalt  }
0x5f: {  	_ =	shalt  }
0x60: {  	_ =	shalt  }
0x61: {  	_ =	shalt  }
0x62: {  	_ =	shalt  }
0x63: {  	_ =	shalt  }
0x64: {  	_ =	shalt  }
0x65: {  	_ =	shalt  }
0x66: {  	_ =	shalt  }
0x67: {  	_ =	shalt  }
0x68: {  	_ =	shalt  }
0x69: {  	_ =	shalt  }
0x6a: {  	_ =	shalt  }
0x6b: {  	_ =	shalt  }
0x6c: {  	_ =	shalt  }
0x6d: {  	_ =	shalt  }
0x6e: {  	_ =	shalt  }
0x6f: {  	_ =	shalt  }
0x70: {  	_ =	shalt  }
0x71: {  	_ =	shalt  }
0x72: {  	_ =	shalt  }
0x73: {  	_ =	shalt  }
0x74: {  	_ =	shalt  }
0x75: {  	_ =	shalt  }
0x76: {  	_ =	shalt  }
0x77: {  	_ =	shalt  }
0x78: {  	_ =	shalt  }
0x79: {  	_ =	shalt  }
0x7a: {  	_ =	shalt  }
0x7b: {  	_ =	shalt  }
0x7c: {  	_ =	shalt  }
0x7d: {  	_ =	shalt  }
0x7e: {  	_ =	shalt  }
0x7f: {  	_ =	shalt  }
0x80: {  	_ =	shalt  }
0x81: {  	_ =	shalt  }
0x82: {  	_ =	shalt  }
0x83: {  	_ =	shalt  }
0x84: {  	_ =	shalt  }
0x85: {  	_ =	shalt  }
0x86: {  	_ =	shalt  }
0x87: {  	_ =	shalt  }
.Lfunc_end0:
.L_simem_size_0:
called_computation.2_lowered:
.L_overlay_start_0:
0x88: {  	s2 =	sld [smem:$0x3FD9]  }
0x89: {  	s3 =	sld [smem:$0x3FFE];
	_ =	sdelay $0x1  }
0x8a: {  	s1 =	srdreg.scid  }
0x8b: {  	s0 =	sand.u32 $0x1, s1  }
0x8c: {  	s17 =	sshll.u32 s0, $0xA;
	s2 =	sadd.s32 s3, s2  }
0x8d: {  	s2 =	sadd.s32 s2, s17  }
0x8e: {  	[smem:$0x3FB9] =	sst s2  }
0x8f: {  	_ = 	snop  }
0x90: {  	s2 =	sld [smem:$0x3FD0];
	(tm) =	ssettm $0x1  }
0x91: {  	s18 =	sld [smem:$0x3FFB];
	_ =	sdelay $0x3  }
0x92: {  	_ =	strace s18  }
0x93: {  	s3 =	sld [smem:$0x3FFC];
	_ =	sdelay $0x3  }
0x94: {  	_ =	strace s3  }
0x95: {  	s3 =	sld [smem:$0x3FFD];
	_ =	sdelay $0x3  }
0x96: {  	_ =	strace s3  }
0x97: {  	_ =	strace $0x8FFFFFFF  }
0x98: {  	s19 =	sld [smem:$0x3FDB];
	_ =	sdelay $0x1  }
0x99: {  	s4 =	simm.s32 $_scs_section_size  }
0x9a: {  	s5 =	simm.s32 $_size__tile_overlayer_lowered;
	s6 =	simm.s32 $_tile_overlayer_lowered  }
0x9b: {  	s22 =	simm.s32 $0x1BFF;
	s21 =	sshll.u32 s6, $0x1;
	s3 =	sadd.s32 s4, s19  }
0x9c: {  	s7 =	simm.s32 $0x0;
	s20 =	sshll.u32 s5, $0x1;
	s5 =	sadd.s32 s21, s3  }
0x9d: {  	[timem:s7], [sflag:s22] =	dma.local [hbm:s5], s20  }
0x9e: {  	_ =	swait.ge [sflag:s22], s20  }
0x9f: {  	s4 =	ssub.s32 $0x0, s20;
	[sflag:s22] =	ssyncset.done $0x0  }
0xa0: {  	[sflag:s22] =	ssyncadd.s32 s4;
	_ =	sdelay $0x1  }
0xa1: {  	s23 =	simm.s32 $0x1B8B  }
0xa2: {  	_ =	swait.ge [sflag:s23], $0x1  }
0xa3: {  	[sflag:s23] =	ssyncset.done $0x0  }
0xa4: {  	s25 =	simm.s32 $0x1B8E;
	s24 =	sld [smem:$0x3FFE];
	[sflag:s23] =	ssyncadd.s32 $0xFFFFFFFF  }
0xa5: {  	s26 =	simm.s32 $execute0_lowered;
	[smem:$0x3FD2] =	sst s25  }
0xa6: {  	s5 =	sshll.u32 s26, $0x1;
	_ =	strace $0x8000004C;
	[dreg:$0x1] =	wrdreg $0xFFFFFFFF  }
0xa7: {  	s28 =	simm.s32 $_size_execute0_lowered;
	s3 =	sadd.s32 s3, s5;
	[dreg:$0x0] =	wrdreg $0x0  }
0xa8: {  	s5 =	sshll.u32 s28, $0x1;
	[dreg:$0x2] =	wrdreg s3  }
0xa9: {  	[dreg:$0x3] =	wrdreg s5  }
0xaa: {  	[dreg:$0x4] =	wrdreg $0xC0  }
0xab: {  	_ =	task [dreg:s7], $0x5FFFF  }
0xac: {  	[dreg:$0x1] =	wrdreg $0xFFFFFFFF  }
0xad: {  	[dreg:$0x0] =	wrdreg $0x60  }
0xae: {  	[dreg:$0x2] =	wrdreg s2  }
0xaf: {  	[dreg:$0x3] =	wrdreg s24  }
0xb0: {  	[dreg:$0x4] =	wrdreg $0x9  }
0xb1: {  	_ =	task.clear_ibuf [dreg:s7], $0x5FFFF;
	_ =	strace $0x9000004C  }
0xb2: {  	s29 =	simm.s32 $0x9;
	_ =	strace $0x8000004E  }
0xb3: {  	_ =	swait.ge [sflag:s29], $0x1  }
0xb4: {  	[sflag:s29] =	ssyncadd.s32 $0xFFFFFFFF  }
0xb5: {  	_ =	strace $0x9000004E  }
0xb6: {  	_ =	sfence  }
0xb7: {  	s30 =	sld [smem:$0x0];
	_ =	sdelay $0x2  }
0xb8: {  	s31 =	sshll.u32 s1, $0xD;
	s1 =	sshrl.u32 s1, $0x2  }
0xb9: {  	s3 =	sand.u32 $0x4000, s31;
	s1 =	sadd.s32 s1, s30  }
0xba: {  	s0 =	sor.u32 s3, s0;
	s1 =	sshll.u32 s1, $0x11  }
0xbb: {  	s0 =	sor.u32 s1, s0  }
0xbc: {  	s0 =	sadd.s32 $0x8F2B, s0  }
0xbd: {  	[sflag:s0] =	ssyncadd.remote.s32 $0x1  }
0xbe: {  	_ =	sfence.sel $0xFFFF  }
0xbf: {  	[dreg:$0x0] =	wrdreg $0xFFFFFFFF;
	(pc) =	sbr.abs _section_cstart, $3  }
0xc0: {  	[dreg:$0x1] =	wrdreg $0xFFFFFFFF  }
0xc1: {  	_ =	task.clear_ibuf [dreg:s7], $0x2FFFF;
	_ =	strace $0x9FFFFFFF  }
0xc2: {  	(tm) =	ssettm $0x7FFFFFFF  }
0xc3: {  	_ =	shalt  }
tec
execute0_lowered:
.L_overlay_start_1:
0x0: {  	(tag) =	ssettag $0x1  }
0x1: {  	s1 =	srdreg.scid;
	s0 =	stileid.u32  }
0x2: {  	s2 =	rddreg [dreg:$0x0];
	s6 =	sand.u32 $0x1, s1;
	s30 =	sshll.u32 s0, $0x1  }
0x3: {  	s8 =	rddreg [dreg:$0x1];
	s7 =	sor.u32 s6, s30  }
0x4: {  	s3 =	simm.s32 $0x0;
	s1 =	rddreg [dreg:$0x2];
	s4 =	smul.u32 $0x280, s7  }
0x5: {  	[smem:$0x7FF] =	sst s3  }
0x6: {  	_ =	strace $0x8000004D;
	s10 =	ssub.s32 $0x2, s6;
	s4 =	sadd.s32 s4, s8  }
0x7: {  	s6 =	simm.s32 $0x1400;
	s5 =	sadd.s32 $0x7800, s4;
	s4 =	simm.s32 $0x2  }
0x8: {  	[tilespmem:s3], [sflag:$0x2] =	stream.linear.gather [hbm4b:s5+s3], $0x1400, $0x38;
	[tilespmem:$0x15400] =	vst v63  }
0x9: {  	s9 =	smul.u32 $0x2800, s7;
	s11 =	sshrl.u32 s10, $0x1;
	_ =	swait.ge [sflag:s4], $0x1400  }
0xa: {  	s7 =	simm.s32 $0x1;
	s31 =	ssub.s32 s10, s11;
	[sflag:s4] =	ssyncset.done $0x0  }
0xb: {  	s8 =	sadd.s32 s9, s8;
	s9 =	smax.u32 s31, $0x1;
	[sflag:s4] =	ssyncadd.s32 $0xFFFFEC00  }
0xc: {  	[tilespmem:s6], [sflag:$0x1] =	stream.indirect.gather [hbm4b:s2+s6], $0x10, s3, s6, $0xb8;
	[tilespmem:$0x15400] =	vst v63  }
0xd: {  	p0 =	sne.s32 s9, $0x1;
	_ =	swait.ge [sflag:s7], $0x14000  }
.Ltmp0:
0xe: {  	[sflag:s7] =	ssyncset.done $0x0;
	(pc) =	sbr.rel @!p0 .LBB2_2-.Ltmp0, $4  }
0xf: {  	s8 =	sadd.s32 $0x11800, s8;
	[sflag:s7] =	ssyncadd.s32 $0xFFFEC000  }
0x10: {  	[hbm4b:s8+s3] =	stream.linear.scatter [tilespmem:s6], [sflag:$0x2], $0x14000, $0x38;
	[tilespmem:$0x15400] =	vst v63  }
0x11: {  	_ =	swait.ge [sflag:s4], $0x14000  }
0x12: {  	s9 =	sadd.s32 $0xFFFFFFFF, s9;
	[sflag:s4] =	ssyncset.done $0x0  }
.LBB2_1:
0x13: {  	p0 =	sne.s32 s9, $0x1;
	s9 =	sadd.s32 $0xFFFFFFFF, s9;
	[sflag:s4] =	ssyncadd.s32 $0xFFFEC000  }
0x14: {  	[tilespmem:s3], [sflag:$0x2] =	stream.linear.gather [hbm4b:s5+s3], $0x1400, $0x38;
	[tilespmem:$0x15400] =	vst v63  }
0x15: {  	_ =	swait.ge [sflag:s4], $0x1400  }
0x16: {  	[sflag:s4] =	ssyncset.done $0x0  }
0x17: {  	[sflag:s4] =	ssyncadd.s32 $0xFFFFEC00  }
0x18: {  	[tilespmem:s6], [sflag:$0x1] =	stream.indirect.gather [hbm4b:s2+s6], $0x10, s3, s6, $0xb8;
	[tilespmem:$0x15400] =	vst v63  }
0x19: {  	_ =	swait.ge [sflag:s7], $0x14000  }
.Ltmp1:
0x1a: {  	[sflag:s7] =	ssyncset.done $0x0;
	(pc) =	sbr.rel @p0 .LBB2_1-.Ltmp1, $4  }
0x1b: {  	[sflag:s7] =	ssyncadd.s32 $0xFFFEC000  }
0x1c: {  	[hbm4b:s8+s3] =	stream.linear.scatter [tilespmem:s6], [sflag:$0x2], $0x14000, $0x38;
	[tilespmem:$0x15400] =	vst v63  }
0x1d: {  	_ =	swait.ge [sflag:s4], $0x14000  }
0x1e: {  	[sflag:s4] =	ssyncset.done $0x0  }
.LBB2_2:
0x1f: {  	[sflag:s4] =	ssyncadd.s32 $0xFFFEC000  }
0x20: {  	_ =	sfence.sel $0x180000  }
0x21: {  	[bflag:$0x0] =	sbarrier.arrive $0xFFFF  }
0x22: {  	p0 =	sne.s32 s0, $0x0;
	_ =	strace $0x9000004D  }
0x23: {  	s0 =	sadd.s32 @!p0 $0x100000, s1;
	[bflag:$0x2] =	sbarrier.arrive $0xFFFF  }
0x24: {  	[sflag:s0] =	ssyncadd.tile.s32 @!p0 $0x1;
	_ =	shalt  }
.Lfunc_end2:
_tile_overlayer_lowered:
.L_overlay_start_2:
0x25: {  	(tag) =	ssettag $0x2  }
0x26: {  	s0 =	rddreg [dreg:$0x0];
	s2 =	stileid.u32  }
0x27: {  	s1 =	rddreg [dreg:$0x1];
	p0 =	sne.s32 s2, $0x0  }
0x28: {  	s3 =	rddreg [dreg:$0x2];
	[bflag:$0x3] =	sbarrier.arrive $0xFFFF;
	s2 =	simm.s32 @!p0 $0x1C02  }
0x29: {  	[timem:s3], [sflag:s2] =	dma.local @!p0 [hbm:s0], s1  }
0x2a: {  	s0 =	simm.s32 @!p0 $0x2  }
0x2b: {  	_ =	swait.ge @!p0 [sflag:s0], s1  }
0x2c: {  	s1 =	ssub.s32 @!p0 $0x0, s1;
	[sflag:s0] =	ssyncset.done @!p0 $0x0  }
0x2d: {  	[sflag:s0] =	ssyncadd.s32 @!p0 s1  }
0x2e: {  	[bflag:$0x3] =	sbarrier.arrive $0xFFFF  }
0x2f: {  	_ =	shalt  }

// kernel: kernel.19.cloned.1.call-start
scs
__scs_entry_jumppad:
0x0: {  	(pc) =	sbr.rel $0x88, $3  }
0x1: {  	(tag) =	ssettag $0x0;
	lr =	simm.s32 $0x1  }
0x2: {  	[smem:$0x3F92] =	sst lr;
	_ =	strace $0xD0000000  }
0x3: {  	_ = 	snop  }
0x4: {  	_ = 	snop  }
0x5: {  	_ = 	snop  }
0x6: {  	_ = 	snop  }
0x7: {  	_ = 	snop  }
__scs_overlays_trampoline_lowered:
0x8: {  	[smem:$0x3FA1] =	sst s0  }
0x9: {  	[smem:$0x3FA2] =	sst s1  }
0xa: {  	[smem:$0x3FA3] =	sst s2  }
0xb: {  	[smem:$0x3FA4] =	sst s3  }
0xc: {  	[smem:$0x3FA5] =	sst s4  }
0xd: {  	[smem:$0x3FA6] =	sst s5  }
0xe: {  	[smem:$0x3FA7] =	sst s6  }
0xf: {  	[smem:$0x3FA8] =	sst s7  }
0x10: {  	[smem:$0x3FA9] =	sst s8  }
0x11: {  	[smem:$0x3FAA] =	sst s9;
	s0 =	simm.s32 @!p0 $0x0  }
0x12: {  	s1 =	sld [smem:$0x3F90];
	s0 =	simm.s32 @p0 $0x1  }
0x13: {  	[smem:$0x3FAB] =	sst s0;
	s0 =	simm.s32 @!p1 $0x0  }
0x14: {  	s2 =	sld [smem:$0x3F8F];
	s0 =	simm.s32 @p1 $0x1  }
0x15: {  	[smem:$0x3FAC] =	sst s0;
	s0 =	simm.s32 @!p2 $0x0  }
0x16: {  	s3 =	sld [smem:$0x3FDB];
	s0 =	simm.s32 @p2 $0x1  }
0x17: {  	s4 =	simm.s32 $0x1BF5;
	[smem:$0x3FAE] =	sst s0  }
0x18: {  	s0 =	sld [smem:$0x3F91];
	_ =	swait.ge [sflag:s4], $0x0  }
0x19: {  	s7 =	sld [smem:$0x3F92]  }
0x1a: {  	s8 =	sadd.s32 $0xFFFFE003, lr  }
0x1b: {  	s9 =	sadd.s32 $0xFFFFFEF7, lr;
	s5 =	simm.s32 $0xFFFFFFFF;
	p2 =	slt.u32 s8, $0xFFFFF086  }
0x1c: {  	p1 =	slt.u32 s9, $0xF7A;
	s5 =	simm.s32 @!p2 $0x0  }
0x1d: {  	s5 =	simm.s32 @p1 $0x1;
	p0 =	seq.s32 s7, s2  }
0x1e: {  	s7 =	smul.u32 @!p0 $0xF7A, s2;
	p2 =	seq.s32 @!p0 s5, $0x0  }
0x1f: {  	s9 =	smul.u32 $0xF7A, s1;
	s8 =	simm.s32 @!p0 $0x1BF5;
	p2 =	por !p2, p0  }
0x20: {  	[sflag:s8] =	ssyncset.s32 @!p0 $0xFFFFF086;
	s6 =	sadd.s32 @!p0 s3, s7;
	s7 =	simm.s32 @!p0 $0x108  }
0x21: {  	s3 =	sadd.s32 s3, s9;
	s6 =	sadd.s32 @!p0 $0x88, s6;
	s7 =	simm.s32 @p2 $0x1082  }
0x22: {  	[simem:s7], [sflag:s8] =	dma.local @!p0 [hbm:s6], $0xF7A  }
0x23: {  	s9 =	sor.u32 $0xD0000000, s2;
	s6 =	simm.s32 $0x108;
	_ =	swait.ge @!p0 [sflag:s8], $0x0  }
0x24: {  	s3 =	sadd.s32 $0x88, s3;
	s6 =	simm.s32 @!p1 $0x1082;
	[sflag:s4] =	ssyncset.s32 $0xFFFFF086  }
0x25: {  	[simem:s6], [sflag:s4] =	dma.local [hbm:s3], $0xF7A  }
0x26: {  	[smem:$0x3F92] =	sst s1;
	(tag) =	ssettag s2;
	_ =	strace s9  }
0x27: {  	s1 =	sld [smem:$0x3FA2]  }
0x28: {  	s2 =	sld [smem:$0x3FA3]  }
0x29: {  	s4 =	sld [smem:$0x3FA5]  }
0x2a: {  	p0 =	seq.s32 s5, $0x0;
	s5 =	sld [smem:$0x3FA6]  }
0x2b: {  	s6 =	sld [smem:$0x3FA7]  }
0x2c: {  	s7 =	sld [smem:$0x3FA8]  }
0x2d: {  	s3 =	simm.s32 $0x108;
	s8 =	sld [smem:$0x3FA9]  }
0x2e: {  	s3 =	simm.s32 @!p0 $0x1082;
	s9 =	sld [smem:$0x3FAA]  }
0x2f: {  	lr =	sadd.s32 s0, s3;
	s0 =	sld [smem:$0x3FA1]  }
0x30: {  	s3 =	sld [smem:$0x3FA4]  }
0x31: {  	[smem:$0x3FAD] =	sst s10  }
0x32: {  	s10 =	sld [smem:$0x3FAB];
	_ =	sdelay $0x3  }
0x33: {  	p0 =	seq.s32 s10, $0x1;
	s10 =	sld [smem:$0x3FAD];
	_ =	sdelay $0x3  }
0x34: {  	[smem:$0x3FAD] =	sst s10  }
0x35: {  	s10 =	sld [smem:$0x3FAC];
	_ =	sdelay $0x3  }
0x36: {  	p1 =	seq.s32 s10, $0x1;
	s10 =	sld [smem:$0x3FAD];
	_ =	sdelay $0x3  }
0x37: {  	[smem:$0x3FAD] =	sst s10  }
0x38: {  	s10 =	sld [smem:$0x3FAE]  }
0x39: {  	_ = 	snop;
	(pc) =	sbr.ind lr, $3  }
0x3a: {  	_ = 	snop  }
0x3b: {  	_ = 	snop  }
0x3c: {  	p2 =	seq.s32 s10, $0x1;
	s10 =	sld [smem:$0x3FAD]  }
0x3d: {  	_ =	shalt  }
0x3e: {  	_ =	shalt  }
0x3f: {  	_ =	shalt  }
0x40: {  	_ =	shalt  }
0x41: {  	_ =	shalt  }
0x42: {  	_ =	shalt  }
0x43: {  	_ =	shalt  }
0x44: {  	_ =	shalt  }
0x45: {  	_ =	shalt  }
0x46: {  	_ =	shalt  }
0x47: {  	_ =	shalt  }
0x48: {  	_ =	shalt  }
0x49: {  	_ =	shalt  }
0x4a: {  	_ =	shalt  }
0x4b: {  	_ =	shalt  }
0x4c: {  	_ =	shalt  }
0x4d: {  	_ =	shalt  }
0x4e: {  	_ =	shalt  }
0x4f: {  	_ =	shalt  }
0x50: {  	_ =	shalt  }
0x51: {  	_ =	shalt  }
0x52: {  	_ =	shalt  }
0x53: {  	_ =	shalt  }
0x54: {  	_ =	shalt  }
0x55: {  	_ =	shalt  }
0x56: {  	_ =	shalt  }
0x57: {  	_ =	shalt  }
0x58: {  	_ =	shalt  }
0x59: {  	_ =	shalt  }
0x5a: {  	_ =	shalt  }
0x5b: {  	_ =	shalt  }
0x5c: {  	_ =	shalt  }
0x5d: {  	_ =	shalt  }
0x5e: {  	_ =	shalt  }
0x5f: {  	_ =	shalt  }
0x60: {  	_ =	shalt  }
0x61: {  	_ =	shalt  }
0x62: {  	_ =	shalt  }
0x63: {  	_ =	shalt  }
0x64: {  	_ =	shalt  }
0x65: {  	_ =	shalt  }
0x66: {  	_ =	shalt  }
0x67: {  	_ =	shalt  }
0x68: {  	_ =	shalt  }
0x69: {  	_ =	shalt  }
0x6a: {  	_ =	shalt  }
0x6b: {  	_ =	shalt  }
0x6c: {  	_ =	shalt  }
0x6d: {  	_ =	shalt  }
0x6e: {  	_ =	shalt  }
0x6f: {  	_ =	shalt  }
0x70: {  	_ =	shalt  }
0x71: {  	_ =	shalt  }
0x72: {  	_ =	shalt  }
0x73: {  	_ =	shalt  }
0x74: {  	_ =	shalt  }
0x75: {  	_ =	shalt  }
0x76: {  	_ =	shalt  }
0x77: {  	_ =	shalt  }
0x78: {  	_ =	shalt  }
0x79: {  	_ =	shalt  }
0x7a: {  	_ =	shalt  }
0x7b: {  	_ =	shalt  }
0x7c: {  	_ =	shalt  }
0x7d: {  	_ =	shalt  }
0x7e: {  	_ =	shalt  }
0x7f: {  	_ =	shalt  }
0x80: {  	_ =	shalt  }
0x81: {  	_ =	shalt  }
0x82: {  	_ =	shalt  }
0x83: {  	_ =	shalt  }
0x84: {  	_ =	shalt  }
0x85: {  	_ =	shalt  }
0x86: {  	_ =	shalt  }
0x87: {  	_ =	shalt  }
.Lfunc_end0:
.L_simem_size_0:
called_computation.3_lowered:
.L_overlay_start_0:
0x88: {  	s2 =	sld [smem:$0x3FD9]  }
0x89: {  	s3 =	sld [smem:$0x3FFE];
	_ =	sdelay $0x1  }
0x8a: {  	s1 =	srdreg.scid  }
0x8b: {  	s0 =	sand.u32 $0x1, s1  }
0x8c: {  	s16 =	sshll.u32 s0, $0xA;
	s2 =	sadd.s32 s3, s2  }
0x8d: {  	s2 =	sadd.s32 s2, s16  }
0x8e: {  	[smem:$0x3FB9] =	sst s2  }
0x8f: {  	_ = 	snop  }
0x90: {  	(tm) =	ssettm $0x1  }
0x91: {  	s17 =	sld [smem:$0x3FFB];
	_ =	sdelay $0x3  }
0x92: {  	_ =	strace s17  }
0x93: {  	s2 =	sld [smem:$0x3FFC];
	_ =	sdelay $0x3  }
0x94: {  	_ =	strace s2  }
0x95: {  	s2 =	sld [smem:$0x3FFD];
	_ =	sdelay $0x3  }
0x96: {  	_ =	strace s2  }
0x97: {  	_ =	strace $0x8FFFFFFF  }
0x98: {  	s18 =	sld [smem:$0x3FDB];
	_ =	sdelay $0x1  }
0x99: {  	s19 =	simm.s32 $_scs_section_size  }
0x9a: {  	s4 =	simm.s32 $_size__tile_overlayer_lowered;
	s5 =	simm.s32 $_tile_overlayer_lowered  }
0x9b: {  	s22 =	simm.s32 $0x1BFF;
	s21 =	sshll.u32 s5, $0x1;
	s2 =	sadd.s32 s19, s18  }
0x9c: {  	s6 =	simm.s32 $0x0;
	s20 =	sshll.u32 s4, $0x1;
	s4 =	sadd.s32 s21, s2  }
0x9d: {  	[timem:s6], [sflag:s22] =	dma.local [hbm:s4], s20  }
0x9e: {  	_ =	swait.ge [sflag:s22], s20  }
0x9f: {  	s3 =	ssub.s32 $0x0, s20;
	[sflag:s22] =	ssyncset.done $0x0  }
0xa0: {  	[sflag:s22] =	ssyncadd.s32 s3;
	_ =	sdelay $0x1  }
0xa1: {  	s23 =	simm.s32 $0x1B8B  }
0xa2: {  	_ =	swait.ge [sflag:s23], $0x1  }
0xa3: {  	[sflag:s23] =	ssyncset.done $0x0  }
0xa4: {  	s25 =	simm.s32 $0x1B8E;
	s24 =	sld [smem:$0x3FFE];
	[sflag:s23] =	ssyncadd.s32 $0xFFFFFFFF  }
0xa5: {  	s26 =	simm.s32 $execute0_lowered;
	[smem:$0x3FD2] =	sst s25  }
0xa6: {  	s4 =	sshll.u32 s26, $0x1;
	_ =	strace $0x8000004F;
	[dreg:$0x1] =	wrdreg $0xFFFFFFFF  }
0xa7: {  	s28 =	simm.s32 $_size_execute0_lowered;
	s2 =	sadd.s32 s2, s4;
	[dreg:$0x0] =	wrdreg $0x0  }
0xa8: {  	s4 =	sshll.u32 s28, $0x1;
	[dreg:$0x2] =	wrdreg s2  }
0xa9: {  	[dreg:$0x3] =	wrdreg s4  }
0xaa: {  	[dreg:$0x4] =	wrdreg $0xC0  }
0xab: {  	_ =	task [dreg:s6], $0x5FFFF  }
0xac: {  	[dreg:$0x1] =	wrdreg $0xFFFFFFFF  }
0xad: {  	[dreg:$0x0] =	wrdreg $0x60  }
0xae: {  	[dreg:$0x2] =	wrdreg s24  }
0xaf: {  	[dreg:$0x3] =	wrdreg $0x154000  }
0xb0: {  	[dreg:$0x4] =	wrdreg $0x9  }
0xb1: {  	_ =	task.clear_ibuf [dreg:s6], $0x5FFFF;
	_ =	strace $0x9000004F  }
0xb2: {  	s29 =	simm.s32 $0x9;
	_ =	strace $0x80000051  }
0xb3: {  	_ =	swait.ge [sflag:s29], $0x1  }
0xb4: {  	[sflag:s29] =	ssyncadd.s32 $0xFFFFFFFF  }
0xb5: {  	_ =	strace $0x90000051  }
0xb6: {  	_ =	sfence  }
0xb7: {  	s30 =	sld [smem:$0x0];
	_ =	sdelay $0x2  }
0xb8: {  	s31 =	sshll.u32 s1, $0xD;
	s1 =	sshrl.u32 s1, $0x2  }
0xb9: {  	s3 =	sand.u32 $0x4000, s31;
	s1 =	sadd.s32 s1, s30  }
0xba: {  	s0 =	sor.u32 s3, s0;
	s1 =	sshll.u32 s1, $0x11  }
0xbb: {  	s0 =	sor.u32 s1, s0  }
0xbc: {  	s0 =	sadd.s32 $0x8F2B, s0  }
0xbd: {  	[sflag:s0] =	ssyncadd.remote.s32 $0x1  }
0xbe: {  	_ =	sfence.sel $0xFFFF  }
0xbf: {  	[dreg:$0x0] =	wrdreg $0xFFFFFFFF;
	(pc) =	sbr.abs _section_cstart, $3  }
0xc0: {  	[dreg:$0x1] =	wrdreg $0xFFFFFFFF  }
0xc1: {  	_ =	task.clear_ibuf [dreg:s6], $0x2FFFF;
	_ =	strace $0x9FFFFFFF  }
0xc2: {  	(tm) =	ssettm $0x7FFFFFFF  }
0xc3: {  	_ =	shalt  }
tec
execute0_lowered:
.L_overlay_start_1:
0x0: {  	(tag) =	ssettag $0x1  }
0x1: {  	s0 =	rddreg [dreg:$0x0];
	s2 =	srdreg.scid  }
0x2: {  	s1 =	rddreg [dreg:$0x1];
	s31 =	sand.u32 $0x1, s2;
	s2 =	simm.s32 $0x0  }
0x3: {  	s6 =	sadd.s32 $0xC800, s0;
	[smem:$0x7FF] =	sst s2  }
0x4: {  	s17 =	simm.s32 $0x1C00;
	_ =	strace $0x80000050;
	[dreg:$0x3] =	wrdreg s6  }
0x5: {  	s18 =	simm.s32 $0x100;
	[dreg:$0x7] =	wrdreg s17  }
0x6: {  	s19 =	simm.s32 $0x2400;
	[dreg:$0x8] =	wrdreg s18  }
0x7: {  	s20 =	simm.s32 $0x180;
	[dreg:$0x9] =	wrdreg s19  }
0x8: {  	s21 =	simm.s32 $0x2C00;
	[dreg:$0xa] =	wrdreg s20  }
0x9: {  	s22 =	simm.s32 $0x200;
	[dreg:$0xb] =	wrdreg s21  }
0xa: {  	s23 =	simm.s32 $0x3400;
	[dreg:$0xc] =	wrdreg s22  }
0xb: {  	s24 =	simm.s32 $0x280;
	[dreg:$0xd] =	wrdreg s23  }
0xc: {  	s25 =	simm.s32 $0x3C00;
	[dreg:$0xe] =	wrdreg s24  }
0xd: {  	s26 =	simm.s32 $0x300;
	[dreg:$0xf] =	wrdreg s25  }
0xe: {  	s28 =	simm.s32 $0x4400;
	[dreg:$0x10] =	wrdreg s26  }
0xf: {  	s29 =	simm.s32 $0x380;
	[dreg:$0x11] =	wrdreg s28  }
0x10: {  	s8 =	simm.s32 $0x5C00;
	[dreg:$0x12] =	wrdreg s29  }
0x11: {  	s9 =	simm.s32 $0x500;
	[dreg:$0x17] =	wrdreg s8  }
0x12: {  	s10 =	simm.s32 $0x6400;
	[dreg:$0x18] =	wrdreg s9  }
0x13: {  	s11 =	simm.s32 $0x580;
	[dreg:$0x19] =	wrdreg s10  }
0x14: {  	s12 =	simm.s32 $0x6C00;
	[dreg:$0x1a] =	wrdreg s11  }
0x15: {  	s13 =	simm.s32 $0x600;
	[dreg:$0x1b] =	wrdreg s12  }
0x16: {  	s14 =	simm.s32 $0x7400;
	[dreg:$0x1c] =	wrdreg s13  }
0x17: {  	s15 =	simm.s32 $0x680;
	[dreg:$0x1d] =	wrdreg s14  }
0x18: {  	s16 =	simm.s32 $0x7C00;
	[dreg:$0x1e] =	wrdreg s15  }
0x19: {  	s6 =	simm.s32 $0x5400;
	[dreg:$0x1f] =	wrdreg s16  }
0x1a: {  	s17 =	simm.s32 $0x700;
	[dreg:$0x15] =	wrdreg s6  }
0x1b: {  	s18 =	simm.s32 $0x8400;
	[smem:$0x7E1] =	sst s17  }
0x1c: {  	s19 =	simm.s32 $0x780;
	[smem:$0x7E0] =	sst s18  }
0x1d: {  	s20 =	simm.s32 $0x8C00;
	[smem:$0x7E2] =	sst s19  }
0x1e: {  	s21 =	simm.s32 $0x800;
	[smem:$0x7DF] =	sst s20  }
0x1f: {  	s22 =	simm.s32 $0x9400;
	[smem:$0x7E4] =	sst s21  }
0x20: {  	s23 =	simm.s32 $0x880;
	[smem:$0x7E3] =	sst s22  }
0x21: {  	s24 =	simm.s32 $0x9C00;
	[smem:$0x7E5] =	sst s23  }
0x22: {  	s25 =	simm.s32 $0x900;
	[smem:$0x7DE] =	sst s24  }
0x23: {  	s26 =	simm.s32 $0xA400;
	[smem:$0x7E7] =	sst s25  }
0x24: {  	s28 =	simm.s32 $0x980;
	[smem:$0x7E6] =	sst s26  }
0x25: {  	s29 =	simm.s32 $0xAC00;
	[smem:$0x7E8] =	sst s28  }
0x26: {  	s8 =	simm.s32 $0xB00;
	[smem:$0x7E9] =	sst s29  }
0x27: {  	s9 =	simm.s32 $0xC400;
	[smem:$0x7EF] =	sst s8  }
0x28: {  	s10 =	simm.s32 $0xB80;
	[smem:$0x7F1] =	sst s9  }
0x29: {  	s11 =	simm.s32 $0xCC00;
	[smem:$0x7EA] =	sst s10  }
0x2a: {  	s12 =	simm.s32 $0xC00;
	[smem:$0x7F6] =	sst s11  }
0x2b: {  	s13 =	simm.s32 $0xD400;
	[smem:$0x7F5] =	sst s12  }
0x2c: {  	s14 =	simm.s32 $0xC80;
	[smem:$0x7EB] =	sst s13  }
0x2d: {  	s15 =	simm.s32 $0xDC00;
	[smem:$0x7F8] =	sst s14  }
0x2e: {  	s16 =	simm.s32 $0xD00;
	[smem:$0x7F7] =	sst s15  }
0x2f: {  	s6 =	simm.s32 $0xA80;
	[smem:$0x7F9] =	sst s16  }
0x30: {  	s3 =	stileid.u32;
	s17 =	simm.s32 $0xE400;
	[smem:$0x7EC] =	sst s6  }
0x31: {  	s4 =	sshll.u32 s3, $0x1;
	s18 =	simm.s32 $0xD80;
	[smem:$0x7F4] =	sst s17  }
0x32: {  	s4 =	sor.u32 s31, s4;
	s19 =	simm.s32 $0xEC00;
	[smem:$0x7FA] =	sst s18  }
0x33: {  	s7 =	smul.u32 $0x4E80, s31;
	s20 =	simm.s32 $0xE00;
	[smem:$0x7F0] =	sst s19  }
0x34: {  	s5 =	smul.u32 $0x280, s4;
	s21 =	simm.s32 $0xF400;
	[smem:$0x7FB] =	sst s20  }
0x35: {  	s4 =	smul.u32 $0x2800, s4;
	[smem:$0x7EE] =	sst s21  }
0x36: {  	s22 =	simm.s32 $0xE80;
	s23 =	simm.s32 $0xFC00;
	s6 =	rddreg [dreg:$0x3]  }
0x37: {  	s5 =	sadd.s32 s5, s0;
	s4 =	sadd.s32 s4, s0;
	[smem:$0x7FC] =	sst s22  }
0x38: {  	s0 =	sadd.s32 s7, s0;
	s7 =	simm.s32 $0x480;
	[smem:$0x7FD] =	sst s23  }
0x39: {  	s5 =	sadd.s32 $0x2800, s5;
	[dreg:$0x16] =	wrdreg s7  }
0x3a: {  	s4 =	sadd.s32 $0x11800, s4;
	[dreg:$0x4] =	wrdreg s5  }
0x3b: {  	s0 =	sadd.s32 $0x61800, s0;
	[dreg:$0x5] =	wrdreg s4  }
0x3c: {  	s7 =	simm.s32 $0xBC00;
	[dreg:$0x6] =	wrdreg s0  }
0x3d: {  	s4 =	simm.s32 $0x4C00;
	[smem:$0x7ED] =	sst s7  }
0x3e: {  	s5 =	simm.s32 $0x400;
	[dreg:$0x13] =	wrdreg s4  }
0x3f: {  	p0 =	sne.s32 s3, $0x0;
	[dreg:$0x14] =	wrdreg s5;
	s4 =	simm.s32 $0xA00  }
0x40: {  	s3 =	sshrl.u32 @!p0 s1, $0x3;
	s5 =	simm.s32 $0xB400;
	[smem:$0x7F2] =	sst s4  }
0x41: {  	[smem:$0x7F3] =	sst s5;
	s5 =	simm.s32 @!p0 $0x1C02;
	s4 =	simm.s32 @!p0 $0x2  }
0x42: {  	[spmem:s3], [sflag:s5] =	dma.local @!p0 [hbm:s6], $0x4E80  }
0x43: {  	_ =	swait.ge @!p0 [sflag:s4], $0x4E80  }
0x44: {  	[sflag:s4] =	ssyncset.done @!p0 $0x0  }
0x45: {  	s6 =	simm.s32 $0x2;
	s24 =	rddreg [dreg:$0x4];
	[sflag:s4] =	ssyncadd.s32 @!p0 $0xFFFFB180  }
0x46: {  	[tilespmem:s2], [sflag:$0x2] =	stream.linear.gather [hbm4b:s24+s2], $0x1400, $0x38;
	[tilespmem:$0x17B40] =	vst v63  }
0x47: {  	_ =	swait.ge [sflag:s6], $0x1400  }
0x48: {  	[sflag:s6] =	ssyncset.done $0x0  }
0x49: {  	s7 =	simm.s32 $0x1400;
	s25 =	rddreg [dreg:$0x5];
	[sflag:s6] =	ssyncadd.s32 $0xFFFFEC00  }
0x4a: {  	[tilespmem:s7], [sflag:$0x2] =	stream.linear.gather [hbm4b:s25+s2], $0x14000, $0x38;
	[tilespmem:$0x17B40] =	vst v63  }
0x4b: {  	_ =	swait.ge [sflag:s6], $0x14000  }
0x4c: {  	[sflag:s6] =	ssyncset.done $0x0  }
0x4d: {  	[sflag:s6] =	ssyncadd.s32 $0xFFFEC000  }
0x4e: {  	[bflag:$0x0] =	sbarrier.arrive $0xFFFF  }
0x4f: {  	s0 =	rddreg [dreg:$0x12]  }
0x50: {  	s9 =	rddreg [dreg:$0x10]  }
0x51: {  	s10 =	sld [smem:$0x7DE]  }
0x52: {  	s11 =	rddreg [dreg:$0x11]  }
0x53: {  	s12 =	sld [smem:$0x7DF]  }
0x54: {  	s13 =	rddreg [dreg:$0xe]  }
0x55: {  	s14 =	rddreg [dreg:$0x1f]  }
0x56: {  	s15 =	rddreg [dreg:$0xc]  }
0x57: {  	s16 =	rddreg [dreg:$0x1b]  }
0x58: {  	s17 =	rddreg [dreg:$0xd]  }
0x59: {  	s18 =	rddreg [dreg:$0x17]  }
0x5a: {  	s19 =	rddreg [dreg:$0xa]  }
0x5b: {  	s20 =	rddreg [dreg:$0x13]  }
0x5c: {  	s21 =	rddreg [dreg:$0x9]  }
0x5d: {  	s8 =	simm.s32 $0x80;
	s22 =	rddreg [dreg:$0x7]  }
0x5e: {  	[spmem:s1] =	stream.indirect.scatter.add.f32 [tilespmem:s7], [sflag:$0x1], $0x10, s2, s8, $0xb8;
	[tilespmem:$0x17B40] =	vst v63  }
0x5f: {  	s23 =	rddreg [dreg:$0x8]  }
0x60: {  	s26 =	rddreg [dreg:$0xb]  }
0x61: {  	s28 =	rddreg [dreg:$0xf]  }
0x62: {  	s29 =	rddreg [dreg:$0x14]  }
0x63: {  	s24 =	rddreg [dreg:$0x1a]  }
0x64: {  	[spmem:s1] =	stream.indirect.scatter.add.f32 [tilespmem:s22], [sflag:$0x1], $0x10, s8, s8, $0xb8;
	[tilespmem:$0x17B40] =	vst v63  }
0x65: {  	s25 =	rddreg [dreg:$0x1d]  }
0x66: {  	[spmem:s1] =	stream.indirect.scatter.add.f32 [tilespmem:s21], [sflag:$0x1], $0x10, s23, s8, $0xb8;
	[tilespmem:$0x17B40] =	vst v63  }
0x67: {  	s22 =	rddreg [dreg:$0x16]  }
0x68: {  	[spmem:s1] =	stream.indirect.scatter.add.f32 [tilespmem:s26], [sflag:$0x1], $0x10, s19, s8, $0xb8;
	[tilespmem:$0x17B40] =	vst v63  }
0x69: {  	s23 =	rddreg [dreg:$0x15]  }
0x6a: {  	[spmem:s1] =	stream.indirect.scatter.add.f32 [tilespmem:s17], [sflag:$0x1], $0x10, s15, s8, $0xb8;
	[tilespmem:$0x17B40] =	vst v63  }
0x6b: {  	s26 =	rddreg [dreg:$0x1c]  }
0x6c: {  	[spmem:s1] =	stream.indirect.scatter.add.f32 [tilespmem:s28], [sflag:$0x1], $0x10, s13, s8, $0xb8;
	[tilespmem:$0x17B40] =	vst v63  }
0x6d: {  	s19 =	sld [smem:$0x7E1]  }
0x6e: {  	[spmem:s1] =	stream.indirect.scatter.add.f32 [tilespmem:s11], [sflag:$0x1], $0x10, s9, s8, $0xb8;
	[tilespmem:$0x17B40] =	vst v63  }
0x6f: {  	s15 =	rddreg [dreg:$0x19]  }
0x70: {  	[spmem:s1] =	stream.indirect.scatter.add.f32 [tilespmem:s20], [sflag:$0x1], $0x10, s0, s8, $0xb8;
	[tilespmem:$0x17B40] =	vst v63  }
0x71: {  	s17 =	rddreg [dreg:$0x18]  }
0x72: {  	[spmem:s1] =	stream.indirect.scatter.add.f32 [tilespmem:s23], [sflag:$0x1], $0x10, s29, s8, $0xb8;
	[tilespmem:$0x17B40] =	vst v63  }
0x73: {  	s28 =	rddreg [dreg:$0x1e]  }
0x74: {  	[spmem:s1] =	stream.indirect.scatter.add.f32 [tilespmem:s18], [sflag:$0x1], $0x10, s22, s8, $0xb8;
	[tilespmem:$0x17B40] =	vst v63  }
0x75: {  	s20 =	sld [smem:$0x7E2]  }
0x76: {  	[spmem:s1] =	stream.indirect.scatter.add.f32 [tilespmem:s15], [sflag:$0x1], $0x10, s17, s8, $0xb8;
	[tilespmem:$0x17B40] =	vst v63  }
0x77: {  	s29 =	sld [smem:$0x7E0]  }
0x78: {  	[spmem:s1] =	stream.indirect.scatter.add.f32 [tilespmem:s16], [sflag:$0x1], $0x10, s24, s8, $0xb8;
	[tilespmem:$0x17B40] =	vst v63  }
0x79: {  	s23 =	sld [smem:$0x7E4]  }
0x7a: {  	[spmem:s1] =	stream.indirect.scatter.add.f32 [tilespmem:s25], [sflag:$0x1], $0x10, s26, s8, $0xb8;
	[tilespmem:$0x17B40] =	vst v63  }
0x7b: {  	s22 =	sld [smem:$0x7E3]  }
0x7c: {  	[spmem:s1] =	stream.indirect.scatter.add.f32 [tilespmem:s14], [sflag:$0x1], $0x10, s28, s8, $0xb8;
	[tilespmem:$0x17B40] =	vst v63  }
0x7d: {  	s24 =	sld [smem:$0x7E5]  }
0x7e: {  	[spmem:s1] =	stream.indirect.scatter.add.f32 [tilespmem:s29], [sflag:$0x1], $0x10, s19, s8, $0xb8;
	[tilespmem:$0x17B40] =	vst v63  }
0x7f: {  	s25 =	sld [smem:$0x7E6]  }
0x80: {  	[spmem:s1] =	stream.indirect.scatter.add.f32 [tilespmem:s12], [sflag:$0x1], $0x10, s20, s8, $0xb8;
	[tilespmem:$0x17B40] =	vst v63  }
0x81: {  	s26 =	sld [smem:$0x7E7]  }
0x82: {  	[spmem:s1] =	stream.indirect.scatter.add.f32 [tilespmem:s22], [sflag:$0x1], $0x10, s23, s8, $0xb8;
	[tilespmem:$0x17B40] =	vst v63  }
0x83: {  	s28 =	sld [smem:$0x7E8]  }
0x84: {  	[spmem:s1] =	stream.indirect.scatter.add.f32 [tilespmem:s10], [sflag:$0x1], $0x10, s24, s8, $0xb8;
	[tilespmem:$0x17B40] =	vst v63  }
0x85: {  	s29 =	sld [smem:$0x7E9]  }
0x86: {  	[spmem:s1] =	stream.indirect.scatter.add.f32 [tilespmem:s25], [sflag:$0x1], $0x10, s26, s8, $0xb8;
	[tilespmem:$0x17B40] =	vst v63  }
0x87: {  	s9 =	simm.s32 $0x1  }
0x88: {  	[spmem:s1] =	stream.indirect.scatter.add.f32 [tilespmem:s29], [sflag:$0x1], $0x10, s28, s8, $0xb8;
	[tilespmem:$0x17B40] =	vst v63  }
0x89: {  	_ =	swait.ge [sflag:s9], $0x800  }
0x8a: {  	[sflag:s9] =	ssyncset.done $0x0  }
0x8b: {  	[sflag:s9] =	ssyncadd.s32 $0xFFFFF800  }
0x8c: {  	_ =	swait.ge [sflag:s9], $0x800  }
0x8d: {  	[sflag:s9] =	ssyncset.done $0x0  }
0x8e: {  	[sflag:s9] =	ssyncadd.s32 $0xFFFFF800  }
0x8f: {  	_ =	swait.ge [sflag:s9], $0x800  }
0x90: {  	[sflag:s9] =	ssyncset.done $0x0  }
0x91: {  	[sflag:s9] =	ssyncadd.s32 $0xFFFFF800  }
0x92: {  	_ =	swait.ge [sflag:s9], $0x800  }
0x93: {  	[sflag:s9] =	ssyncset.done $0x0  }
0x94: {  	[sflag:s9] =	ssyncadd.s32 $0xFFFFF800  }
0x95: {  	_ =	swait.ge [sflag:s9], $0x800  }
0x96: {  	[sflag:s9] =	ssyncset.done $0x0  }
0x97: {  	[sflag:s9] =	ssyncadd.s32 $0xFFFFF800  }
0x98: {  	_ =	swait.ge [sflag:s9], $0x800  }
0x99: {  	[sflag:s9] =	ssyncset.done $0x0  }
0x9a: {  	[sflag:s9] =	ssyncadd.s32 $0xFFFFF800  }
0x9b: {  	_ =	swait.ge [sflag:s9], $0x800  }
0x9c: {  	[sflag:s9] =	ssyncset.done $0x0  }
0x9d: {  	[sflag:s9] =	ssyncadd.s32 $0xFFFFF800  }
0x9e: {  	_ =	swait.ge [sflag:s9], $0x800  }
0x9f: {  	[sflag:s9] =	ssyncset.done $0x0  }
0xa0: {  	[sflag:s9] =	ssyncadd.s32 $0xFFFFF800  }
0xa1: {  	_ =	swait.ge [sflag:s9], $0x800  }
0xa2: {  	[sflag:s9] =	ssyncset.done $0x0  }
0xa3: {  	[sflag:s9] =	ssyncadd.s32 $0xFFFFF800  }
0xa4: {  	_ =	swait.ge [sflag:s9], $0x800  }
0xa5: {  	[sflag:s9] =	ssyncset.done $0x0  }
0xa6: {  	[sflag:s9] =	ssyncadd.s32 $0xFFFFF800  }
0xa7: {  	_ =	swait.ge [sflag:s9], $0x800  }
0xa8: {  	[sflag:s9] =	ssyncset.done $0x0  }
0xa9: {  	[sflag:s9] =	ssyncadd.s32 $0xFFFFF800  }
0xaa: {  	_ =	swait.ge [sflag:s9], $0x800  }
0xab: {  	[sflag:s9] =	ssyncset.done $0x0  }
0xac: {  	[sflag:s9] =	ssyncadd.s32 $0xFFFFF800  }
0xad: {  	_ =	swait.ge [sflag:s9], $0x800  }
0xae: {  	[sflag:s9] =	ssyncset.done $0x0  }
0xaf: {  	[sflag:s9] =	ssyncadd.s32 $0xFFFFF800  }
0xb0: {  	_ =	swait.ge [sflag:s9], $0x800  }
0xb1: {  	[sflag:s9] =	ssyncset.done $0x0  }
0xb2: {  	[sflag:s9] =	ssyncadd.s32 $0xFFFFF800  }
0xb3: {  	_ =	swait.ge [sflag:s9], $0x800  }
0xb4: {  	[sflag:s9] =	ssyncset.done $0x0  }
0xb5: {  	[sflag:s9] =	ssyncadd.s32 $0xFFFFF800  }
0xb6: {  	_ =	swait.ge [sflag:s9], $0x800  }
0xb7: {  	[sflag:s9] =	ssyncset.done $0x0  }
0xb8: {  	[sflag:s9] =	ssyncadd.s32 $0xFFFFF800  }
0xb9: {  	_ =	swait.ge [sflag:s9], $0x800  }
0xba: {  	[sflag:s9] =	ssyncset.done $0x0  }
0xbb: {  	[sflag:s9] =	ssyncadd.s32 $0xFFFFF800  }
0xbc: {  	_ =	swait.ge [sflag:s9], $0x800  }
0xbd: {  	[sflag:s9] =	ssyncset.done $0x0  }
0xbe: {  	[sflag:s9] =	ssyncadd.s32 $0xFFFFF800  }
0xbf: {  	_ =	swait.ge [sflag:s9], $0x800  }
0xc0: {  	[sflag:s9] =	ssyncset.done $0x0  }
0xc1: {  	[sflag:s9] =	ssyncadd.s32 $0xFFFFF800  }
0xc2: {  	_ =	swait.ge [sflag:s9], $0x800  }
0xc3: {  	s10 =	sld [smem:$0x7EA]  }
0xc4: {  	s19 =	sld [smem:$0x7EB]  }
0xc5: {  	s20 =	sld [smem:$0x7EC]  }
0xc6: {  	s21 =	sld [smem:$0x7ED]  }
0xc7: {  	s13 =	sld [smem:$0x7EE]  }
0xc8: {  	s22 =	sld [smem:$0x7EF]  }
0xc9: {  	s15 =	sld [smem:$0x7F0]  }
0xca: {  	s23 =	sld [smem:$0x7F1]  }
0xcb: {  	s24 =	sld [smem:$0x7F2]  }
0xcc: {  	s25 =	sld [smem:$0x7F3]  }
0xcd: {  	[sflag:s9] =	ssyncset.done $0x0;
	s26 =	sld [smem:$0x7F4]  }
0xce: {  	s28 =	sld [smem:$0x7F5];
	[sflag:s9] =	ssyncadd.s32 $0xFFFFF800  }
0xcf: {  	[spmem:s1] =	stream.indirect.scatter.add.f32 [tilespmem:s25], [sflag:$0x1], $0x10, s24, s8, $0xb8;
	[tilespmem:$0x17B40] =	vst v63  }
0xd0: {  	s29 =	sld [smem:$0x7F6]  }
0xd1: {  	[spmem:s1] =	stream.indirect.scatter.add.f32 [tilespmem:s21], [sflag:$0x1], $0x10, s20, s8, $0xb8;
	[tilespmem:$0x17B40] =	vst v63  }
0xd2: {  	s18 =	sld [smem:$0x7F7]  }
0xd3: {  	[spmem:s1] =	stream.indirect.scatter.add.f32 [tilespmem:s23], [sflag:$0x1], $0x10, s22, s8, $0xb8;
	[tilespmem:$0x17B40] =	vst v63  }
0xd4: {  	s24 =	sld [smem:$0x7FB]  }
0xd5: {  	[spmem:s1] =	stream.indirect.scatter.add.f32 [tilespmem:s29], [sflag:$0x1], $0x10, s10, s8, $0xb8;
	[tilespmem:$0x17B40] =	vst v63  }
0xd6: {  	s21 =	sld [smem:$0x7F8]  }
0xd7: {  	[spmem:s1] =	stream.indirect.scatter.add.f32 [tilespmem:s19], [sflag:$0x1], $0x10, s28, s8, $0xb8;
	[tilespmem:$0x17B40] =	vst v63  }
0xd8: {  	s22 =	sld [smem:$0x7F9]  }
0xd9: {  	[spmem:s1] =	stream.indirect.scatter.add.f32 [tilespmem:s18], [sflag:$0x1], $0x10, s21, s8, $0xb8;
	[tilespmem:$0x17B40] =	vst v63  }
0xda: {  	s23 =	sld [smem:$0x7FA]  }
0xdb: {  	[spmem:s1] =	stream.indirect.scatter.add.f32 [tilespmem:s26], [sflag:$0x1], $0x10, s22, s8, $0xb8;
	[tilespmem:$0x17B40] =	vst v63  }
0xdc: {  	s25 =	sld [smem:$0x7FC]  }
0xdd: {  	[spmem:s1] =	stream.indirect.scatter.add.f32 [tilespmem:s15], [sflag:$0x1], $0x10, s23, s8, $0xb8;
	[tilespmem:$0x17B40] =	vst v63  }
0xde: {  	s26 =	sld [smem:$0x7FD]  }
0xdf: {  	[spmem:s1] =	stream.indirect.scatter.add.f32 [tilespmem:s13], [sflag:$0x1], $0x10, s24, s8, $0xb8;
	[tilespmem:$0x17B40] =	vst v63  }
0xe0: {  	_ = 	snop  }
0xe1: {  	[spmem:s1] =	stream.indirect.scatter.add.f32 [tilespmem:s26], [sflag:$0x1], $0x10, s25, s8, $0xb8;
	[tilespmem:$0x17B40] =	vst v63  }
0xe2: {  	s29 =	simm.s32 $0x10400;
	s28 =	simm.s32 $0xF00  }
0xe3: {  	[spmem:s1] =	stream.indirect.scatter.add.f32 [tilespmem:s29], [sflag:$0x1], $0x10, s28, s8, $0xb8;
	[tilespmem:$0x17B40] =	vst v63  }
0xe4: {  	s11 =	simm.s32 $0x10C00;
	s10 =	simm.s32 $0xF80  }
0xe5: {  	[spmem:s1] =	stream.indirect.scatter.add.f32 [tilespmem:s11], [sflag:$0x1], $0x10, s10, s8, $0xb8;
	[tilespmem:$0x17B40] =	vst v63  }
0xe6: {  	s12 =	simm.s32 $0x1000;
	s13 =	simm.s32 $0x11400  }
0xe7: {  	[spmem:s1] =	stream.indirect.scatter.add.f32 [tilespmem:s13], [sflag:$0x1], $0x10, s12, s8, $0xb8;
	[tilespmem:$0x17B40] =	vst v63  }
0xe8: {  	s14 =	simm.s32 $0x1080;
	s15 =	simm.s32 $0x11C00  }
0xe9: {  	[spmem:s1] =	stream.indirect.scatter.add.f32 [tilespmem:s15], [sflag:$0x1], $0x10, s14, s8, $0xb8;
	[tilespmem:$0x17B40] =	vst v63  }
0xea: {  	s17 =	simm.s32 $0x12400;
	s16 =	simm.s32 $0x1100  }
0xeb: {  	[spmem:s1] =	stream.indirect.scatter.add.f32 [tilespmem:s17], [sflag:$0x1], $0x10, s16, s8, $0xb8;
	[tilespmem:$0x17B40] =	vst v63  }
0xec: {  	s19 =	simm.s32 $0x12C00;
	s18 =	simm.s32 $0x1180  }
0xed: {  	[spmem:s1] =	stream.indirect.scatter.add.f32 [tilespmem:s19], [sflag:$0x1], $0x10, s18, s8, $0xb8;
	[tilespmem:$0x17B40] =	vst v63  }
0xee: {  	s20 =	simm.s32 $0x1200;
	s21 =	simm.s32 $0x13400  }
0xef: {  	[spmem:s1] =	stream.indirect.scatter.add.f32 [tilespmem:s21], [sflag:$0x1], $0x10, s20, s8, $0xb8;
	[tilespmem:$0x17B40] =	vst v63  }
0xf0: {  	s22 =	simm.s32 $0x1280;
	s23 =	simm.s32 $0x13C00  }
0xf1: {  	[spmem:s1] =	stream.indirect.scatter.add.f32 [tilespmem:s23], [sflag:$0x1], $0x10, s22, s8, $0xb8;
	[tilespmem:$0x17B40] =	vst v63  }
0xf2: {  	s24 =	simm.s32 $0x1300;
	s25 =	simm.s32 $0x14400  }
0xf3: {  	[spmem:s1] =	stream.indirect.scatter.add.f32 [tilespmem:s25], [sflag:$0x1], $0x10, s24, s8, $0xb8;
	[tilespmem:$0x17B40] =	vst v63  }
0xf4: {  	s30 =	simm.s32 $0x14C00;
	s26 =	simm.s32 $0x1380  }
0xf5: {  	[spmem:s1] =	stream.indirect.scatter.add.f32 [tilespmem:s30], [sflag:$0x1], $0x10, s26, s8, $0xb8;
	[tilespmem:$0x17B40] =	vst v63  }
0xf6: {  	_ =	swait.ge [sflag:s9], $0x800  }
0xf7: {  	[sflag:s9] =	ssyncset.done $0x0  }
0xf8: {  	[sflag:s9] =	ssyncadd.s32 $0xFFFFF800  }
0xf9: {  	_ =	swait.ge [sflag:s9], $0x800  }
0xfa: {  	[sflag:s9] =	ssyncset.done $0x0  }
0xfb: {  	[sflag:s9] =	ssyncadd.s32 $0xFFFFF800  }
0xfc: {  	_ =	swait.ge [sflag:s9], $0x800  }
0xfd: {  	[sflag:s9] =	ssyncset.done $0x0  }
0xfe: {  	[sflag:s9] =	ssyncadd.s32 $0xFFFFF800  }
0xff: {  	_ =	swait.ge [sflag:s9], $0x800  }
0x100: {  	[sflag:s9] =	ssyncset.done $0x0  }
0x101: {  	[sflag:s9] =	ssyncadd.s32 $0xFFFFF800  }
0x102: {  	_ =	swait.ge [sflag:s9], $0x800  }
0x103: {  	[sflag:s9] =	ssyncset.done $0x0  }
0x104: {  	[sflag:s9] =	ssyncadd.s32 $0xFFFFF800  }
0x105: {  	_ =	swait.ge [sflag:s9], $0x800  }
0x106: {  	[sflag:s9] =	ssyncset.done $0x0  }
0x107: {  	[sflag:s9] =	ssyncadd.s32 $0xFFFFF800  }
0x108: {  	_ =	swait.ge [sflag:s9], $0x800  }
0x109: {  	[sflag:s9] =	ssyncset.done $0x0  }
0x10a: {  	[sflag:s9] =	ssyncadd.s32 $0xFFFFF800  }
0x10b: {  	_ =	swait.ge [sflag:s9], $0x800  }
0x10c: {  	[sflag:s9] =	ssyncset.done $0x0  }
0x10d: {  	[sflag:s9] =	ssyncadd.s32 $0xFFFFF800  }
0x10e: {  	_ =	swait.ge [sflag:s9], $0x800  }
0x10f: {  	[sflag:s9] =	ssyncset.done $0x0  }
0x110: {  	[sflag:s9] =	ssyncadd.s32 $0xFFFFF800  }
0x111: {  	_ =	swait.ge [sflag:s9], $0x800  }
0x112: {  	s28 =	ssub.s32 $0x2, s31;
	[sflag:s9] =	ssyncset.done $0x0  }
0x113: {  	s29 =	sshrl.u32 s28, $0x1;
	[sflag:s9] =	ssyncadd.s32 $0xFFFFF800  }
0x114: {  	s0 =	ssub.s32 s28, s29;
	_ =	swait.ge [sflag:s9], $0x800  }
0x115: {  	s0 =	smax.u32 s0, $0x1;
	[sflag:s9] =	ssyncset.done $0x0  }
0x116: {  	s31 =	sadd.s32 $0xFFFFFFFF, s0;
	[sflag:s9] =	ssyncadd.s32 $0xFFFFF800  }
0x117: {  	p1 =	sne.s32 s31, $0x0;
	_ =	swait.ge [sflag:s9], $0x800  }
.Ltmp0:
0x118: {  	[sflag:s9] =	ssyncset.done $0x0;
	(pc) =	sbr.rel @!p1 .LBB2_2-.Ltmp0, $4  }
0x119: {  	[sflag:s9] =	ssyncadd.s32 $0xFFFFF800  }
0x11a: {  	_ =	swait.ge [sflag:s9], $0x800  }
0x11b: {  	[sflag:s9] =	ssyncset.done $0x0  }
0x11c: {  	[sflag:s9] =	ssyncadd.s32 $0xFFFFF800  }
.LBB2_1:
0x11d: {  	_ =	swait.ge [sflag:s9], $0x800  }
0x11e: {  	[sflag:s9] =	ssyncset.done $0x0  }
0x11f: {  	[sflag:s9] =	ssyncadd.s32 $0xFFFFF800  }
0x120: {  	_ =	swait.ge [sflag:s9], $0x800  }
0x121: {  	[sflag:s9] =	ssyncset.done $0x0  }
0x122: {  	[sflag:s9] =	ssyncadd.s32 $0xFFFFF800  }
0x123: {  	_ =	swait.ge [sflag:s9], $0x800  }
0x124: {  	[sflag:s9] =	ssyncset.done $0x0  }
0x125: {  	[sflag:s9] =	ssyncadd.s32 $0xFFFFF800  }
0x126: {  	_ =	swait.ge [sflag:s9], $0x800  }
0x127: {  	[sflag:s9] =	ssyncset.done $0x0  }
0x128: {  	[sflag:s9] =	ssyncadd.s32 $0xFFFFF800  }
0x129: {  	_ =	swait.ge [sflag:s9], $0x800  }
0x12a: {  	[sflag:s9] =	ssyncset.done $0x0  }
0x12b: {  	[sflag:s9] =	ssyncadd.s32 $0xFFFFF800  }
0x12c: {  	_ =	swait.ge [sflag:s9], $0x800  }
0x12d: {  	[sflag:s9] =	ssyncset.done $0x0  }
0x12e: {  	[sflag:s9] =	ssyncadd.s32 $0xFFFFF800  }
0x12f: {  	_ =	swait.ge [sflag:s9], $0x800  }
0x130: {  	[sflag:s9] =	ssyncset.done $0x0  }
0x131: {  	[sflag:s9] =	ssyncadd.s32 $0xFFFFF800  }
0x132: {  	[bflag:$0x0] =	sbarrier.arrive $0xFFFF  }
0x133: {  	s0 =	rddreg [dreg:$0x6]  }
0x134: {  	[hbm:s0], [sflag:s5] =	dma.local @!p0 [spmem:s3], $0x4E80  }
0x135: {  	_ =	swait.ge @!p0 [sflag:s4], $0x4E80  }
0x136: {  	[sflag:s4] =	ssyncset.done @!p0 $0x0  }
0x137: {  	s0 =	rddreg [dreg:$0x3];
	[sflag:s4] =	ssyncadd.s32 @!p0 $0xFFFFB180  }
0x138: {  	[spmem:s3], [sflag:s5] =	dma.local @!p0 [hbm:s0], $0x4E80  }
0x139: {  	_ =	swait.ge @!p0 [sflag:s4], $0x4E80  }
0x13a: {  	[sflag:s4] =	ssyncset.done @!p0 $0x0  }
0x13b: {  	s21 =	rddreg [dreg:$0x4];
	[sflag:s4] =	ssyncadd.s32 @!p0 $0xFFFFB180  }
0x13c: {  	[tilespmem:s2], [sflag:$0x2] =	stream.linear.gather [hbm4b:s21+s2], $0x1400, $0x38;
	[tilespmem:$0x17B40] =	vst v63  }
0x13d: {  	_ =	swait.ge [sflag:s6], $0x1400  }
0x13e: {  	[sflag:s6] =	ssyncset.done $0x0  }
0x13f: {  	s22 =	rddreg [dreg:$0x5];
	[sflag:s6] =	ssyncadd.s32 $0xFFFFEC00  }
0x140: {  	[tilespmem:s7], [sflag:$0x2] =	stream.linear.gather [hbm4b:s22+s2], $0x14000, $0x38;
	[tilespmem:$0x17B40] =	vst v63  }
0x141: {  	_ =	swait.ge [sflag:s6], $0x14000  }
0x142: {  	[sflag:s6] =	ssyncset.done $0x0  }
0x143: {  	[sflag:s6] =	ssyncadd.s32 $0xFFFEC000  }
0x144: {  	[bflag:$0x0] =	sbarrier.arrive $0xFFFF  }
0x145: {  	s12 =	rddreg [dreg:$0x12]  }
0x146: {  	s14 =	rddreg [dreg:$0x10]  }
0x147: {  	s0 =	sld [smem:$0x7DE]  }
0x148: {  	s15 =	rddreg [dreg:$0x11]  }
0x149: {  	s10 =	sld [smem:$0x7DF]  }
0x14a: {  	s16 =	rddreg [dreg:$0xe]  }
0x14b: {  	s11 =	rddreg [dreg:$0x1f]  }
0x14c: {  	s17 =	rddreg [dreg:$0xc]  }
0x14d: {  	s13 =	rddreg [dreg:$0x1b]  }
0x14e: {  	s18 =	rddreg [dreg:$0xd]  }
0x14f: {  	s19 =	rddreg [dreg:$0x17]  }
0x150: {  	s20 =	rddreg [dreg:$0xa]  }
0x151: {  	s21 =	rddreg [dreg:$0x13]  }
0x152: {  	s22 =	rddreg [dreg:$0xf]  }
0x153: {  	s23 =	rddreg [dreg:$0xb]  }
0x154: {  	s24 =	rddreg [dreg:$0x9]  }
0x155: {  	[spmem:s1] =	stream.indirect.scatter.add.f32 [tilespmem:s7], [sflag:$0x1], $0x10, s2, s8, $0xb8;
	[tilespmem:$0x17B40] =	vst v63  }
0x156: {  	s25 =	rddreg [dreg:$0x7]  }
0x157: {  	s26 =	rddreg [dreg:$0x15]  }
0x158: {  	s28 =	rddreg [dreg:$0x8]  }
0x159: {  	s29 =	rddreg [dreg:$0x14]  }
0x15a: {  	[spmem:s1] =	stream.indirect.scatter.add.f32 [tilespmem:s25], [sflag:$0x1], $0x10, s8, s8, $0xb8;
	[tilespmem:$0x17B40] =	vst v63  }
0x15b: {  	s25 =	rddreg [dreg:$0x16]  }
0x15c: {  	[spmem:s1] =	stream.indirect.scatter.add.f32 [tilespmem:s24], [sflag:$0x1], $0x10, s28, s8, $0xb8;
	[tilespmem:$0x17B40] =	vst v63  }
0x15d: {  	s24 =	rddreg [dreg:$0x19]  }
0x15e: {  	[spmem:s1] =	stream.indirect.scatter.add.f32 [tilespmem:s23], [sflag:$0x1], $0x10, s20, s8, $0xb8;
	[tilespmem:$0x17B40] =	vst v63  }
0x15f: {  	s28 =	rddreg [dreg:$0x1c]  }
0x160: {  	[spmem:s1] =	stream.indirect.scatter.add.f32 [tilespmem:s18], [sflag:$0x1], $0x10, s17, s8, $0xb8;
	[tilespmem:$0x17B40] =	vst v63  }
0x161: {  	s20 =	rddreg [dreg:$0x18]  }
0x162: {  	[spmem:s1] =	stream.indirect.scatter.add.f32 [tilespmem:s22], [sflag:$0x1], $0x10, s16, s8, $0xb8;
	[tilespmem:$0x17B40] =	vst v63  }
0x163: {  	s23 =	rddreg [dreg:$0x1d]  }
0x164: {  	[spmem:s1] =	stream.indirect.scatter.add.f32 [tilespmem:s15], [sflag:$0x1], $0x10, s14, s8, $0xb8;
	[tilespmem:$0x17B40] =	vst v63  }
0x165: {  	s17 =	rddreg [dreg:$0x1a]  }
0x166: {  	[spmem:s1] =	stream.indirect.scatter.add.f32 [tilespmem:s21], [sflag:$0x1], $0x10, s12, s8, $0xb8;
	[tilespmem:$0x17B40] =	vst v63  }
0x167: {  	s18 =	sld [smem:$0x7E0]  }
0x168: {  	[spmem:s1] =	stream.indirect.scatter.add.f32 [tilespmem:s26], [sflag:$0x1], $0x10, s29, s8, $0xb8;
	[tilespmem:$0x17B40] =	vst v63  }
0x169: {  	s22 =	sld [smem:$0x7E3]  }
0x16a: {  	[spmem:s1] =	stream.indirect.scatter.add.f32 [tilespmem:s19], [sflag:$0x1], $0x10, s25, s8, $0xb8;
	[tilespmem:$0x17B40] =	vst v63  }
0x16b: {  	s15 =	rddreg [dreg:$0x1e]  }
0x16c: {  	[spmem:s1] =	stream.indirect.scatter.add.f32 [tilespmem:s24], [sflag:$0x1], $0x10, s20, s8, $0xb8;
	[tilespmem:$0x17B40] =	vst v63  }
0x16d: {  	s21 =	sld [smem:$0x7E2]  }
0x16e: {  	[spmem:s1] =	stream.indirect.scatter.add.f32 [tilespmem:s13], [sflag:$0x1], $0x10, s17, s8, $0xb8;
	[tilespmem:$0x17B40] =	vst v63  }
0x16f: {  	s26 =	sld [smem:$0x7E7]  }
0x170: {  	[spmem:s1] =	stream.indirect.scatter.add.f32 [tilespmem:s23], [sflag:$0x1], $0x10, s28, s8, $0xb8;
	[tilespmem:$0x17B40] =	vst v63  }
0x171: {  	s19 =	sld [smem:$0x7E1]  }
0x172: {  	[spmem:s1] =	stream.indirect.scatter.add.f32 [tilespmem:s11], [sflag:$0x1], $0x10, s15, s8, $0xb8;
	[tilespmem:$0x17B40] =	vst v63  }
0x173: {  	s29 =	sld [smem:$0x7E9]  }
0x174: {  	[spmem:s1] =	stream.indirect.scatter.add.f32 [tilespmem:s18], [sflag:$0x1], $0x10, s19, s8, $0xb8;
	[tilespmem:$0x17B40] =	vst v63  }
0x175: {  	s23 =	sld [smem:$0x7E4]  }
0x176: {  	[spmem:s1] =	stream.indirect.scatter.add.f32 [tilespmem:s10], [sflag:$0x1], $0x10, s21, s8, $0xb8;
	[tilespmem:$0x17B40] =	vst v63  }
0x177: {  	s24 =	sld [smem:$0x7E5]  }
0x178: {  	[spmem:s1] =	stream.indirect.scatter.add.f32 [tilespmem:s22], [sflag:$0x1], $0x10, s23, s8, $0xb8;
	[tilespmem:$0x17B40] =	vst v63  }
0x179: {  	s25 =	sld [smem:$0x7E6]  }
0x17a: {  	[spmem:s1] =	stream.indirect.scatter.add.f32 [tilespmem:s0], [sflag:$0x1], $0x10, s24, s8, $0xb8;
	[tilespmem:$0x17B40] =	vst v63  }
0x17b: {  	s28 =	sld [smem:$0x7E8]  }
0x17c: {  	[spmem:s1] =	stream.indirect.scatter.add.f32 [tilespmem:s25], [sflag:$0x1], $0x10, s26, s8, $0xb8;
	[tilespmem:$0x17B40] =	vst v63  }
0x17d: {  	_ = 	snop  }
0x17e: {  	[spmem:s1] =	stream.indirect.scatter.add.f32 [tilespmem:s29], [sflag:$0x1], $0x10, s28, s8, $0xb8;
	[tilespmem:$0x17B40] =	vst v63  }
0x17f: {  	_ =	swait.ge [sflag:s9], $0x800  }
0x180: {  	[sflag:s9] =	ssyncset.done $0x0  }
0x181: {  	[sflag:s9] =	ssyncadd.s32 $0xFFFFF800  }
0x182: {  	_ =	swait.ge [sflag:s9], $0x800  }
0x183: {  	[sflag:s9] =	ssyncset.done $0x0  }
0x184: {  	[sflag:s9] =	ssyncadd.s32 $0xFFFFF800  }
0x185: {  	_ =	swait.ge [sflag:s9], $0x800  }
0x186: {  	[sflag:s9] =	ssyncset.done $0x0  }
0x187: {  	[sflag:s9] =	ssyncadd.s32 $0xFFFFF800  }
0x188: {  	_ =	swait.ge [sflag:s9], $0x800  }
0x189: {  	[sflag:s9] =	ssyncset.done $0x0  }
0x18a: {  	[sflag:s9] =	ssyncadd.s32 $0xFFFFF800  }
0x18b: {  	_ =	swait.ge [sflag:s9], $0x800  }
0x18c: {  	[sflag:s9] =	ssyncset.done $0x0  }
0x18d: {  	[sflag:s9] =	ssyncadd.s32 $0xFFFFF800  }
0x18e: {  	_ =	swait.ge [sflag:s9], $0x800  }
0x18f: {  	[sflag:s9] =	ssyncset.done $0x0  }
0x190: {  	[sflag:s9] =	ssyncadd.s32 $0xFFFFF800  }
0x191: {  	_ =	swait.ge [sflag:s9], $0x800  }
0x192: {  	[sflag:s9] =	ssyncset.done $0x0  }
0x193: {  	[sflag:s9] =	ssyncadd.s32 $0xFFFFF800  }
0x194: {  	_ =	swait.ge [sflag:s9], $0x800  }
0x195: {  	[sflag:s9] =	ssyncset.done $0x0  }
0x196: {  	[sflag:s9] =	ssyncadd.s32 $0xFFFFF800  }
0x197: {  	_ =	swait.ge [sflag:s9], $0x800  }
0x198: {  	[sflag:s9] =	ssyncset.done $0x0  }
0x199: {  	[sflag:s9] =	ssyncadd.s32 $0xFFFFF800  }
0x19a: {  	_ =	swait.ge [sflag:s9], $0x800  }
0x19b: {  	[sflag:s9] =	ssyncset.done $0x0  }
0x19c: {  	[sflag:s9] =	ssyncadd.s32 $0xFFFFF800  }
0x19d: {  	_ =	swait.ge [sflag:s9], $0x800  }
0x19e: {  	[sflag:s9] =	ssyncset.done $0x0  }
0x19f: {  	[sflag:s9] =	ssyncadd.s32 $0xFFFFF800  }
0x1a0: {  	_ =	swait.ge [sflag:s9], $0x800  }
0x1a1: {  	[sflag:s9] =	ssyncset.done $0x0  }
0x1a2: {  	[sflag:s9] =	ssyncadd.s32 $0xFFFFF800  }
0x1a3: {  	_ =	swait.ge [sflag:s9], $0x800  }
0x1a4: {  	[sflag:s9] =	ssyncset.done $0x0  }
0x1a5: {  	[sflag:s9] =	ssyncadd.s32 $0xFFFFF800  }
0x1a6: {  	_ =	swait.ge [sflag:s9], $0x800  }
0x1a7: {  	[sflag:s9] =	ssyncset.done $0x0  }
0x1a8: {  	[sflag:s9] =	ssyncadd.s32 $0xFFFFF800  }
0x1a9: {  	_ =	swait.ge [sflag:s9], $0x800  }
0x1aa: {  	[sflag:s9] =	ssyncset.done $0x0  }
0x1ab: {  	[sflag:s9] =	ssyncadd.s32 $0xFFFFF800  }
0x1ac: {  	_ =	swait.ge [sflag:s9], $0x800  }
0x1ad: {  	[sflag:s9] =	ssyncset.done $0x0  }
0x1ae: {  	[sflag:s9] =	ssyncadd.s32 $0xFFFFF800  }
0x1af: {  	_ =	swait.ge [sflag:s9], $0x800  }
0x1b0: {  	[sflag:s9] =	ssyncset.done $0x0  }
0x1b1: {  	[sflag:s9] =	ssyncadd.s32 $0xFFFFF800  }
0x1b2: {  	_ =	swait.ge [sflag:s9], $0x800  }
0x1b3: {  	[sflag:s9] =	ssyncset.done $0x0  }
0x1b4: {  	[sflag:s9] =	ssyncadd.s32 $0xFFFFF800  }
0x1b5: {  	_ =	swait.ge [sflag:s9], $0x800  }
0x1b6: {  	[sflag:s9] =	ssyncset.done $0x0  }
0x1b7: {  	[sflag:s9] =	ssyncadd.s32 $0xFFFFF800  }
0x1b8: {  	_ =	swait.ge [sflag:s9], $0x800  }
0x1b9: {  	s10 =	sld [smem:$0x7EA]  }
0x1ba: {  	s19 =	sld [smem:$0x7EB]  }
0x1bb: {  	s20 =	sld [smem:$0x7EC]  }
0x1bc: {  	s22 =	sld [smem:$0x7ED]  }
0x1bd: {  	s13 =	sld [smem:$0x7EE]  }
0x1be: {  	s23 =	sld [smem:$0x7EF]  }
0x1bf: {  	s15 =	sld [smem:$0x7F0]  }
0x1c0: {  	s24 =	sld [smem:$0x7F1]  }
0x1c1: {  	s25 =	sld [smem:$0x7F2]  }
0x1c2: {  	s26 =	sld [smem:$0x7F3]  }
0x1c3: {  	[sflag:s9] =	ssyncset.done $0x0;
	s28 =	sld [smem:$0x7F4]  }
0x1c4: {  	s29 =	sld [smem:$0x7F5];
	[sflag:s9] =	ssyncadd.s32 $0xFFFFF800  }
0x1c5: {  	[spmem:s1] =	stream.indirect.scatter.add.f32 [tilespmem:s26], [sflag:$0x1], $0x10, s25, s8, $0xb8;
	[tilespmem:$0x17B40] =	vst v63  }
0x1c6: {  	s21 =	sld [smem:$0x7F6]  }
0x1c7: {  	[spmem:s1] =	stream.indirect.scatter.add.f32 [tilespmem:s22], [sflag:$0x1], $0x10, s20, s8, $0xb8;
	[tilespmem:$0x17B40] =	vst v63  }
0x1c8: {  	s25 =	sld [smem:$0x7FA]  }
0x1c9: {  	[spmem:s1] =	stream.indirect.scatter.add.f32 [tilespmem:s24], [sflag:$0x1], $0x10, s23, s8, $0xb8;
	[tilespmem:$0x17B40] =	vst v63  }
0x1ca: {  	s22 =	sld [smem:$0x7F7]  }
0x1cb: {  	[spmem:s1] =	stream.indirect.scatter.add.f32 [tilespmem:s21], [sflag:$0x1], $0x10, s10, s8, $0xb8;
	[tilespmem:$0x17B40] =	vst v63  }
0x1cc: {  	s23 =	sld [smem:$0x7F8]  }
0x1cd: {  	[spmem:s1] =	stream.indirect.scatter.add.f32 [tilespmem:s19], [sflag:$0x1], $0x10, s29, s8, $0xb8;
	[tilespmem:$0x17B40] =	vst v63  }
0x1ce: {  	s24 =	sld [smem:$0x7F9]  }
0x1cf: {  	[spmem:s1] =	stream.indirect.scatter.add.f32 [tilespmem:s22], [sflag:$0x1], $0x10, s23, s8, $0xb8;
	[tilespmem:$0x17B40] =	vst v63  }
0x1d0: {  	s26 =	sld [smem:$0x7FB]  }
0x1d1: {  	[spmem:s1] =	stream.indirect.scatter.add.f32 [tilespmem:s28], [sflag:$0x1], $0x10, s24, s8, $0xb8;
	[tilespmem:$0x17B40] =	vst v63  }
0x1d2: {  	s29 =	sld [smem:$0x7FD]  }
0x1d3: {  	[spmem:s1] =	stream.indirect.scatter.add.f32 [tilespmem:s15], [sflag:$0x1], $0x10, s25, s8, $0xb8;
	[tilespmem:$0x17B40] =	vst v63  }
0x1d4: {  	s28 =	sld [smem:$0x7FC]  }
0x1d5: {  	[spmem:s1] =	stream.indirect.scatter.add.f32 [tilespmem:s13], [sflag:$0x1], $0x10, s26, s8, $0xb8;
	[tilespmem:$0x17B40] =	vst v63  }
0x1d6: {  	_ = 	snop  }
0x1d7: {  	[spmem:s1] =	stream.indirect.scatter.add.f32 [tilespmem:s29], [sflag:$0x1], $0x10, s28, s8, $0xb8;
	[tilespmem:$0x17B40] =	vst v63  }
0x1d8: {  	s11 =	simm.s32 $0x10400;
	s10 =	simm.s32 $0xF00  }
0x1d9: {  	[spmem:s1] =	stream.indirect.scatter.add.f32 [tilespmem:s11], [sflag:$0x1], $0x10, s10, s8, $0xb8;
	[tilespmem:$0x17B40] =	vst v63  }
0x1da: {  	s12 =	simm.s32 $0xF80;
	s13 =	simm.s32 $0x10C00  }
0x1db: {  	[spmem:s1] =	stream.indirect.scatter.add.f32 [tilespmem:s13], [sflag:$0x1], $0x10, s12, s8, $0xb8;
	[tilespmem:$0x17B40] =	vst v63  }
0x1dc: {  	s14 =	simm.s32 $0x1000;
	s15 =	simm.s32 $0x11400  }
0x1dd: {  	[spmem:s1] =	stream.indirect.scatter.add.f32 [tilespmem:s15], [sflag:$0x1], $0x10, s14, s8, $0xb8;
	[tilespmem:$0x17B40] =	vst v63  }
0x1de: {  	s16 =	simm.s32 $0x1080;
	s17 =	simm.s32 $0x11C00  }
0x1df: {  	[spmem:s1] =	stream.indirect.scatter.add.f32 [tilespmem:s17], [sflag:$0x1], $0x10, s16, s8, $0xb8;
	[tilespmem:$0x17B40] =	vst v63  }
0x1e0: {  	s18 =	simm.s32 $0x1100;
	s19 =	simm.s32 $0x12400  }
0x1e1: {  	[spmem:s1] =	stream.indirect.scatter.add.f32 [tilespmem:s19], [sflag:$0x1], $0x10, s18, s8, $0xb8;
	[tilespmem:$0x17B40] =	vst v63  }
0x1e2: {  	s20 =	simm.s32 $0x1180;
	s21 =	simm.s32 $0x12C00  }
0x1e3: {  	[spmem:s1] =	stream.indirect.scatter.add.f32 [tilespmem:s21], [sflag:$0x1], $0x10, s20, s8, $0xb8;
	[tilespmem:$0x17B40] =	vst v63  }
0x1e4: {  	s22 =	simm.s32 $0x1200;
	s23 =	simm.s32 $0x13400  }
0x1e5: {  	[spmem:s1] =	stream.indirect.scatter.add.f32 [tilespmem:s23], [sflag:$0x1], $0x10, s22, s8, $0xb8;
	[tilespmem:$0x17B40] =	vst v63  }
0x1e6: {  	s24 =	simm.s32 $0x1280;
	s25 =	simm.s32 $0x13C00  }
0x1e7: {  	[spmem:s1] =	stream.indirect.scatter.add.f32 [tilespmem:s25], [sflag:$0x1], $0x10, s24, s8, $0xb8;
	[tilespmem:$0x17B40] =	vst v63  }
0x1e8: {  	s26 =	simm.s32 $0x1300;
	s28 =	simm.s32 $0x14400  }
0x1e9: {  	[spmem:s1] =	stream.indirect.scatter.add.f32 [tilespmem:s28], [sflag:$0x1], $0x10, s26, s8, $0xb8;
	[tilespmem:$0x17B40] =	vst v63  }
0x1ea: {  	s29 =	simm.s32 $0x1380  }
0x1eb: {  	[spmem:s1] =	stream.indirect.scatter.add.f32 [tilespmem:s30], [sflag:$0x1], $0x10, s29, s8, $0xb8;
	[tilespmem:$0x17B40] =	vst v63  }
0x1ec: {  	_ =	swait.ge [sflag:s9], $0x800  }
0x1ed: {  	[sflag:s9] =	ssyncset.done $0x0  }
0x1ee: {  	[sflag:s9] =	ssyncadd.s32 $0xFFFFF800  }
0x1ef: {  	_ =	swait.ge [sflag:s9], $0x800  }
0x1f0: {  	[sflag:s9] =	ssyncset.done $0x0  }
0x1f1: {  	[sflag:s9] =	ssyncadd.s32 $0xFFFFF800  }
0x1f2: {  	_ =	swait.ge [sflag:s9], $0x800  }
0x1f3: {  	[sflag:s9] =	ssyncset.done $0x0  }
0x1f4: {  	[sflag:s9] =	ssyncadd.s32 $0xFFFFF800  }
0x1f5: {  	_ =	swait.ge [sflag:s9], $0x800  }
0x1f6: {  	[sflag:s9] =	ssyncset.done $0x0  }
0x1f7: {  	[sflag:s9] =	ssyncadd.s32 $0xFFFFF800  }
0x1f8: {  	_ =	swait.ge [sflag:s9], $0x800  }
0x1f9: {  	[sflag:s9] =	ssyncset.done $0x0  }
0x1fa: {  	[sflag:s9] =	ssyncadd.s32 $0xFFFFF800  }
0x1fb: {  	_ =	swait.ge [sflag:s9], $0x800  }
0x1fc: {  	[sflag:s9] =	ssyncset.done $0x0  }
0x1fd: {  	[sflag:s9] =	ssyncadd.s32 $0xFFFFF800  }
0x1fe: {  	_ =	swait.ge [sflag:s9], $0x800  }
0x1ff: {  	[sflag:s9] =	ssyncset.done $0x0  }
0x200: {  	[sflag:s9] =	ssyncadd.s32 $0xFFFFF800  }
0x201: {  	_ =	swait.ge [sflag:s9], $0x800  }
0x202: {  	[sflag:s9] =	ssyncset.done $0x0  }
0x203: {  	[sflag:s9] =	ssyncadd.s32 $0xFFFFF800  }
0x204: {  	_ =	swait.ge [sflag:s9], $0x800  }
0x205: {  	[sflag:s9] =	ssyncset.done $0x0  }
0x206: {  	[sflag:s9] =	ssyncadd.s32 $0xFFFFF800  }
0x207: {  	_ =	swait.ge [sflag:s9], $0x800  }
0x208: {  	[sflag:s9] =	ssyncset.done $0x0  }
0x209: {  	[sflag:s9] =	ssyncadd.s32 $0xFFFFF800  }
0x20a: {  	_ =	swait.ge [sflag:s9], $0x800  }
0x20b: {  	[sflag:s9] =	ssyncset.done $0x0  }
0x20c: {  	s31 =	sadd.s32 $0xFFFFFFFF, s31;
	[sflag:s9] =	ssyncadd.s32 $0xFFFFF800  }
0x20d: {  	p1 =	sne.s32 s31, $0x0;
	_ =	swait.ge [sflag:s9], $0x800  }
.Ltmp1:
0x20e: {  	[sflag:s9] =	ssyncset.done $0x0;
	(pc) =	sbr.rel @p1 .LBB2_1-.Ltmp1, $4  }
0x20f: {  	[sflag:s9] =	ssyncadd.s32 $0xFFFFF800  }
0x210: {  	_ =	swait.ge [sflag:s9], $0x800  }
0x211: {  	[sflag:s9] =	ssyncset.done $0x0  }
0x212: {  	[sflag:s9] =	ssyncadd.s32 $0xFFFFF800  }
.LBB2_2:
0x213: {  	_ =	swait.ge [sflag:s9], $0x800  }
0x214: {  	[sflag:s9] =	ssyncset.done $0x0  }
0x215: {  	[sflag:s9] =	ssyncadd.s32 $0xFFFFF800  }
0x216: {  	_ =	swait.ge [sflag:s9], $0x800  }
0x217: {  	[sflag:s9] =	ssyncset.done $0x0  }
0x218: {  	[sflag:s9] =	ssyncadd.s32 $0xFFFFF800  }
0x219: {  	_ =	swait.ge [sflag:s9], $0x800  }
0x21a: {  	[sflag:s9] =	ssyncset.done $0x0  }
0x21b: {  	[sflag:s9] =	ssyncadd.s32 $0xFFFFF800  }
0x21c: {  	_ =	swait.ge [sflag:s9], $0x800  }
0x21d: {  	[sflag:s9] =	ssyncset.done $0x0  }
0x21e: {  	[sflag:s9] =	ssyncadd.s32 $0xFFFFF800  }
0x21f: {  	_ =	swait.ge [sflag:s9], $0x800  }
0x220: {  	[sflag:s9] =	ssyncset.done $0x0  }
0x221: {  	[sflag:s9] =	ssyncadd.s32 $0xFFFFF800  }
0x222: {  	_ =	swait.ge [sflag:s9], $0x800  }
0x223: {  	[sflag:s9] =	ssyncset.done $0x0  }
0x224: {  	[sflag:s9] =	ssyncadd.s32 $0xFFFFF800  }
0x225: {  	_ =	swait.ge [sflag:s9], $0x800  }
0x226: {  	[sflag:s9] =	ssyncset.done $0x0  }
0x227: {  	[sflag:s9] =	ssyncadd.s32 $0xFFFFF800  }
0x228: {  	[bflag:$0x0] =	sbarrier.arrive $0xFFFF  }
0x229: {  	s0 =	rddreg [dreg:$0x6]  }
0x22a: {  	[hbm:s0], [sflag:s5] =	dma.local @!p0 [spmem:s3], $0x4E80  }
0x22b: {  	_ =	swait.ge @!p0 [sflag:s4], $0x4E80  }
0x22c: {  	[sflag:s4] =	ssyncset.done @!p0 $0x0  }
0x22d: {  	[sflag:s4] =	ssyncadd.s32 @!p0 $0xFFFFB180  }
0x22e: {  	_ =	sfence.sel $0x180000  }
0x22f: {  	[bflag:$0x0] =	sbarrier.arrive $0xFFFF  }
0x230: {  	_ =	strace $0x90000050  }
0x231: {  	[bflag:$0x2] =	sbarrier.arrive $0xFFFF  }
0x232: {  	s0 =	rddreg [dreg:$0x2]  }
0x233: {  	s0 =	sadd.s32 @!p0 $0x100000, s0  }
0x234: {  	[sflag:s0] =	ssyncadd.tile.s32 @!p0 $0x1;
	_ =	shalt  }
.Lfunc_end2:
_tile_overlayer_lowered:
.L_overlay_start_2:
0x235: {  	(tag) =	ssettag $0x2  }
0x236: {  	s0 =	rddreg [dreg:$0x0];
	s2 =	stileid.u32  }
0x237: {  	s1 =	rddreg [dreg:$0x1];
	p0 =	sne.s32 s2, $0x0  }
0x238: {  	s3 =	rddreg [dreg:$0x2];
	[bflag:$0x3] =	sbarrier.arrive $0xFFFF;
	s2 =	simm.s32 @!p0 $0x1C02  }
0x239: {  	[timem:s3], [sflag:s2] =	dma.local @!p0 [hbm:s0], s1  }
0x23a: {  	s0 =	simm.s32 @!p0 $0x2  }
0x23b: {  	_ =	swait.ge @!p0 [sflag:s0], s1  }
0x23c: {  	s1 =	ssub.s32 @!p0 $0x0, s1;
	[sflag:s0] =	ssyncset.done @!p0 $0x0  }
0x23d: {  	[sflag:s0] =	ssyncadd.s32 @!p0 s1  }
0x23e: {  	[bflag:$0x3] =	sbarrier.arrive $0xFFFF  }
0x23f: {  	_ =	shalt  }

</sc_bundles>
